<compile_context>
chip_gen: v7x
topology: tpu7x:2x2x1
jax: 0.10.2.dev20260603
libtpu: 0.0.44.dev20260713+nightly
codegen_flags: <defaults>
</compile_context>

<pallas_src>
import functools

import jax
import jax.numpy as jnp
from jax import lax
from jax.experimental import pallas as pl
from jax.experimental.pallas import tpu as pltpu
from jax.experimental.pallas import tpu_sc as plsc

D = 32
BLK = 128
RPB = BLK // D
NC = 2
NS = 16
NW = NC * NS
LANES = 16
QROWS = 128


def _body(u_ids_hbm, i_ids_hbm, u_tab_hbm, i_tab_hbm, out_hbm,
          uids, iids, ublk, iblk, urows0, irows0, urows1, irows1,
          outv, sem0, sem1, *, bpw):
    wid = lax.axis_index("s") * NC + lax.axis_index("c")
    nq = bpw // QROWS
    ngrp = QROWS // LANES

    pltpu.sync_copy(u_ids_hbm.at[pl.ds(wid * bpw, bpw)], uids)
    pltpu.sync_copy(i_ids_hbm.at[pl.ds(wid * bpw, bpw)], iids)

    for t in range(bpw // LANES):
        sl = pl.ds((t % ngrp) * LANES, LANES)
        ublk[t // ngrp, sl] = uids[pl.ds(t * LANES, LANES)] >> 2
        iblk[t // ngrp, sl] = iids[pl.ds(t * LANES, LANES)] >> 2

    lane = lax.iota(jnp.int32, LANES)
    bufs = ((urows0, irows0, sem0), (urows1, irows1, sem1))

    def fire(q):
        ur, ir, sem = bufs[q % 2]
        return (pltpu.async_copy(u_tab_hbm.at[ublk.at[q]], ur, sem),
                pltpu.async_copy(i_tab_hbm.at[iblk.at[q]], ir, sem))

    def compute(q):
        ur, ir, _ = bufs[q % 2]

        def grp(g, _):
            rowv = lane + g * LANES
            idsl = pl.ds(q * QROWS + g * LANES, LANES)
            uoff = (uids[idsl] & (RPB - 1)) << 5
            ioff = (iids[idsl] & (RPB - 1)) << 5
            acc = jnp.zeros((LANES,), jnp.float32)
            for d in range(D):
                uu = plsc.load_gather(ur, [rowv, uoff + d])
                vv = plsc.load_gather(ir, [rowv, ioff + d])
                acc = acc + uu * vv
            outv[pl.ds(q * QROWS + g * LANES, LANES)] = acc
            return 0

        lax.fori_loop(0, ngrp, grp, 0)

    inflight = {0: fire(0)}
    for q in range(nq):
        if q + 1 < nq:
            inflight[q + 1] = fire(q + 1)
        for c in inflight.pop(q):
            c.wait()
        compute(q)

    pltpu.sync_copy(outv, out_hbm.at[pl.ds(wid * bpw, bpw)])


def kernel(u_ids, i_ids, u_table, i_table):
    B = u_ids.shape[0]
    bpw = B // NW
    nq = bpw // QROWS
    u_ids_r = u_ids.astype(jnp.int32)
    i_ids_r = i_ids.astype(jnp.int32)
    u_tab_r = u_table.reshape(-1, BLK)
    i_tab_r = i_table.reshape(-1, BLK)

    k = functools.partial(
        pl.kernel,
        out_type=jax.ShapeDtypeStruct((B,), jnp.float32),
        mesh=plsc.VectorSubcoreMesh(core_axis_name="c", subcore_axis_name="s"),
        scratch_types=[
            pltpu.VMEM((bpw,), jnp.int32),
            pltpu.VMEM((bpw,), jnp.int32),
            pltpu.VMEM((nq, BLK), jnp.int32),
            pltpu.VMEM((nq, BLK), jnp.int32),
            pltpu.VMEM((QROWS, BLK), jnp.float32),
            pltpu.VMEM((QROWS, BLK), jnp.float32),
            pltpu.VMEM((QROWS, BLK), jnp.float32),
            pltpu.VMEM((QROWS, BLK), jnp.float32),
            pltpu.VMEM((bpw,), jnp.float32),
            pltpu.SemaphoreType.DMA,
            pltpu.SemaphoreType.DMA,
        ],
        compiler_params=pltpu.CompilerParams(needs_layout_passes=False),
    )(functools.partial(_body, bpw=bpw))
    return k(u_ids_r, i_ids_r, u_tab_r, i_tab_r)

# --- scband reference (transcript-rebuilt; emitter-appended) ---
"""Pipeline reference for scband-svd-mf-71098888618502 (READ-ONLY COPY).

The authoritative reference and input builder live on the scoring server;
editing this copy changes nothing except your own understanding.
"""

import jax, jax.numpy as jnp
import numpy as np

N_USERS = 1000000
N_ITEMS = 1000000
D = 32
B = 16384

def setup_inputs(seed: int = 0) -> dict:
    key = jax.random.key(seed)
    k1, k2, k3, k4 = jax.random.split(key, 4)
    u_ids = jax.random.randint(k1, (B,), 0, N_USERS, dtype=jnp.int64) if jax.config.jax_enable_x64 else jax.random.randint(k1, (B,), 0, N_USERS).astype(jnp.int32)
    i_ids = jax.random.randint(k2, (B,), 0, N_ITEMS).astype(u_ids.dtype)
    u_table = jax.random.normal(k3, (N_USERS, D), dtype=jnp.float32) * 0.01
    i_table = jax.random.normal(k4, (N_ITEMS, D), dtype=jnp.float32) * 0.01
    return {"u_ids": u_ids, "i_ids": i_ids, "u_table": u_table, "i_table": i_table}

def reference(u_ids, i_ids, u_table, i_table):
    # embedding lookups (gather)
    u_emb = jnp.take(u_table, u_ids, axis=0)  # [B, D]
    i_emb = jnp.take(i_table, i_ids, axis=0)  # [B, D]
    # bmm of [B,1,D] x [B,D,1] == rowwise dot product -> [B]
    u_dot_i = jnp.sum(u_emb * i_emb, axis=-1)
    return u_dot_i

if __name__ == "__main__":
    import jax
    _d = setup_inputs()
    print(jax.jit(kernel)(*tuple(_d.values())))

</pallas_src>

<mosaic_0001>
#map = affine_map<(d0, d1) -> (0)>
#map1 = affine_map<(d0, d1) -> (0, 0)>
module attributes {stable_mosaic.version = 14 : i64} {
  func.func @_body(%arg0: i32, %arg1: i32, %arg2: memref<16384xi32, #tpu.memory_space<hbm>>, %arg3: memref<16384xi32, #tpu.memory_space<hbm>>, %arg4: memref<250000x128xf32, #tpu.memory_space<hbm>>, %arg5: memref<250000x128xf32, #tpu.memory_space<hbm>>, %arg6: memref<16384xf32, #tpu.memory_space<hbm>>, %arg7: memref<512xi32, #tpu.memory_space<vmem>>, %arg8: memref<512xi32, #tpu.memory_space<vmem>>, %arg9: memref<4x128xi32, #tpu.memory_space<vmem>>, %arg10: memref<4x128xi32, #tpu.memory_space<vmem>>, %arg11: memref<128x128xf32, #tpu.memory_space<vmem>>, %arg12: memref<128x128xf32, #tpu.memory_space<vmem>>, %arg13: memref<128x128xf32, #tpu.memory_space<vmem>>, %arg14: memref<128x128xf32, #tpu.memory_space<vmem>>, %arg15: memref<512xf32, #tpu.memory_space<vmem>>, %arg16: memref<!tpu.dma_semaphore, #tpu.memory_space<semaphore_mem>>, %arg17: memref<!tpu.dma_semaphore, #tpu.memory_space<semaphore_mem>>) attributes {dimension_semantics = [#tpu.dimension_semantics<core_parallel>, #tpu.dimension_semantics<subcore_parallel>], iteration_bounds = array<i64: 2, 16>, scalar_prefetch = 0 : i64, scratch_operands = 11 : i64, tpu.core_type = #tpu.core_type<sc_vector_subcore>, window_params = [{transform_indices = #map}, {transform_indices = #map}, {transform_indices = #map1}, {transform_indices = #map1}, {transform_indices = #map}]} {
    %mul3A = arith.constant 2 : i32
    %mul3A_0 = arith.muli %arg1, %mul3A : i32
    %add3A = arith.addi %mul3A_0, %arg0 : i32
    %mul3A_1 = arith.constant 512 : i32
    %mul3A_2 = arith.muli %add3A, %mul3A_1 : i32
    "tpu.region"() ({
      %run_scoped3A = tpu.sem_alloc : memref<!tpu.dma_semaphore, #tpu.memory_space<semaphore_mem>>
      %dma_start3A_717 = tpu.memref_slice %arg2[%mul3A_2] : memref<16384xi32, #tpu.memory_space<hbm>> -> memref<512xi32, #tpu.memory_space<hbm>>
      %dma_start3A_718 = tpu.memref_slice %arg2[%mul3A_2] : memref<16384xi32, #tpu.memory_space<hbm>> -> memref<512xi32, #tpu.memory_space<hbm>>
      tpu.enqueue_dma source(%dma_start3A_718 : memref<512xi32, #tpu.memory_space<hbm>>) target(%arg7 : memref<512xi32, #tpu.memory_space<vmem>>) target_semaphore(%run_scoped3A : memref<!tpu.dma_semaphore, #tpu.memory_space<semaphore_mem>>)
      %dma_wait3A_719 = tpu.memref_slice %arg2[%mul3A_2] : memref<16384xi32, #tpu.memory_space<hbm>> -> memref<512xi32, #tpu.memory_space<hbm>>
      %dma_wait3A_720 = tpu.memref_slice %arg2[%mul3A_2] : memref<16384xi32, #tpu.memory_space<hbm>> -> memref<512xi32, #tpu.memory_space<hbm>>
      tpu.wait_dma2 semaphore(%run_scoped3A : memref<!tpu.dma_semaphore, #tpu.memory_space<semaphore_mem>>) src(%dma_wait3A_720 : memref<512xi32, #tpu.memory_space<hbm>>) dst(%arg7 : memref<512xi32, #tpu.memory_space<vmem>>)
      tpu.yield
    }) : () -> ()
    %mul3A_3 = arith.constant 512 : i32
    %mul3A_4 = arith.muli %add3A, %mul3A_3 : i32
    "tpu.region"() ({
      %run_scoped3A = tpu.sem_alloc : memref<!tpu.dma_semaphore, #tpu.memory_space<semaphore_mem>>
      %dma_start3A_717 = tpu.memref_slice %arg3[%mul3A_4] : memref<16384xi32, #tpu.memory_space<hbm>> -> memref<512xi32, #tpu.memory_space<hbm>>
      %dma_start3A_718 = tpu.memref_slice %arg3[%mul3A_4] : memref<16384xi32, #tpu.memory_space<hbm>> -> memref<512xi32, #tpu.memory_space<hbm>>
      tpu.enqueue_dma source(%dma_start3A_718 : memref<512xi32, #tpu.memory_space<hbm>>) target(%arg8 : memref<512xi32, #tpu.memory_space<vmem>>) target_semaphore(%run_scoped3A : memref<!tpu.dma_semaphore, #tpu.memory_space<semaphore_mem>>)
      %dma_wait3A_719 = tpu.memref_slice %arg3[%mul3A_4] : memref<16384xi32, #tpu.memory_space<hbm>> -> memref<512xi32, #tpu.memory_space<hbm>>
      %dma_wait3A_720 = tpu.memref_slice %arg3[%mul3A_4] : memref<16384xi32, #tpu.memory_space<hbm>> -> memref<512xi32, #tpu.memory_space<hbm>>
      tpu.wait_dma2 semaphore(%run_scoped3A : memref<!tpu.dma_semaphore, #tpu.memory_space<semaphore_mem>>) src(%dma_wait3A_720 : memref<512xi32, #tpu.memory_space<hbm>>) dst(%arg8 : memref<512xi32, #tpu.memory_space<vmem>>)
      tpu.yield
    }) : () -> ()
    %get3A = arith.constant 0 : index
    %get3A_5 = tpu.vector_load %arg7[%get3A] {strides = array<i32>} : memref<512xi32, #tpu.memory_space<vmem>>, vector<16xi32>,
    %shift_right_arithmetic3A = arith.constant 2 : i32
    %shift_right_arithmetic3A_6 = vector.broadcast %shift_right_arithmetic3A : i32 to vector<16xi32>
    %shift_right_arithmetic3A_7 = arith.shrsi %get3A_5, %shift_right_arithmetic3A_6 : vector<16xi32>
    %swap3A = arith.constant 0 : i32
    %swap3A_8 = arith.index_cast %swap3A : i32 to index
    %swap3A_9 = arith.constant 0 : index
    %swap3A_10 = tpu.vector_load %arg9[%swap3A_8, %swap3A_9] {strides = array<i32>} : memref<4x128xi32, #tpu.memory_space<vmem>>, vector<16xi32>,
    tpu.vector_store %arg9[%swap3A_8, %swap3A_9], %shift_right_arithmetic3A_7 {strides = array<i32>} : memref<4x128xi32, #tpu.memory_space<vmem>>, vector<16xi32>,
    %get3A_11 = arith.constant 0 : index
    %get3A_12 = tpu.vector_load %arg8[%get3A_11] {strides = array<i32>} : memref<512xi32, #tpu.memory_space<vmem>>, vector<16xi32>,
    %shift_right_arithmetic3A_13 = arith.constant 2 : i32
    %shift_right_arithmetic3A_14 = vector.broadcast %shift_right_arithmetic3A_13 : i32 to vector<16xi32>
    %shift_right_arithmetic3A_15 = arith.shrsi %get3A_12, %shift_right_arithmetic3A_14 : vector<16xi32>
    %swap3A_16 = arith.constant 0 : i32
    %swap3A_17 = arith.index_cast %swap3A_16 : i32 to index
    %swap3A_18 = arith.constant 0 : index
    %swap3A_19 = tpu.vector_load %arg10[%swap3A_17, %swap3A_18] {strides = array<i32>} : memref<4x128xi32, #tpu.memory_space<vmem>>, vector<16xi32>,
    tpu.vector_store %arg10[%swap3A_17, %swap3A_18], %shift_right_arithmetic3A_15 {strides = array<i32>} : memref<4x128xi32, #tpu.memory_space<vmem>>, vector<16xi32>,
    %get3A_20 = arith.constant 16 : index
    %get3A_21 = tpu.vector_load %arg7[%get3A_20] {strides = array<i32>} : memref<512xi32, #tpu.memory_space<vmem>>, vector<16xi32>,
    %shift_right_arithmetic3A_22 = arith.constant 2 : i32
    %shift_right_arithmetic3A_23 = vector.broadcast %shift_right_arithmetic3A_22 : i32 to vector<16xi32>
    %shift_right_arithmetic3A_24 = arith.shrsi %get3A_21, %shift_right_arithmetic3A_23 : vector<16xi32>
    %swap3A_25 = arith.constant 0 : i32
    %swap3A_26 = arith.index_cast %swap3A_25 : i32 to index
    %swap3A_27 = arith.constant 16 : index
    %swap3A_28 = tpu.vector_load %arg9[%swap3A_26, %swap3A_27] {strides = array<i32>} : memref<4x128xi32, #tpu.memory_space<vmem>>, vector<16xi32>,
    tpu.vector_store %arg9[%swap3A_26, %swap3A_27], %shift_right_arithmetic3A_24 {strides = array<i32>} : memref<4x128xi32, #tpu.memory_space<vmem>>, vector<16xi32>,
    %get3A_29 = arith.constant 16 : index
    %get3A_30 = tpu.vector_load %arg8[%get3A_29] {strides = array<i32>} : memref<512xi32, #tpu.memory_space<vmem>>, vector<16xi32>,
    %shift_right_arithmetic3A_31 = arith.constant 2 : i32
    %shift_right_arithmetic3A_32 = vector.broadcast %shift_right_arithmetic3A_31 : i32 to vector<16xi32>
    %shift_right_arithmetic3A_33 = arith.shrsi %get3A_30, %shift_right_arithmetic3A_32 : vector<16xi32>
    %swap3A_34 = arith.constant 0 : i32
    %swap3A_35 = arith.index_cast %swap3A_34 : i32 to index
    %swap3A_36 = arith.constant 16 : index
    %swap3A_37 = tpu.vector_load %arg10[%swap3A_35, %swap3A_36] {strides = array<i32>} : memref<4x128xi32, #tpu.memory_space<vmem>>, vector<16xi32>,
    tpu.vector_store %arg10[%swap3A_35, %swap3A_36], %shift_right_arithmetic3A_33 {strides = array<i32>} : memref<4x128xi32, #tpu.memory_space<vmem>>, vector<16xi32>,
    %get3A_38 = arith.constant 32 : index
    %get3A_39 = tpu.vector_load %arg7[%get3A_38] {strides = array<i32>} : memref<512xi32, #tpu.memory_space<vmem>>, vector<16xi32>,
    %shift_right_arithmetic3A_40 = arith.constant 2 : i32
    %shift_right_arithmetic3A_41 = vector.broadcast %shift_right_arithmetic3A_40 : i32 to vector<16xi32>
    %shift_right_arithmetic3A_42 = arith.shrsi %get3A_39, %shift_right_arithmetic3A_41 : vector<16xi32>
    %swap3A_43 = arith.constant 0 : i32
    %swap3A_44 = arith.index_cast %swap3A_43 : i32 to index
    %swap3A_45 = arith.constant 32 : index
    %swap3A_46 = tpu.vector_load %arg9[%swap3A_44, %swap3A_45] {strides = array<i32>} : memref<4x128xi32, #tpu.memory_space<vmem>>, vector<16xi32>,
    tpu.vector_store %arg9[%swap3A_44, %swap3A_45], %shift_right_arithmetic3A_42 {strides = array<i32>} : memref<4x128xi32, #tpu.memory_space<vmem>>, vector<16xi32>,
    %get3A_47 = arith.constant 32 : index
    %get3A_48 = tpu.vector_load %arg8[%get3A_47] {strides = array<i32>} : memref<512xi32, #tpu.memory_space<vmem>>, vector<16xi32>,
    %shift_right_arithmetic3A_49 = arith.constant 2 : i32
    %shift_right_arithmetic3A_50 = vector.broadcast %shift_right_arithmetic3A_49 : i32 to vector<16xi32>
    %shift_right_arithmetic3A_51 = arith.shrsi %get3A_48, %shift_right_arithmetic3A_50 : vector<16xi32>
    %swap3A_52 = arith.constant 0 : i32
    %swap3A_53 = arith.index_cast %swap3A_52 : i32 to index
    %swap3A_54 = arith.constant 32 : index
    %swap3A_55 = tpu.vector_load %arg10[%swap3A_53, %swap3A_54] {strides = array<i32>} : memref<4x128xi32, #tpu.memory_space<vmem>>, vector<16xi32>,
    tpu.vector_store %arg10[%swap3A_53, %swap3A_54], %shift_right_arithmetic3A_51 {strides = array<i32>} : memref<4x128xi32, #tpu.memory_space<vmem>>, vector<16xi32>,
    %get3A_56 = arith.constant 48 : index
    %get3A_57 = tpu.vector_load %arg7[%get3A_56] {strides = array<i32>} : memref<512xi32, #tpu.memory_space<vmem>>, vector<16xi32>,
    %shift_right_arithmetic3A_58 = arith.constant 2 : i32
    %shift_right_arithmetic3A_59 = vector.broadcast %shift_right_arithmetic3A_58 : i32 to vector<16xi32>
    %shift_right_arithmetic3A_60 = arith.shrsi %get3A_57, %shift_right_arithmetic3A_59 : vector<16xi32>
    %swap3A_61 = arith.constant 0 : i32
    %swap3A_62 = arith.index_cast %swap3A_61 : i32 to index
    %swap3A_63 = arith.constant 48 : index
    %swap3A_64 = tpu.vector_load %arg9[%swap3A_62, %swap3A_63] {strides = array<i32>} : memref<4x128xi32, #tpu.memory_space<vmem>>, vector<16xi32>,
    tpu.vector_store %arg9[%swap3A_62, %swap3A_63], %shift_right_arithmetic3A_60 {strides = array<i32>} : memref<4x128xi32, #tpu.memory_space<vmem>>, vector<16xi32>,
    %get3A_65 = arith.constant 48 : index
    %get3A_66 = tpu.vector_load %arg8[%get3A_65] {strides = array<i32>} : memref<512xi32, #tpu.memory_space<vmem>>, vector<16xi32>,
    %shift_right_arithmetic3A_67 = arith.constant 2 : i32
    %shift_right_arithmetic3A_68 = vector.broadcast %shift_right_arithmetic3A_67 : i32 to vector<16xi32>
    %shift_right_arithmetic3A_69 = arith.shrsi %get3A_66, %shift_right_arithmetic3A_68 : vector<16xi32>
    %swap3A_70 = arith.constant 0 : i32
    %swap3A_71 = arith.index_cast %swap3A_70 : i32 to index
    %swap3A_72 = arith.constant 48 : index
    %swap3A_73 = tpu.vector_load %arg10[%swap3A_71, %swap3A_72] {strides = array<i32>} : memref<4x128xi32, #tpu.memory_space<vmem>>, vector<16xi32>,
    tpu.vector_store %arg10[%swap3A_71, %swap3A_72], %shift_right_arithmetic3A_69 {strides = array<i32>} : memref<4x128xi32, #tpu.memory_space<vmem>>, vector<16xi32>,
    %get3A_74 = arith.constant 64 : index
    %get3A_75 = tpu.vector_load %arg7[%get3A_74] {strides = array<i32>} : memref<512xi32, #tpu.memory_space<vmem>>, vector<16xi32>,
    %shift_right_arithmetic3A_76 = arith.constant 2 : i32
    %shift_right_arithmetic3A_77 = vector.broadcast %shift_right_arithmetic3A_76 : i32 to vector<16xi32>
    %shift_right_arithmetic3A_78 = arith.shrsi %get3A_75, %shift_right_arithmetic3A_77 : vector<16xi32>
    %swap3A_79 = arith.constant 0 : i32
    %swap3A_80 = arith.index_cast %swap3A_79 : i32 to index
    %swap3A_81 = arith.constant 64 : index
    %swap3A_82 = tpu.vector_load %arg9[%swap3A_80, %swap3A_81] {strides = array<i32>} : memref<4x128xi32, #tpu.memory_space<vmem>>, vector<16xi32>,
    tpu.vector_store %arg9[%swap3A_80, %swap3A_81], %shift_right_arithmetic3A_78 {strides = array<i32>} : memref<4x128xi32, #tpu.memory_space<vmem>>, vector<16xi32>,
    %get3A_83 = arith.constant 64 : index
    %get3A_84 = tpu.vector_load %arg8[%get3A_83] {strides = array<i32>} : memref<512xi32, #tpu.memory_space<vmem>>, vector<16xi32>,
    %shift_right_arithmetic3A_85 = arith.constant 2 : i32
    %shift_right_arithmetic3A_86 = vector.broadcast %shift_right_arithmetic3A_85 : i32 to vector<16xi32>
    %shift_right_arithmetic3A_87 = arith.shrsi %get3A_84, %shift_right_arithmetic3A_86 : vector<16xi32>
    %swap3A_88 = arith.constant 0 : i32
    %swap3A_89 = arith.index_cast %swap3A_88 : i32 to index
    %swap3A_90 = arith.constant 64 : index
    %swap3A_91 = tpu.vector_load %arg10[%swap3A_89, %swap3A_90] {strides = array<i32>} : memref<4x128xi32, #tpu.memory_space<vmem>>, vector<16xi32>,
    tpu.vector_store %arg10[%swap3A_89, %swap3A_90], %shift_right_arithmetic3A_87 {strides = array<i32>} : memref<4x128xi32, #tpu.memory_space<vmem>>, vector<16xi32>,
    %get3A_92 = arith.constant 80 : index
    %get3A_93 = tpu.vector_load %arg7[%get3A_92] {strides = array<i32>} : memref<512xi32, #tpu.memory_space<vmem>>, vector<16xi32>,
    %shift_right_arithmetic3A_94 = arith.constant 2 : i32
    %shift_right_arithmetic3A_95 = vector.broadcast %shift_right_arithmetic3A_94 : i32 to vector<16xi32>
    %shift_right_arithmetic3A_96 = arith.shrsi %get3A_93, %shift_right_arithmetic3A_95 : vector<16xi32>
    %swap3A_97 = arith.constant 0 : i32
    %swap3A_98 = arith.index_cast %swap3A_97 : i32 to index
    %swap3A_99 = arith.constant 80 : index
    %swap3A_100 = tpu.vector_load %arg9[%swap3A_98, %swap3A_99] {strides = array<i32>} : memref<4x128xi32, #tpu.memory_space<vmem>>, vector<16xi32>,
    tpu.vector_store %arg9[%swap3A_98, %swap3A_99], %shift_right_arithmetic3A_96 {strides = array<i32>} : memref<4x128xi32, #tpu.memory_space<vmem>>, vector<16xi32>,
    %get3A_101 = arith.constant 80 : index
    %get3A_102 = tpu.vector_load %arg8[%get3A_101] {strides = array<i32>} : memref<512xi32, #tpu.memory_space<vmem>>, vector<16xi32>,
    %shift_right_arithmetic3A_103 = arith.constant 2 : i32
    %shift_right_arithmetic3A_104 = vector.broadcast %shift_right_arithmetic3A_103 : i32 to vector<16xi32>
    %shift_right_arithmetic3A_105 = arith.shrsi %get3A_102, %shift_right_arithmetic3A_104 : vector<16xi32>
    %swap3A_106 = arith.constant 0 : i32
    %swap3A_107 = arith.index_cast %swap3A_106 : i32 to index
    %swap3A_108 = arith.constant 80 : index
    %swap3A_109 = tpu.vector_load %arg10[%swap3A_107, %swap3A_108] {strides = array<i32>} : memref<4x128xi32, #tpu.memory_space<vmem>>, vector<16xi32>,
    tpu.vector_store %arg10[%swap3A_107, %swap3A_108], %shift_right_arithmetic3A_105 {strides = array<i32>} : memref<4x128xi32, #tpu.memory_space<vmem>>, vector<16xi32>,
    %get3A_110 = arith.constant 96 : index
    %get3A_111 = tpu.vector_load %arg7[%get3A_110] {strides = array<i32>} : memref<512xi32, #tpu.memory_space<vmem>>, vector<16xi32>,
    %shift_right_arithmetic3A_112 = arith.constant 2 : i32
    %shift_right_arithmetic3A_113 = vector.broadcast %shift_right_arithmetic3A_112 : i32 to vector<16xi32>
    %shift_right_arithmetic3A_114 = arith.shrsi %get3A_111, %shift_right_arithmetic3A_113 : vector<16xi32>
    %swap3A_115 = arith.constant 0 : i32
    %swap3A_116 = arith.index_cast %swap3A_115 : i32 to index
    %swap3A_117 = arith.constant 96 : index
    %swap3A_118 = tpu.vector_load %arg9[%swap3A_116, %swap3A_117] {strides = array<i32>} : memref<4x128xi32, #tpu.memory_space<vmem>>, vector<16xi32>,
    tpu.vector_store %arg9[%swap3A_116, %swap3A_117], %shift_right_arithmetic3A_114 {strides = array<i32>} : memref<4x128xi32, #tpu.memory_space<vmem>>, vector<16xi32>,
    %get3A_119 = arith.constant 96 : index
    %get3A_120 = tpu.vector_load %arg8[%get3A_119] {strides = array<i32>} : memref<512xi32, #tpu.memory_space<vmem>>, vector<16xi32>,
    %shift_right_arithmetic3A_121 = arith.constant 2 : i32
    %shift_right_arithmetic3A_122 = vector.broadcast %shift_right_arithmetic3A_121 : i32 to vector<16xi32>
    %shift_right_arithmetic3A_123 = arith.shrsi %get3A_120, %shift_right_arithmetic3A_122 : vector<16xi32>
    %swap3A_124 = arith.constant 0 : i32
    %swap3A_125 = arith.index_cast %swap3A_124 : i32 to index
    %swap3A_126 = arith.constant 96 : index
    %swap3A_127 = tpu.vector_load %arg10[%swap3A_125, %swap3A_126] {strides = array<i32>} : memref<4x128xi32, #tpu.memory_space<vmem>>, vector<16xi32>,
    tpu.vector_store %arg10[%swap3A_125, %swap3A_126], %shift_right_arithmetic3A_123 {strides = array<i32>} : memref<4x128xi32, #tpu.memory_space<vmem>>, vector<16xi32>,
    %get3A_128 = arith.constant 112 : index
    %get3A_129 = tpu.vector_load %arg7[%get3A_128] {strides = array<i32>} : memref<512xi32, #tpu.memory_space<vmem>>, vector<16xi32>,
    %shift_right_arithmetic3A_130 = arith.constant 2 : i32
    %shift_right_arithmetic3A_131 = vector.broadcast %shift_right_arithmetic3A_130 : i32 to vector<16xi32>
    %shift_right_arithmetic3A_132 = arith.shrsi %get3A_129, %shift_right_arithmetic3A_131 : vector<16xi32>
    %swap3A_133 = arith.constant 0 : i32
    %swap3A_134 = arith.index_cast %swap3A_133 : i32 to index
    %swap3A_135 = arith.constant 112 : index
    %swap3A_136 = tpu.vector_load %arg9[%swap3A_134, %swap3A_135] {strides = array<i32>} : memref<4x128xi32, #tpu.memory_space<vmem>>, vector<16xi32>,
    tpu.vector_store %arg9[%swap3A_134, %swap3A_135], %shift_right_arithmetic3A_132 {strides = array<i32>} : memref<4x128xi32, #tpu.memory_space<vmem>>, vector<16xi32>,
    %get3A_137 = arith.constant 112 : index
    %get3A_138 = tpu.vector_load %arg8[%get3A_137] {strides = array<i32>} : memref<512xi32, #tpu.memory_space<vmem>>, vector<16xi32>,
    %shift_right_arithmetic3A_139 = arith.constant 2 : i32
    %shift_right_arithmetic3A_140 = vector.broadcast %shift_right_arithmetic3A_139 : i32 to vector<16xi32>
    %shift_right_arithmetic3A_141 = arith.shrsi %get3A_138, %shift_right_arithmetic3A_140 : vector<16xi32>
    %swap3A_142 = arith.constant 0 : i32
    %swap3A_143 = arith.index_cast %swap3A_142 : i32 to index
    %swap3A_144 = arith.constant 112 : index
    %swap3A_145 = tpu.vector_load %arg10[%swap3A_143, %swap3A_144] {strides = array<i32>} : memref<4x128xi32, #tpu.memory_space<vmem>>, vector<16xi32>,
    tpu.vector_store %arg10[%swap3A_143, %swap3A_144], %shift_right_arithmetic3A_141 {strides = array<i32>} : memref<4x128xi32, #tpu.memory_space<vmem>>, vector<16xi32>,
    %get3A_146 = arith.constant 128 : index
    %get3A_147 = tpu.vector_load %arg7[%get3A_146] {strides = array<i32>} : memref<512xi32, #tpu.memory_space<vmem>>, vector<16xi32>,
    %shift_right_arithmetic3A_148 = arith.constant 2 : i32
    %shift_right_arithmetic3A_149 = vector.broadcast %shift_right_arithmetic3A_148 : i32 to vector<16xi32>
    %shift_right_arithmetic3A_150 = arith.shrsi %get3A_147, %shift_right_arithmetic3A_149 : vector<16xi32>
    %swap3A_151 = arith.constant 1 : i32
    %swap3A_152 = arith.index_cast %swap3A_151 : i32 to index
    %swap3A_153 = arith.constant 0 : index
    %swap3A_154 = tpu.vector_load %arg9[%swap3A_152, %swap3A_153] {strides = array<i32>} : memref<4x128xi32, #tpu.memory_space<vmem>>, vector<16xi32>,
    tpu.vector_store %arg9[%swap3A_152, %swap3A_153], %shift_right_arithmetic3A_150 {strides = array<i32>} : memref<4x128xi32, #tpu.memory_space<vmem>>, vector<16xi32>,
    %get3A_155 = arith.constant 128 : index
    %get3A_156 = tpu.vector_load %arg8[%get3A_155] {strides = array<i32>} : memref<512xi32, #tpu.memory_space<vmem>>, vector<16xi32>,
    %shift_right_arithmetic3A_157 = arith.constant 2 : i32
    %shift_right_arithmetic3A_158 = vector.broadcast %shift_right_arithmetic3A_157 : i32 to vector<16xi32>
    %shift_right_arithmetic3A_159 = arith.shrsi %get3A_156, %shift_right_arithmetic3A_158 : vector<16xi32>
    %swap3A_160 = arith.constant 1 : i32
    %swap3A_161 = arith.index_cast %swap3A_160 : i32 to index
    %swap3A_162 = arith.constant 0 : index
    %swap3A_163 = tpu.vector_load %arg10[%swap3A_161, %swap3A_162] {strides = array<i32>} : memref<4x128xi32, #tpu.memory_space<vmem>>, vector<16xi32>,
    tpu.vector_store %arg10[%swap3A_161, %swap3A_162], %shift_right_arithmetic3A_159 {strides = array<i32>} : memref<4x128xi32, #tpu.memory_space<vmem>>, vector<16xi32>,
    %get3A_164 = arith.constant 144 : index
    %get3A_165 = tpu.vector_load %arg7[%get3A_164] {strides = array<i32>} : memref<512xi32, #tpu.memory_space<vmem>>, vector<16xi32>,
    %shift_right_arithmetic3A_166 = arith.constant 2 : i32
    %shift_right_arithmetic3A_167 = vector.broadcast %shift_right_arithmetic3A_166 : i32 to vector<16xi32>
    %shift_right_arithmetic3A_168 = arith.shrsi %get3A_165, %shift_right_arithmetic3A_167 : vector<16xi32>
    %swap3A_169 = arith.constant 1 : i32
    %swap3A_170 = arith.index_cast %swap3A_169 : i32 to index
    %swap3A_171 = arith.constant 16 : index
    %swap3A_172 = tpu.vector_load %arg9[%swap3A_170, %swap3A_171] {strides = array<i32>} : memref<4x128xi32, #tpu.memory_space<vmem>>, vector<16xi32>,
    tpu.vector_store %arg9[%swap3A_170, %swap3A_171], %shift_right_arithmetic3A_168 {strides = array<i32>} : memref<4x128xi32, #tpu.memory_space<vmem>>, vector<16xi32>,
    %get3A_173 = arith.constant 144 : index
    %get3A_174 = tpu.vector_load %arg8[%get3A_173] {strides = array<i32>} : memref<512xi32, #tpu.memory_space<vmem>>, vector<16xi32>,
    %shift_right_arithmetic3A_175 = arith.constant 2 : i32
    %shift_right_arithmetic3A_176 = vector.broadcast %shift_right_arithmetic3A_175 : i32 to vector<16xi32>
    %shift_right_arithmetic3A_177 = arith.shrsi %get3A_174, %shift_right_arithmetic3A_176 : vector<16xi32>
    %swap3A_178 = arith.constant 1 : i32
    %swap3A_179 = arith.index_cast %swap3A_178 : i32 to index
    %swap3A_180 = arith.constant 16 : index
    %swap3A_181 = tpu.vector_load %arg10[%swap3A_179, %swap3A_180] {strides = array<i32>} : memref<4x128xi32, #tpu.memory_space<vmem>>, vector<16xi32>,
    tpu.vector_store %arg10[%swap3A_179, %swap3A_180], %shift_right_arithmetic3A_177 {strides = array<i32>} : memref<4x128xi32, #tpu.memory_space<vmem>>, vector<16xi32>,
    %get3A_182 = arith.constant 160 : index
    %get3A_183 = tpu.vector_load %arg7[%get3A_182] {strides = array<i32>} : memref<512xi32, #tpu.memory_space<vmem>>, vector<16xi32>,
    %shift_right_arithmetic3A_184 = arith.constant 2 : i32
    %shift_right_arithmetic3A_185 = vector.broadcast %shift_right_arithmetic3A_184 : i32 to vector<16xi32>
    %shift_right_arithmetic3A_186 = arith.shrsi %get3A_183, %shift_right_arithmetic3A_185 : vector<16xi32>
    %swap3A_187 = arith.constant 1 : i32
    %swap3A_188 = arith.index_cast %swap3A_187 : i32 to index
    %swap3A_189 = arith.constant 32 : index
    %swap3A_190 = tpu.vector_load %arg9[%swap3A_188, %swap3A_189] {strides = array<i32>} : memref<4x128xi32, #tpu.memory_space<vmem>>, vector<16xi32>,
    tpu.vector_store %arg9[%swap3A_188, %swap3A_189], %shift_right_arithmetic3A_186 {strides = array<i32>} : memref<4x128xi32, #tpu.memory_space<vmem>>, vector<16xi32>,
    %get3A_191 = arith.constant 160 : index
    %get3A_192 = tpu.vector_load %arg8[%get3A_191] {strides = array<i32>} : memref<512xi32, #tpu.memory_space<vmem>>, vector<16xi32>,
    %shift_right_arithmetic3A_193 = arith.constant 2 : i32
    %shift_right_arithmetic3A_194 = vector.broadcast %shift_right_arithmetic3A_193 : i32 to vector<16xi32>
    %shift_right_arithmetic3A_195 = arith.shrsi %get3A_192, %shift_right_arithmetic3A_194 : vector<16xi32>
    %swap3A_196 = arith.constant 1 : i32
    %swap3A_197 = arith.index_cast %swap3A_196 : i32 to index
    %swap3A_198 = arith.constant 32 : index
    %swap3A_199 = tpu.vector_load %arg10[%swap3A_197, %swap3A_198] {strides = array<i32>} : memref<4x128xi32, #tpu.memory_space<vmem>>, vector<16xi32>,
    tpu.vector_store %arg10[%swap3A_197, %swap3A_198], %shift_right_arithmetic3A_195 {strides = array<i32>} : memref<4x128xi32, #tpu.memory_space<vmem>>, vector<16xi32>,
    %get3A_200 = arith.constant 176 : index
    %get3A_201 = tpu.vector_load %arg7[%get3A_200] {strides = array<i32>} : memref<512xi32, #tpu.memory_space<vmem>>, vector<16xi32>,
    %shift_right_arithmetic3A_202 = arith.constant 2 : i32
    %shift_right_arithmetic3A_203 = vector.broadcast %shift_right_arithmetic3A_202 : i32 to vector<16xi32>
    %shift_right_arithmetic3A_204 = arith.shrsi %get3A_201, %shift_right_arithmetic3A_203 : vector<16xi32>
    %swap3A_205 = arith.constant 1 : i32
    %swap3A_206 = arith.index_cast %swap3A_205 : i32 to index
    %swap3A_207 = arith.constant 48 : index
    %swap3A_208 = tpu.vector_load %arg9[%swap3A_206, %swap3A_207] {strides = array<i32>} : memref<4x128xi32, #tpu.memory_space<vmem>>, vector<16xi32>,
    tpu.vector_store %arg9[%swap3A_206, %swap3A_207], %shift_right_arithmetic3A_204 {strides = array<i32>} : memref<4x128xi32, #tpu.memory_space<vmem>>, vector<16xi32>,
    %get3A_209 = arith.constant 176 : index
    %get3A_210 = tpu.vector_load %arg8[%get3A_209] {strides = array<i32>} : memref<512xi32, #tpu.memory_space<vmem>>, vector<16xi32>,
    %shift_right_arithmetic3A_211 = arith.constant 2 : i32
    %shift_right_arithmetic3A_212 = vector.broadcast %shift_right_arithmetic3A_211 : i32 to vector<16xi32>
    %shift_right_arithmetic3A_213 = arith.shrsi %get3A_210, %shift_right_arithmetic3A_212 : vector<16xi32>
    %swap3A_214 = arith.constant 1 : i32
    %swap3A_215 = arith.index_cast %swap3A_214 : i32 to index
    %swap3A_216 = arith.constant 48 : index
    %swap3A_217 = tpu.vector_load %arg10[%swap3A_215, %swap3A_216] {strides = array<i32>} : memref<4x128xi32, #tpu.memory_space<vmem>>, vector<16xi32>,
    tpu.vector_store %arg10[%swap3A_215, %swap3A_216], %shift_right_arithmetic3A_213 {strides = array<i32>} : memref<4x128xi32, #tpu.memory_space<vmem>>, vector<16xi32>,
    %get3A_218 = arith.constant 192 : index
    %get3A_219 = tpu.vector_load %arg7[%get3A_218] {strides = array<i32>} : memref<512xi32, #tpu.memory_space<vmem>>, vector<16xi32>,
    %shift_right_arithmetic3A_220 = arith.constant 2 : i32
    %shift_right_arithmetic3A_221 = vector.broadcast %shift_right_arithmetic3A_220 : i32 to vector<16xi32>
    %shift_right_arithmetic3A_222 = arith.shrsi %get3A_219, %shift_right_arithmetic3A_221 : vector<16xi32>
    %swap3A_223 = arith.constant 1 : i32
    %swap3A_224 = arith.index_cast %swap3A_223 : i32 to index
    %swap3A_225 = arith.constant 64 : index
    %swap3A_226 = tpu.vector_load %arg9[%swap3A_224, %swap3A_225] {strides = array<i32>} : memref<4x128xi32, #tpu.memory_space<vmem>>, vector<16xi32>,
    tpu.vector_store %arg9[%swap3A_224, %swap3A_225], %shift_right_arithmetic3A_222 {strides = array<i32>} : memref<4x128xi32, #tpu.memory_space<vmem>>, vector<16xi32>,
    %get3A_227 = arith.constant 192 : index
    %get3A_228 = tpu.vector_load %arg8[%get3A_227] {strides = array<i32>} : memref<512xi32, #tpu.memory_space<vmem>>, vector<16xi32>,
    %shift_right_arithmetic3A_229 = arith.constant 2 : i32
    %shift_right_arithmetic3A_230 = vector.broadcast %shift_right_arithmetic3A_229 : i32 to vector<16xi32>
    %shift_right_arithmetic3A_231 = arith.shrsi %get3A_228, %shift_right_arithmetic3A_230 : vector<16xi32>
    %swap3A_232 = arith.constant 1 : i32
    %swap3A_233 = arith.index_cast %swap3A_232 : i32 to index
    %swap3A_234 = arith.constant 64 : index
    %swap3A_235 = tpu.vector_load %arg10[%swap3A_233, %swap3A_234] {strides = array<i32>} : memref<4x128xi32, #tpu.memory_space<vmem>>, vector<16xi32>,
    tpu.vector_store %arg10[%swap3A_233, %swap3A_234], %shift_right_arithmetic3A_231 {strides = array<i32>} : memref<4x128xi32, #tpu.memory_space<vmem>>, vector<16xi32>,
    %get3A_236 = arith.constant 208 : index
    %get3A_237 = tpu.vector_load %arg7[%get3A_236] {strides = array<i32>} : memref<512xi32, #tpu.memory_space<vmem>>, vector<16xi32>,
    %shift_right_arithmetic3A_238 = arith.constant 2 : i32
    %shift_right_arithmetic3A_239 = vector.broadcast %shift_right_arithmetic3A_238 : i32 to vector<16xi32>
    %shift_right_arithmetic3A_240 = arith.shrsi %get3A_237, %shift_right_arithmetic3A_239 : vector<16xi32>
    %swap3A_241 = arith.constant 1 : i32
    %swap3A_242 = arith.index_cast %swap3A_241 : i32 to index
    %swap3A_243 = arith.constant 80 : index
    %swap3A_244 = tpu.vector_load %arg9[%swap3A_242, %swap3A_243] {strides = array<i32>} : memref<4x128xi32, #tpu.memory_space<vmem>>, vector<16xi32>,
    tpu.vector_store %arg9[%swap3A_242, %swap3A_243], %shift_right_arithmetic3A_240 {strides = array<i32>} : memref<4x128xi32, #tpu.memory_space<vmem>>, vector<16xi32>,
    %get3A_245 = arith.constant 208 : index
    %get3A_246 = tpu.vector_load %arg8[%get3A_245] {strides = array<i32>} : memref<512xi32, #tpu.memory_space<vmem>>, vector<16xi32>,
    %shift_right_arithmetic3A_247 = arith.constant 2 : i32
    %shift_right_arithmetic3A_248 = vector.broadcast %shift_right_arithmetic3A_247 : i32 to vector<16xi32>
    %shift_right_arithmetic3A_249 = arith.shrsi %get3A_246, %shift_right_arithmetic3A_248 : vector<16xi32>
    %swap3A_250 = arith.constant 1 : i32
    %swap3A_251 = arith.index_cast %swap3A_250 : i32 to index
    %swap3A_252 = arith.constant 80 : index
    %swap3A_253 = tpu.vector_load %arg10[%swap3A_251, %swap3A_252] {strides = array<i32>} : memref<4x128xi32, #tpu.memory_space<vmem>>, vector<16xi32>,
    tpu.vector_store %arg10[%swap3A_251, %swap3A_252], %shift_right_arithmetic3A_249 {strides = array<i32>} : memref<4x128xi32, #tpu.memory_space<vmem>>, vector<16xi32>,
    %get3A_254 = arith.constant 224 : index
    %get3A_255 = tpu.vector_load %arg7[%get3A_254] {strides = array<i32>} : memref<512xi32, #tpu.memory_space<vmem>>, vector<16xi32>,
    %shift_right_arithmetic3A_256 = arith.constant 2 : i32
    %shift_right_arithmetic3A_257 = vector.broadcast %shift_right_arithmetic3A_256 : i32 to vector<16xi32>
    %shift_right_arithmetic3A_258 = arith.shrsi %get3A_255, %shift_right_arithmetic3A_257 : vector<16xi32>
    %swap3A_259 = arith.constant 1 : i32
    %swap3A_260 = arith.index_cast %swap3A_259 : i32 to index
    %swap3A_261 = arith.constant 96 : index
    %swap3A_262 = tpu.vector_load %arg9[%swap3A_260, %swap3A_261] {strides = array<i32>} : memref<4x128xi32, #tpu.memory_space<vmem>>, vector<16xi32>,
    tpu.vector_store %arg9[%swap3A_260, %swap3A_261], %shift_right_arithmetic3A_258 {strides = array<i32>} : memref<4x128xi32, #tpu.memory_space<vmem>>, vector<16xi32>,
    %get3A_263 = arith.constant 224 : index
    %get3A_264 = tpu.vector_load %arg8[%get3A_263] {strides = array<i32>} : memref<512xi32, #tpu.memory_space<vmem>>, vector<16xi32>,
    %shift_right_arithmetic3A_265 = arith.constant 2 : i32
    %shift_right_arithmetic3A_266 = vector.broadcast %shift_right_arithmetic3A_265 : i32 to vector<16xi32>
    %shift_right_arithmetic3A_267 = arith.shrsi %get3A_264, %shift_right_arithmetic3A_266 : vector<16xi32>
    %swap3A_268 = arith.constant 1 : i32
    %swap3A_269 = arith.index_cast %swap3A_268 : i32 to index
    %swap3A_270 = arith.constant 96 : index
    %swap3A_271 = tpu.vector_load %arg10[%swap3A_269, %swap3A_270] {strides = array<i32>} : memref<4x128xi32, #tpu.memory_space<vmem>>, vector<16xi32>,
    tpu.vector_store %arg10[%swap3A_269, %swap3A_270], %shift_right_arithmetic3A_267 {strides = array<i32>} : memref<4x128xi32, #tpu.memory_space<vmem>>, vector<16xi32>,
    %get3A_272 = arith.constant 240 : index
    %get3A_273 = tpu.vector_load %arg7[%get3A_272] {strides = array<i32>} : memref<512xi32, #tpu.memory_space<vmem>>, vector<16xi32>,
    %shift_right_arithmetic3A_274 = arith.constant 2 : i32
    %shift_right_arithmetic3A_275 = vector.broadcast %shift_right_arithmetic3A_274 : i32 to vector<16xi32>
    %shift_right_arithmetic3A_276 = arith.shrsi %get3A_273, %shift_right_arithmetic3A_275 : vector<16xi32>
    %swap3A_277 = arith.constant 1 : i32
    %swap3A_278 = arith.index_cast %swap3A_277 : i32 to index
    %swap3A_279 = arith.constant 112 : index
    %swap3A_280 = tpu.vector_load %arg9[%swap3A_278, %swap3A_279] {strides = array<i32>} : memref<4x128xi32, #tpu.memory_space<vmem>>, vector<16xi32>,
    tpu.vector_store %arg9[%swap3A_278, %swap3A_279], %shift_right_arithmetic3A_276 {strides = array<i32>} : memref<4x128xi32, #tpu.memory_space<vmem>>, vector<16xi32>,
    %get3A_281 = arith.constant 240 : index
    %get3A_282 = tpu.vector_load %arg8[%get3A_281] {strides = array<i32>} : memref<512xi32, #tpu.memory_space<vmem>>, vector<16xi32>,
    %shift_right_arithmetic3A_283 = arith.constant 2 : i32
    %shift_right_arithmetic3A_284 = vector.broadcast %shift_right_arithmetic3A_283 : i32 to vector<16xi32>
    %shift_right_arithmetic3A_285 = arith.shrsi %get3A_282, %shift_right_arithmetic3A_284 : vector<16xi32>
    %swap3A_286 = arith.constant 1 : i32
    %swap3A_287 = arith.index_cast %swap3A_286 : i32 to index
    %swap3A_288 = arith.constant 112 : index
    %swap3A_289 = tpu.vector_load %arg10[%swap3A_287, %swap3A_288] {strides = array<i32>} : memref<4x128xi32, #tpu.memory_space<vmem>>, vector<16xi32>,
    tpu.vector_store %arg10[%swap3A_287, %swap3A_288], %shift_right_arithmetic3A_285 {strides = array<i32>} : memref<4x128xi32, #tpu.memory_space<vmem>>, vector<16xi32>,
    %get3A_290 = arith.constant 256 : index
    %get3A_291 = tpu.vector_load %arg7[%get3A_290] {strides = array<i32>} : memref<512xi32, #tpu.memory_space<vmem>>, vector<16xi32>,
    %shift_right_arithmetic3A_292 = arith.constant 2 : i32
    %shift_right_arithmetic3A_293 = vector.broadcast %shift_right_arithmetic3A_292 : i32 to vector<16xi32>
    %shift_right_arithmetic3A_294 = arith.shrsi %get3A_291, %shift_right_arithmetic3A_293 : vector<16xi32>
    %swap3A_295 = arith.constant 2 : i32
    %swap3A_296 = arith.index_cast %swap3A_295 : i32 to index
    %swap3A_297 = arith.constant 0 : index
    %swap3A_298 = tpu.vector_load %arg9[%swap3A_296, %swap3A_297] {strides = array<i32>} : memref<4x128xi32, #tpu.memory_space<vmem>>, vector<16xi32>,
    tpu.vector_store %arg9[%swap3A_296, %swap3A_297], %shift_right_arithmetic3A_294 {strides = array<i32>} : memref<4x128xi32, #tpu.memory_space<vmem>>, vector<16xi32>,
    %get3A_299 = arith.constant 256 : index
    %get3A_300 = tpu.vector_load %arg8[%get3A_299] {strides = array<i32>} : memref<512xi32, #tpu.memory_space<vmem>>, vector<16xi32>,
    %shift_right_arithmetic3A_301 = arith.constant 2 : i32
    %shift_right_arithmetic3A_302 = vector.broadcast %shift_right_arithmetic3A_301 : i32 to vector<16xi32>
    %shift_right_arithmetic3A_303 = arith.shrsi %get3A_300, %shift_right_arithmetic3A_302 : vector<16xi32>
    %swap3A_304 = arith.constant 2 : i32
    %swap3A_305 = arith.index_cast %swap3A_304 : i32 to index
    %swap3A_306 = arith.constant 0 : index
    %swap3A_307 = tpu.vector_load %arg10[%swap3A_305, %swap3A_306] {strides = array<i32>} : memref<4x128xi32, #tpu.memory_space<vmem>>, vector<16xi32>,
    tpu.vector_store %arg10[%swap3A_305, %swap3A_306], %shift_right_arithmetic3A_303 {strides = array<i32>} : memref<4x128xi32, #tpu.memory_space<vmem>>, vector<16xi32>,
    %get3A_308 = arith.constant 272 : index
    %get3A_309 = tpu.vector_load %arg7[%get3A_308] {strides = array<i32>} : memref<512xi32, #tpu.memory_space<vmem>>, vector<16xi32>,
    %shift_right_arithmetic3A_310 = arith.constant 2 : i32
    %shift_right_arithmetic3A_311 = vector.broadcast %shift_right_arithmetic3A_310 : i32 to vector<16xi32>
    %shift_right_arithmetic3A_312 = arith.shrsi %get3A_309, %shift_right_arithmetic3A_311 : vector<16xi32>
    %swap3A_313 = arith.constant 2 : i32
    %swap3A_314 = arith.index_cast %swap3A_313 : i32 to index
    %swap3A_315 = arith.constant 16 : index
    %swap3A_316 = tpu.vector_load %arg9[%swap3A_314, %swap3A_315] {strides = array<i32>} : memref<4x128xi32, #tpu.memory_space<vmem>>, vector<16xi32>,
    tpu.vector_store %arg9[%swap3A_314, %swap3A_315], %shift_right_arithmetic3A_312 {strides = array<i32>} : memref<4x128xi32, #tpu.memory_space<vmem>>, vector<16xi32>,
    %get3A_317 = arith.constant 272 : index
    %get3A_318 = tpu.vector_load %arg8[%get3A_317] {strides = array<i32>} : memref<512xi32, #tpu.memory_space<vmem>>, vector<16xi32>,
    %shift_right_arithmetic3A_319 = arith.constant 2 : i32
    %shift_right_arithmetic3A_320 = vector.broadcast %shift_right_arithmetic3A_319 : i32 to vector<16xi32>
    %shift_right_arithmetic3A_321 = arith.shrsi %get3A_318, %shift_right_arithmetic3A_320 : vector<16xi32>
    %swap3A_322 = arith.constant 2 : i32
    %swap3A_323 = arith.index_cast %swap3A_322 : i32 to index
    %swap3A_324 = arith.constant 16 : index
    %swap3A_325 = tpu.vector_load %arg10[%swap3A_323, %swap3A_324] {strides = array<i32>} : memref<4x128xi32, #tpu.memory_space<vmem>>, vector<16xi32>,
    tpu.vector_store %arg10[%swap3A_323, %swap3A_324], %shift_right_arithmetic3A_321 {strides = array<i32>} : memref<4x128xi32, #tpu.memory_space<vmem>>, vector<16xi32>,
    %get3A_326 = arith.constant 288 : index
    %get3A_327 = tpu.vector_load %arg7[%get3A_326] {strides = array<i32>} : memref<512xi32, #tpu.memory_space<vmem>>, vector<16xi32>,
    %shift_right_arithmetic3A_328 = arith.constant 2 : i32
    %shift_right_arithmetic3A_329 = vector.broadcast %shift_right_arithmetic3A_328 : i32 to vector<16xi32>
    %shift_right_arithmetic3A_330 = arith.shrsi %get3A_327, %shift_right_arithmetic3A_329 : vector<16xi32>
    %swap3A_331 = arith.constant 2 : i32
    %swap3A_332 = arith.index_cast %swap3A_331 : i32 to index
    %swap3A_333 = arith.constant 32 : index
    %swap3A_334 = tpu.vector_load %arg9[%swap3A_332, %swap3A_333] {strides = array<i32>} : memref<4x128xi32, #tpu.memory_space<vmem>>, vector<16xi32>,
    tpu.vector_store %arg9[%swap3A_332, %swap3A_333], %shift_right_arithmetic3A_330 {strides = array<i32>} : memref<4x128xi32, #tpu.memory_space<vmem>>, vector<16xi32>,
    %get3A_335 = arith.constant 288 : index
    %get3A_336 = tpu.vector_load %arg8[%get3A_335] {strides = array<i32>} : memref<512xi32, #tpu.memory_space<vmem>>, vector<16xi32>,
    %shift_right_arithmetic3A_337 = arith.constant 2 : i32
    %shift_right_arithmetic3A_338 = vector.broadcast %shift_right_arithmetic3A_337 : i32 to vector<16xi32>
    %shift_right_arithmetic3A_339 = arith.shrsi %get3A_336, %shift_right_arithmetic3A_338 : vector<16xi32>
    %swap3A_340 = arith.constant 2 : i32
    %swap3A_341 = arith.index_cast %swap3A_340 : i32 to index
    %swap3A_342 = arith.constant 32 : index
    %swap3A_343 = tpu.vector_load %arg10[%swap3A_341, %swap3A_342] {strides = array<i32>} : memref<4x128xi32, #tpu.memory_space<vmem>>, vector<16xi32>,
    tpu.vector_store %arg10[%swap3A_341, %swap3A_342], %shift_right_arithmetic3A_339 {strides = array<i32>} : memref<4x128xi32, #tpu.memory_space<vmem>>, vector<16xi32>,
    %get3A_344 = arith.constant 304 : index
    %get3A_345 = tpu.vector_load %arg7[%get3A_344] {strides = array<i32>} : memref<512xi32, #tpu.memory_space<vmem>>, vector<16xi32>,
    %shift_right_arithmetic3A_346 = arith.constant 2 : i32
    %shift_right_arithmetic3A_347 = vector.broadcast %shift_right_arithmetic3A_346 : i32 to vector<16xi32>
    %shift_right_arithmetic3A_348 = arith.shrsi %get3A_345, %shift_right_arithmetic3A_347 : vector<16xi32>
    %swap3A_349 = arith.constant 2 : i32
    %swap3A_350 = arith.index_cast %swap3A_349 : i32 to index
    %swap3A_351 = arith.constant 48 : index
    %swap3A_352 = tpu.vector_load %arg9[%swap3A_350, %swap3A_351] {strides = array<i32>} : memref<4x128xi32, #tpu.memory_space<vmem>>, vector<16xi32>,
    tpu.vector_store %arg9[%swap3A_350, %swap3A_351], %shift_right_arithmetic3A_348 {strides = array<i32>} : memref<4x128xi32, #tpu.memory_space<vmem>>, vector<16xi32>,
    %get3A_353 = arith.constant 304 : index
    %get3A_354 = tpu.vector_load %arg8[%get3A_353] {strides = array<i32>} : memref<512xi32, #tpu.memory_space<vmem>>, vector<16xi32>,
    %shift_right_arithmetic3A_355 = arith.constant 2 : i32
    %shift_right_arithmetic3A_356 = vector.broadcast %shift_right_arithmetic3A_355 : i32 to vector<16xi32>
    %shift_right_arithmetic3A_357 = arith.shrsi %get3A_354, %shift_right_arithmetic3A_356 : vector<16xi32>
    %swap3A_358 = arith.constant 2 : i32
    %swap3A_359 = arith.index_cast %swap3A_358 : i32 to index
    %swap3A_360 = arith.constant 48 : index
    %swap3A_361 = tpu.vector_load %arg10[%swap3A_359, %swap3A_360] {strides = array<i32>} : memref<4x128xi32, #tpu.memory_space<vmem>>, vector<16xi32>,
    tpu.vector_store %arg10[%swap3A_359, %swap3A_360], %shift_right_arithmetic3A_357 {strides = array<i32>} : memref<4x128xi32, #tpu.memory_space<vmem>>, vector<16xi32>,
    %get3A_362 = arith.constant 320 : index
    %get3A_363 = tpu.vector_load %arg7[%get3A_362] {strides = array<i32>} : memref<512xi32, #tpu.memory_space<vmem>>, vector<16xi32>,
    %shift_right_arithmetic3A_364 = arith.constant 2 : i32
    %shift_right_arithmetic3A_365 = vector.broadcast %shift_right_arithmetic3A_364 : i32 to vector<16xi32>
    %shift_right_arithmetic3A_366 = arith.shrsi %get3A_363, %shift_right_arithmetic3A_365 : vector<16xi32>
    %swap3A_367 = arith.constant 2 : i32
    %swap3A_368 = arith.index_cast %swap3A_367 : i32 to index
    %swap3A_369 = arith.constant 64 : index
    %swap3A_370 = tpu.vector_load %arg9[%swap3A_368, %swap3A_369] {strides = array<i32>} : memref<4x128xi32, #tpu.memory_space<vmem>>, vector<16xi32>,
    tpu.vector_store %arg9[%swap3A_368, %swap3A_369], %shift_right_arithmetic3A_366 {strides = array<i32>} : memref<4x128xi32, #tpu.memory_space<vmem>>, vector<16xi32>,
    %get3A_371 = arith.constant 320 : index
    %get3A_372 = tpu.vector_load %arg8[%get3A_371] {strides = array<i32>} : memref<512xi32, #tpu.memory_space<vmem>>, vector<16xi32>,
    %shift_right_arithmetic3A_373 = arith.constant 2 : i32
    %shift_right_arithmetic3A_374 = vector.broadcast %shift_right_arithmetic3A_373 : i32 to vector<16xi32>
    %shift_right_arithmetic3A_375 = arith.shrsi %get3A_372, %shift_right_arithmetic3A_374 : vector<16xi32>
    %swap3A_376 = arith.constant 2 : i32
    %swap3A_377 = arith.index_cast %swap3A_376 : i32 to index
    %swap3A_378 = arith.constant 64 : index
    %swap3A_379 = tpu.vector_load %arg10[%swap3A_377, %swap3A_378] {strides = array<i32>} : memref<4x128xi32, #tpu.memory_space<vmem>>, vector<16xi32>,
    tpu.vector_store %arg10[%swap3A_377, %swap3A_378], %shift_right_arithmetic3A_375 {strides = array<i32>} : memref<4x128xi32, #tpu.memory_space<vmem>>, vector<16xi32>,
    %get3A_380 = arith.constant 336 : index
    %get3A_381 = tpu.vector_load %arg7[%get3A_380] {strides = array<i32>} : memref<512xi32, #tpu.memory_space<vmem>>, vector<16xi32>,
    %shift_right_arithmetic3A_382 = arith.constant 2 : i32
    %shift_right_arithmetic3A_383 = vector.broadcast %shift_right_arithmetic3A_382 : i32 to vector<16xi32>
    %shift_right_arithmetic3A_384 = arith.shrsi %get3A_381, %shift_right_arithmetic3A_383 : vector<16xi32>
    %swap3A_385 = arith.constant 2 : i32
    %swap3A_386 = arith.index_cast %swap3A_385 : i32 to index
    %swap3A_387 = arith.constant 80 : index
    %swap3A_388 = tpu.vector_load %arg9[%swap3A_386, %swap3A_387] {strides = array<i32>} : memref<4x128xi32, #tpu.memory_space<vmem>>, vector<16xi32>,
    tpu.vector_store %arg9[%swap3A_386, %swap3A_387], %shift_right_arithmetic3A_384 {strides = array<i32>} : memref<4x128xi32, #tpu.memory_space<vmem>>, vector<16xi32>,
    %get3A_389 = arith.constant 336 : index
    %get3A_390 = tpu.vector_load %arg8[%get3A_389] {strides = array<i32>} : memref<512xi32, #tpu.memory_space<vmem>>, vector<16xi32>,
    %shift_right_arithmetic3A_391 = arith.constant 2 : i32
    %shift_right_arithmetic3A_392 = vector.broadcast %shift_right_arithmetic3A_391 : i32 to vector<16xi32>
    %shift_right_arithmetic3A_393 = arith.shrsi %get3A_390, %shift_right_arithmetic3A_392 : vector<16xi32>
    %swap3A_394 = arith.constant 2 : i32
    %swap3A_395 = arith.index_cast %swap3A_394 : i32 to index
    %swap3A_396 = arith.constant 80 : index
    %swap3A_397 = tpu.vector_load %arg10[%swap3A_395, %swap3A_396] {strides = array<i32>} : memref<4x128xi32, #tpu.memory_space<vmem>>, vector<16xi32>,
    tpu.vector_store %arg10[%swap3A_395, %swap3A_396], %shift_right_arithmetic3A_393 {strides = array<i32>} : memref<4x128xi32, #tpu.memory_space<vmem>>, vector<16xi32>,
    %get3A_398 = arith.constant 352 : index
    %get3A_399 = tpu.vector_load %arg7[%get3A_398] {strides = array<i32>} : memref<512xi32, #tpu.memory_space<vmem>>, vector<16xi32>,
    %shift_right_arithmetic3A_400 = arith.constant 2 : i32
    %shift_right_arithmetic3A_401 = vector.broadcast %shift_right_arithmetic3A_400 : i32 to vector<16xi32>
    %shift_right_arithmetic3A_402 = arith.shrsi %get3A_399, %shift_right_arithmetic3A_401 : vector<16xi32>
    %swap3A_403 = arith.constant 2 : i32
    %swap3A_404 = arith.index_cast %swap3A_403 : i32 to index
    %swap3A_405 = arith.constant 96 : index
    %swap3A_406 = tpu.vector_load %arg9[%swap3A_404, %swap3A_405] {strides = array<i32>} : memref<4x128xi32, #tpu.memory_space<vmem>>, vector<16xi32>,
    tpu.vector_store %arg9[%swap3A_404, %swap3A_405], %shift_right_arithmetic3A_402 {strides = array<i32>} : memref<4x128xi32, #tpu.memory_space<vmem>>, vector<16xi32>,
    %get3A_407 = arith.constant 352 : index
    %get3A_408 = tpu.vector_load %arg8[%get3A_407] {strides = array<i32>} : memref<512xi32, #tpu.memory_space<vmem>>, vector<16xi32>,
    %shift_right_arithmetic3A_409 = arith.constant 2 : i32
    %shift_right_arithmetic3A_410 = vector.broadcast %shift_right_arithmetic3A_409 : i32 to vector<16xi32>
    %shift_right_arithmetic3A_411 = arith.shrsi %get3A_408, %shift_right_arithmetic3A_410 : vector<16xi32>
    %swap3A_412 = arith.constant 2 : i32
    %swap3A_413 = arith.index_cast %swap3A_412 : i32 to index
    %swap3A_414 = arith.constant 96 : index
    %swap3A_415 = tpu.vector_load %arg10[%swap3A_413, %swap3A_414] {strides = array<i32>} : memref<4x128xi32, #tpu.memory_space<vmem>>, vector<16xi32>,
    tpu.vector_store %arg10[%swap3A_413, %swap3A_414], %shift_right_arithmetic3A_411 {strides = array<i32>} : memref<4x128xi32, #tpu.memory_space<vmem>>, vector<16xi32>,
    %get3A_416 = arith.constant 368 : index
    %get3A_417 = tpu.vector_load %arg7[%get3A_416] {strides = array<i32>} : memref<512xi32, #tpu.memory_space<vmem>>, vector<16xi32>,
    %shift_right_arithmetic3A_418 = arith.constant 2 : i32
    %shift_right_arithmetic3A_419 = vector.broadcast %shift_right_arithmetic3A_418 : i32 to vector<16xi32>
    %shift_right_arithmetic3A_420 = arith.shrsi %get3A_417, %shift_right_arithmetic3A_419 : vector<16xi32>
    %swap3A_421 = arith.constant 2 : i32
    %swap3A_422 = arith.index_cast %swap3A_421 : i32 to index
    %swap3A_423 = arith.constant 112 : index
    %swap3A_424 = tpu.vector_load %arg9[%swap3A_422, %swap3A_423] {strides = array<i32>} : memref<4x128xi32, #tpu.memory_space<vmem>>, vector<16xi32>,
    tpu.vector_store %arg9[%swap3A_422, %swap3A_423], %shift_right_arithmetic3A_420 {strides = array<i32>} : memref<4x128xi32, #tpu.memory_space<vmem>>, vector<16xi32>,
    %get3A_425 = arith.constant 368 : index
    %get3A_426 = tpu.vector_load %arg8[%get3A_425] {strides = array<i32>} : memref<512xi32, #tpu.memory_space<vmem>>, vector<16xi32>,
    %shift_right_arithmetic3A_427 = arith.constant 2 : i32
    %shift_right_arithmetic3A_428 = vector.broadcast %shift_right_arithmetic3A_427 : i32 to vector<16xi32>
    %shift_right_arithmetic3A_429 = arith.shrsi %get3A_426, %shift_right_arithmetic3A_428 : vector<16xi32>
    %swap3A_430 = arith.constant 2 : i32
    %swap3A_431 = arith.index_cast %swap3A_430 : i32 to index
    %swap3A_432 = arith.constant 112 : index
    %swap3A_433 = tpu.vector_load %arg10[%swap3A_431, %swap3A_432] {strides = array<i32>} : memref<4x128xi32, #tpu.memory_space<vmem>>, vector<16xi32>,
    tpu.vector_store %arg10[%swap3A_431, %swap3A_432], %shift_right_arithmetic3A_429 {strides = array<i32>} : memref<4x128xi32, #tpu.memory_space<vmem>>, vector<16xi32>,
    %get3A_434 = arith.constant 384 : index
    %get3A_435 = tpu.vector_load %arg7[%get3A_434] {strides = array<i32>} : memref<512xi32, #tpu.memory_space<vmem>>, vector<16xi32>,
    %shift_right_arithmetic3A_436 = arith.constant 2 : i32
    %shift_right_arithmetic3A_437 = vector.broadcast %shift_right_arithmetic3A_436 : i32 to vector<16xi32>
    %shift_right_arithmetic3A_438 = arith.shrsi %get3A_435, %shift_right_arithmetic3A_437 : vector<16xi32>
    %swap3A_439 = arith.constant 3 : i32
    %swap3A_440 = arith.index_cast %swap3A_439 : i32 to index
    %swap3A_441 = arith.constant 0 : index
    %swap3A_442 = tpu.vector_load %arg9[%swap3A_440, %swap3A_441] {strides = array<i32>} : memref<4x128xi32, #tpu.memory_space<vmem>>, vector<16xi32>,
    tpu.vector_store %arg9[%swap3A_440, %swap3A_441], %shift_right_arithmetic3A_438 {strides = array<i32>} : memref<4x128xi32, #tpu.memory_space<vmem>>, vector<16xi32>,
    %get3A_443 = arith.constant 384 : index
    %get3A_444 = tpu.vector_load %arg8[%get3A_443] {strides = array<i32>} : memref<512xi32, #tpu.memory_space<vmem>>, vector<16xi32>,
    %shift_right_arithmetic3A_445 = arith.constant 2 : i32
    %shift_right_arithmetic3A_446 = vector.broadcast %shift_right_arithmetic3A_445 : i32 to vector<16xi32>
    %shift_right_arithmetic3A_447 = arith.shrsi %get3A_444, %shift_right_arithmetic3A_446 : vector<16xi32>
    %swap3A_448 = arith.constant 3 : i32
    %swap3A_449 = arith.index_cast %swap3A_448 : i32 to index
    %swap3A_450 = arith.constant 0 : index
    %swap3A_451 = tpu.vector_load %arg10[%swap3A_449, %swap3A_450] {strides = array<i32>} : memref<4x128xi32, #tpu.memory_space<vmem>>, vector<16xi32>,
    tpu.vector_store %arg10[%swap3A_449, %swap3A_450], %shift_right_arithmetic3A_447 {strides = array<i32>} : memref<4x128xi32, #tpu.memory_space<vmem>>, vector<16xi32>,
    %get3A_452 = arith.constant 400 : index
    %get3A_453 = tpu.vector_load %arg7[%get3A_452] {strides = array<i32>} : memref<512xi32, #tpu.memory_space<vmem>>, vector<16xi32>,
    %shift_right_arithmetic3A_454 = arith.constant 2 : i32
    %shift_right_arithmetic3A_455 = vector.broadcast %shift_right_arithmetic3A_454 : i32 to vector<16xi32>
    %shift_right_arithmetic3A_456 = arith.shrsi %get3A_453, %shift_right_arithmetic3A_455 : vector<16xi32>
    %swap3A_457 = arith.constant 3 : i32
    %swap3A_458 = arith.index_cast %swap3A_457 : i32 to index
    %swap3A_459 = arith.constant 16 : index
    %swap3A_460 = tpu.vector_load %arg9[%swap3A_458, %swap3A_459] {strides = array<i32>} : memref<4x128xi32, #tpu.memory_space<vmem>>, vector<16xi32>,
    tpu.vector_store %arg9[%swap3A_458, %swap3A_459], %shift_right_arithmetic3A_456 {strides = array<i32>} : memref<4x128xi32, #tpu.memory_space<vmem>>, vector<16xi32>,
    %get3A_461 = arith.constant 400 : index
    %get3A_462 = tpu.vector_load %arg8[%get3A_461] {strides = array<i32>} : memref<512xi32, #tpu.memory_space<vmem>>, vector<16xi32>,
    %shift_right_arithmetic3A_463 = arith.constant 2 : i32
    %shift_right_arithmetic3A_464 = vector.broadcast %shift_right_arithmetic3A_463 : i32 to vector<16xi32>
    %shift_right_arithmetic3A_465 = arith.shrsi %get3A_462, %shift_right_arithmetic3A_464 : vector<16xi32>
    %swap3A_466 = arith.constant 3 : i32
    %swap3A_467 = arith.index_cast %swap3A_466 : i32 to index
    %swap3A_468 = arith.constant 16 : index
    %swap3A_469 = tpu.vector_load %arg10[%swap3A_467, %swap3A_468] {strides = array<i32>} : memref<4x128xi32, #tpu.memory_space<vmem>>, vector<16xi32>,
    tpu.vector_store %arg10[%swap3A_467, %swap3A_468], %shift_right_arithmetic3A_465 {strides = array<i32>} : memref<4x128xi32, #tpu.memory_space<vmem>>, vector<16xi32>,
    %get3A_470 = arith.constant 416 : index
    %get3A_471 = tpu.vector_load %arg7[%get3A_470] {strides = array<i32>} : memref<512xi32, #tpu.memory_space<vmem>>, vector<16xi32>,
    %shift_right_arithmetic3A_472 = arith.constant 2 : i32
    %shift_right_arithmetic3A_473 = vector.broadcast %shift_right_arithmetic3A_472 : i32 to vector<16xi32>
    %shift_right_arithmetic3A_474 = arith.shrsi %get3A_471, %shift_right_arithmetic3A_473 : vector<16xi32>
    %swap3A_475 = arith.constant 3 : i32
    %swap3A_476 = arith.index_cast %swap3A_475 : i32 to index
    %swap3A_477 = arith.constant 32 : index
    %swap3A_478 = tpu.vector_load %arg9[%swap3A_476, %swap3A_477] {strides = array<i32>} : memref<4x128xi32, #tpu.memory_space<vmem>>, vector<16xi32>,
    tpu.vector_store %arg9[%swap3A_476, %swap3A_477], %shift_right_arithmetic3A_474 {strides = array<i32>} : memref<4x128xi32, #tpu.memory_space<vmem>>, vector<16xi32>,
    %get3A_479 = arith.constant 416 : index
    %get3A_480 = tpu.vector_load %arg8[%get3A_479] {strides = array<i32>} : memref<512xi32, #tpu.memory_space<vmem>>, vector<16xi32>,
    %shift_right_arithmetic3A_481 = arith.constant 2 : i32
    %shift_right_arithmetic3A_482 = vector.broadcast %shift_right_arithmetic3A_481 : i32 to vector<16xi32>
    %shift_right_arithmetic3A_483 = arith.shrsi %get3A_480, %shift_right_arithmetic3A_482 : vector<16xi32>
    %swap3A_484 = arith.constant 3 : i32
    %swap3A_485 = arith.index_cast %swap3A_484 : i32 to index
    %swap3A_486 = arith.constant 32 : index
    %swap3A_487 = tpu.vector_load %arg10[%swap3A_485, %swap3A_486] {strides = array<i32>} : memref<4x128xi32, #tpu.memory_space<vmem>>, vector<16xi32>,
    tpu.vector_store %arg10[%swap3A_485, %swap3A_486], %shift_right_arithmetic3A_483 {strides = array<i32>} : memref<4x128xi32, #tpu.memory_space<vmem>>, vector<16xi32>,
    %get3A_488 = arith.constant 432 : index
    %get3A_489 = tpu.vector_load %arg7[%get3A_488] {strides = array<i32>} : memref<512xi32, #tpu.memory_space<vmem>>, vector<16xi32>,
    %shift_right_arithmetic3A_490 = arith.constant 2 : i32
    %shift_right_arithmetic3A_491 = vector.broadcast %shift_right_arithmetic3A_490 : i32 to vector<16xi32>
    %shift_right_arithmetic3A_492 = arith.shrsi %get3A_489, %shift_right_arithmetic3A_491 : vector<16xi32>
    %swap3A_493 = arith.constant 3 : i32
    %swap3A_494 = arith.index_cast %swap3A_493 : i32 to index
    %swap3A_495 = arith.constant 48 : index
    %swap3A_496 = tpu.vector_load %arg9[%swap3A_494, %swap3A_495] {strides = array<i32>} : memref<4x128xi32, #tpu.memory_space<vmem>>, vector<16xi32>,
    tpu.vector_store %arg9[%swap3A_494, %swap3A_495], %shift_right_arithmetic3A_492 {strides = array<i32>} : memref<4x128xi32, #tpu.memory_space<vmem>>, vector<16xi32>,
    %get3A_497 = arith.constant 432 : index
    %get3A_498 = tpu.vector_load %arg8[%get3A_497] {strides = array<i32>} : memref<512xi32, #tpu.memory_space<vmem>>, vector<16xi32>,
    %shift_right_arithmetic3A_499 = arith.constant 2 : i32
    %shift_right_arithmetic3A_500 = vector.broadcast %shift_right_arithmetic3A_499 : i32 to vector<16xi32>
    %shift_right_arithmetic3A_501 = arith.shrsi %get3A_498, %shift_right_arithmetic3A_500 : vector<16xi32>
    %swap3A_502 = arith.constant 3 : i32
    %swap3A_503 = arith.index_cast %swap3A_502 : i32 to index
    %swap3A_504 = arith.constant 48 : index
    %swap3A_505 = tpu.vector_load %arg10[%swap3A_503, %swap3A_504] {strides = array<i32>} : memref<4x128xi32, #tpu.memory_space<vmem>>, vector<16xi32>,
    tpu.vector_store %arg10[%swap3A_503, %swap3A_504], %shift_right_arithmetic3A_501 {strides = array<i32>} : memref<4x128xi32, #tpu.memory_space<vmem>>, vector<16xi32>,
    %get3A_506 = arith.constant 448 : index
    %get3A_507 = tpu.vector_load %arg7[%get3A_506] {strides = array<i32>} : memref<512xi32, #tpu.memory_space<vmem>>, vector<16xi32>,
    %shift_right_arithmetic3A_508 = arith.constant 2 : i32
    %shift_right_arithmetic3A_509 = vector.broadcast %shift_right_arithmetic3A_508 : i32 to vector<16xi32>
    %shift_right_arithmetic3A_510 = arith.shrsi %get3A_507, %shift_right_arithmetic3A_509 : vector<16xi32>
    %swap3A_511 = arith.constant 3 : i32
    %swap3A_512 = arith.index_cast %swap3A_511 : i32 to index
    %swap3A_513 = arith.constant 64 : index
    %swap3A_514 = tpu.vector_load %arg9[%swap3A_512, %swap3A_513] {strides = array<i32>} : memref<4x128xi32, #tpu.memory_space<vmem>>, vector<16xi32>,
    tpu.vector_store %arg9[%swap3A_512, %swap3A_513], %shift_right_arithmetic3A_510 {strides = array<i32>} : memref<4x128xi32, #tpu.memory_space<vmem>>, vector<16xi32>,
    %get3A_515 = arith.constant 448 : index
    %get3A_516 = tpu.vector_load %arg8[%get3A_515] {strides = array<i32>} : memref<512xi32, #tpu.memory_space<vmem>>, vector<16xi32>,
    %shift_right_arithmetic3A_517 = arith.constant 2 : i32
    %shift_right_arithmetic3A_518 = vector.broadcast %shift_right_arithmetic3A_517 : i32 to vector<16xi32>
    %shift_right_arithmetic3A_519 = arith.shrsi %get3A_516, %shift_right_arithmetic3A_518 : vector<16xi32>
    %swap3A_520 = arith.constant 3 : i32
    %swap3A_521 = arith.index_cast %swap3A_520 : i32 to index
    %swap3A_522 = arith.constant 64 : index
    %swap3A_523 = tpu.vector_load %arg10[%swap3A_521, %swap3A_522] {strides = array<i32>} : memref<4x128xi32, #tpu.memory_space<vmem>>, vector<16xi32>,
    tpu.vector_store %arg10[%swap3A_521, %swap3A_522], %shift_right_arithmetic3A_519 {strides = array<i32>} : memref<4x128xi32, #tpu.memory_space<vmem>>, vector<16xi32>,
    %get3A_524 = arith.constant 464 : index
    %get3A_525 = tpu.vector_load %arg7[%get3A_524] {strides = array<i32>} : memref<512xi32, #tpu.memory_space<vmem>>, vector<16xi32>,
    %shift_right_arithmetic3A_526 = arith.constant 2 : i32
    %shift_right_arithmetic3A_527 = vector.broadcast %shift_right_arithmetic3A_526 : i32 to vector<16xi32>
    %shift_right_arithmetic3A_528 = arith.shrsi %get3A_525, %shift_right_arithmetic3A_527 : vector<16xi32>
    %swap3A_529 = arith.constant 3 : i32
    %swap3A_530 = arith.index_cast %swap3A_529 : i32 to index
    %swap3A_531 = arith.constant 80 : index
    %swap3A_532 = tpu.vector_load %arg9[%swap3A_530, %swap3A_531] {strides = array<i32>} : memref<4x128xi32, #tpu.memory_space<vmem>>, vector<16xi32>,
    tpu.vector_store %arg9[%swap3A_530, %swap3A_531], %shift_right_arithmetic3A_528 {strides = array<i32>} : memref<4x128xi32, #tpu.memory_space<vmem>>, vector<16xi32>,
    %get3A_533 = arith.constant 464 : index
    %get3A_534 = tpu.vector_load %arg8[%get3A_533] {strides = array<i32>} : memref<512xi32, #tpu.memory_space<vmem>>, vector<16xi32>,
    %shift_right_arithmetic3A_535 = arith.constant 2 : i32
    %shift_right_arithmetic3A_536 = vector.broadcast %shift_right_arithmetic3A_535 : i32 to vector<16xi32>
    %shift_right_arithmetic3A_537 = arith.shrsi %get3A_534, %shift_right_arithmetic3A_536 : vector<16xi32>
    %swap3A_538 = arith.constant 3 : i32
    %swap3A_539 = arith.index_cast %swap3A_538 : i32 to index
    %swap3A_540 = arith.constant 80 : index
    %swap3A_541 = tpu.vector_load %arg10[%swap3A_539, %swap3A_540] {strides = array<i32>} : memref<4x128xi32, #tpu.memory_space<vmem>>, vector<16xi32>,
    tpu.vector_store %arg10[%swap3A_539, %swap3A_540], %shift_right_arithmetic3A_537 {strides = array<i32>} : memref<4x128xi32, #tpu.memory_space<vmem>>, vector<16xi32>,
    %get3A_542 = arith.constant 480 : index
    %get3A_543 = tpu.vector_load %arg7[%get3A_542] {strides = array<i32>} : memref<512xi32, #tpu.memory_space<vmem>>, vector<16xi32>,
    %shift_right_arithmetic3A_544 = arith.constant 2 : i32
    %shift_right_arithmetic3A_545 = vector.broadcast %shift_right_arithmetic3A_544 : i32 to vector<16xi32>
    %shift_right_arithmetic3A_546 = arith.shrsi %get3A_543, %shift_right_arithmetic3A_545 : vector<16xi32>
    %swap3A_547 = arith.constant 3 : i32
    %swap3A_548 = arith.index_cast %swap3A_547 : i32 to index
    %swap3A_549 = arith.constant 96 : index
    %swap3A_550 = tpu.vector_load %arg9[%swap3A_548, %swap3A_549] {strides = array<i32>} : memref<4x128xi32, #tpu.memory_space<vmem>>, vector<16xi32>,
    tpu.vector_store %arg9[%swap3A_548, %swap3A_549], %shift_right_arithmetic3A_546 {strides = array<i32>} : memref<4x128xi32, #tpu.memory_space<vmem>>, vector<16xi32>,
    %get3A_551 = arith.constant 480 : index
    %get3A_552 = tpu.vector_load %arg8[%get3A_551] {strides = array<i32>} : memref<512xi32, #tpu.memory_space<vmem>>, vector<16xi32>,
    %shift_right_arithmetic3A_553 = arith.constant 2 : i32
    %shift_right_arithmetic3A_554 = vector.broadcast %shift_right_arithmetic3A_553 : i32 to vector<16xi32>
    %shift_right_arithmetic3A_555 = arith.shrsi %get3A_552, %shift_right_arithmetic3A_554 : vector<16xi32>
    %swap3A_556 = arith.constant 3 : i32
    %swap3A_557 = arith.index_cast %swap3A_556 : i32 to index
    %swap3A_558 = arith.constant 96 : index
    %swap3A_559 = tpu.vector_load %arg10[%swap3A_557, %swap3A_558] {strides = array<i32>} : memref<4x128xi32, #tpu.memory_space<vmem>>, vector<16xi32>,
    tpu.vector_store %arg10[%swap3A_557, %swap3A_558], %shift_right_arithmetic3A_555 {strides = array<i32>} : memref<4x128xi32, #tpu.memory_space<vmem>>, vector<16xi32>,
    %get3A_560 = arith.constant 496 : index
    %get3A_561 = tpu.vector_load %arg7[%get3A_560] {strides = array<i32>} : memref<512xi32, #tpu.memory_space<vmem>>, vector<16xi32>,
    %shift_right_arithmetic3A_562 = arith.constant 2 : i32
    %shift_right_arithmetic3A_563 = vector.broadcast %shift_right_arithmetic3A_562 : i32 to vector<16xi32>
    %shift_right_arithmetic3A_564 = arith.shrsi %get3A_561, %shift_right_arithmetic3A_563 : vector<16xi32>
    %swap3A_565 = arith.constant 3 : i32
    %swap3A_566 = arith.index_cast %swap3A_565 : i32 to index
    %swap3A_567 = arith.constant 112 : index
    %swap3A_568 = tpu.vector_load %arg9[%swap3A_566, %swap3A_567] {strides = array<i32>} : memref<4x128xi32, #tpu.memory_space<vmem>>, vector<16xi32>,
    tpu.vector_store %arg9[%swap3A_566, %swap3A_567], %shift_right_arithmetic3A_564 {strides = array<i32>} : memref<4x128xi32, #tpu.memory_space<vmem>>, vector<16xi32>,
    %get3A_569 = arith.constant 496 : index
    %get3A_570 = tpu.vector_load %arg8[%get3A_569] {strides = array<i32>} : memref<512xi32, #tpu.memory_space<vmem>>, vector<16xi32>,
    %shift_right_arithmetic3A_571 = arith.constant 2 : i32
    %shift_right_arithmetic3A_572 = vector.broadcast %shift_right_arithmetic3A_571 : i32 to vector<16xi32>
    %shift_right_arithmetic3A_573 = arith.shrsi %get3A_570, %shift_right_arithmetic3A_572 : vector<16xi32>
    %swap3A_574 = arith.constant 3 : i32
    %swap3A_575 = arith.index_cast %swap3A_574 : i32 to index
    %swap3A_576 = arith.constant 112 : index
    %swap3A_577 = tpu.vector_load %arg10[%swap3A_575, %swap3A_576] {strides = array<i32>} : memref<4x128xi32, #tpu.memory_space<vmem>>, vector<16xi32>,
    tpu.vector_store %arg10[%swap3A_575, %swap3A_576], %shift_right_arithmetic3A_573 {strides = array<i32>} : memref<4x128xi32, #tpu.memory_space<vmem>>, vector<16xi32>,
    %iota3A = tpu.iota {dimensions = array<i32: 0>} : vector<16xi32>
    %dma_start3A = arith.constant 0 : i32
    %dma_start3A_578 = arith.constant 0 : i32
    %dma_start3A_579 = tpu.memref_slice %arg9[%dma_start3A, %dma_start3A_578] : memref<4x128xi32, #tpu.memory_space<vmem>> -> memref<1x128xi32, #tpu.memory_space<vmem>>
    %dma_start3A_580 = tpu.memref_squeeze %dma_start3A_579 : memref<1x128xi32, #tpu.memory_space<vmem>> -> memref<128xi32, #tpu.memory_space<vmem>>
    %dma_start3A_581 = arith.constant 0 : i32
    %dma_start3A_582 = arith.constant 0 : i32
    %dma_start3A_583 = tpu.memref_slice %arg4[%dma_start3A_581, %dma_start3A_582] : memref<250000x128xf32, #tpu.memory_space<hbm>> -> memref<250000x128xf32, #tpu.memory_space<hbm>>
    tpu.enqueue_indirect_dma source(%dma_start3A_583 : memref<250000x128xf32, #tpu.memory_space<hbm>>) target(%arg11 : memref<128x128xf32, #tpu.memory_space<vmem>>) offsets(%dma_start3A_580 : memref<128xi32, #tpu.memory_space<vmem>>) semaphore(%arg16 : memref<!tpu.dma_semaphore, #tpu.memory_space<semaphore_mem>>)
    %dma_start3A_584 = arith.constant 0 : i32
    %dma_start3A_585 = arith.constant 0 : i32
    %dma_start3A_586 = tpu.memref_slice %arg10[%dma_start3A_584, %dma_start3A_585] : memref<4x128xi32, #tpu.memory_space<vmem>> -> memref<1x128xi32, #tpu.memory_space<vmem>>
    %dma_start3A_587 = tpu.memref_squeeze %dma_start3A_586 : memref<1x128xi32, #tpu.memory_space<vmem>> -> memref<128xi32, #tpu.memory_space<vmem>>
    %dma_start3A_588 = arith.constant 0 : i32
    %dma_start3A_589 = arith.constant 0 : i32
    %dma_start3A_590 = tpu.memref_slice %arg5[%dma_start3A_588, %dma_start3A_589] : memref<250000x128xf32, #tpu.memory_space<hbm>> -> memref<250000x128xf32, #tpu.memory_space<hbm>>
    tpu.enqueue_indirect_dma source(%dma_start3A_590 : memref<250000x128xf32, #tpu.memory_space<hbm>>) target(%arg12 : memref<128x128xf32, #tpu.memory_space<vmem>>) offsets(%dma_start3A_587 : memref<128xi32, #tpu.memory_space<vmem>>) semaphore(%arg16 : memref<!tpu.dma_semaphore, #tpu.memory_space<semaphore_mem>>)
    %dma_start3A_591 = arith.constant 1 : i32
    %dma_start3A_592 = arith.constant 0 : i32
    %dma_start3A_593 = tpu.memref_slice %arg9[%dma_start3A_591, %dma_start3A_592] : memref<4x128xi32, #tpu.memory_space<vmem>> -> memref<1x128xi32, #tpu.memory_space<vmem>>
    %dma_start3A_594 = tpu.memref_squeeze %dma_start3A_593 : memref<1x128xi32, #tpu.memory_space<vmem>> -> memref<128xi32, #tpu.memory_space<vmem>>
    %dma_start3A_595 = arith.constant 0 : i32
    %dma_start3A_596 = arith.constant 0 : i32
    %dma_start3A_597 = tpu.memref_slice %arg4[%dma_start3A_595, %dma_start3A_596] : memref<250000x128xf32, #tpu.memory_space<hbm>> -> memref<250000x128xf32, #tpu.memory_space<hbm>>
    tpu.enqueue_indirect_dma source(%dma_start3A_597 : memref<250000x128xf32, #tpu.memory_space<hbm>>) target(%arg13 : memref<128x128xf32, #tpu.memory_space<vmem>>) offsets(%dma_start3A_594 : memref<128xi32, #tpu.memory_space<vmem>>) semaphore(%arg17 : memref<!tpu.dma_semaphore, #tpu.memory_space<semaphore_mem>>)
    %dma_start3A_598 = arith.constant 1 : i32
    %dma_start3A_599 = arith.constant 0 : i32
    %dma_start3A_600 = tpu.memref_slice %arg10[%dma_start3A_598, %dma_start3A_599] : memref<4x128xi32, #tpu.memory_space<vmem>> -> memref<1x128xi32, #tpu.memory_space<vmem>>
    %dma_start3A_601 = tpu.memref_squeeze %dma_start3A_600 : memref<1x128xi32, #tpu.memory_space<vmem>> -> memref<128xi32, #tpu.memory_space<vmem>>
    %dma_start3A_602 = arith.constant 0 : i32
    %dma_start3A_603 = arith.constant 0 : i32
    %dma_start3A_604 = tpu.memref_slice %arg5[%dma_start3A_602, %dma_start3A_603] : memref<250000x128xf32, #tpu.memory_space<hbm>> -> memref<250000x128xf32, #tpu.memory_space<hbm>>
    tpu.enqueue_indirect_dma source(%dma_start3A_604 : memref<250000x128xf32, #tpu.memory_space<hbm>>) target(%arg14 : memref<128x128xf32, #tpu.memory_space<vmem>>) offsets(%dma_start3A_601 : memref<128xi32, #tpu.memory_space<vmem>>) semaphore(%arg17 : memref<!tpu.dma_semaphore, #tpu.memory_space<semaphore_mem>>)
    %dma_wait3A = arith.constant 0 : i32
    %dma_wait3A_605 = arith.constant 0 : i32
    %dma_wait3A_606 = tpu.memref_slice %arg9[%dma_wait3A, %dma_wait3A_605] : memref<4x128xi32, #tpu.memory_space<vmem>> -> memref<1x128xi32, #tpu.memory_space<vmem>>
    %dma_wait3A_607 = tpu.memref_squeeze %dma_wait3A_606 : memref<1x128xi32, #tpu.memory_space<vmem>> -> memref<128xi32, #tpu.memory_space<vmem>>
    %dma_wait3A_608 = arith.constant 0 : i32
    %dma_wait3A_609 = arith.constant 0 : i32
    %dma_wait3A_610 = tpu.memref_slice %arg4[%dma_wait3A_608, %dma_wait3A_609] : memref<250000x128xf32, #tpu.memory_space<hbm>> -> memref<250000x128xf32, #tpu.memory_space<hbm>>
    tpu.wait_indirect_dma semaphore(%arg16 : memref<!tpu.dma_semaphore, #tpu.memory_space<semaphore_mem>>) src(%dma_wait3A_610 : memref<250000x128xf32, #tpu.memory_space<hbm>>) dst(%arg11 : memref<128x128xf32, #tpu.memory_space<vmem>>)
    %dma_wait3A_611 = arith.constant 0 : i32
    %dma_wait3A_612 = arith.constant 0 : i32
    %dma_wait3A_613 = tpu.memref_slice %arg10[%dma_wait3A_611, %dma_wait3A_612] : memref<4x128xi32, #tpu.memory_space<vmem>> -> memref<1x128xi32, #tpu.memory_space<vmem>>
    %dma_wait3A_614 = tpu.memref_squeeze %dma_wait3A_613 : memref<1x128xi32, #tpu.memory_space<vmem>> -> memref<128xi32, #tpu.memory_space<vmem>>
    %dma_wait3A_615 = arith.constant 0 : i32
    %dma_wait3A_616 = arith.constant 0 : i32
    %dma_wait3A_617 = tpu.memref_slice %arg5[%dma_wait3A_615, %dma_wait3A_616] : memref<250000x128xf32, #tpu.memory_space<hbm>> -> memref<250000x128xf32, #tpu.memory_space<hbm>>
    tpu.wait_indirect_dma semaphore(%arg16 : memref<!tpu.dma_semaphore, #tpu.memory_space<semaphore_mem>>) src(%dma_wait3A_617 : memref<250000x128xf32, #tpu.memory_space<hbm>>) dst(%arg12 : memref<128x128xf32, #tpu.memory_space<vmem>>)
    %scan3A = arith.constant 0 : i32
    %scan3A_618 = arith.constant 0 : i32
    %scan3A_619 = arith.constant 8 : i32
    %scan3A_620 = arith.addi %scan3A_618, %scan3A_619 : i32
    %scan3A_621 = arith.constant 1 : i32
    %scan3A_622 = scf.for %scan3A_717 = %scan3A_618 to %scan3A_620 step %scan3A_621 iter_args(%scan3A_718 = %scan3A) -> (i32)  : i32 {
      %mul3A_719 = arith.constant 16 : i32
      %mul3A_720 = arith.muli %scan3A_717, %mul3A_719 : i32
      %add3A_721 = vector.broadcast %mul3A_720 : i32 to vector<16xi32>
      %add3A_722 = arith.addi %iota3A, %add3A_721 : vector<16xi32>
      %mul3A_723 = arith.constant 16 : i32
      %mul3A_724 = arith.muli %scan3A_717, %mul3A_723 : i32
      %add3A_725 = arith.constant 0 : i32
      %add3A_726 = arith.addi %add3A_725, %mul3A_724 : i32
      %get3A_727 = arith.index_cast %add3A_726 : i32 to index
      %get3A_728 = tpu.vector_load %arg7[%get3A_727] {strides = array<i32>} : memref<512xi32, #tpu.memory_space<vmem>>, vector<16xi32>,
      %and3A = arith.constant 3 : i32
      %and3A_729 = vector.broadcast %and3A : i32 to vector<16xi32>
      %and3A_730 = arith.andi %get3A_728, %and3A_729 : vector<16xi32>
      %shift_left3A = arith.constant 5 : i32
      %shift_left3A_731 = vector.broadcast %shift_left3A : i32 to vector<16xi32>
      %shift_left3A_732 = arith.shli %and3A_730, %shift_left3A_731 : vector<16xi32>
      %get3A_733 = arith.index_cast %add3A_726 : i32 to index
      %get3A_734 = tpu.vector_load %arg8[%get3A_733] {strides = array<i32>} : memref<512xi32, #tpu.memory_space<vmem>>, vector<16xi32>,
      %and3A_735 = arith.constant 3 : i32
      %and3A_736 = vector.broadcast %and3A_735 : i32 to vector<16xi32>
      %and3A_737 = arith.andi %get3A_734, %and3A_736 : vector<16xi32>
      %shift_left3A_738 = arith.constant 5 : i32
      %shift_left3A_739 = vector.broadcast %shift_left3A_738 : i32 to vector<16xi32>
      %shift_left3A_740 = arith.shli %and3A_737, %shift_left3A_739 : vector<16xi32>
      %broadcast_in_dim3A = arith.constant 0.000000e+00 : f32
      %broadcast_in_dim3A_741 = vector.broadcast %broadcast_in_dim3A : f32 to vector<16xf32>
      %add3A_742 = arith.constant 0 : i32
      %add3A_743 = vector.broadcast %add3A_742 : i32 to vector<16xi32>
      %add3A_744 = arith.addi %shift_left3A_732, %add3A_743 : vector<16xi32>
      %gather3A = tpu.vector_load_idx %arg11[%add3A_722, %add3A_744] : memref<128x128xf32, #tpu.memory_space<vmem>>[vector<16xi32>, vector<16xi32>], vector<16xf32>,
      %add3A_745 = arith.constant 0 : i32
      %add3A_746 = vector.broadcast %add3A_745 : i32 to vector<16xi32>
      %add3A_747 = arith.addi %shift_left3A_740, %add3A_746 : vector<16xi32>
      %gather3A_748 = tpu.vector_load_idx %arg12[%add3A_722, %add3A_747] : memref<128x128xf32, #tpu.memory_space<vmem>>[vector<16xi32>, vector<16xi32>], vector<16xf32>,
      %mul3A_749 = arith.mulf %gather3A, %gather3A_748 : vector<16xf32>
      %add3A_750 = arith.addf %broadcast_in_dim3A_741, %mul3A_749 : vector<16xf32>
      %add3A_751 = arith.constant 1 : i32
      %add3A_752 = vector.broadcast %add3A_751 : i32 to vector<16xi32>
      %add3A_753 = arith.addi %shift_left3A_732, %add3A_752 : vector<16xi32>
      %gather3A_754 = tpu.vector_load_idx %arg11[%add3A_722, %add3A_753] : memref<128x128xf32, #tpu.memory_space<vmem>>[vector<16xi32>, vector<16xi32>], vector<16xf32>,
      %add3A_755 = arith.constant 1 : i32
      %add3A_756 = vector.broadcast %add3A_755 : i32 to vector<16xi32>
      %add3A_757 = arith.addi %shift_left3A_740, %add3A_756 : vector<16xi32>
      %gather3A_758 = tpu.vector_load_idx %arg12[%add3A_722, %add3A_757] : memref<128x128xf32, #tpu.memory_space<vmem>>[vector<16xi32>, vector<16xi32>], vector<16xf32>,
      %mul3A_759 = arith.mulf %gather3A_754, %gather3A_758 : vector<16xf32>
      %add3A_760 = arith.addf %add3A_750, %mul3A_759 : vector<16xf32>
      %add3A_761 = arith.constant 2 : i32
      %add3A_762 = vector.broadcast %add3A_761 : i32 to vector<16xi32>
      %add3A_763 = arith.addi %shift_left3A_732, %add3A_762 : vector<16xi32>
      %gather3A_764 = tpu.vector_load_idx %arg11[%add3A_722, %add3A_763] : memref<128x128xf32, #tpu.memory_space<vmem>>[vector<16xi32>, vector<16xi32>], vector<16xf32>,
      %add3A_765 = arith.constant 2 : i32
      %add3A_766 = vector.broadcast %add3A_765 : i32 to vector<16xi32>
      %add3A_767 = arith.addi %shift_left3A_740, %add3A_766 : vector<16xi32>
      %gather3A_768 = tpu.vector_load_idx %arg12[%add3A_722, %add3A_767] : memref<128x128xf32, #tpu.memory_space<vmem>>[vector<16xi32>, vector<16xi32>], vector<16xf32>,
      %mul3A_769 = arith.mulf %gather3A_764, %gather3A_768 : vector<16xf32>
      %add3A_770 = arith.addf %add3A_760, %mul3A_769 : vector<16xf32>
      %add3A_771 = arith.constant 3 : i32
      %add3A_772 = vector.broadcast %add3A_771 : i32 to vector<16xi32>
      %add3A_773 = arith.addi %shift_left3A_732, %add3A_772 : vector<16xi32>
      %gather3A_774 = tpu.vector_load_idx %arg11[%add3A_722, %add3A_773] : memref<128x128xf32, #tpu.memory_space<vmem>>[vector<16xi32>, vector<16xi32>], vector<16xf32>,
      %add3A_775 = arith.constant 3 : i32
      %add3A_776 = vector.broadcast %add3A_775 : i32 to vector<16xi32>
      %add3A_777 = arith.addi %shift_left3A_740, %add3A_776 : vector<16xi32>
      %gather3A_778 = tpu.vector_load_idx %arg12[%add3A_722, %add3A_777] : memref<128x128xf32, #tpu.memory_space<vmem>>[vector<16xi32>, vector<16xi32>], vector<16xf32>,
      %mul3A_779 = arith.mulf %gather3A_774, %gather3A_778 : vector<16xf32>
      %add3A_780 = arith.addf %add3A_770, %mul3A_779 : vector<16xf32>
      %add3A_781 = arith.constant 4 : i32
      %add3A_782 = vector.broadcast %add3A_781 : i32 to vector<16xi32>
      %add3A_783 = arith.addi %shift_left3A_732, %add3A_782 : vector<16xi32>
      %gather3A_784 = tpu.vector_load_idx %arg11[%add3A_722, %add3A_783] : memref<128x128xf32, #tpu.memory_space<vmem>>[vector<16xi32>, vector<16xi32>], vector<16xf32>,
      %add3A_785 = arith.constant 4 : i32
      %add3A_786 = vector.broadcast %add3A_785 : i32 to vector<16xi32>
      %add3A_787 = arith.addi %shift_left3A_740, %add3A_786 : vector<16xi32>
      %gather3A_788 = tpu.vector_load_idx %arg12[%add3A_722, %add3A_787] : memref<128x128xf32, #tpu.memory_space<vmem>>[vector<16xi32>, vector<16xi32>], vector<16xf32>,
      %mul3A_789 = arith.mulf %gather3A_784, %gather3A_788 : vector<16xf32>
      %add3A_790 = arith.addf %add3A_780, %mul3A_789 : vector<16xf32>
      %add3A_791 = arith.constant 5 : i32
      %add3A_792 = vector.broadcast %add3A_791 : i32 to vector<16xi32>
      %add3A_793 = arith.addi %shift_left3A_732, %add3A_792 : vector<16xi32>
      %gather3A_794 = tpu.vector_load_idx %arg11[%add3A_722, %add3A_793] : memref<128x128xf32, #tpu.memory_space<vmem>>[vector<16xi32>, vector<16xi32>], vector<16xf32>,
      %add3A_795 = arith.constant 5 : i32
      %add3A_796 = vector.broadcast %add3A_795 : i32 to vector<16xi32>
      %add3A_797 = arith.addi %shift_left3A_740, %add3A_796 : vector<16xi32>
      %gather3A_798 = tpu.vector_load_idx %arg12[%add3A_722, %add3A_797] : memref<128x128xf32, #tpu.memory_space<vmem>>[vector<16xi32>, vector<16xi32>], vector<16xf32>,
      %mul3A_799 = arith.mulf %gather3A_794, %gather3A_798 : vector<16xf32>
      %add3A_800 = arith.addf %add3A_790, %mul3A_799 : vector<16xf32>
      %add3A_801 = arith.constant 6 : i32
      %add3A_802 = vector.broadcast %add3A_801 : i32 to vector<16xi32>
      %add3A_803 = arith.addi %shift_left3A_732, %add3A_802 : vector<16xi32>
      %gather3A_804 = tpu.vector_load_idx %arg11[%add3A_722, %add3A_803] : memref<128x128xf32, #tpu.memory_space<vmem>>[vector<16xi32>, vector<16xi32>], vector<16xf32>,
      %add3A_805 = arith.constant 6 : i32
      %add3A_806 = vector.broadcast %add3A_805 : i32 to vector<16xi32>
      %add3A_807 = arith.addi %shift_left3A_740, %add3A_806 : vector<16xi32>
      %gather3A_808 = tpu.vector_load_idx %arg12[%add3A_722, %add3A_807] : memref<128x128xf32, #tpu.memory_space<vmem>>[vector<16xi32>, vector<16xi32>], vector<16xf32>,
      %mul3A_809 = arith.mulf %gather3A_804, %gather3A_808 : vector<16xf32>
      %add3A_810 = arith.addf %add3A_800, %mul3A_809 : vector<16xf32>
      %add3A_811 = arith.constant 7 : i32
      %add3A_812 = vector.broadcast %add3A_811 : i32 to vector<16xi32>
      %add3A_813 = arith.addi %shift_left3A_732, %add3A_812 : vector<16xi32>
      %gather3A_814 = tpu.vector_load_idx %arg11[%add3A_722, %add3A_813] : memref<128x128xf32, #tpu.memory_space<vmem>>[vector<16xi32>, vector<16xi32>], vector<16xf32>,
      %add3A_815 = arith.constant 7 : i32
      %add3A_816 = vector.broadcast %add3A_815 : i32 to vector<16xi32>
      %add3A_817 = arith.addi %shift_left3A_740, %add3A_816 : vector<16xi32>
      %gather3A_818 = tpu.vector_load_idx %arg12[%add3A_722, %add3A_817] : memref<128x128xf32, #tpu.memory_space<vmem>>[vector<16xi32>, vector<16xi32>], vector<16xf32>,
      %mul3A_819 = arith.mulf %gather3A_814, %gather3A_818 : vector<16xf32>
      %add3A_820 = arith.addf %add3A_810, %mul3A_819 : vector<16xf32>
      %add3A_821 = arith.constant 8 : i32
      %add3A_822 = vector.broadcast %add3A_821 : i32 to vector<16xi32>
      %add3A_823 = arith.addi %shift_left3A_732, %add3A_822 : vector<16xi32>
      %gather3A_824 = tpu.vector_load_idx %arg11[%add3A_722, %add3A_823] : memref<128x128xf32, #tpu.memory_space<vmem>>[vector<16xi32>, vector<16xi32>], vector<16xf32>,
      %add3A_825 = arith.constant 8 : i32
      %add3A_826 = vector.broadcast %add3A_825 : i32 to vector<16xi32>
      %add3A_827 = arith.addi %shift_left3A_740, %add3A_826 : vector<16xi32>
      %gather3A_828 = tpu.vector_load_idx %arg12[%add3A_722, %add3A_827] : memref<128x128xf32, #tpu.memory_space<vmem>>[vector<16xi32>, vector<16xi32>], vector<16xf32>,
      %mul3A_829 = arith.mulf %gather3A_824, %gather3A_828 : vector<16xf32>
      %add3A_830 = arith.addf %add3A_820, %mul3A_829 : vector<16xf32>
      %add3A_831 = arith.constant 9 : i32
      %add3A_832 = vector.broadcast %add3A_831 : i32 to vector<16xi32>
      %add3A_833 = arith.addi %shift_left3A_732, %add3A_832 : vector<16xi32>
      %gather3A_834 = tpu.vector_load_idx %arg11[%add3A_722, %add3A_833] : memref<128x128xf32, #tpu.memory_space<vmem>>[vector<16xi32>, vector<16xi32>], vector<16xf32>,
      %add3A_835 = arith.constant 9 : i32
      %add3A_836 = vector.broadcast %add3A_835 : i32 to vector<16xi32>
      %add3A_837 = arith.addi %shift_left3A_740, %add3A_836 : vector<16xi32>
      %gather3A_838 = tpu.vector_load_idx %arg12[%add3A_722, %add3A_837] : memref<128x128xf32, #tpu.memory_space<vmem>>[vector<16xi32>, vector<16xi32>], vector<16xf32>,
      %mul3A_839 = arith.mulf %gather3A_834, %gather3A_838 : vector<16xf32>
      %add3A_840 = arith.addf %add3A_830, %mul3A_839 : vector<16xf32>
      %add3A_841 = arith.constant 10 : i32
      %add3A_842 = vector.broadcast %add3A_841 : i32 to vector<16xi32>
      %add3A_843 = arith.addi %shift_left3A_732, %add3A_842 : vector<16xi32>
      %gather3A_844 = tpu.vector_load_idx %arg11[%add3A_722, %add3A_843] : memref<128x128xf32, #tpu.memory_space<vmem>>[vector<16xi32>, vector<16xi32>], vector<16xf32>,
      %add3A_845 = arith.constant 10 : i32
      %add3A_846 = vector.broadcast %add3A_845 : i32 to vector<16xi32>
      %add3A_847 = arith.addi %shift_left3A_740, %add3A_846 : vector<16xi32>
      %gather3A_848 = tpu.vector_load_idx %arg12[%add3A_722, %add3A_847] : memref<128x128xf32, #tpu.memory_space<vmem>>[vector<16xi32>, vector<16xi32>], vector<16xf32>,
      %mul3A_849 = arith.mulf %gather3A_844, %gather3A_848 : vector<16xf32>
      %add3A_850 = arith.addf %add3A_840, %mul3A_849 : vector<16xf32>
      %add3A_851 = arith.constant 11 : i32
      %add3A_852 = vector.broadcast %add3A_851 : i32 to vector<16xi32>
      %add3A_853 = arith.addi %shift_left3A_732, %add3A_852 : vector<16xi32>
      %gather3A_854 = tpu.vector_load_idx %arg11[%add3A_722, %add3A_853] : memref<128x128xf32, #tpu.memory_space<vmem>>[vector<16xi32>, vector<16xi32>], vector<16xf32>,
      %add3A_855 = arith.constant 11 : i32
      %add3A_856 = vector.broadcast %add3A_855 : i32 to vector<16xi32>
      %add3A_857 = arith.addi %shift_left3A_740, %add3A_856 : vector<16xi32>
      %gather3A_858 = tpu.vector_load_idx %arg12[%add3A_722, %add3A_857] : memref<128x128xf32, #tpu.memory_space<vmem>>[vector<16xi32>, vector<16xi32>], vector<16xf32>,
      %mul3A_859 = arith.mulf %gather3A_854, %gather3A_858 : vector<16xf32>
      %add3A_860 = arith.addf %add3A_850, %mul3A_859 : vector<16xf32>
      %add3A_861 = arith.constant 12 : i32
      %add3A_862 = vector.broadcast %add3A_861 : i32 to vector<16xi32>
      %add3A_863 = arith.addi %shift_left3A_732, %add3A_862 : vector<16xi32>
      %gather3A_864 = tpu.vector_load_idx %arg11[%add3A_722, %add3A_863] : memref<128x128xf32, #tpu.memory_space<vmem>>[vector<16xi32>, vector<16xi32>], vector<16xf32>,
      %add3A_865 = arith.constant 12 : i32
      %add3A_866 = vector.broadcast %add3A_865 : i32 to vector<16xi32>
      %add3A_867 = arith.addi %shift_left3A_740, %add3A_866 : vector<16xi32>
      %gather3A_868 = tpu.vector_load_idx %arg12[%add3A_722, %add3A_867] : memref<128x128xf32, #tpu.memory_space<vmem>>[vector<16xi32>, vector<16xi32>], vector<16xf32>,
      %mul3A_869 = arith.mulf %gather3A_864, %gather3A_868 : vector<16xf32>
      %add3A_870 = arith.addf %add3A_860, %mul3A_869 : vector<16xf32>
      %add3A_871 = arith.constant 13 : i32
      %add3A_872 = vector.broadcast %add3A_871 : i32 to vector<16xi32>
      %add3A_873 = arith.addi %shift_left3A_732, %add3A_872 : vector<16xi32>
      %gather3A_874 = tpu.vector_load_idx %arg11[%add3A_722, %add3A_873] : memref<128x128xf32, #tpu.memory_space<vmem>>[vector<16xi32>, vector<16xi32>], vector<16xf32>,
      %add3A_875 = arith.constant 13 : i32
      %add3A_876 = vector.broadcast %add3A_875 : i32 to vector<16xi32>
      %add3A_877 = arith.addi %shift_left3A_740, %add3A_876 : vector<16xi32>
      %gather3A_878 = tpu.vector_load_idx %arg12[%add3A_722, %add3A_877] : memref<128x128xf32, #tpu.memory_space<vmem>>[vector<16xi32>, vector<16xi32>], vector<16xf32>,
      %mul3A_879 = arith.mulf %gather3A_874, %gather3A_878 : vector<16xf32>
      %add3A_880 = arith.addf %add3A_870, %mul3A_879 : vector<16xf32>
      %add3A_881 = arith.constant 14 : i32
      %add3A_882 = vector.broadcast %add3A_881 : i32 to vector<16xi32>
      %add3A_883 = arith.addi %shift_left3A_732, %add3A_882 : vector<16xi32>
      %gather3A_884 = tpu.vector_load_idx %arg11[%add3A_722, %add3A_883] : memref<128x128xf32, #tpu.memory_space<vmem>>[vector<16xi32>, vector<16xi32>], vector<16xf32>,
      %add3A_885 = arith.constant 14 : i32
      %add3A_886 = vector.broadcast %add3A_885 : i32 to vector<16xi32>
      %add3A_887 = arith.addi %shift_left3A_740, %add3A_886 : vector<16xi32>
      %gather3A_888 = tpu.vector_load_idx %arg12[%add3A_722, %add3A_887] : memref<128x128xf32, #tpu.memory_space<vmem>>[vector<16xi32>, vector<16xi32>], vector<16xf32>,
      %mul3A_889 = arith.mulf %gather3A_884, %gather3A_888 : vector<16xf32>
      %add3A_890 = arith.addf %add3A_880, %mul3A_889 : vector<16xf32>
      %add3A_891 = arith.constant 15 : i32
      %add3A_892 = vector.broadcast %add3A_891 : i32 to vector<16xi32>
      %add3A_893 = arith.addi %shift_left3A_732, %add3A_892 : vector<16xi32>
      %gather3A_894 = tpu.vector_load_idx %arg11[%add3A_722, %add3A_893] : memref<128x128xf32, #tpu.memory_space<vmem>>[vector<16xi32>, vector<16xi32>], vector<16xf32>,
      %add3A_895 = arith.constant 15 : i32
      %add3A_896 = vector.broadcast %add3A_895 : i32 to vector<16xi32>
      %add3A_897 = arith.addi %shift_left3A_740, %add3A_896 : vector<16xi32>
      %gather3A_898 = tpu.vector_load_idx %arg12[%add3A_722, %add3A_897] : memref<128x128xf32, #tpu.memory_space<vmem>>[vector<16xi32>, vector<16xi32>], vector<16xf32>,
      %mul3A_899 = arith.mulf %gather3A_894, %gather3A_898 : vector<16xf32>
      %add3A_900 = arith.addf %add3A_890, %mul3A_899 : vector<16xf32>
      %add3A_901 = arith.constant 16 : i32
      %add3A_902 = vector.broadcast %add3A_901 : i32 to vector<16xi32>
      %add3A_903 = arith.addi %shift_left3A_732, %add3A_902 : vector<16xi32>
      %gather3A_904 = tpu.vector_load_idx %arg11[%add3A_722, %add3A_903] : memref<128x128xf32, #tpu.memory_space<vmem>>[vector<16xi32>, vector<16xi32>], vector<16xf32>,
      %add3A_905 = arith.constant 16 : i32
      %add3A_906 = vector.broadcast %add3A_905 : i32 to vector<16xi32>
      %add3A_907 = arith.addi %shift_left3A_740, %add3A_906 : vector<16xi32>
      %gather3A_908 = tpu.vector_load_idx %arg12[%add3A_722, %add3A_907] : memref<128x128xf32, #tpu.memory_space<vmem>>[vector<16xi32>, vector<16xi32>], vector<16xf32>,
      %mul3A_909 = arith.mulf %gather3A_904, %gather3A_908 : vector<16xf32>
      %add3A_910 = arith.addf %add3A_900, %mul3A_909 : vector<16xf32>
      %add3A_911 = arith.constant 17 : i32
      %add3A_912 = vector.broadcast %add3A_911 : i32 to vector<16xi32>
      %add3A_913 = arith.addi %shift_left3A_732, %add3A_912 : vector<16xi32>
      %gather3A_914 = tpu.vector_load_idx %arg11[%add3A_722, %add3A_913] : memref<128x128xf32, #tpu.memory_space<vmem>>[vector<16xi32>, vector<16xi32>], vector<16xf32>,
      %add3A_915 = arith.constant 17 : i32
      %add3A_916 = vector.broadcast %add3A_915 : i32 to vector<16xi32>
      %add3A_917 = arith.addi %shift_left3A_740, %add3A_916 : vector<16xi32>
      %gather3A_918 = tpu.vector_load_idx %arg12[%add3A_722, %add3A_917] : memref<128x128xf32, #tpu.memory_space<vmem>>[vector<16xi32>, vector<16xi32>], vector<16xf32>,
      %mul3A_919 = arith.mulf %gather3A_914, %gather3A_918 : vector<16xf32>
      %add3A_920 = arith.addf %add3A_910, %mul3A_919 : vector<16xf32>
      %add3A_921 = arith.constant 18 : i32
      %add3A_922 = vector.broadcast %add3A_921 : i32 to vector<16xi32>
      %add3A_923 = arith.addi %shift_left3A_732, %add3A_922 : vector<16xi32>
      %gather3A_924 = tpu.vector_load_idx %arg11[%add3A_722, %add3A_923] : memref<128x128xf32, #tpu.memory_space<vmem>>[vector<16xi32>, vector<16xi32>], vector<16xf32>,
      %add3A_925 = arith.constant 18 : i32
      %add3A_926 = vector.broadcast %add3A_925 : i32 to vector<16xi32>
      %add3A_927 = arith.addi %shift_left3A_740, %add3A_926 : vector<16xi32>
      %gather3A_928 = tpu.vector_load_idx %arg12[%add3A_722, %add3A_927] : memref<128x128xf32, #tpu.memory_space<vmem>>[vector<16xi32>, vector<16xi32>], vector<16xf32>,
      %mul3A_929 = arith.mulf %gather3A_924, %gather3A_928 : vector<16xf32>
      %add3A_930 = arith.addf %add3A_920, %mul3A_929 : vector<16xf32>
      %add3A_931 = arith.constant 19 : i32
      %add3A_932 = vector.broadcast %add3A_931 : i32 to vector<16xi32>
      %add3A_933 = arith.addi %shift_left3A_732, %add3A_932 : vector<16xi32>
      %gather3A_934 = tpu.vector_load_idx %arg11[%add3A_722, %add3A_933] : memref<128x128xf32, #tpu.memory_space<vmem>>[vector<16xi32>, vector<16xi32>], vector<16xf32>,
      %add3A_935 = arith.constant 19 : i32
      %add3A_936 = vector.broadcast %add3A_935 : i32 to vector<16xi32>
      %add3A_937 = arith.addi %shift_left3A_740, %add3A_936 : vector<16xi32>
      %gather3A_938 = tpu.vector_load_idx %arg12[%add3A_722, %add3A_937] : memref<128x128xf32, #tpu.memory_space<vmem>>[vector<16xi32>, vector<16xi32>], vector<16xf32>,
      %mul3A_939 = arith.mulf %gather3A_934, %gather3A_938 : vector<16xf32>
      %add3A_940 = arith.addf %add3A_930, %mul3A_939 : vector<16xf32>
      %add3A_941 = arith.constant 20 : i32
      %add3A_942 = vector.broadcast %add3A_941 : i32 to vector<16xi32>
      %add3A_943 = arith.addi %shift_left3A_732, %add3A_942 : vector<16xi32>
      %gather3A_944 = tpu.vector_load_idx %arg11[%add3A_722, %add3A_943] : memref<128x128xf32, #tpu.memory_space<vmem>>[vector<16xi32>, vector<16xi32>], vector<16xf32>,
      %add3A_945 = arith.constant 20 : i32
      %add3A_946 = vector.broadcast %add3A_945 : i32 to vector<16xi32>
      %add3A_947 = arith.addi %shift_left3A_740, %add3A_946 : vector<16xi32>
      %gather3A_948 = tpu.vector_load_idx %arg12[%add3A_722, %add3A_947] : memref<128x128xf32, #tpu.memory_space<vmem>>[vector<16xi32>, vector<16xi32>], vector<16xf32>,
      %mul3A_949 = arith.mulf %gather3A_944, %gather3A_948 : vector<16xf32>
      %add3A_950 = arith.addf %add3A_940, %mul3A_949 : vector<16xf32>
      %add3A_951 = arith.constant 21 : i32
      %add3A_952 = vector.broadcast %add3A_951 : i32 to vector<16xi32>
      %add3A_953 = arith.addi %shift_left3A_732, %add3A_952 : vector<16xi32>
      %gather3A_954 = tpu.vector_load_idx %arg11[%add3A_722, %add3A_953] : memref<128x128xf32, #tpu.memory_space<vmem>>[vector<16xi32>, vector<16xi32>], vector<16xf32>,
      %add3A_955 = arith.constant 21 : i32
      %add3A_956 = vector.broadcast %add3A_955 : i32 to vector<16xi32>
      %add3A_957 = arith.addi %shift_left3A_740, %add3A_956 : vector<16xi32>
      %gather3A_958 = tpu.vector_load_idx %arg12[%add3A_722, %add3A_957] : memref<128x128xf32, #tpu.memory_space<vmem>>[vector<16xi32>, vector<16xi32>], vector<16xf32>,
      %mul3A_959 = arith.mulf %gather3A_954, %gather3A_958 : vector<16xf32>
      %add3A_960 = arith.addf %add3A_950, %mul3A_959 : vector<16xf32>
      %add3A_961 = arith.constant 22 : i32
      %add3A_962 = vector.broadcast %add3A_961 : i32 to vector<16xi32>
      %add3A_963 = arith.addi %shift_left3A_732, %add3A_962 : vector<16xi32>
      %gather3A_964 = tpu.vector_load_idx %arg11[%add3A_722, %add3A_963] : memref<128x128xf32, #tpu.memory_space<vmem>>[vector<16xi32>, vector<16xi32>], vector<16xf32>,
      %add3A_965 = arith.constant 22 : i32
      %add3A_966 = vector.broadcast %add3A_965 : i32 to vector<16xi32>
      %add3A_967 = arith.addi %shift_left3A_740, %add3A_966 : vector<16xi32>
      %gather3A_968 = tpu.vector_load_idx %arg12[%add3A_722, %add3A_967] : memref<128x128xf32, #tpu.memory_space<vmem>>[vector<16xi32>, vector<16xi32>], vector<16xf32>,
      %mul3A_969 = arith.mulf %gather3A_964, %gather3A_968 : vector<16xf32>
      %add3A_970 = arith.addf %add3A_960, %mul3A_969 : vector<16xf32>
      %add3A_971 = arith.constant 23 : i32
      %add3A_972 = vector.broadcast %add3A_971 : i32 to vector<16xi32>
      %add3A_973 = arith.addi %shift_left3A_732, %add3A_972 : vector<16xi32>
      %gather3A_974 = tpu.vector_load_idx %arg11[%add3A_722, %add3A_973] : memref<128x128xf32, #tpu.memory_space<vmem>>[vector<16xi32>, vector<16xi32>], vector<16xf32>,
      %add3A_975 = arith.constant 23 : i32
      %add3A_976 = vector.broadcast %add3A_975 : i32 to vector<16xi32>
      %add3A_977 = arith.addi %shift_left3A_740, %add3A_976 : vector<16xi32>
      %gather3A_978 = tpu.vector_load_idx %arg12[%add3A_722, %add3A_977] : memref<128x128xf32, #tpu.memory_space<vmem>>[vector<16xi32>, vector<16xi32>], vector<16xf32>,
      %mul3A_979 = arith.mulf %gather3A_974, %gather3A_978 : vector<16xf32>
      %add3A_980 = arith.addf %add3A_970, %mul3A_979 : vector<16xf32>
      %add3A_981 = arith.constant 24 : i32
      %add3A_982 = vector.broadcast %add3A_981 : i32 to vector<16xi32>
      %add3A_983 = arith.addi %shift_left3A_732, %add3A_982 : vector<16xi32>
      %gather3A_984 = tpu.vector_load_idx %arg11[%add3A_722, %add3A_983] : memref<128x128xf32, #tpu.memory_space<vmem>>[vector<16xi32>, vector<16xi32>], vector<16xf32>,
      %add3A_985 = arith.constant 24 : i32
      %add3A_986 = vector.broadcast %add3A_985 : i32 to vector<16xi32>
      %add3A_987 = arith.addi %shift_left3A_740, %add3A_986 : vector<16xi32>
      %gather3A_988 = tpu.vector_load_idx %arg12[%add3A_722, %add3A_987] : memref<128x128xf32, #tpu.memory_space<vmem>>[vector<16xi32>, vector<16xi32>], vector<16xf32>,
      %mul3A_989 = arith.mulf %gather3A_984, %gather3A_988 : vector<16xf32>
      %add3A_990 = arith.addf %add3A_980, %mul3A_989 : vector<16xf32>
      %add3A_991 = arith.constant 25 : i32
      %add3A_992 = vector.broadcast %add3A_991 : i32 to vector<16xi32>
      %add3A_993 = arith.addi %shift_left3A_732, %add3A_992 : vector<16xi32>
      %gather3A_994 = tpu.vector_load_idx %arg11[%add3A_722, %add3A_993] : memref<128x128xf32, #tpu.memory_space<vmem>>[vector<16xi32>, vector<16xi32>], vector<16xf32>,
      %add3A_995 = arith.constant 25 : i32
      %add3A_996 = vector.broadcast %add3A_995 : i32 to vector<16xi32>
      %add3A_997 = arith.addi %shift_left3A_740, %add3A_996 : vector<16xi32>
      %gather3A_998 = tpu.vector_load_idx %arg12[%add3A_722, %add3A_997] : memref<128x128xf32, #tpu.memory_space<vmem>>[vector<16xi32>, vector<16xi32>], vector<16xf32>,
      %mul3A_999 = arith.mulf %gather3A_994, %gather3A_998 : vector<16xf32>
      %add3A_1000 = arith.addf %add3A_990, %mul3A_999 : vector<16xf32>
      %add3A_1001 = arith.constant 26 : i32
      %add3A_1002 = vector.broadcast %add3A_1001 : i32 to vector<16xi32>
      %add3A_1003 = arith.addi %shift_left3A_732, %add3A_1002 : vector<16xi32>
      %gather3A_1004 = tpu.vector_load_idx %arg11[%add3A_722, %add3A_1003] : memref<128x128xf32, #tpu.memory_space<vmem>>[vector<16xi32>, vector<16xi32>], vector<16xf32>,
      %add3A_1005 = arith.constant 26 : i32
      %add3A_1006 = vector.broadcast %add3A_1005 : i32 to vector<16xi32>
      %add3A_1007 = arith.addi %shift_left3A_740, %add3A_1006 : vector<16xi32>
      %gather3A_1008 = tpu.vector_load_idx %arg12[%add3A_722, %add3A_1007] : memref<128x128xf32, #tpu.memory_space<vmem>>[vector<16xi32>, vector<16xi32>], vector<16xf32>,
      %mul3A_1009 = arith.mulf %gather3A_1004, %gather3A_1008 : vector<16xf32>
      %add3A_1010 = arith.addf %add3A_1000, %mul3A_1009 : vector<16xf32>
      %add3A_1011 = arith.constant 27 : i32
      %add3A_1012 = vector.broadcast %add3A_1011 : i32 to vector<16xi32>
      %add3A_1013 = arith.addi %shift_left3A_732, %add3A_1012 : vector<16xi32>
      %gather3A_1014 = tpu.vector_load_idx %arg11[%add3A_722, %add3A_1013] : memref<128x128xf32, #tpu.memory_space<vmem>>[vector<16xi32>, vector<16xi32>], vector<16xf32>,
      %add3A_1015 = arith.constant 27 : i32
      %add3A_1016 = vector.broadcast %add3A_1015 : i32 to vector<16xi32>
      %add3A_1017 = arith.addi %shift_left3A_740, %add3A_1016 : vector<16xi32>
      %gather3A_1018 = tpu.vector_load_idx %arg12[%add3A_722, %add3A_1017] : memref<128x128xf32, #tpu.memory_space<vmem>>[vector<16xi32>, vector<16xi32>], vector<16xf32>,
      %mul3A_1019 = arith.mulf %gather3A_1014, %gather3A_1018 : vector<16xf32>
      %add3A_1020 = arith.addf %add3A_1010, %mul3A_1019 : vector<16xf32>
      %add3A_1021 = arith.constant 28 : i32
      %add3A_1022 = vector.broadcast %add3A_1021 : i32 to vector<16xi32>
      %add3A_1023 = arith.addi %shift_left3A_732, %add3A_1022 : vector<16xi32>
      %gather3A_1024 = tpu.vector_load_idx %arg11[%add3A_722, %add3A_1023] : memref<128x128xf32, #tpu.memory_space<vmem>>[vector<16xi32>, vector<16xi32>], vector<16xf32>,
      %add3A_1025 = arith.constant 28 : i32
      %add3A_1026 = vector.broadcast %add3A_1025 : i32 to vector<16xi32>
      %add3A_1027 = arith.addi %shift_left3A_740, %add3A_1026 : vector<16xi32>
      %gather3A_1028 = tpu.vector_load_idx %arg12[%add3A_722, %add3A_1027] : memref<128x128xf32, #tpu.memory_space<vmem>>[vector<16xi32>, vector<16xi32>], vector<16xf32>,
      %mul3A_1029 = arith.mulf %gather3A_1024, %gather3A_1028 : vector<16xf32>
      %add3A_1030 = arith.addf %add3A_1020, %mul3A_1029 : vector<16xf32>
      %add3A_1031 = arith.constant 29 : i32
      %add3A_1032 = vector.broadcast %add3A_1031 : i32 to vector<16xi32>
      %add3A_1033 = arith.addi %shift_left3A_732, %add3A_1032 : vector<16xi32>
      %gather3A_1034 = tpu.vector_load_idx %arg11[%add3A_722, %add3A_1033] : memref<128x128xf32, #tpu.memory_space<vmem>>[vector<16xi32>, vector<16xi32>], vector<16xf32>,
      %add3A_1035 = arith.constant 29 : i32
      %add3A_1036 = vector.broadcast %add3A_1035 : i32 to vector<16xi32>
      %add3A_1037 = arith.addi %shift_left3A_740, %add3A_1036 : vector<16xi32>
      %gather3A_1038 = tpu.vector_load_idx %arg12[%add3A_722, %add3A_1037] : memref<128x128xf32, #tpu.memory_space<vmem>>[vector<16xi32>, vector<16xi32>], vector<16xf32>,
      %mul3A_1039 = arith.mulf %gather3A_1034, %gather3A_1038 : vector<16xf32>
      %add3A_1040 = arith.addf %add3A_1030, %mul3A_1039 : vector<16xf32>
      %add3A_1041 = arith.constant 30 : i32
      %add3A_1042 = vector.broadcast %add3A_1041 : i32 to vector<16xi32>
      %add3A_1043 = arith.addi %shift_left3A_732, %add3A_1042 : vector<16xi32>
      %gather3A_1044 = tpu.vector_load_idx %arg11[%add3A_722, %add3A_1043] : memref<128x128xf32, #tpu.memory_space<vmem>>[vector<16xi32>, vector<16xi32>], vector<16xf32>,
      %add3A_1045 = arith.constant 30 : i32
      %add3A_1046 = vector.broadcast %add3A_1045 : i32 to vector<16xi32>
      %add3A_1047 = arith.addi %shift_left3A_740, %add3A_1046 : vector<16xi32>
      %gather3A_1048 = tpu.vector_load_idx %arg12[%add3A_722, %add3A_1047] : memref<128x128xf32, #tpu.memory_space<vmem>>[vector<16xi32>, vector<16xi32>], vector<16xf32>,
      %mul3A_1049 = arith.mulf %gather3A_1044, %gather3A_1048 : vector<16xf32>
      %add3A_1050 = arith.addf %add3A_1040, %mul3A_1049 : vector<16xf32>
      %add3A_1051 = arith.constant 31 : i32
      %add3A_1052 = vector.broadcast %add3A_1051 : i32 to vector<16xi32>
      %add3A_1053 = arith.addi %shift_left3A_732, %add3A_1052 : vector<16xi32>
      %gather3A_1054 = tpu.vector_load_idx %arg11[%add3A_722, %add3A_1053] : memref<128x128xf32, #tpu.memory_space<vmem>>[vector<16xi32>, vector<16xi32>], vector<16xf32>,
      %add3A_1055 = arith.constant 31 : i32
      %add3A_1056 = vector.broadcast %add3A_1055 : i32 to vector<16xi32>
      %add3A_1057 = arith.addi %shift_left3A_740, %add3A_1056 : vector<16xi32>
      %gather3A_1058 = tpu.vector_load_idx %arg12[%add3A_722, %add3A_1057] : memref<128x128xf32, #tpu.memory_space<vmem>>[vector<16xi32>, vector<16xi32>], vector<16xf32>,
      %mul3A_1059 = arith.mulf %gather3A_1054, %gather3A_1058 : vector<16xf32>
      %add3A_1060 = arith.addf %add3A_1050, %mul3A_1059 : vector<16xf32>
      %mul3A_1061 = arith.constant 16 : i32
      %mul3A_1062 = arith.muli %scan3A_717, %mul3A_1061 : i32
      %add3A_1063 = arith.constant 0 : i32
      %add3A_1064 = arith.addi %add3A_1063, %mul3A_1062 : i32
      %swap3A_1065 = arith.index_cast %add3A_1064 : i32 to index
      %swap3A_1066 = tpu.vector_load %arg15[%swap3A_1065] {strides = array<i32>} : memref<512xf32, #tpu.memory_space<vmem>>, vector<16xf32>,
      tpu.vector_store %arg15[%swap3A_1065], %add3A_1060 {strides = array<i32>} : memref<512xf32, #tpu.memory_space<vmem>>, vector<16xf32>,
      %scan3A_1067 = arith.constant 0 : i32
      scf.yield %scan3A_1067 : i32
    }
    %scan3A_623 = arith.constant 8 : i32
    %dma_start3A_624 = arith.constant 2 : i32
    %dma_start3A_625 = arith.constant 0 : i32
    %dma_start3A_626 = tpu.memref_slice %arg9[%dma_start3A_624, %dma_start3A_625] : memref<4x128xi32, #tpu.memory_space<vmem>> -> memref<1x128xi32, #tpu.memory_space<vmem>>
    %dma_start3A_627 = tpu.memref_squeeze %dma_start3A_626 : memref<1x128xi32, #tpu.memory_space<vmem>> -> memref<128xi32, #tpu.memory_space<vmem>>
    %dma_start3A_628 = arith.constant 0 : i32
    %dma_start3A_629 = arith.constant 0 : i32
    %dma_start3A_630 = tpu.memref_slice %arg4[%dma_start3A_628, %dma_start3A_629] : memref<250000x128xf32, #tpu.memory_space<hbm>> -> memref<250000x128xf32, #tpu.memory_space<hbm>>
    tpu.enqueue_indirect_dma source(%dma_start3A_630 : memref<250000x128xf32, #tpu.memory_space<hbm>>) target(%arg11 : memref<128x128xf32, #tpu.memory_space<vmem>>) offsets(%dma_start3A_627 : memref<128xi32, #tpu.memory_space<vmem>>) semaphore(%arg16 : memref<!tpu.dma_semaphore, #tpu.memory_space<semaphore_mem>>)
    %dma_start3A_631 = arith.constant 2 : i32
    %dma_start3A_632 = arith.constant 0 : i32
    %dma_start3A_633 = tpu.memref_slice %arg10[%dma_start3A_631, %dma_start3A_632] : memref<4x128xi32, #tpu.memory_space<vmem>> -> memref<1x128xi32, #tpu.memory_space<vmem>>
    %dma_start3A_634 = tpu.memref_squeeze %dma_start3A_633 : memref<1x128xi32, #tpu.memory_space<vmem>> -> memref<128xi32, #tpu.memory_space<vmem>>
    %dma_start3A_635 = arith.constant 0 : i32
    %dma_start3A_636 = arith.constant 0 : i32
    %dma_start3A_637 = tpu.memref_slice %arg5[%dma_start3A_635, %dma_start3A_636] : memref<250000x128xf32, #tpu.memory_space<hbm>> -> memref<250000x128xf32, #tpu.memory_space<hbm>>
    tpu.enqueue_indirect_dma source(%dma_start3A_637 : memref<250000x128xf32, #tpu.memory_space<hbm>>) target(%arg12 : memref<128x128xf32, #tpu.memory_space<vmem>>) offsets(%dma_start3A_634 : memref<128xi32, #tpu.memory_space<vmem>>) semaphore(%arg16 : memref<!tpu.dma_semaphore, #tpu.memory_space<semaphore_mem>>)
    %dma_wait3A_638 = arith.constant 1 : i32
    %dma_wait3A_639 = arith.constant 0 : i32
    %dma_wait3A_640 = tpu.memref_slice %arg9[%dma_wait3A_638, %dma_wait3A_639] : memref<4x128xi32, #tpu.memory_space<vmem>> -> memref<1x128xi32, #tpu.memory_space<vmem>>
    %dma_wait3A_641 = tpu.memref_squeeze %dma_wait3A_640 : memref<1x128xi32, #tpu.memory_space<vmem>> -> memref<128xi32, #tpu.memory_space<vmem>>
    %dma_wait3A_642 = arith.constant 0 : i32
    %dma_wait3A_643 = arith.constant 0 : i32
    %dma_wait3A_644 = tpu.memref_slice %arg4[%dma_wait3A_642, %dma_wait3A_643] : memref<250000x128xf32, #tpu.memory_space<hbm>> -> memref<250000x128xf32, #tpu.memory_space<hbm>>
    tpu.wait_indirect_dma semaphore(%arg17 : memref<!tpu.dma_semaphore, #tpu.memory_space<semaphore_mem>>) src(%dma_wait3A_644 : memref<250000x128xf32, #tpu.memory_space<hbm>>) dst(%arg13 : memref<128x128xf32, #tpu.memory_space<vmem>>)
    %dma_wait3A_645 = arith.constant 1 : i32
    %dma_wait3A_646 = arith.constant 0 : i32
    %dma_wait3A_647 = tpu.memref_slice %arg10[%dma_wait3A_645, %dma_wait3A_646] : memref<4x128xi32, #tpu.memory_space<vmem>> -> memref<1x128xi32, #tpu.memory_space<vmem>>
    %dma_wait3A_648 = tpu.memref_squeeze %dma_wait3A_647 : memref<1x128xi32, #tpu.memory_space<vmem>> -> memref<128xi32, #tpu.memory_space<vmem>>
    %dma_wait3A_649 = arith.constant 0 : i32
    %dma_wait3A_650 = arith.constant 0 : i32
    %dma_wait3A_651 = tpu.memref_slice %arg5[%dma_wait3A_649, %dma_wait3A_650] : memref<250000x128xf32, #tpu.memory_space<hbm>> -> memref<250000x128xf32, #tpu.memory_space<hbm>>
    tpu.wait_indirect_dma semaphore(%arg17 : memref<!tpu.dma_semaphore, #tpu.memory_space<semaphore_mem>>) src(%dma_wait3A_651 : memref<250000x128xf32, #tpu.memory_space<hbm>>) dst(%arg14 : memref<128x128xf32, #tpu.memory_space<vmem>>)
    %scan3A_652 = arith.constant 0 : i32
    %scan3A_653 = arith.constant 0 : i32
    %scan3A_654 = arith.constant 8 : i32
    %scan3A_655 = arith.addi %scan3A_653, %scan3A_654 : i32
    %scan3A_656 = arith.constant 1 : i32
    %scan3A_657 = scf.for %scan3A_717 = %scan3A_653 to %scan3A_655 step %scan3A_656 iter_args(%scan3A_718 = %scan3A_652) -> (i32)  : i32 {
      %mul3A_719 = arith.constant 16 : i32
      %mul3A_720 = arith.muli %scan3A_717, %mul3A_719 : i32
      %add3A_721 = vector.broadcast %mul3A_720 : i32 to vector<16xi32>
      %add3A_722 = arith.addi %iota3A, %add3A_721 : vector<16xi32>
      %mul3A_723 = arith.constant 16 : i32
      %mul3A_724 = arith.muli %scan3A_717, %mul3A_723 : i32
      %add3A_725 = arith.constant 128 : i32
      %add3A_726 = arith.addi %add3A_725, %mul3A_724 : i32
      %get3A_727 = arith.index_cast %add3A_726 : i32 to index
      %get3A_728 = tpu.vector_load %arg7[%get3A_727] {strides = array<i32>} : memref<512xi32, #tpu.memory_space<vmem>>, vector<16xi32>,
      %and3A = arith.constant 3 : i32
      %and3A_729 = vector.broadcast %and3A : i32 to vector<16xi32>
      %and3A_730 = arith.andi %get3A_728, %and3A_729 : vector<16xi32>
      %shift_left3A = arith.constant 5 : i32
      %shift_left3A_731 = vector.broadcast %shift_left3A : i32 to vector<16xi32>
      %shift_left3A_732 = arith.shli %and3A_730, %shift_left3A_731 : vector<16xi32>
      %get3A_733 = arith.index_cast %add3A_726 : i32 to index
      %get3A_734 = tpu.vector_load %arg8[%get3A_733] {strides = array<i32>} : memref<512xi32, #tpu.memory_space<vmem>>, vector<16xi32>,
      %and3A_735 = arith.constant 3 : i32
      %and3A_736 = vector.broadcast %and3A_735 : i32 to vector<16xi32>
      %and3A_737 = arith.andi %get3A_734, %and3A_736 : vector<16xi32>
      %shift_left3A_738 = arith.constant 5 : i32
      %shift_left3A_739 = vector.broadcast %shift_left3A_738 : i32 to vector<16xi32>
      %shift_left3A_740 = arith.shli %and3A_737, %shift_left3A_739 : vector<16xi32>
      %broadcast_in_dim3A = arith.constant 0.000000e+00 : f32
      %broadcast_in_dim3A_741 = vector.broadcast %broadcast_in_dim3A : f32 to vector<16xf32>
      %add3A_742 = arith.constant 0 : i32
      %add3A_743 = vector.broadcast %add3A_742 : i32 to vector<16xi32>
      %add3A_744 = arith.addi %shift_left3A_732, %add3A_743 : vector<16xi32>
      %gather3A = tpu.vector_load_idx %arg13[%add3A_722, %add3A_744] : memref<128x128xf32, #tpu.memory_space<vmem>>[vector<16xi32>, vector<16xi32>], vector<16xf32>,
      %add3A_745 = arith.constant 0 : i32
      %add3A_746 = vector.broadcast %add3A_745 : i32 to vector<16xi32>
      %add3A_747 = arith.addi %shift_left3A_740, %add3A_746 : vector<16xi32>
      %gather3A_748 = tpu.vector_load_idx %arg14[%add3A_722, %add3A_747] : memref<128x128xf32, #tpu.memory_space<vmem>>[vector<16xi32>, vector<16xi32>], vector<16xf32>,
      %mul3A_749 = arith.mulf %gather3A, %gather3A_748 : vector<16xf32>
      %add3A_750 = arith.addf %broadcast_in_dim3A_741, %mul3A_749 : vector<16xf32>
      %add3A_751 = arith.constant 1 : i32
      %add3A_752 = vector.broadcast %add3A_751 : i32 to vector<16xi32>
      %add3A_753 = arith.addi %shift_left3A_732, %add3A_752 : vector<16xi32>
      %gather3A_754 = tpu.vector_load_idx %arg13[%add3A_722, %add3A_753] : memref<128x128xf32, #tpu.memory_space<vmem>>[vector<16xi32>, vector<16xi32>], vector<16xf32>,
      %add3A_755 = arith.constant 1 : i32
      %add3A_756 = vector.broadcast %add3A_755 : i32 to vector<16xi32>
      %add3A_757 = arith.addi %shift_left3A_740, %add3A_756 : vector<16xi32>
      %gather3A_758 = tpu.vector_load_idx %arg14[%add3A_722, %add3A_757] : memref<128x128xf32, #tpu.memory_space<vmem>>[vector<16xi32>, vector<16xi32>], vector<16xf32>,
      %mul3A_759 = arith.mulf %gather3A_754, %gather3A_758 : vector<16xf32>
      %add3A_760 = arith.addf %add3A_750, %mul3A_759 : vector<16xf32>
      %add3A_761 = arith.constant 2 : i32
      %add3A_762 = vector.broadcast %add3A_761 : i32 to vector<16xi32>
      %add3A_763 = arith.addi %shift_left3A_732, %add3A_762 : vector<16xi32>
      %gather3A_764 = tpu.vector_load_idx %arg13[%add3A_722, %add3A_763] : memref<128x128xf32, #tpu.memory_space<vmem>>[vector<16xi32>, vector<16xi32>], vector<16xf32>,
      %add3A_765 = arith.constant 2 : i32
      %add3A_766 = vector.broadcast %add3A_765 : i32 to vector<16xi32>
      %add3A_767 = arith.addi %shift_left3A_740, %add3A_766 : vector<16xi32>
      %gather3A_768 = tpu.vector_load_idx %arg14[%add3A_722, %add3A_767] : memref<128x128xf32, #tpu.memory_space<vmem>>[vector<16xi32>, vector<16xi32>], vector<16xf32>,
      %mul3A_769 = arith.mulf %gather3A_764, %gather3A_768 : vector<16xf32>
      %add3A_770 = arith.addf %add3A_760, %mul3A_769 : vector<16xf32>
      %add3A_771 = arith.constant 3 : i32
      %add3A_772 = vector.broadcast %add3A_771 : i32 to vector<16xi32>
      %add3A_773 = arith.addi %shift_left3A_732, %add3A_772 : vector<16xi32>
      %gather3A_774 = tpu.vector_load_idx %arg13[%add3A_722, %add3A_773] : memref<128x128xf32, #tpu.memory_space<vmem>>[vector<16xi32>, vector<16xi32>], vector<16xf32>,
      %add3A_775 = arith.constant 3 : i32
      %add3A_776 = vector.broadcast %add3A_775 : i32 to vector<16xi32>
      %add3A_777 = arith.addi %shift_left3A_740, %add3A_776 : vector<16xi32>
      %gather3A_778 = tpu.vector_load_idx %arg14[%add3A_722, %add3A_777] : memref<128x128xf32, #tpu.memory_space<vmem>>[vector<16xi32>, vector<16xi32>], vector<16xf32>,
      %mul3A_779 = arith.mulf %gather3A_774, %gather3A_778 : vector<16xf32>
      %add3A_780 = arith.addf %add3A_770, %mul3A_779 : vector<16xf32>
      %add3A_781 = arith.constant 4 : i32
      %add3A_782 = vector.broadcast %add3A_781 : i32 to vector<16xi32>
      %add3A_783 = arith.addi %shift_left3A_732, %add3A_782 : vector<16xi32>
      %gather3A_784 = tpu.vector_load_idx %arg13[%add3A_722, %add3A_783] : memref<128x128xf32, #tpu.memory_space<vmem>>[vector<16xi32>, vector<16xi32>], vector<16xf32>,
      %add3A_785 = arith.constant 4 : i32
      %add3A_786 = vector.broadcast %add3A_785 : i32 to vector<16xi32>
      %add3A_787 = arith.addi %shift_left3A_740, %add3A_786 : vector<16xi32>
      %gather3A_788 = tpu.vector_load_idx %arg14[%add3A_722, %add3A_787] : memref<128x128xf32, #tpu.memory_space<vmem>>[vector<16xi32>, vector<16xi32>], vector<16xf32>,
      %mul3A_789 = arith.mulf %gather3A_784, %gather3A_788 : vector<16xf32>
      %add3A_790 = arith.addf %add3A_780, %mul3A_789 : vector<16xf32>
      %add3A_791 = arith.constant 5 : i32
      %add3A_792 = vector.broadcast %add3A_791 : i32 to vector<16xi32>
      %add3A_793 = arith.addi %shift_left3A_732, %add3A_792 : vector<16xi32>
      %gather3A_794 = tpu.vector_load_idx %arg13[%add3A_722, %add3A_793] : memref<128x128xf32, #tpu.memory_space<vmem>>[vector<16xi32>, vector<16xi32>], vector<16xf32>,
      %add3A_795 = arith.constant 5 : i32
      %add3A_796 = vector.broadcast %add3A_795 : i32 to vector<16xi32>
      %add3A_797 = arith.addi %shift_left3A_740, %add3A_796 : vector<16xi32>
      %gather3A_798 = tpu.vector_load_idx %arg14[%add3A_722, %add3A_797] : memref<128x128xf32, #tpu.memory_space<vmem>>[vector<16xi32>, vector<16xi32>], vector<16xf32>,
      %mul3A_799 = arith.mulf %gather3A_794, %gather3A_798 : vector<16xf32>
      %add3A_800 = arith.addf %add3A_790, %mul3A_799 : vector<16xf32>
      %add3A_801 = arith.constant 6 : i32
      %add3A_802 = vector.broadcast %add3A_801 : i32 to vector<16xi32>
      %add3A_803 = arith.addi %shift_left3A_732, %add3A_802 : vector<16xi32>
      %gather3A_804 = tpu.vector_load_idx %arg13[%add3A_722, %add3A_803] : memref<128x128xf32, #tpu.memory_space<vmem>>[vector<16xi32>, vector<16xi32>], vector<16xf32>,
      %add3A_805 = arith.constant 6 : i32
      %add3A_806 = vector.broadcast %add3A_805 : i32 to vector<16xi32>
      %add3A_807 = arith.addi %shift_left3A_740, %add3A_806 : vector<16xi32>
      %gather3A_808 = tpu.vector_load_idx %arg14[%add3A_722, %add3A_807] : memref<128x128xf32, #tpu.memory_space<vmem>>[vector<16xi32>, vector<16xi32>], vector<16xf32>,
      %mul3A_809 = arith.mulf %gather3A_804, %gather3A_808 : vector<16xf32>
      %add3A_810 = arith.addf %add3A_800, %mul3A_809 : vector<16xf32>
      %add3A_811 = arith.constant 7 : i32
      %add3A_812 = vector.broadcast %add3A_811 : i32 to vector<16xi32>
      %add3A_813 = arith.addi %shift_left3A_732, %add3A_812 : vector<16xi32>
      %gather3A_814 = tpu.vector_load_idx %arg13[%add3A_722, %add3A_813] : memref<128x128xf32, #tpu.memory_space<vmem>>[vector<16xi32>, vector<16xi32>], vector<16xf32>,
      %add3A_815 = arith.constant 7 : i32
      %add3A_816 = vector.broadcast %add3A_815 : i32 to vector<16xi32>
      %add3A_817 = arith.addi %shift_left3A_740, %add3A_816 : vector<16xi32>
      %gather3A_818 = tpu.vector_load_idx %arg14[%add3A_722, %add3A_817] : memref<128x128xf32, #tpu.memory_space<vmem>>[vector<16xi32>, vector<16xi32>], vector<16xf32>,
      %mul3A_819 = arith.mulf %gather3A_814, %gather3A_818 : vector<16xf32>
      %add3A_820 = arith.addf %add3A_810, %mul3A_819 : vector<16xf32>
      %add3A_821 = arith.constant 8 : i32
      %add3A_822 = vector.broadcast %add3A_821 : i32 to vector<16xi32>
      %add3A_823 = arith.addi %shift_left3A_732, %add3A_822 : vector<16xi32>
      %gather3A_824 = tpu.vector_load_idx %arg13[%add3A_722, %add3A_823] : memref<128x128xf32, #tpu.memory_space<vmem>>[vector<16xi32>, vector<16xi32>], vector<16xf32>,
      %add3A_825 = arith.constant 8 : i32
      %add3A_826 = vector.broadcast %add3A_825 : i32 to vector<16xi32>
      %add3A_827 = arith.addi %shift_left3A_740, %add3A_826 : vector<16xi32>
      %gather3A_828 = tpu.vector_load_idx %arg14[%add3A_722, %add3A_827] : memref<128x128xf32, #tpu.memory_space<vmem>>[vector<16xi32>, vector<16xi32>], vector<16xf32>,
      %mul3A_829 = arith.mulf %gather3A_824, %gather3A_828 : vector<16xf32>
      %add3A_830 = arith.addf %add3A_820, %mul3A_829 : vector<16xf32>
      %add3A_831 = arith.constant 9 : i32
      %add3A_832 = vector.broadcast %add3A_831 : i32 to vector<16xi32>
      %add3A_833 = arith.addi %shift_left3A_732, %add3A_832 : vector<16xi32>
      %gather3A_834 = tpu.vector_load_idx %arg13[%add3A_722, %add3A_833] : memref<128x128xf32, #tpu.memory_space<vmem>>[vector<16xi32>, vector<16xi32>], vector<16xf32>,
      %add3A_835 = arith.constant 9 : i32
      %add3A_836 = vector.broadcast %add3A_835 : i32 to vector<16xi32>
      %add3A_837 = arith.addi %shift_left3A_740, %add3A_836 : vector<16xi32>
      %gather3A_838 = tpu.vector_load_idx %arg14[%add3A_722, %add3A_837] : memref<128x128xf32, #tpu.memory_space<vmem>>[vector<16xi32>, vector<16xi32>], vector<16xf32>,
      %mul3A_839 = arith.mulf %gather3A_834, %gather3A_838 : vector<16xf32>
      %add3A_840 = arith.addf %add3A_830, %mul3A_839 : vector<16xf32>
      %add3A_841 = arith.constant 10 : i32
      %add3A_842 = vector.broadcast %add3A_841 : i32 to vector<16xi32>
      %add3A_843 = arith.addi %shift_left3A_732, %add3A_842 : vector<16xi32>
      %gather3A_844 = tpu.vector_load_idx %arg13[%add3A_722, %add3A_843] : memref<128x128xf32, #tpu.memory_space<vmem>>[vector<16xi32>, vector<16xi32>], vector<16xf32>,
      %add3A_845 = arith.constant 10 : i32
      %add3A_846 = vector.broadcast %add3A_845 : i32 to vector<16xi32>
      %add3A_847 = arith.addi %shift_left3A_740, %add3A_846 : vector<16xi32>
      %gather3A_848 = tpu.vector_load_idx %arg14[%add3A_722, %add3A_847] : memref<128x128xf32, #tpu.memory_space<vmem>>[vector<16xi32>, vector<16xi32>], vector<16xf32>,
      %mul3A_849 = arith.mulf %gather3A_844, %gather3A_848 : vector<16xf32>
      %add3A_850 = arith.addf %add3A_840, %mul3A_849 : vector<16xf32>
      %add3A_851 = arith.constant 11 : i32
      %add3A_852 = vector.broadcast %add3A_851 : i32 to vector<16xi32>
      %add3A_853 = arith.addi %shift_left3A_732, %add3A_852 : vector<16xi32>
      %gather3A_854 = tpu.vector_load_idx %arg13[%add3A_722, %add3A_853] : memref<128x128xf32, #tpu.memory_space<vmem>>[vector<16xi32>, vector<16xi32>], vector<16xf32>,
      %add3A_855 = arith.constant 11 : i32
      %add3A_856 = vector.broadcast %add3A_855 : i32 to vector<16xi32>
      %add3A_857 = arith.addi %shift_left3A_740, %add3A_856 : vector<16xi32>
      %gather3A_858 = tpu.vector_load_idx %arg14[%add3A_722, %add3A_857] : memref<128x128xf32, #tpu.memory_space<vmem>>[vector<16xi32>, vector<16xi32>], vector<16xf32>,
      %mul3A_859 = arith.mulf %gather3A_854, %gather3A_858 : vector<16xf32>
      %add3A_860 = arith.addf %add3A_850, %mul3A_859 : vector<16xf32>
      %add3A_861 = arith.constant 12 : i32
      %add3A_862 = vector.broadcast %add3A_861 : i32 to vector<16xi32>
      %add3A_863 = arith.addi %shift_left3A_732, %add3A_862 : vector<16xi32>
      %gather3A_864 = tpu.vector_load_idx %arg13[%add3A_722, %add3A_863] : memref<128x128xf32, #tpu.memory_space<vmem>>[vector<16xi32>, vector<16xi32>], vector<16xf32>,
      %add3A_865 = arith.constant 12 : i32
      %add3A_866 = vector.broadcast %add3A_865 : i32 to vector<16xi32>
      %add3A_867 = arith.addi %shift_left3A_740, %add3A_866 : vector<16xi32>
      %gather3A_868 = tpu.vector_load_idx %arg14[%add3A_722, %add3A_867] : memref<128x128xf32, #tpu.memory_space<vmem>>[vector<16xi32>, vector<16xi32>], vector<16xf32>,
      %mul3A_869 = arith.mulf %gather3A_864, %gather3A_868 : vector<16xf32>
      %add3A_870 = arith.addf %add3A_860, %mul3A_869 : vector<16xf32>
      %add3A_871 = arith.constant 13 : i32
      %add3A_872 = vector.broadcast %add3A_871 : i32 to vector<16xi32>
      %add3A_873 = arith.addi %shift_left3A_732, %add3A_872 : vector<16xi32>
      %gather3A_874 = tpu.vector_load_idx %arg13[%add3A_722, %add3A_873] : memref<128x128xf32, #tpu.memory_space<vmem>>[vector<16xi32>, vector<16xi32>], vector<16xf32>,
      %add3A_875 = arith.constant 13 : i32
      %add3A_876 = vector.broadcast %add3A_875 : i32 to vector<16xi32>
      %add3A_877 = arith.addi %shift_left3A_740, %add3A_876 : vector<16xi32>
      %gather3A_878 = tpu.vector_load_idx %arg14[%add3A_722, %add3A_877] : memref<128x128xf32, #tpu.memory_space<vmem>>[vector<16xi32>, vector<16xi32>], vector<16xf32>,
      %mul3A_879 = arith.mulf %gather3A_874, %gather3A_878 : vector<16xf32>
      %add3A_880 = arith.addf %add3A_870, %mul3A_879 : vector<16xf32>
      %add3A_881 = arith.constant 14 : i32
      %add3A_882 = vector.broadcast %add3A_881 : i32 to vector<16xi32>
      %add3A_883 = arith.addi %shift_left3A_732, %add3A_882 : vector<16xi32>
      %gather3A_884 = tpu.vector_load_idx %arg13[%add3A_722, %add3A_883] : memref<128x128xf32, #tpu.memory_space<vmem>>[vector<16xi32>, vector<16xi32>], vector<16xf32>,
      %add3A_885 = arith.constant 14 : i32
      %add3A_886 = vector.broadcast %add3A_885 : i32 to vector<16xi32>
      %add3A_887 = arith.addi %shift_left3A_740, %add3A_886 : vector<16xi32>
      %gather3A_888 = tpu.vector_load_idx %arg14[%add3A_722, %add3A_887] : memref<128x128xf32, #tpu.memory_space<vmem>>[vector<16xi32>, vector<16xi32>], vector<16xf32>,
      %mul3A_889 = arith.mulf %gather3A_884, %gather3A_888 : vector<16xf32>
      %add3A_890 = arith.addf %add3A_880, %mul3A_889 : vector<16xf32>
      %add3A_891 = arith.constant 15 : i32
      %add3A_892 = vector.broadcast %add3A_891 : i32 to vector<16xi32>
      %add3A_893 = arith.addi %shift_left3A_732, %add3A_892 : vector<16xi32>
      %gather3A_894 = tpu.vector_load_idx %arg13[%add3A_722, %add3A_893] : memref<128x128xf32, #tpu.memory_space<vmem>>[vector<16xi32>, vector<16xi32>], vector<16xf32>,
      %add3A_895 = arith.constant 15 : i32
      %add3A_896 = vector.broadcast %add3A_895 : i32 to vector<16xi32>
      %add3A_897 = arith.addi %shift_left3A_740, %add3A_896 : vector<16xi32>
      %gather3A_898 = tpu.vector_load_idx %arg14[%add3A_722, %add3A_897] : memref<128x128xf32, #tpu.memory_space<vmem>>[vector<16xi32>, vector<16xi32>], vector<16xf32>,
      %mul3A_899 = arith.mulf %gather3A_894, %gather3A_898 : vector<16xf32>
      %add3A_900 = arith.addf %add3A_890, %mul3A_899 : vector<16xf32>
      %add3A_901 = arith.constant 16 : i32
      %add3A_902 = vector.broadcast %add3A_901 : i32 to vector<16xi32>
      %add3A_903 = arith.addi %shift_left3A_732, %add3A_902 : vector<16xi32>
      %gather3A_904 = tpu.vector_load_idx %arg13[%add3A_722, %add3A_903] : memref<128x128xf32, #tpu.memory_space<vmem>>[vector<16xi32>, vector<16xi32>], vector<16xf32>,
      %add3A_905 = arith.constant 16 : i32
      %add3A_906 = vector.broadcast %add3A_905 : i32 to vector<16xi32>
      %add3A_907 = arith.addi %shift_left3A_740, %add3A_906 : vector<16xi32>
      %gather3A_908 = tpu.vector_load_idx %arg14[%add3A_722, %add3A_907] : memref<128x128xf32, #tpu.memory_space<vmem>>[vector<16xi32>, vector<16xi32>], vector<16xf32>,
      %mul3A_909 = arith.mulf %gather3A_904, %gather3A_908 : vector<16xf32>
      %add3A_910 = arith.addf %add3A_900, %mul3A_909 : vector<16xf32>
      %add3A_911 = arith.constant 17 : i32
      %add3A_912 = vector.broadcast %add3A_911 : i32 to vector<16xi32>
      %add3A_913 = arith.addi %shift_left3A_732, %add3A_912 : vector<16xi32>
      %gather3A_914 = tpu.vector_load_idx %arg13[%add3A_722, %add3A_913] : memref<128x128xf32, #tpu.memory_space<vmem>>[vector<16xi32>, vector<16xi32>], vector<16xf32>,
      %add3A_915 = arith.constant 17 : i32
      %add3A_916 = vector.broadcast %add3A_915 : i32 to vector<16xi32>
      %add3A_917 = arith.addi %shift_left3A_740, %add3A_916 : vector<16xi32>
      %gather3A_918 = tpu.vector_load_idx %arg14[%add3A_722, %add3A_917] : memref<128x128xf32, #tpu.memory_space<vmem>>[vector<16xi32>, vector<16xi32>], vector<16xf32>,
      %mul3A_919 = arith.mulf %gather3A_914, %gather3A_918 : vector<16xf32>
      %add3A_920 = arith.addf %add3A_910, %mul3A_919 : vector<16xf32>
      %add3A_921 = arith.constant 18 : i32
      %add3A_922 = vector.broadcast %add3A_921 : i32 to vector<16xi32>
      %add3A_923 = arith.addi %shift_left3A_732, %add3A_922 : vector<16xi32>
      %gather3A_924 = tpu.vector_load_idx %arg13[%add3A_722, %add3A_923] : memref<128x128xf32, #tpu.memory_space<vmem>>[vector<16xi32>, vector<16xi32>], vector<16xf32>,
      %add3A_925 = arith.constant 18 : i32
      %add3A_926 = vector.broadcast %add3A_925 : i32 to vector<16xi32>
      %add3A_927 = arith.addi %shift_left3A_740, %add3A_926 : vector<16xi32>
      %gather3A_928 = tpu.vector_load_idx %arg14[%add3A_722, %add3A_927] : memref<128x128xf32, #tpu.memory_space<vmem>>[vector<16xi32>, vector<16xi32>], vector<16xf32>,
      %mul3A_929 = arith.mulf %gather3A_924, %gather3A_928 : vector<16xf32>
      %add3A_930 = arith.addf %add3A_920, %mul3A_929 : vector<16xf32>
      %add3A_931 = arith.constant 19 : i32
      %add3A_932 = vector.broadcast %add3A_931 : i32 to vector<16xi32>
      %add3A_933 = arith.addi %shift_left3A_732, %add3A_932 : vector<16xi32>
      %gather3A_934 = tpu.vector_load_idx %arg13[%add3A_722, %add3A_933] : memref<128x128xf32, #tpu.memory_space<vmem>>[vector<16xi32>, vector<16xi32>], vector<16xf32>,
      %add3A_935 = arith.constant 19 : i32
      %add3A_936 = vector.broadcast %add3A_935 : i32 to vector<16xi32>
      %add3A_937 = arith.addi %shift_left3A_740, %add3A_936 : vector<16xi32>
      %gather3A_938 = tpu.vector_load_idx %arg14[%add3A_722, %add3A_937] : memref<128x128xf32, #tpu.memory_space<vmem>>[vector<16xi32>, vector<16xi32>], vector<16xf32>,
      %mul3A_939 = arith.mulf %gather3A_934, %gather3A_938 : vector<16xf32>
      %add3A_940 = arith.addf %add3A_930, %mul3A_939 : vector<16xf32>
      %add3A_941 = arith.constant 20 : i32
      %add3A_942 = vector.broadcast %add3A_941 : i32 to vector<16xi32>
      %add3A_943 = arith.addi %shift_left3A_732, %add3A_942 : vector<16xi32>
      %gather3A_944 = tpu.vector_load_idx %arg13[%add3A_722, %add3A_943] : memref<128x128xf32, #tpu.memory_space<vmem>>[vector<16xi32>, vector<16xi32>], vector<16xf32>,
      %add3A_945 = arith.constant 20 : i32
      %add3A_946 = vector.broadcast %add3A_945 : i32 to vector<16xi32>
      %add3A_947 = arith.addi %shift_left3A_740, %add3A_946 : vector<16xi32>
      %gather3A_948 = tpu.vector_load_idx %arg14[%add3A_722, %add3A_947] : memref<128x128xf32, #tpu.memory_space<vmem>>[vector<16xi32>, vector<16xi32>], vector<16xf32>,
      %mul3A_949 = arith.mulf %gather3A_944, %gather3A_948 : vector<16xf32>
      %add3A_950 = arith.addf %add3A_940, %mul3A_949 : vector<16xf32>
      %add3A_951 = arith.constant 21 : i32
      %add3A_952 = vector.broadcast %add3A_951 : i32 to vector<16xi32>
      %add3A_953 = arith.addi %shift_left3A_732, %add3A_952 : vector<16xi32>
      %gather3A_954 = tpu.vector_load_idx %arg13[%add3A_722, %add3A_953] : memref<128x128xf32, #tpu.memory_space<vmem>>[vector<16xi32>, vector<16xi32>], vector<16xf32>,
      %add3A_955 = arith.constant 21 : i32
      %add3A_956 = vector.broadcast %add3A_955 : i32 to vector<16xi32>
      %add3A_957 = arith.addi %shift_left3A_740, %add3A_956 : vector<16xi32>
      %gather3A_958 = tpu.vector_load_idx %arg14[%add3A_722, %add3A_957] : memref<128x128xf32, #tpu.memory_space<vmem>>[vector<16xi32>, vector<16xi32>], vector<16xf32>,
      %mul3A_959 = arith.mulf %gather3A_954, %gather3A_958 : vector<16xf32>
      %add3A_960 = arith.addf %add3A_950, %mul3A_959 : vector<16xf32>
      %add3A_961 = arith.constant 22 : i32
      %add3A_962 = vector.broadcast %add3A_961 : i32 to vector<16xi32>
      %add3A_963 = arith.addi %shift_left3A_732, %add3A_962 : vector<16xi32>
      %gather3A_964 = tpu.vector_load_idx %arg13[%add3A_722, %add3A_963] : memref<128x128xf32, #tpu.memory_space<vmem>>[vector<16xi32>, vector<16xi32>], vector<16xf32>,
      %add3A_965 = arith.constant 22 : i32
      %add3A_966 = vector.broadcast %add3A_965 : i32 to vector<16xi32>
      %add3A_967 = arith.addi %shift_left3A_740, %add3A_966 : vector<16xi32>
      %gather3A_968 = tpu.vector_load_idx %arg14[%add3A_722, %add3A_967] : memref<128x128xf32, #tpu.memory_space<vmem>>[vector<16xi32>, vector<16xi32>], vector<16xf32>,
      %mul3A_969 = arith.mulf %gather3A_964, %gather3A_968 : vector<16xf32>
      %add3A_970 = arith.addf %add3A_960, %mul3A_969 : vector<16xf32>
      %add3A_971 = arith.constant 23 : i32
      %add3A_972 = vector.broadcast %add3A_971 : i32 to vector<16xi32>
      %add3A_973 = arith.addi %shift_left3A_732, %add3A_972 : vector<16xi32>
      %gather3A_974 = tpu.vector_load_idx %arg13[%add3A_722, %add3A_973] : memref<128x128xf32, #tpu.memory_space<vmem>>[vector<16xi32>, vector<16xi32>], vector<16xf32>,
      %add3A_975 = arith.constant 23 : i32
      %add3A_976 = vector.broadcast %add3A_975 : i32 to vector<16xi32>
      %add3A_977 = arith.addi %shift_left3A_740, %add3A_976 : vector<16xi32>
      %gather3A_978 = tpu.vector_load_idx %arg14[%add3A_722, %add3A_977] : memref<128x128xf32, #tpu.memory_space<vmem>>[vector<16xi32>, vector<16xi32>], vector<16xf32>,
      %mul3A_979 = arith.mulf %gather3A_974, %gather3A_978 : vector<16xf32>
      %add3A_980 = arith.addf %add3A_970, %mul3A_979 : vector<16xf32>
      %add3A_981 = arith.constant 24 : i32
      %add3A_982 = vector.broadcast %add3A_981 : i32 to vector<16xi32>
      %add3A_983 = arith.addi %shift_left3A_732, %add3A_982 : vector<16xi32>
      %gather3A_984 = tpu.vector_load_idx %arg13[%add3A_722, %add3A_983] : memref<128x128xf32, #tpu.memory_space<vmem>>[vector<16xi32>, vector<16xi32>], vector<16xf32>,
      %add3A_985 = arith.constant 24 : i32
      %add3A_986 = vector.broadcast %add3A_985 : i32 to vector<16xi32>
      %add3A_987 = arith.addi %shift_left3A_740, %add3A_986 : vector<16xi32>
      %gather3A_988 = tpu.vector_load_idx %arg14[%add3A_722, %add3A_987] : memref<128x128xf32, #tpu.memory_space<vmem>>[vector<16xi32>, vector<16xi32>], vector<16xf32>,
      %mul3A_989 = arith.mulf %gather3A_984, %gather3A_988 : vector<16xf32>
      %add3A_990 = arith.addf %add3A_980, %mul3A_989 : vector<16xf32>
      %add3A_991 = arith.constant 25 : i32
      %add3A_992 = vector.broadcast %add3A_991 : i32 to vector<16xi32>
      %add3A_993 = arith.addi %shift_left3A_732, %add3A_992 : vector<16xi32>
      %gather3A_994 = tpu.vector_load_idx %arg13[%add3A_722, %add3A_993] : memref<128x128xf32, #tpu.memory_space<vmem>>[vector<16xi32>, vector<16xi32>], vector<16xf32>,
      %add3A_995 = arith.constant 25 : i32
      %add3A_996 = vector.broadcast %add3A_995 : i32 to vector<16xi32>
      %add3A_997 = arith.addi %shift_left3A_740, %add3A_996 : vector<16xi32>
      %gather3A_998 = tpu.vector_load_idx %arg14[%add3A_722, %add3A_997] : memref<128x128xf32, #tpu.memory_space<vmem>>[vector<16xi32>, vector<16xi32>], vector<16xf32>,
      %mul3A_999 = arith.mulf %gather3A_994, %gather3A_998 : vector<16xf32>
      %add3A_1000 = arith.addf %add3A_990, %mul3A_999 : vector<16xf32>
      %add3A_1001 = arith.constant 26 : i32
      %add3A_1002 = vector.broadcast %add3A_1001 : i32 to vector<16xi32>
      %add3A_1003 = arith.addi %shift_left3A_732, %add3A_1002 : vector<16xi32>
      %gather3A_1004 = tpu.vector_load_idx %arg13[%add3A_722, %add3A_1003] : memref<128x128xf32, #tpu.memory_space<vmem>>[vector<16xi32>, vector<16xi32>], vector<16xf32>,
      %add3A_1005 = arith.constant 26 : i32
      %add3A_1006 = vector.broadcast %add3A_1005 : i32 to vector<16xi32>
      %add3A_1007 = arith.addi %shift_left3A_740, %add3A_1006 : vector<16xi32>
      %gather3A_1008 = tpu.vector_load_idx %arg14[%add3A_722, %add3A_1007] : memref<128x128xf32, #tpu.memory_space<vmem>>[vector<16xi32>, vector<16xi32>], vector<16xf32>,
      %mul3A_1009 = arith.mulf %gather3A_1004, %gather3A_1008 : vector<16xf32>
      %add3A_1010 = arith.addf %add3A_1000, %mul3A_1009 : vector<16xf32>
      %add3A_1011 = arith.constant 27 : i32
      %add3A_1012 = vector.broadcast %add3A_1011 : i32 to vector<16xi32>
      %add3A_1013 = arith.addi %shift_left3A_732, %add3A_1012 : vector<16xi32>
      %gather3A_1014 = tpu.vector_load_idx %arg13[%add3A_722, %add3A_1013] : memref<128x128xf32, #tpu.memory_space<vmem>>[vector<16xi32>, vector<16xi32>], vector<16xf32>,
      %add3A_1015 = arith.constant 27 : i32
      %add3A_1016 = vector.broadcast %add3A_1015 : i32 to vector<16xi32>
      %add3A_1017 = arith.addi %shift_left3A_740, %add3A_1016 : vector<16xi32>
      %gather3A_1018 = tpu.vector_load_idx %arg14[%add3A_722, %add3A_1017] : memref<128x128xf32, #tpu.memory_space<vmem>>[vector<16xi32>, vector<16xi32>], vector<16xf32>,
      %mul3A_1019 = arith.mulf %gather3A_1014, %gather3A_1018 : vector<16xf32>
      %add3A_1020 = arith.addf %add3A_1010, %mul3A_1019 : vector<16xf32>
      %add3A_1021 = arith.constant 28 : i32
      %add3A_1022 = vector.broadcast %add3A_1021 : i32 to vector<16xi32>
      %add3A_1023 = arith.addi %shift_left3A_732, %add3A_1022 : vector<16xi32>
      %gather3A_1024 = tpu.vector_load_idx %arg13[%add3A_722, %add3A_1023] : memref<128x128xf32, #tpu.memory_space<vmem>>[vector<16xi32>, vector<16xi32>], vector<16xf32>,
      %add3A_1025 = arith.constant 28 : i32
      %add3A_1026 = vector.broadcast %add3A_1025 : i32 to vector<16xi32>
      %add3A_1027 = arith.addi %shift_left3A_740, %add3A_1026 : vector<16xi32>
      %gather3A_1028 = tpu.vector_load_idx %arg14[%add3A_722, %add3A_1027] : memref<128x128xf32, #tpu.memory_space<vmem>>[vector<16xi32>, vector<16xi32>], vector<16xf32>,
      %mul3A_1029 = arith.mulf %gather3A_1024, %gather3A_1028 : vector<16xf32>
      %add3A_1030 = arith.addf %add3A_1020, %mul3A_1029 : vector<16xf32>
      %add3A_1031 = arith.constant 29 : i32
      %add3A_1032 = vector.broadcast %add3A_1031 : i32 to vector<16xi32>
      %add3A_1033 = arith.addi %shift_left3A_732, %add3A_1032 : vector<16xi32>
      %gather3A_1034 = tpu.vector_load_idx %arg13[%add3A_722, %add3A_1033] : memref<128x128xf32, #tpu.memory_space<vmem>>[vector<16xi32>, vector<16xi32>], vector<16xf32>,
      %add3A_1035 = arith.constant 29 : i32
      %add3A_1036 = vector.broadcast %add3A_1035 : i32 to vector<16xi32>
      %add3A_1037 = arith.addi %shift_left3A_740, %add3A_1036 : vector<16xi32>
      %gather3A_1038 = tpu.vector_load_idx %arg14[%add3A_722, %add3A_1037] : memref<128x128xf32, #tpu.memory_space<vmem>>[vector<16xi32>, vector<16xi32>], vector<16xf32>,
      %mul3A_1039 = arith.mulf %gather3A_1034, %gather3A_1038 : vector<16xf32>
      %add3A_1040 = arith.addf %add3A_1030, %mul3A_1039 : vector<16xf32>
      %add3A_1041 = arith.constant 30 : i32
      %add3A_1042 = vector.broadcast %add3A_1041 : i32 to vector<16xi32>
      %add3A_1043 = arith.addi %shift_left3A_732, %add3A_1042 : vector<16xi32>
      %gather3A_1044 = tpu.vector_load_idx %arg13[%add3A_722, %add3A_1043] : memref<128x128xf32, #tpu.memory_space<vmem>>[vector<16xi32>, vector<16xi32>], vector<16xf32>,
      %add3A_1045 = arith.constant 30 : i32
      %add3A_1046 = vector.broadcast %add3A_1045 : i32 to vector<16xi32>
      %add3A_1047 = arith.addi %shift_left3A_740, %add3A_1046 : vector<16xi32>
      %gather3A_1048 = tpu.vector_load_idx %arg14[%add3A_722, %add3A_1047] : memref<128x128xf32, #tpu.memory_space<vmem>>[vector<16xi32>, vector<16xi32>], vector<16xf32>,
      %mul3A_1049 = arith.mulf %gather3A_1044, %gather3A_1048 : vector<16xf32>
      %add3A_1050 = arith.addf %add3A_1040, %mul3A_1049 : vector<16xf32>
      %add3A_1051 = arith.constant 31 : i32
      %add3A_1052 = vector.broadcast %add3A_1051 : i32 to vector<16xi32>
      %add3A_1053 = arith.addi %shift_left3A_732, %add3A_1052 : vector<16xi32>
      %gather3A_1054 = tpu.vector_load_idx %arg13[%add3A_722, %add3A_1053] : memref<128x128xf32, #tpu.memory_space<vmem>>[vector<16xi32>, vector<16xi32>], vector<16xf32>,
      %add3A_1055 = arith.constant 31 : i32
      %add3A_1056 = vector.broadcast %add3A_1055 : i32 to vector<16xi32>
      %add3A_1057 = arith.addi %shift_left3A_740, %add3A_1056 : vector<16xi32>
      %gather3A_1058 = tpu.vector_load_idx %arg14[%add3A_722, %add3A_1057] : memref<128x128xf32, #tpu.memory_space<vmem>>[vector<16xi32>, vector<16xi32>], vector<16xf32>,
      %mul3A_1059 = arith.mulf %gather3A_1054, %gather3A_1058 : vector<16xf32>
      %add3A_1060 = arith.addf %add3A_1050, %mul3A_1059 : vector<16xf32>
      %mul3A_1061 = arith.constant 16 : i32
      %mul3A_1062 = arith.muli %scan3A_717, %mul3A_1061 : i32
      %add3A_1063 = arith.constant 128 : i32
      %add3A_1064 = arith.addi %add3A_1063, %mul3A_1062 : i32
      %swap3A_1065 = arith.index_cast %add3A_1064 : i32 to index
      %swap3A_1066 = tpu.vector_load %arg15[%swap3A_1065] {strides = array<i32>} : memref<512xf32, #tpu.memory_space<vmem>>, vector<16xf32>,
      tpu.vector_store %arg15[%swap3A_1065], %add3A_1060 {strides = array<i32>} : memref<512xf32, #tpu.memory_space<vmem>>, vector<16xf32>,
      %scan3A_1067 = arith.constant 0 : i32
      scf.yield %scan3A_1067 : i32
    }
    %scan3A_658 = arith.constant 8 : i32
    %dma_start3A_659 = arith.constant 3 : i32
    %dma_start3A_660 = arith.constant 0 : i32
    %dma_start3A_661 = tpu.memref_slice %arg9[%dma_start3A_659, %dma_start3A_660] : memref<4x128xi32, #tpu.memory_space<vmem>> -> memref<1x128xi32, #tpu.memory_space<vmem>>
    %dma_start3A_662 = tpu.memref_squeeze %dma_start3A_661 : memref<1x128xi32, #tpu.memory_space<vmem>> -> memref<128xi32, #tpu.memory_space<vmem>>
    %dma_start3A_663 = arith.constant 0 : i32
    %dma_start3A_664 = arith.constant 0 : i32
    %dma_start3A_665 = tpu.memref_slice %arg4[%dma_start3A_663, %dma_start3A_664] : memref<250000x128xf32, #tpu.memory_space<hbm>> -> memref<250000x128xf32, #tpu.memory_space<hbm>>
    tpu.enqueue_indirect_dma source(%dma_start3A_665 : memref<250000x128xf32, #tpu.memory_space<hbm>>) target(%arg13 : memref<128x128xf32, #tpu.memory_space<vmem>>) offsets(%dma_start3A_662 : memref<128xi32, #tpu.memory_space<vmem>>) semaphore(%arg17 : memref<!tpu.dma_semaphore, #tpu.memory_space<semaphore_mem>>)
    %dma_start3A_666 = arith.constant 3 : i32
    %dma_start3A_667 = arith.constant 0 : i32
    %dma_start3A_668 = tpu.memref_slice %arg10[%dma_start3A_666, %dma_start3A_667] : memref<4x128xi32, #tpu.memory_space<vmem>> -> memref<1x128xi32, #tpu.memory_space<vmem>>
    %dma_start3A_669 = tpu.memref_squeeze %dma_start3A_668 : memref<1x128xi32, #tpu.memory_space<vmem>> -> memref<128xi32, #tpu.memory_space<vmem>>
    %dma_start3A_670 = arith.constant 0 : i32
    %dma_start3A_671 = arith.constant 0 : i32
    %dma_start3A_672 = tpu.memref_slice %arg5[%dma_start3A_670, %dma_start3A_671] : memref<250000x128xf32, #tpu.memory_space<hbm>> -> memref<250000x128xf32, #tpu.memory_space<hbm>>
    tpu.enqueue_indirect_dma source(%dma_start3A_672 : memref<250000x128xf32, #tpu.memory_space<hbm>>) target(%arg14 : memref<128x128xf32, #tpu.memory_space<vmem>>) offsets(%dma_start3A_669 : memref<128xi32, #tpu.memory_space<vmem>>) semaphore(%arg17 : memref<!tpu.dma_semaphore, #tpu.memory_space<semaphore_mem>>)
    %dma_wait3A_673 = arith.constant 2 : i32
    %dma_wait3A_674 = arith.constant 0 : i32
    %dma_wait3A_675 = tpu.memref_slice %arg9[%dma_wait3A_673, %dma_wait3A_674] : memref<4x128xi32, #tpu.memory_space<vmem>> -> memref<1x128xi32, #tpu.memory_space<vmem>>
    %dma_wait3A_676 = tpu.memref_squeeze %dma_wait3A_675 : memref<1x128xi32, #tpu.memory_space<vmem>> -> memref<128xi32, #tpu.memory_space<vmem>>
    %dma_wait3A_677 = arith.constant 0 : i32
    %dma_wait3A_678 = arith.constant 0 : i32
    %dma_wait3A_679 = tpu.memref_slice %arg4[%dma_wait3A_677, %dma_wait3A_678] : memref<250000x128xf32, #tpu.memory_space<hbm>> -> memref<250000x128xf32, #tpu.memory_space<hbm>>
    tpu.wait_indirect_dma semaphore(%arg16 : memref<!tpu.dma_semaphore, #tpu.memory_space<semaphore_mem>>) src(%dma_wait3A_679 : memref<250000x128xf32, #tpu.memory_space<hbm>>) dst(%arg11 : memref<128x128xf32, #tpu.memory_space<vmem>>)
    %dma_wait3A_680 = arith.constant 2 : i32
    %dma_wait3A_681 = arith.constant 0 : i32
    %dma_wait3A_682 = tpu.memref_slice %arg10[%dma_wait3A_680, %dma_wait3A_681] : memref<4x128xi32, #tpu.memory_space<vmem>> -> memref<1x128xi32, #tpu.memory_space<vmem>>
    %dma_wait3A_683 = tpu.memref_squeeze %dma_wait3A_682 : memref<1x128xi32, #tpu.memory_space<vmem>> -> memref<128xi32, #tpu.memory_space<vmem>>
    %dma_wait3A_684 = arith.constant 0 : i32
    %dma_wait3A_685 = arith.constant 0 : i32
    %dma_wait3A_686 = tpu.memref_slice %arg5[%dma_wait3A_684, %dma_wait3A_685] : memref<250000x128xf32, #tpu.memory_space<hbm>> -> memref<250000x128xf32, #tpu.memory_space<hbm>>
    tpu.wait_indirect_dma semaphore(%arg16 : memref<!tpu.dma_semaphore, #tpu.memory_space<semaphore_mem>>) src(%dma_wait3A_686 : memref<250000x128xf32, #tpu.memory_space<hbm>>) dst(%arg12 : memref<128x128xf32, #tpu.memory_space<vmem>>)
    %scan3A_687 = arith.constant 0 : i32
    %scan3A_688 = arith.constant 0 : i32
    %scan3A_689 = arith.constant 8 : i32
    %scan3A_690 = arith.addi %scan3A_688, %scan3A_689 : i32
    %scan3A_691 = arith.constant 1 : i32
    %scan3A_692 = scf.for %scan3A_717 = %scan3A_688 to %scan3A_690 step %scan3A_691 iter_args(%scan3A_718 = %scan3A_687) -> (i32)  : i32 {
      %mul3A_719 = arith.constant 16 : i32
      %mul3A_720 = arith.muli %scan3A_717, %mul3A_719 : i32
      %add3A_721 = vector.broadcast %mul3A_720 : i32 to vector<16xi32>
      %add3A_722 = arith.addi %iota3A, %add3A_721 : vector<16xi32>
      %mul3A_723 = arith.constant 16 : i32
      %mul3A_724 = arith.muli %scan3A_717, %mul3A_723 : i32
      %add3A_725 = arith.constant 256 : i32
      %add3A_726 = arith.addi %add3A_725, %mul3A_724 : i32
      %get3A_727 = arith.index_cast %add3A_726 : i32 to index
      %get3A_728 = tpu.vector_load %arg7[%get3A_727] {strides = array<i32>} : memref<512xi32, #tpu.memory_space<vmem>>, vector<16xi32>,
      %and3A = arith.constant 3 : i32
      %and3A_729 = vector.broadcast %and3A : i32 to vector<16xi32>
      %and3A_730 = arith.andi %get3A_728, %and3A_729 : vector<16xi32>
      %shift_left3A = arith.constant 5 : i32
      %shift_left3A_731 = vector.broadcast %shift_left3A : i32 to vector<16xi32>
      %shift_left3A_732 = arith.shli %and3A_730, %shift_left3A_731 : vector<16xi32>
      %get3A_733 = arith.index_cast %add3A_726 : i32 to index
      %get3A_734 = tpu.vector_load %arg8[%get3A_733] {strides = array<i32>} : memref<512xi32, #tpu.memory_space<vmem>>, vector<16xi32>,
      %and3A_735 = arith.constant 3 : i32
      %and3A_736 = vector.broadcast %and3A_735 : i32 to vector<16xi32>
      %and3A_737 = arith.andi %get3A_734, %and3A_736 : vector<16xi32>
      %shift_left3A_738 = arith.constant 5 : i32
      %shift_left3A_739 = vector.broadcast %shift_left3A_738 : i32 to vector<16xi32>
      %shift_left3A_740 = arith.shli %and3A_737, %shift_left3A_739 : vector<16xi32>
      %broadcast_in_dim3A = arith.constant 0.000000e+00 : f32
      %broadcast_in_dim3A_741 = vector.broadcast %broadcast_in_dim3A : f32 to vector<16xf32>
      %add3A_742 = arith.constant 0 : i32
      %add3A_743 = vector.broadcast %add3A_742 : i32 to vector<16xi32>
      %add3A_744 = arith.addi %shift_left3A_732, %add3A_743 : vector<16xi32>
      %gather3A = tpu.vector_load_idx %arg11[%add3A_722, %add3A_744] : memref<128x128xf32, #tpu.memory_space<vmem>>[vector<16xi32>, vector<16xi32>], vector<16xf32>,
      %add3A_745 = arith.constant 0 : i32
      %add3A_746 = vector.broadcast %add3A_745 : i32 to vector<16xi32>
      %add3A_747 = arith.addi %shift_left3A_740, %add3A_746 : vector<16xi32>
      %gather3A_748 = tpu.vector_load_idx %arg12[%add3A_722, %add3A_747] : memref<128x128xf32, #tpu.memory_space<vmem>>[vector<16xi32>, vector<16xi32>], vector<16xf32>,
      %mul3A_749 = arith.mulf %gather3A, %gather3A_748 : vector<16xf32>
      %add3A_750 = arith.addf %broadcast_in_dim3A_741, %mul3A_749 : vector<16xf32>
      %add3A_751 = arith.constant 1 : i32
      %add3A_752 = vector.broadcast %add3A_751 : i32 to vector<16xi32>
      %add3A_753 = arith.addi %shift_left3A_732, %add3A_752 : vector<16xi32>
      %gather3A_754 = tpu.vector_load_idx %arg11[%add3A_722, %add3A_753] : memref<128x128xf32, #tpu.memory_space<vmem>>[vector<16xi32>, vector<16xi32>], vector<16xf32>,
      %add3A_755 = arith.constant 1 : i32
      %add3A_756 = vector.broadcast %add3A_755 : i32 to vector<16xi32>
      %add3A_757 = arith.addi %shift_left3A_740, %add3A_756 : vector<16xi32>
      %gather3A_758 = tpu.vector_load_idx %arg12[%add3A_722, %add3A_757] : memref<128x128xf32, #tpu.memory_space<vmem>>[vector<16xi32>, vector<16xi32>], vector<16xf32>,
      %mul3A_759 = arith.mulf %gather3A_754, %gather3A_758 : vector<16xf32>
      %add3A_760 = arith.addf %add3A_750, %mul3A_759 : vector<16xf32>
      %add3A_761 = arith.constant 2 : i32
      %add3A_762 = vector.broadcast %add3A_761 : i32 to vector<16xi32>
      %add3A_763 = arith.addi %shift_left3A_732, %add3A_762 : vector<16xi32>
      %gather3A_764 = tpu.vector_load_idx %arg11[%add3A_722, %add3A_763] : memref<128x128xf32, #tpu.memory_space<vmem>>[vector<16xi32>, vector<16xi32>], vector<16xf32>,
      %add3A_765 = arith.constant 2 : i32
      %add3A_766 = vector.broadcast %add3A_765 : i32 to vector<16xi32>
      %add3A_767 = arith.addi %shift_left3A_740, %add3A_766 : vector<16xi32>
      %gather3A_768 = tpu.vector_load_idx %arg12[%add3A_722, %add3A_767] : memref<128x128xf32, #tpu.memory_space<vmem>>[vector<16xi32>, vector<16xi32>], vector<16xf32>,
      %mul3A_769 = arith.mulf %gather3A_764, %gather3A_768 : vector<16xf32>
      %add3A_770 = arith.addf %add3A_760, %mul3A_769 : vector<16xf32>
      %add3A_771 = arith.constant 3 : i32
      %add3A_772 = vector.broadcast %add3A_771 : i32 to vector<16xi32>
      %add3A_773 = arith.addi %shift_left3A_732, %add3A_772 : vector<16xi32>
      %gather3A_774 = tpu.vector_load_idx %arg11[%add3A_722, %add3A_773] : memref<128x128xf32, #tpu.memory_space<vmem>>[vector<16xi32>, vector<16xi32>], vector<16xf32>,
      %add3A_775 = arith.constant 3 : i32
      %add3A_776 = vector.broadcast %add3A_775 : i32 to vector<16xi32>
      %add3A_777 = arith.addi %shift_left3A_740, %add3A_776 : vector<16xi32>
      %gather3A_778 = tpu.vector_load_idx %arg12[%add3A_722, %add3A_777] : memref<128x128xf32, #tpu.memory_space<vmem>>[vector<16xi32>, vector<16xi32>], vector<16xf32>,
      %mul3A_779 = arith.mulf %gather3A_774, %gather3A_778 : vector<16xf32>
      %add3A_780 = arith.addf %add3A_770, %mul3A_779 : vector<16xf32>
      %add3A_781 = arith.constant 4 : i32
      %add3A_782 = vector.broadcast %add3A_781 : i32 to vector<16xi32>
      %add3A_783 = arith.addi %shift_left3A_732, %add3A_782 : vector<16xi32>
      %gather3A_784 = tpu.vector_load_idx %arg11[%add3A_722, %add3A_783] : memref<128x128xf32, #tpu.memory_space<vmem>>[vector<16xi32>, vector<16xi32>], vector<16xf32>,
      %add3A_785 = arith.constant 4 : i32
      %add3A_786 = vector.broadcast %add3A_785 : i32 to vector<16xi32>
      %add3A_787 = arith.addi %shift_left3A_740, %add3A_786 : vector<16xi32>
      %gather3A_788 = tpu.vector_load_idx %arg12[%add3A_722, %add3A_787] : memref<128x128xf32, #tpu.memory_space<vmem>>[vector<16xi32>, vector<16xi32>], vector<16xf32>,
      %mul3A_789 = arith.mulf %gather3A_784, %gather3A_788 : vector<16xf32>
      %add3A_790 = arith.addf %add3A_780, %mul3A_789 : vector<16xf32>
      %add3A_791 = arith.constant 5 : i32
      %add3A_792 = vector.broadcast %add3A_791 : i32 to vector<16xi32>
      %add3A_793 = arith.addi %shift_left3A_732, %add3A_792 : vector<16xi32>
      %gather3A_794 = tpu.vector_load_idx %arg11[%add3A_722, %add3A_793] : memref<128x128xf32, #tpu.memory_space<vmem>>[vector<16xi32>, vector<16xi32>], vector<16xf32>,
      %add3A_795 = arith.constant 5 : i32
      %add3A_796 = vector.broadcast %add3A_795 : i32 to vector<16xi32>
      %add3A_797 = arith.addi %shift_left3A_740, %add3A_796 : vector<16xi32>
      %gather3A_798 = tpu.vector_load_idx %arg12[%add3A_722, %add3A_797] : memref<128x128xf32, #tpu.memory_space<vmem>>[vector<16xi32>, vector<16xi32>], vector<16xf32>,
      %mul3A_799 = arith.mulf %gather3A_794, %gather3A_798 : vector<16xf32>
      %add3A_800 = arith.addf %add3A_790, %mul3A_799 : vector<16xf32>
      %add3A_801 = arith.constant 6 : i32
      %add3A_802 = vector.broadcast %add3A_801 : i32 to vector<16xi32>
      %add3A_803 = arith.addi %shift_left3A_732, %add3A_802 : vector<16xi32>
      %gather3A_804 = tpu.vector_load_idx %arg11[%add3A_722, %add3A_803] : memref<128x128xf32, #tpu.memory_space<vmem>>[vector<16xi32>, vector<16xi32>], vector<16xf32>,
      %add3A_805 = arith.constant 6 : i32
      %add3A_806 = vector.broadcast %add3A_805 : i32 to vector<16xi32>
      %add3A_807 = arith.addi %shift_left3A_740, %add3A_806 : vector<16xi32>
      %gather3A_808 = tpu.vector_load_idx %arg12[%add3A_722, %add3A_807] : memref<128x128xf32, #tpu.memory_space<vmem>>[vector<16xi32>, vector<16xi32>], vector<16xf32>,
      %mul3A_809 = arith.mulf %gather3A_804, %gather3A_808 : vector<16xf32>
      %add3A_810 = arith.addf %add3A_800, %mul3A_809 : vector<16xf32>
      %add3A_811 = arith.constant 7 : i32
      %add3A_812 = vector.broadcast %add3A_811 : i32 to vector<16xi32>
      %add3A_813 = arith.addi %shift_left3A_732, %add3A_812 : vector<16xi32>
      %gather3A_814 = tpu.vector_load_idx %arg11[%add3A_722, %add3A_813] : memref<128x128xf32, #tpu.memory_space<vmem>>[vector<16xi32>, vector<16xi32>], vector<16xf32>,
      %add3A_815 = arith.constant 7 : i32
      %add3A_816 = vector.broadcast %add3A_815 : i32 to vector<16xi32>
      %add3A_817 = arith.addi %shift_left3A_740, %add3A_816 : vector<16xi32>
      %gather3A_818 = tpu.vector_load_idx %arg12[%add3A_722, %add3A_817] : memref<128x128xf32, #tpu.memory_space<vmem>>[vector<16xi32>, vector<16xi32>], vector<16xf32>,
      %mul3A_819 = arith.mulf %gather3A_814, %gather3A_818 : vector<16xf32>
      %add3A_820 = arith.addf %add3A_810, %mul3A_819 : vector<16xf32>
      %add3A_821 = arith.constant 8 : i32
      %add3A_822 = vector.broadcast %add3A_821 : i32 to vector<16xi32>
      %add3A_823 = arith.addi %shift_left3A_732, %add3A_822 : vector<16xi32>
      %gather3A_824 = tpu.vector_load_idx %arg11[%add3A_722, %add3A_823] : memref<128x128xf32, #tpu.memory_space<vmem>>[vector<16xi32>, vector<16xi32>], vector<16xf32>,
      %add3A_825 = arith.constant 8 : i32
      %add3A_826 = vector.broadcast %add3A_825 : i32 to vector<16xi32>
      %add3A_827 = arith.addi %shift_left3A_740, %add3A_826 : vector<16xi32>
      %gather3A_828 = tpu.vector_load_idx %arg12[%add3A_722, %add3A_827] : memref<128x128xf32, #tpu.memory_space<vmem>>[vector<16xi32>, vector<16xi32>], vector<16xf32>,
      %mul3A_829 = arith.mulf %gather3A_824, %gather3A_828 : vector<16xf32>
      %add3A_830 = arith.addf %add3A_820, %mul3A_829 : vector<16xf32>
      %add3A_831 = arith.constant 9 : i32
      %add3A_832 = vector.broadcast %add3A_831 : i32 to vector<16xi32>
      %add3A_833 = arith.addi %shift_left3A_732, %add3A_832 : vector<16xi32>
      %gather3A_834 = tpu.vector_load_idx %arg11[%add3A_722, %add3A_833] : memref<128x128xf32, #tpu.memory_space<vmem>>[vector<16xi32>, vector<16xi32>], vector<16xf32>,
      %add3A_835 = arith.constant 9 : i32
      %add3A_836 = vector.broadcast %add3A_835 : i32 to vector<16xi32>
      %add3A_837 = arith.addi %shift_left3A_740, %add3A_836 : vector<16xi32>
      %gather3A_838 = tpu.vector_load_idx %arg12[%add3A_722, %add3A_837] : memref<128x128xf32, #tpu.memory_space<vmem>>[vector<16xi32>, vector<16xi32>], vector<16xf32>,
      %mul3A_839 = arith.mulf %gather3A_834, %gather3A_838 : vector<16xf32>
      %add3A_840 = arith.addf %add3A_830, %mul3A_839 : vector<16xf32>
      %add3A_841 = arith.constant 10 : i32
      %add3A_842 = vector.broadcast %add3A_841 : i32 to vector<16xi32>
      %add3A_843 = arith.addi %shift_left3A_732, %add3A_842 : vector<16xi32>
      %gather3A_844 = tpu.vector_load_idx %arg11[%add3A_722, %add3A_843] : memref<128x128xf32, #tpu.memory_space<vmem>>[vector<16xi32>, vector<16xi32>], vector<16xf32>,
      %add3A_845 = arith.constant 10 : i32
      %add3A_846 = vector.broadcast %add3A_845 : i32 to vector<16xi32>
      %add3A_847 = arith.addi %shift_left3A_740, %add3A_846 : vector<16xi32>
      %gather3A_848 = tpu.vector_load_idx %arg12[%add3A_722, %add3A_847] : memref<128x128xf32, #tpu.memory_space<vmem>>[vector<16xi32>, vector<16xi32>], vector<16xf32>,
      %mul3A_849 = arith.mulf %gather3A_844, %gather3A_848 : vector<16xf32>
      %add3A_850 = arith.addf %add3A_840, %mul3A_849 : vector<16xf32>
      %add3A_851 = arith.constant 11 : i32
      %add3A_852 = vector.broadcast %add3A_851 : i32 to vector<16xi32>
      %add3A_853 = arith.addi %shift_left3A_732, %add3A_852 : vector<16xi32>
      %gather3A_854 = tpu.vector_load_idx %arg11[%add3A_722, %add3A_853] : memref<128x128xf32, #tpu.memory_space<vmem>>[vector<16xi32>, vector<16xi32>], vector<16xf32>,
      %add3A_855 = arith.constant 11 : i32
      %add3A_856 = vector.broadcast %add3A_855 : i32 to vector<16xi32>
      %add3A_857 = arith.addi %shift_left3A_740, %add3A_856 : vector<16xi32>
      %gather3A_858 = tpu.vector_load_idx %arg12[%add3A_722, %add3A_857] : memref<128x128xf32, #tpu.memory_space<vmem>>[vector<16xi32>, vector<16xi32>], vector<16xf32>,
      %mul3A_859 = arith.mulf %gather3A_854, %gather3A_858 : vector<16xf32>
      %add3A_860 = arith.addf %add3A_850, %mul3A_859 : vector<16xf32>
      %add3A_861 = arith.constant 12 : i32
      %add3A_862 = vector.broadcast %add3A_861 : i32 to vector<16xi32>
      %add3A_863 = arith.addi %shift_left3A_732, %add3A_862 : vector<16xi32>
      %gather3A_864 = tpu.vector_load_idx %arg11[%add3A_722, %add3A_863] : memref<128x128xf32, #tpu.memory_space<vmem>>[vector<16xi32>, vector<16xi32>], vector<16xf32>,
      %add3A_865 = arith.constant 12 : i32
      %add3A_866 = vector.broadcast %add3A_865 : i32 to vector<16xi32>
      %add3A_867 = arith.addi %shift_left3A_740, %add3A_866 : vector<16xi32>
      %gather3A_868 = tpu.vector_load_idx %arg12[%add3A_722, %add3A_867] : memref<128x128xf32, #tpu.memory_space<vmem>>[vector<16xi32>, vector<16xi32>], vector<16xf32>,
      %mul3A_869 = arith.mulf %gather3A_864, %gather3A_868 : vector<16xf32>
      %add3A_870 = arith.addf %add3A_860, %mul3A_869 : vector<16xf32>
      %add3A_871 = arith.constant 13 : i32
      %add3A_872 = vector.broadcast %add3A_871 : i32 to vector<16xi32>
      %add3A_873 = arith.addi %shift_left3A_732, %add3A_872 : vector<16xi32>
      %gather3A_874 = tpu.vector_load_idx %arg11[%add3A_722, %add3A_873] : memref<128x128xf32, #tpu.memory_space<vmem>>[vector<16xi32>, vector<16xi32>], vector<16xf32>,
      %add3A_875 = arith.constant 13 : i32
      %add3A_876 = vector.broadcast %add3A_875 : i32 to vector<16xi32>
      %add3A_877 = arith.addi %shift_left3A_740, %add3A_876 : vector<16xi32>
      %gather3A_878 = tpu.vector_load_idx %arg12[%add3A_722, %add3A_877] : memref<128x128xf32, #tpu.memory_space<vmem>>[vector<16xi32>, vector<16xi32>], vector<16xf32>,
      %mul3A_879 = arith.mulf %gather3A_874, %gather3A_878 : vector<16xf32>
      %add3A_880 = arith.addf %add3A_870, %mul3A_879 : vector<16xf32>
      %add3A_881 = arith.constant 14 : i32
      %add3A_882 = vector.broadcast %add3A_881 : i32 to vector<16xi32>
      %add3A_883 = arith.addi %shift_left3A_732, %add3A_882 : vector<16xi32>
      %gather3A_884 = tpu.vector_load_idx %arg11[%add3A_722, %add3A_883] : memref<128x128xf32, #tpu.memory_space<vmem>>[vector<16xi32>, vector<16xi32>], vector<16xf32>,
      %add3A_885 = arith.constant 14 : i32
      %add3A_886 = vector.broadcast %add3A_885 : i32 to vector<16xi32>
      %add3A_887 = arith.addi %shift_left3A_740, %add3A_886 : vector<16xi32>
      %gather3A_888 = tpu.vector_load_idx %arg12[%add3A_722, %add3A_887] : memref<128x128xf32, #tpu.memory_space<vmem>>[vector<16xi32>, vector<16xi32>], vector<16xf32>,
      %mul3A_889 = arith.mulf %gather3A_884, %gather3A_888 : vector<16xf32>
      %add3A_890 = arith.addf %add3A_880, %mul3A_889 : vector<16xf32>
      %add3A_891 = arith.constant 15 : i32
      %add3A_892 = vector.broadcast %add3A_891 : i32 to vector<16xi32>
      %add3A_893 = arith.addi %shift_left3A_732, %add3A_892 : vector<16xi32>
      %gather3A_894 = tpu.vector_load_idx %arg11[%add3A_722, %add3A_893] : memref<128x128xf32, #tpu.memory_space<vmem>>[vector<16xi32>, vector<16xi32>], vector<16xf32>,
      %add3A_895 = arith.constant 15 : i32
      %add3A_896 = vector.broadcast %add3A_895 : i32 to vector<16xi32>
      %add3A_897 = arith.addi %shift_left3A_740, %add3A_896 : vector<16xi32>
      %gather3A_898 = tpu.vector_load_idx %arg12[%add3A_722, %add3A_897] : memref<128x128xf32, #tpu.memory_space<vmem>>[vector<16xi32>, vector<16xi32>], vector<16xf32>,
      %mul3A_899 = arith.mulf %gather3A_894, %gather3A_898 : vector<16xf32>
      %add3A_900 = arith.addf %add3A_890, %mul3A_899 : vector<16xf32>
      %add3A_901 = arith.constant 16 : i32
      %add3A_902 = vector.broadcast %add3A_901 : i32 to vector<16xi32>
      %add3A_903 = arith.addi %shift_left3A_732, %add3A_902 : vector<16xi32>
      %gather3A_904 = tpu.vector_load_idx %arg11[%add3A_722, %add3A_903] : memref<128x128xf32, #tpu.memory_space<vmem>>[vector<16xi32>, vector<16xi32>], vector<16xf32>,
      %add3A_905 = arith.constant 16 : i32
      %add3A_906 = vector.broadcast %add3A_905 : i32 to vector<16xi32>
      %add3A_907 = arith.addi %shift_left3A_740, %add3A_906 : vector<16xi32>
      %gather3A_908 = tpu.vector_load_idx %arg12[%add3A_722, %add3A_907] : memref<128x128xf32, #tpu.memory_space<vmem>>[vector<16xi32>, vector<16xi32>], vector<16xf32>,
      %mul3A_909 = arith.mulf %gather3A_904, %gather3A_908 : vector<16xf32>
      %add3A_910 = arith.addf %add3A_900, %mul3A_909 : vector<16xf32>
      %add3A_911 = arith.constant 17 : i32
      %add3A_912 = vector.broadcast %add3A_911 : i32 to vector<16xi32>
      %add3A_913 = arith.addi %shift_left3A_732, %add3A_912 : vector<16xi32>
      %gather3A_914 = tpu.vector_load_idx %arg11[%add3A_722, %add3A_913] : memref<128x128xf32, #tpu.memory_space<vmem>>[vector<16xi32>, vector<16xi32>], vector<16xf32>,
      %add3A_915 = arith.constant 17 : i32
      %add3A_916 = vector.broadcast %add3A_915 : i32 to vector<16xi32>
      %add3A_917 = arith.addi %shift_left3A_740, %add3A_916 : vector<16xi32>
      %gather3A_918 = tpu.vector_load_idx %arg12[%add3A_722, %add3A_917] : memref<128x128xf32, #tpu.memory_space<vmem>>[vector<16xi32>, vector<16xi32>], vector<16xf32>,
      %mul3A_919 = arith.mulf %gather3A_914, %gather3A_918 : vector<16xf32>
      %add3A_920 = arith.addf %add3A_910, %mul3A_919 : vector<16xf32>
      %add3A_921 = arith.constant 18 : i32
      %add3A_922 = vector.broadcast %add3A_921 : i32 to vector<16xi32>
      %add3A_923 = arith.addi %shift_left3A_732, %add3A_922 : vector<16xi32>
      %gather3A_924 = tpu.vector_load_idx %arg11[%add3A_722, %add3A_923] : memref<128x128xf32, #tpu.memory_space<vmem>>[vector<16xi32>, vector<16xi32>], vector<16xf32>,
      %add3A_925 = arith.constant 18 : i32
      %add3A_926 = vector.broadcast %add3A_925 : i32 to vector<16xi32>
      %add3A_927 = arith.addi %shift_left3A_740, %add3A_926 : vector<16xi32>
      %gather3A_928 = tpu.vector_load_idx %arg12[%add3A_722, %add3A_927] : memref<128x128xf32, #tpu.memory_space<vmem>>[vector<16xi32>, vector<16xi32>], vector<16xf32>,
      %mul3A_929 = arith.mulf %gather3A_924, %gather3A_928 : vector<16xf32>
      %add3A_930 = arith.addf %add3A_920, %mul3A_929 : vector<16xf32>
      %add3A_931 = arith.constant 19 : i32
      %add3A_932 = vector.broadcast %add3A_931 : i32 to vector<16xi32>
      %add3A_933 = arith.addi %shift_left3A_732, %add3A_932 : vector<16xi32>
      %gather3A_934 = tpu.vector_load_idx %arg11[%add3A_722, %add3A_933] : memref<128x128xf32, #tpu.memory_space<vmem>>[vector<16xi32>, vector<16xi32>], vector<16xf32>,
      %add3A_935 = arith.constant 19 : i32
      %add3A_936 = vector.broadcast %add3A_935 : i32 to vector<16xi32>
      %add3A_937 = arith.addi %shift_left3A_740, %add3A_936 : vector<16xi32>
      %gather3A_938 = tpu.vector_load_idx %arg12[%add3A_722, %add3A_937] : memref<128x128xf32, #tpu.memory_space<vmem>>[vector<16xi32>, vector<16xi32>], vector<16xf32>,
      %mul3A_939 = arith.mulf %gather3A_934, %gather3A_938 : vector<16xf32>
      %add3A_940 = arith.addf %add3A_930, %mul3A_939 : vector<16xf32>
      %add3A_941 = arith.constant 20 : i32
      %add3A_942 = vector.broadcast %add3A_941 : i32 to vector<16xi32>
      %add3A_943 = arith.addi %shift_left3A_732, %add3A_942 : vector<16xi32>
      %gather3A_944 = tpu.vector_load_idx %arg11[%add3A_722, %add3A_943] : memref<128x128xf32, #tpu.memory_space<vmem>>[vector<16xi32>, vector<16xi32>], vector<16xf32>,
      %add3A_945 = arith.constant 20 : i32
      %add3A_946 = vector.broadcast %add3A_945 : i32 to vector<16xi32>
      %add3A_947 = arith.addi %shift_left3A_740, %add3A_946 : vector<16xi32>
      %gather3A_948 = tpu.vector_load_idx %arg12[%add3A_722, %add3A_947] : memref<128x128xf32, #tpu.memory_space<vmem>>[vector<16xi32>, vector<16xi32>], vector<16xf32>,
      %mul3A_949 = arith.mulf %gather3A_944, %gather3A_948 : vector<16xf32>
      %add3A_950 = arith.addf %add3A_940, %mul3A_949 : vector<16xf32>
      %add3A_951 = arith.constant 21 : i32
      %add3A_952 = vector.broadcast %add3A_951 : i32 to vector<16xi32>
      %add3A_953 = arith.addi %shift_left3A_732, %add3A_952 : vector<16xi32>
      %gather3A_954 = tpu.vector_load_idx %arg11[%add3A_722, %add3A_953] : memref<128x128xf32, #tpu.memory_space<vmem>>[vector<16xi32>, vector<16xi32>], vector<16xf32>,
      %add3A_955 = arith.constant 21 : i32
      %add3A_956 = vector.broadcast %add3A_955 : i32 to vector<16xi32>
      %add3A_957 = arith.addi %shift_left3A_740, %add3A_956 : vector<16xi32>
      %gather3A_958 = tpu.vector_load_idx %arg12[%add3A_722, %add3A_957] : memref<128x128xf32, #tpu.memory_space<vmem>>[vector<16xi32>, vector<16xi32>], vector<16xf32>,
      %mul3A_959 = arith.mulf %gather3A_954, %gather3A_958 : vector<16xf32>
      %add3A_960 = arith.addf %add3A_950, %mul3A_959 : vector<16xf32>
      %add3A_961 = arith.constant 22 : i32
      %add3A_962 = vector.broadcast %add3A_961 : i32 to vector<16xi32>
      %add3A_963 = arith.addi %shift_left3A_732, %add3A_962 : vector<16xi32>
      %gather3A_964 = tpu.vector_load_idx %arg11[%add3A_722, %add3A_963] : memref<128x128xf32, #tpu.memory_space<vmem>>[vector<16xi32>, vector<16xi32>], vector<16xf32>,
      %add3A_965 = arith.constant 22 : i32
      %add3A_966 = vector.broadcast %add3A_965 : i32 to vector<16xi32>
      %add3A_967 = arith.addi %shift_left3A_740, %add3A_966 : vector<16xi32>
      %gather3A_968 = tpu.vector_load_idx %arg12[%add3A_722, %add3A_967] : memref<128x128xf32, #tpu.memory_space<vmem>>[vector<16xi32>, vector<16xi32>], vector<16xf32>,
      %mul3A_969 = arith.mulf %gather3A_964, %gather3A_968 : vector<16xf32>
      %add3A_970 = arith.addf %add3A_960, %mul3A_969 : vector<16xf32>
      %add3A_971 = arith.constant 23 : i32
      %add3A_972 = vector.broadcast %add3A_971 : i32 to vector<16xi32>
      %add3A_973 = arith.addi %shift_left3A_732, %add3A_972 : vector<16xi32>
      %gather3A_974 = tpu.vector_load_idx %arg11[%add3A_722, %add3A_973] : memref<128x128xf32, #tpu.memory_space<vmem>>[vector<16xi32>, vector<16xi32>], vector<16xf32>,
      %add3A_975 = arith.constant 23 : i32
      %add3A_976 = vector.broadcast %add3A_975 : i32 to vector<16xi32>
      %add3A_977 = arith.addi %shift_left3A_740, %add3A_976 : vector<16xi32>
      %gather3A_978 = tpu.vector_load_idx %arg12[%add3A_722, %add3A_977] : memref<128x128xf32, #tpu.memory_space<vmem>>[vector<16xi32>, vector<16xi32>], vector<16xf32>,
      %mul3A_979 = arith.mulf %gather3A_974, %gather3A_978 : vector<16xf32>
      %add3A_980 = arith.addf %add3A_970, %mul3A_979 : vector<16xf32>
      %add3A_981 = arith.constant 24 : i32
      %add3A_982 = vector.broadcast %add3A_981 : i32 to vector<16xi32>
      %add3A_983 = arith.addi %shift_left3A_732, %add3A_982 : vector<16xi32>
      %gather3A_984 = tpu.vector_load_idx %arg11[%add3A_722, %add3A_983] : memref<128x128xf32, #tpu.memory_space<vmem>>[vector<16xi32>, vector<16xi32>], vector<16xf32>,
      %add3A_985 = arith.constant 24 : i32
      %add3A_986 = vector.broadcast %add3A_985 : i32 to vector<16xi32>
      %add3A_987 = arith.addi %shift_left3A_740, %add3A_986 : vector<16xi32>
      %gather3A_988 = tpu.vector_load_idx %arg12[%add3A_722, %add3A_987] : memref<128x128xf32, #tpu.memory_space<vmem>>[vector<16xi32>, vector<16xi32>], vector<16xf32>,
      %mul3A_989 = arith.mulf %gather3A_984, %gather3A_988 : vector<16xf32>
      %add3A_990 = arith.addf %add3A_980, %mul3A_989 : vector<16xf32>
      %add3A_991 = arith.constant 25 : i32
      %add3A_992 = vector.broadcast %add3A_991 : i32 to vector<16xi32>
      %add3A_993 = arith.addi %shift_left3A_732, %add3A_992 : vector<16xi32>
      %gather3A_994 = tpu.vector_load_idx %arg11[%add3A_722, %add3A_993] : memref<128x128xf32, #tpu.memory_space<vmem>>[vector<16xi32>, vector<16xi32>], vector<16xf32>,
      %add3A_995 = arith.constant 25 : i32
      %add3A_996 = vector.broadcast %add3A_995 : i32 to vector<16xi32>
      %add3A_997 = arith.addi %shift_left3A_740, %add3A_996 : vector<16xi32>
      %gather3A_998 = tpu.vector_load_idx %arg12[%add3A_722, %add3A_997] : memref<128x128xf32, #tpu.memory_space<vmem>>[vector<16xi32>, vector<16xi32>], vector<16xf32>,
      %mul3A_999 = arith.mulf %gather3A_994, %gather3A_998 : vector<16xf32>
      %add3A_1000 = arith.addf %add3A_990, %mul3A_999 : vector<16xf32>
      %add3A_1001 = arith.constant 26 : i32
      %add3A_1002 = vector.broadcast %add3A_1001 : i32 to vector<16xi32>
      %add3A_1003 = arith.addi %shift_left3A_732, %add3A_1002 : vector<16xi32>
      %gather3A_1004 = tpu.vector_load_idx %arg11[%add3A_722, %add3A_1003] : memref<128x128xf32, #tpu.memory_space<vmem>>[vector<16xi32>, vector<16xi32>], vector<16xf32>,
      %add3A_1005 = arith.constant 26 : i32
      %add3A_1006 = vector.broadcast %add3A_1005 : i32 to vector<16xi32>
      %add3A_1007 = arith.addi %shift_left3A_740, %add3A_1006 : vector<16xi32>
      %gather3A_1008 = tpu.vector_load_idx %arg12[%add3A_722, %add3A_1007] : memref<128x128xf32, #tpu.memory_space<vmem>>[vector<16xi32>, vector<16xi32>], vector<16xf32>,
      %mul3A_1009 = arith.mulf %gather3A_1004, %gather3A_1008 : vector<16xf32>
      %add3A_1010 = arith.addf %add3A_1000, %mul3A_1009 : vector<16xf32>
      %add3A_1011 = arith.constant 27 : i32
      %add3A_1012 = vector.broadcast %add3A_1011 : i32 to vector<16xi32>
      %add3A_1013 = arith.addi %shift_left3A_732, %add3A_1012 : vector<16xi32>
      %gather3A_1014 = tpu.vector_load_idx %arg11[%add3A_722, %add3A_1013] : memref<128x128xf32, #tpu.memory_space<vmem>>[vector<16xi32>, vector<16xi32>], vector<16xf32>,
      %add3A_1015 = arith.constant 27 : i32
      %add3A_1016 = vector.broadcast %add3A_1015 : i32 to vector<16xi32>
      %add3A_1017 = arith.addi %shift_left3A_740, %add3A_1016 : vector<16xi32>
      %gather3A_1018 = tpu.vector_load_idx %arg12[%add3A_722, %add3A_1017] : memref<128x128xf32, #tpu.memory_space<vmem>>[vector<16xi32>, vector<16xi32>], vector<16xf32>,
      %mul3A_1019 = arith.mulf %gather3A_1014, %gather3A_1018 : vector<16xf32>
      %add3A_1020 = arith.addf %add3A_1010, %mul3A_1019 : vector<16xf32>
      %add3A_1021 = arith.constant 28 : i32
      %add3A_1022 = vector.broadcast %add3A_1021 : i32 to vector<16xi32>
      %add3A_1023 = arith.addi %shift_left3A_732, %add3A_1022 : vector<16xi32>
      %gather3A_1024 = tpu.vector_load_idx %arg11[%add3A_722, %add3A_1023] : memref<128x128xf32, #tpu.memory_space<vmem>>[vector<16xi32>, vector<16xi32>], vector<16xf32>,
      %add3A_1025 = arith.constant 28 : i32
      %add3A_1026 = vector.broadcast %add3A_1025 : i32 to vector<16xi32>
      %add3A_1027 = arith.addi %shift_left3A_740, %add3A_1026 : vector<16xi32>
      %gather3A_1028 = tpu.vector_load_idx %arg12[%add3A_722, %add3A_1027] : memref<128x128xf32, #tpu.memory_space<vmem>>[vector<16xi32>, vector<16xi32>], vector<16xf32>,
      %mul3A_1029 = arith.mulf %gather3A_1024, %gather3A_1028 : vector<16xf32>
      %add3A_1030 = arith.addf %add3A_1020, %mul3A_1029 : vector<16xf32>
      %add3A_1031 = arith.constant 29 : i32
      %add3A_1032 = vector.broadcast %add3A_1031 : i32 to vector<16xi32>
      %add3A_1033 = arith.addi %shift_left3A_732, %add3A_1032 : vector<16xi32>
      %gather3A_1034 = tpu.vector_load_idx %arg11[%add3A_722, %add3A_1033] : memref<128x128xf32, #tpu.memory_space<vmem>>[vector<16xi32>, vector<16xi32>], vector<16xf32>,
      %add3A_1035 = arith.constant 29 : i32
      %add3A_1036 = vector.broadcast %add3A_1035 : i32 to vector<16xi32>
      %add3A_1037 = arith.addi %shift_left3A_740, %add3A_1036 : vector<16xi32>
      %gather3A_1038 = tpu.vector_load_idx %arg12[%add3A_722, %add3A_1037] : memref<128x128xf32, #tpu.memory_space<vmem>>[vector<16xi32>, vector<16xi32>], vector<16xf32>,
      %mul3A_1039 = arith.mulf %gather3A_1034, %gather3A_1038 : vector<16xf32>
      %add3A_1040 = arith.addf %add3A_1030, %mul3A_1039 : vector<16xf32>
      %add3A_1041 = arith.constant 30 : i32
      %add3A_1042 = vector.broadcast %add3A_1041 : i32 to vector<16xi32>
      %add3A_1043 = arith.addi %shift_left3A_732, %add3A_1042 : vector<16xi32>
      %gather3A_1044 = tpu.vector_load_idx %arg11[%add3A_722, %add3A_1043] : memref<128x128xf32, #tpu.memory_space<vmem>>[vector<16xi32>, vector<16xi32>], vector<16xf32>,
      %add3A_1045 = arith.constant 30 : i32
      %add3A_1046 = vector.broadcast %add3A_1045 : i32 to vector<16xi32>
      %add3A_1047 = arith.addi %shift_left3A_740, %add3A_1046 : vector<16xi32>
      %gather3A_1048 = tpu.vector_load_idx %arg12[%add3A_722, %add3A_1047] : memref<128x128xf32, #tpu.memory_space<vmem>>[vector<16xi32>, vector<16xi32>], vector<16xf32>,
      %mul3A_1049 = arith.mulf %gather3A_1044, %gather3A_1048 : vector<16xf32>
      %add3A_1050 = arith.addf %add3A_1040, %mul3A_1049 : vector<16xf32>
      %add3A_1051 = arith.constant 31 : i32
      %add3A_1052 = vector.broadcast %add3A_1051 : i32 to vector<16xi32>
      %add3A_1053 = arith.addi %shift_left3A_732, %add3A_1052 : vector<16xi32>
      %gather3A_1054 = tpu.vector_load_idx %arg11[%add3A_722, %add3A_1053] : memref<128x128xf32, #tpu.memory_space<vmem>>[vector<16xi32>, vector<16xi32>], vector<16xf32>,
      %add3A_1055 = arith.constant 31 : i32
      %add3A_1056 = vector.broadcast %add3A_1055 : i32 to vector<16xi32>
      %add3A_1057 = arith.addi %shift_left3A_740, %add3A_1056 : vector<16xi32>
      %gather3A_1058 = tpu.vector_load_idx %arg12[%add3A_722, %add3A_1057] : memref<128x128xf32, #tpu.memory_space<vmem>>[vector<16xi32>, vector<16xi32>], vector<16xf32>,
      %mul3A_1059 = arith.mulf %gather3A_1054, %gather3A_1058 : vector<16xf32>
      %add3A_1060 = arith.addf %add3A_1050, %mul3A_1059 : vector<16xf32>
      %mul3A_1061 = arith.constant 16 : i32
      %mul3A_1062 = arith.muli %scan3A_717, %mul3A_1061 : i32
      %add3A_1063 = arith.constant 256 : i32
      %add3A_1064 = arith.addi %add3A_1063, %mul3A_1062 : i32
      %swap3A_1065 = arith.index_cast %add3A_1064 : i32 to index
      %swap3A_1066 = tpu.vector_load %arg15[%swap3A_1065] {strides = array<i32>} : memref<512xf32, #tpu.memory_space<vmem>>, vector<16xf32>,
      tpu.vector_store %arg15[%swap3A_1065], %add3A_1060 {strides = array<i32>} : memref<512xf32, #tpu.memory_space<vmem>>, vector<16xf32>,
      %scan3A_1067 = arith.constant 0 : i32
      scf.yield %scan3A_1067 : i32
    }
    %scan3A_693 = arith.constant 8 : i32
    %dma_wait3A_694 = arith.constant 3 : i32
    %dma_wait3A_695 = arith.constant 0 : i32
    %dma_wait3A_696 = tpu.memref_slice %arg9[%dma_wait3A_694, %dma_wait3A_695] : memref<4x128xi32, #tpu.memory_space<vmem>> -> memref<1x128xi32, #tpu.memory_space<vmem>>
    %dma_wait3A_697 = tpu.memref_squeeze %dma_wait3A_696 : memref<1x128xi32, #tpu.memory_space<vmem>> -> memref<128xi32, #tpu.memory_space<vmem>>
    %dma_wait3A_698 = arith.constant 0 : i32
    %dma_wait3A_699 = arith.constant 0 : i32
    %dma_wait3A_700 = tpu.memref_slice %arg4[%dma_wait3A_698, %dma_wait3A_699] : memref<250000x128xf32, #tpu.memory_space<hbm>> -> memref<250000x128xf32, #tpu.memory_space<hbm>>
    tpu.wait_indirect_dma semaphore(%arg17 : memref<!tpu.dma_semaphore, #tpu.memory_space<semaphore_mem>>) src(%dma_wait3A_700 : memref<250000x128xf32, #tpu.memory_space<hbm>>) dst(%arg13 : memref<128x128xf32, #tpu.memory_space<vmem>>)
    %dma_wait3A_701 = arith.constant 3 : i32
    %dma_wait3A_702 = arith.constant 0 : i32
    %dma_wait3A_703 = tpu.memref_slice %arg10[%dma_wait3A_701, %dma_wait3A_702] : memref<4x128xi32, #tpu.memory_space<vmem>> -> memref<1x128xi32, #tpu.memory_space<vmem>>
    %dma_wait3A_704 = tpu.memref_squeeze %dma_wait3A_703 : memref<1x128xi32, #tpu.memory_space<vmem>> -> memref<128xi32, #tpu.memory_space<vmem>>
    %dma_wait3A_705 = arith.constant 0 : i32
    %dma_wait3A_706 = arith.constant 0 : i32
    %dma_wait3A_707 = tpu.memref_slice %arg5[%dma_wait3A_705, %dma_wait3A_706] : memref<250000x128xf32, #tpu.memory_space<hbm>> -> memref<250000x128xf32, #tpu.memory_space<hbm>>
    tpu.wait_indirect_dma semaphore(%arg17 : memref<!tpu.dma_semaphore, #tpu.memory_space<semaphore_mem>>) src(%dma_wait3A_707 : memref<250000x128xf32, #tpu.memory_space<hbm>>) dst(%arg14 : memref<128x128xf32, #tpu.memory_space<vmem>>)
    %scan3A_708 = arith.constant 0 : i32
    %scan3A_709 = arith.constant 0 : i32
    %scan3A_710 = arith.constant 8 : i32
    %scan3A_711 = arith.addi %scan3A_709, %scan3A_710 : i32
    %scan3A_712 = arith.constant 1 : i32
    %scan3A_713 = scf.for %scan3A_717 = %scan3A_709 to %scan3A_711 step %scan3A_712 iter_args(%scan3A_718 = %scan3A_708) -> (i32)  : i32 {
      %mul3A_719 = arith.constant 16 : i32
      %mul3A_720 = arith.muli %scan3A_717, %mul3A_719 : i32
      %add3A_721 = vector.broadcast %mul3A_720 : i32 to vector<16xi32>
      %add3A_722 = arith.addi %iota3A, %add3A_721 : vector<16xi32>
      %mul3A_723 = arith.constant 16 : i32
      %mul3A_724 = arith.muli %scan3A_717, %mul3A_723 : i32
      %add3A_725 = arith.constant 384 : i32
      %add3A_726 = arith.addi %add3A_725, %mul3A_724 : i32
      %get3A_727 = arith.index_cast %add3A_726 : i32 to index
      %get3A_728 = tpu.vector_load %arg7[%get3A_727] {strides = array<i32>} : memref<512xi32, #tpu.memory_space<vmem>>, vector<16xi32>,
      %and3A = arith.constant 3 : i32
      %and3A_729 = vector.broadcast %and3A : i32 to vector<16xi32>
      %and3A_730 = arith.andi %get3A_728, %and3A_729 : vector<16xi32>
      %shift_left3A = arith.constant 5 : i32
      %shift_left3A_731 = vector.broadcast %shift_left3A : i32 to vector<16xi32>
      %shift_left3A_732 = arith.shli %and3A_730, %shift_left3A_731 : vector<16xi32>
      %get3A_733 = arith.index_cast %add3A_726 : i32 to index
      %get3A_734 = tpu.vector_load %arg8[%get3A_733] {strides = array<i32>} : memref<512xi32, #tpu.memory_space<vmem>>, vector<16xi32>,
      %and3A_735 = arith.constant 3 : i32
      %and3A_736 = vector.broadcast %and3A_735 : i32 to vector<16xi32>
      %and3A_737 = arith.andi %get3A_734, %and3A_736 : vector<16xi32>
      %shift_left3A_738 = arith.constant 5 : i32
      %shift_left3A_739 = vector.broadcast %shift_left3A_738 : i32 to vector<16xi32>
      %shift_left3A_740 = arith.shli %and3A_737, %shift_left3A_739 : vector<16xi32>
      %broadcast_in_dim3A = arith.constant 0.000000e+00 : f32
      %broadcast_in_dim3A_741 = vector.broadcast %broadcast_in_dim3A : f32 to vector<16xf32>
      %add3A_742 = arith.constant 0 : i32
      %add3A_743 = vector.broadcast %add3A_742 : i32 to vector<16xi32>
      %add3A_744 = arith.addi %shift_left3A_732, %add3A_743 : vector<16xi32>
      %gather3A = tpu.vector_load_idx %arg13[%add3A_722, %add3A_744] : memref<128x128xf32, #tpu.memory_space<vmem>>[vector<16xi32>, vector<16xi32>], vector<16xf32>,
      %add3A_745 = arith.constant 0 : i32
      %add3A_746 = vector.broadcast %add3A_745 : i32 to vector<16xi32>
      %add3A_747 = arith.addi %shift_left3A_740, %add3A_746 : vector<16xi32>
      %gather3A_748 = tpu.vector_load_idx %arg14[%add3A_722, %add3A_747] : memref<128x128xf32, #tpu.memory_space<vmem>>[vector<16xi32>, vector<16xi32>], vector<16xf32>,
      %mul3A_749 = arith.mulf %gather3A, %gather3A_748 : vector<16xf32>
      %add3A_750 = arith.addf %broadcast_in_dim3A_741, %mul3A_749 : vector<16xf32>
      %add3A_751 = arith.constant 1 : i32
      %add3A_752 = vector.broadcast %add3A_751 : i32 to vector<16xi32>
      %add3A_753 = arith.addi %shift_left3A_732, %add3A_752 : vector<16xi32>
      %gather3A_754 = tpu.vector_load_idx %arg13[%add3A_722, %add3A_753] : memref<128x128xf32, #tpu.memory_space<vmem>>[vector<16xi32>, vector<16xi32>], vector<16xf32>,
      %add3A_755 = arith.constant 1 : i32
      %add3A_756 = vector.broadcast %add3A_755 : i32 to vector<16xi32>
      %add3A_757 = arith.addi %shift_left3A_740, %add3A_756 : vector<16xi32>
      %gather3A_758 = tpu.vector_load_idx %arg14[%add3A_722, %add3A_757] : memref<128x128xf32, #tpu.memory_space<vmem>>[vector<16xi32>, vector<16xi32>], vector<16xf32>,
      %mul3A_759 = arith.mulf %gather3A_754, %gather3A_758 : vector<16xf32>
      %add3A_760 = arith.addf %add3A_750, %mul3A_759 : vector<16xf32>
      %add3A_761 = arith.constant 2 : i32
      %add3A_762 = vector.broadcast %add3A_761 : i32 to vector<16xi32>
      %add3A_763 = arith.addi %shift_left3A_732, %add3A_762 : vector<16xi32>
      %gather3A_764 = tpu.vector_load_idx %arg13[%add3A_722, %add3A_763] : memref<128x128xf32, #tpu.memory_space<vmem>>[vector<16xi32>, vector<16xi32>], vector<16xf32>,
      %add3A_765 = arith.constant 2 : i32
      %add3A_766 = vector.broadcast %add3A_765 : i32 to vector<16xi32>
      %add3A_767 = arith.addi %shift_left3A_740, %add3A_766 : vector<16xi32>
      %gather3A_768 = tpu.vector_load_idx %arg14[%add3A_722, %add3A_767] : memref<128x128xf32, #tpu.memory_space<vmem>>[vector<16xi32>, vector<16xi32>], vector<16xf32>,
      %mul3A_769 = arith.mulf %gather3A_764, %gather3A_768 : vector<16xf32>
      %add3A_770 = arith.addf %add3A_760, %mul3A_769 : vector<16xf32>
      %add3A_771 = arith.constant 3 : i32
      %add3A_772 = vector.broadcast %add3A_771 : i32 to vector<16xi32>
      %add3A_773 = arith.addi %shift_left3A_732, %add3A_772 : vector<16xi32>
      %gather3A_774 = tpu.vector_load_idx %arg13[%add3A_722, %add3A_773] : memref<128x128xf32, #tpu.memory_space<vmem>>[vector<16xi32>, vector<16xi32>], vector<16xf32>,
      %add3A_775 = arith.constant 3 : i32
      %add3A_776 = vector.broadcast %add3A_775 : i32 to vector<16xi32>
      %add3A_777 = arith.addi %shift_left3A_740, %add3A_776 : vector<16xi32>
      %gather3A_778 = tpu.vector_load_idx %arg14[%add3A_722, %add3A_777] : memref<128x128xf32, #tpu.memory_space<vmem>>[vector<16xi32>, vector<16xi32>], vector<16xf32>,
      %mul3A_779 = arith.mulf %gather3A_774, %gather3A_778 : vector<16xf32>
      %add3A_780 = arith.addf %add3A_770, %mul3A_779 : vector<16xf32>
      %add3A_781 = arith.constant 4 : i32
      %add3A_782 = vector.broadcast %add3A_781 : i32 to vector<16xi32>
      %add3A_783 = arith.addi %shift_left3A_732, %add3A_782 : vector<16xi32>
      %gather3A_784 = tpu.vector_load_idx %arg13[%add3A_722, %add3A_783] : memref<128x128xf32, #tpu.memory_space<vmem>>[vector<16xi32>, vector<16xi32>], vector<16xf32>,
      %add3A_785 = arith.constant 4 : i32
      %add3A_786 = vector.broadcast %add3A_785 : i32 to vector<16xi32>
      %add3A_787 = arith.addi %shift_left3A_740, %add3A_786 : vector<16xi32>
      %gather3A_788 = tpu.vector_load_idx %arg14[%add3A_722, %add3A_787] : memref<128x128xf32, #tpu.memory_space<vmem>>[vector<16xi32>, vector<16xi32>], vector<16xf32>,
      %mul3A_789 = arith.mulf %gather3A_784, %gather3A_788 : vector<16xf32>
      %add3A_790 = arith.addf %add3A_780, %mul3A_789 : vector<16xf32>
      %add3A_791 = arith.constant 5 : i32
      %add3A_792 = vector.broadcast %add3A_791 : i32 to vector<16xi32>
      %add3A_793 = arith.addi %shift_left3A_732, %add3A_792 : vector<16xi32>
      %gather3A_794 = tpu.vector_load_idx %arg13[%add3A_722, %add3A_793] : memref<128x128xf32, #tpu.memory_space<vmem>>[vector<16xi32>, vector<16xi32>], vector<16xf32>,
      %add3A_795 = arith.constant 5 : i32
      %add3A_796 = vector.broadcast %add3A_795 : i32 to vector<16xi32>
      %add3A_797 = arith.addi %shift_left3A_740, %add3A_796 : vector<16xi32>
      %gather3A_798 = tpu.vector_load_idx %arg14[%add3A_722, %add3A_797] : memref<128x128xf32, #tpu.memory_space<vmem>>[vector<16xi32>, vector<16xi32>], vector<16xf32>,
      %mul3A_799 = arith.mulf %gather3A_794, %gather3A_798 : vector<16xf32>
      %add3A_800 = arith.addf %add3A_790, %mul3A_799 : vector<16xf32>
      %add3A_801 = arith.constant 6 : i32
      %add3A_802 = vector.broadcast %add3A_801 : i32 to vector<16xi32>
      %add3A_803 = arith.addi %shift_left3A_732, %add3A_802 : vector<16xi32>
      %gather3A_804 = tpu.vector_load_idx %arg13[%add3A_722, %add3A_803] : memref<128x128xf32, #tpu.memory_space<vmem>>[vector<16xi32>, vector<16xi32>], vector<16xf32>,
      %add3A_805 = arith.constant 6 : i32
      %add3A_806 = vector.broadcast %add3A_805 : i32 to vector<16xi32>
      %add3A_807 = arith.addi %shift_left3A_740, %add3A_806 : vector<16xi32>
      %gather3A_808 = tpu.vector_load_idx %arg14[%add3A_722, %add3A_807] : memref<128x128xf32, #tpu.memory_space<vmem>>[vector<16xi32>, vector<16xi32>], vector<16xf32>,
      %mul3A_809 = arith.mulf %gather3A_804, %gather3A_808 : vector<16xf32>
      %add3A_810 = arith.addf %add3A_800, %mul3A_809 : vector<16xf32>
      %add3A_811 = arith.constant 7 : i32
      %add3A_812 = vector.broadcast %add3A_811 : i32 to vector<16xi32>
      %add3A_813 = arith.addi %shift_left3A_732, %add3A_812 : vector<16xi32>
      %gather3A_814 = tpu.vector_load_idx %arg13[%add3A_722, %add3A_813] : memref<128x128xf32, #tpu.memory_space<vmem>>[vector<16xi32>, vector<16xi32>], vector<16xf32>,
      %add3A_815 = arith.constant 7 : i32
      %add3A_816 = vector.broadcast %add3A_815 : i32 to vector<16xi32>
      %add3A_817 = arith.addi %shift_left3A_740, %add3A_816 : vector<16xi32>
      %gather3A_818 = tpu.vector_load_idx %arg14[%add3A_722, %add3A_817] : memref<128x128xf32, #tpu.memory_space<vmem>>[vector<16xi32>, vector<16xi32>], vector<16xf32>,
      %mul3A_819 = arith.mulf %gather3A_814, %gather3A_818 : vector<16xf32>
      %add3A_820 = arith.addf %add3A_810, %mul3A_819 : vector<16xf32>
      %add3A_821 = arith.constant 8 : i32
      %add3A_822 = vector.broadcast %add3A_821 : i32 to vector<16xi32>
      %add3A_823 = arith.addi %shift_left3A_732, %add3A_822 : vector<16xi32>
      %gather3A_824 = tpu.vector_load_idx %arg13[%add3A_722, %add3A_823] : memref<128x128xf32, #tpu.memory_space<vmem>>[vector<16xi32>, vector<16xi32>], vector<16xf32>,
      %add3A_825 = arith.constant 8 : i32
      %add3A_826 = vector.broadcast %add3A_825 : i32 to vector<16xi32>
      %add3A_827 = arith.addi %shift_left3A_740, %add3A_826 : vector<16xi32>
      %gather3A_828 = tpu.vector_load_idx %arg14[%add3A_722, %add3A_827] : memref<128x128xf32, #tpu.memory_space<vmem>>[vector<16xi32>, vector<16xi32>], vector<16xf32>,
      %mul3A_829 = arith.mulf %gather3A_824, %gather3A_828 : vector<16xf32>
      %add3A_830 = arith.addf %add3A_820, %mul3A_829 : vector<16xf32>
      %add3A_831 = arith.constant 9 : i32
      %add3A_832 = vector.broadcast %add3A_831 : i32 to vector<16xi32>
      %add3A_833 = arith.addi %shift_left3A_732, %add3A_832 : vector<16xi32>
      %gather3A_834 = tpu.vector_load_idx %arg13[%add3A_722, %add3A_833] : memref<128x128xf32, #tpu.memory_space<vmem>>[vector<16xi32>, vector<16xi32>], vector<16xf32>,
      %add3A_835 = arith.constant 9 : i32
      %add3A_836 = vector.broadcast %add3A_835 : i32 to vector<16xi32>
      %add3A_837 = arith.addi %shift_left3A_740, %add3A_836 : vector<16xi32>
      %gather3A_838 = tpu.vector_load_idx %arg14[%add3A_722, %add3A_837] : memref<128x128xf32, #tpu.memory_space<vmem>>[vector<16xi32>, vector<16xi32>], vector<16xf32>,
      %mul3A_839 = arith.mulf %gather3A_834, %gather3A_838 : vector<16xf32>
      %add3A_840 = arith.addf %add3A_830, %mul3A_839 : vector<16xf32>
      %add3A_841 = arith.constant 10 : i32
      %add3A_842 = vector.broadcast %add3A_841 : i32 to vector<16xi32>
      %add3A_843 = arith.addi %shift_left3A_732, %add3A_842 : vector<16xi32>
      %gather3A_844 = tpu.vector_load_idx %arg13[%add3A_722, %add3A_843] : memref<128x128xf32, #tpu.memory_space<vmem>>[vector<16xi32>, vector<16xi32>], vector<16xf32>,
      %add3A_845 = arith.constant 10 : i32
      %add3A_846 = vector.broadcast %add3A_845 : i32 to vector<16xi32>
      %add3A_847 = arith.addi %shift_left3A_740, %add3A_846 : vector<16xi32>
      %gather3A_848 = tpu.vector_load_idx %arg14[%add3A_722, %add3A_847] : memref<128x128xf32, #tpu.memory_space<vmem>>[vector<16xi32>, vector<16xi32>], vector<16xf32>,
      %mul3A_849 = arith.mulf %gather3A_844, %gather3A_848 : vector<16xf32>
      %add3A_850 = arith.addf %add3A_840, %mul3A_849 : vector<16xf32>
      %add3A_851 = arith.constant 11 : i32
      %add3A_852 = vector.broadcast %add3A_851 : i32 to vector<16xi32>
      %add3A_853 = arith.addi %shift_left3A_732, %add3A_852 : vector<16xi32>
      %gather3A_854 = tpu.vector_load_idx %arg13[%add3A_722, %add3A_853] : memref<128x128xf32, #tpu.memory_space<vmem>>[vector<16xi32>, vector<16xi32>], vector<16xf32>,
      %add3A_855 = arith.constant 11 : i32
      %add3A_856 = vector.broadcast %add3A_855 : i32 to vector<16xi32>
      %add3A_857 = arith.addi %shift_left3A_740, %add3A_856 : vector<16xi32>
      %gather3A_858 = tpu.vector_load_idx %arg14[%add3A_722, %add3A_857] : memref<128x128xf32, #tpu.memory_space<vmem>>[vector<16xi32>, vector<16xi32>], vector<16xf32>,
      %mul3A_859 = arith.mulf %gather3A_854, %gather3A_858 : vector<16xf32>
      %add3A_860 = arith.addf %add3A_850, %mul3A_859 : vector<16xf32>
      %add3A_861 = arith.constant 12 : i32
      %add3A_862 = vector.broadcast %add3A_861 : i32 to vector<16xi32>
      %add3A_863 = arith.addi %shift_left3A_732, %add3A_862 : vector<16xi32>
      %gather3A_864 = tpu.vector_load_idx %arg13[%add3A_722, %add3A_863] : memref<128x128xf32, #tpu.memory_space<vmem>>[vector<16xi32>, vector<16xi32>], vector<16xf32>,
      %add3A_865 = arith.constant 12 : i32
      %add3A_866 = vector.broadcast %add3A_865 : i32 to vector<16xi32>
      %add3A_867 = arith.addi %shift_left3A_740, %add3A_866 : vector<16xi32>
      %gather3A_868 = tpu.vector_load_idx %arg14[%add3A_722, %add3A_867] : memref<128x128xf32, #tpu.memory_space<vmem>>[vector<16xi32>, vector<16xi32>], vector<16xf32>,
      %mul3A_869 = arith.mulf %gather3A_864, %gather3A_868 : vector<16xf32>
      %add3A_870 = arith.addf %add3A_860, %mul3A_869 : vector<16xf32>
      %add3A_871 = arith.constant 13 : i32
      %add3A_872 = vector.broadcast %add3A_871 : i32 to vector<16xi32>
      %add3A_873 = arith.addi %shift_left3A_732, %add3A_872 : vector<16xi32>
      %gather3A_874 = tpu.vector_load_idx %arg13[%add3A_722, %add3A_873] : memref<128x128xf32, #tpu.memory_space<vmem>>[vector<16xi32>, vector<16xi32>], vector<16xf32>,
      %add3A_875 = arith.constant 13 : i32
      %add3A_876 = vector.broadcast %add3A_875 : i32 to vector<16xi32>
      %add3A_877 = arith.addi %shift_left3A_740, %add3A_876 : vector<16xi32>
      %gather3A_878 = tpu.vector_load_idx %arg14[%add3A_722, %add3A_877] : memref<128x128xf32, #tpu.memory_space<vmem>>[vector<16xi32>, vector<16xi32>], vector<16xf32>,
      %mul3A_879 = arith.mulf %gather3A_874, %gather3A_878 : vector<16xf32>
      %add3A_880 = arith.addf %add3A_870, %mul3A_879 : vector<16xf32>
      %add3A_881 = arith.constant 14 : i32
      %add3A_882 = vector.broadcast %add3A_881 : i32 to vector<16xi32>
      %add3A_883 = arith.addi %shift_left3A_732, %add3A_882 : vector<16xi32>
      %gather3A_884 = tpu.vector_load_idx %arg13[%add3A_722, %add3A_883] : memref<128x128xf32, #tpu.memory_space<vmem>>[vector<16xi32>, vector<16xi32>], vector<16xf32>,
      %add3A_885 = arith.constant 14 : i32
      %add3A_886 = vector.broadcast %add3A_885 : i32 to vector<16xi32>
      %add3A_887 = arith.addi %shift_left3A_740, %add3A_886 : vector<16xi32>
      %gather3A_888 = tpu.vector_load_idx %arg14[%add3A_722, %add3A_887] : memref<128x128xf32, #tpu.memory_space<vmem>>[vector<16xi32>, vector<16xi32>], vector<16xf32>,
      %mul3A_889 = arith.mulf %gather3A_884, %gather3A_888 : vector<16xf32>
      %add3A_890 = arith.addf %add3A_880, %mul3A_889 : vector<16xf32>
      %add3A_891 = arith.constant 15 : i32
      %add3A_892 = vector.broadcast %add3A_891 : i32 to vector<16xi32>
      %add3A_893 = arith.addi %shift_left3A_732, %add3A_892 : vector<16xi32>
      %gather3A_894 = tpu.vector_load_idx %arg13[%add3A_722, %add3A_893] : memref<128x128xf32, #tpu.memory_space<vmem>>[vector<16xi32>, vector<16xi32>], vector<16xf32>,
      %add3A_895 = arith.constant 15 : i32
      %add3A_896 = vector.broadcast %add3A_895 : i32 to vector<16xi32>
      %add3A_897 = arith.addi %shift_left3A_740, %add3A_896 : vector<16xi32>
      %gather3A_898 = tpu.vector_load_idx %arg14[%add3A_722, %add3A_897] : memref<128x128xf32, #tpu.memory_space<vmem>>[vector<16xi32>, vector<16xi32>], vector<16xf32>,
      %mul3A_899 = arith.mulf %gather3A_894, %gather3A_898 : vector<16xf32>
      %add3A_900 = arith.addf %add3A_890, %mul3A_899 : vector<16xf32>
      %add3A_901 = arith.constant 16 : i32
      %add3A_902 = vector.broadcast %add3A_901 : i32 to vector<16xi32>
      %add3A_903 = arith.addi %shift_left3A_732, %add3A_902 : vector<16xi32>
      %gather3A_904 = tpu.vector_load_idx %arg13[%add3A_722, %add3A_903] : memref<128x128xf32, #tpu.memory_space<vmem>>[vector<16xi32>, vector<16xi32>], vector<16xf32>,
      %add3A_905 = arith.constant 16 : i32
      %add3A_906 = vector.broadcast %add3A_905 : i32 to vector<16xi32>
      %add3A_907 = arith.addi %shift_left3A_740, %add3A_906 : vector<16xi32>
      %gather3A_908 = tpu.vector_load_idx %arg14[%add3A_722, %add3A_907] : memref<128x128xf32, #tpu.memory_space<vmem>>[vector<16xi32>, vector<16xi32>], vector<16xf32>,
      %mul3A_909 = arith.mulf %gather3A_904, %gather3A_908 : vector<16xf32>
      %add3A_910 = arith.addf %add3A_900, %mul3A_909 : vector<16xf32>
      %add3A_911 = arith.constant 17 : i32
      %add3A_912 = vector.broadcast %add3A_911 : i32 to vector<16xi32>
      %add3A_913 = arith.addi %shift_left3A_732, %add3A_912 : vector<16xi32>
      %gather3A_914 = tpu.vector_load_idx %arg13[%add3A_722, %add3A_913] : memref<128x128xf32, #tpu.memory_space<vmem>>[vector<16xi32>, vector<16xi32>], vector<16xf32>,
      %add3A_915 = arith.constant 17 : i32
      %add3A_916 = vector.broadcast %add3A_915 : i32 to vector<16xi32>
      %add3A_917 = arith.addi %shift_left3A_740, %add3A_916 : vector<16xi32>
      %gather3A_918 = tpu.vector_load_idx %arg14[%add3A_722, %add3A_917] : memref<128x128xf32, #tpu.memory_space<vmem>>[vector<16xi32>, vector<16xi32>], vector<16xf32>,
      %mul3A_919 = arith.mulf %gather3A_914, %gather3A_918 : vector<16xf32>
      %add3A_920 = arith.addf %add3A_910, %mul3A_919 : vector<16xf32>
      %add3A_921 = arith.constant 18 : i32
      %add3A_922 = vector.broadcast %add3A_921 : i32 to vector<16xi32>
      %add3A_923 = arith.addi %shift_left3A_732, %add3A_922 : vector<16xi32>
      %gather3A_924 = tpu.vector_load_idx %arg13[%add3A_722, %add3A_923] : memref<128x128xf32, #tpu.memory_space<vmem>>[vector<16xi32>, vector<16xi32>], vector<16xf32>,
      %add3A_925 = arith.constant 18 : i32
      %add3A_926 = vector.broadcast %add3A_925 : i32 to vector<16xi32>
      %add3A_927 = arith.addi %shift_left3A_740, %add3A_926 : vector<16xi32>
      %gather3A_928 = tpu.vector_load_idx %arg14[%add3A_722, %add3A_927] : memref<128x128xf32, #tpu.memory_space<vmem>>[vector<16xi32>, vector<16xi32>], vector<16xf32>,
      %mul3A_929 = arith.mulf %gather3A_924, %gather3A_928 : vector<16xf32>
      %add3A_930 = arith.addf %add3A_920, %mul3A_929 : vector<16xf32>
      %add3A_931 = arith.constant 19 : i32
      %add3A_932 = vector.broadcast %add3A_931 : i32 to vector<16xi32>
      %add3A_933 = arith.addi %shift_left3A_732, %add3A_932 : vector<16xi32>
      %gather3A_934 = tpu.vector_load_idx %arg13[%add3A_722, %add3A_933] : memref<128x128xf32, #tpu.memory_space<vmem>>[vector<16xi32>, vector<16xi32>], vector<16xf32>,
      %add3A_935 = arith.constant 19 : i32
      %add3A_936 = vector.broadcast %add3A_935 : i32 to vector<16xi32>
      %add3A_937 = arith.addi %shift_left3A_740, %add3A_936 : vector<16xi32>
      %gather3A_938 = tpu.vector_load_idx %arg14[%add3A_722, %add3A_937] : memref<128x128xf32, #tpu.memory_space<vmem>>[vector<16xi32>, vector<16xi32>], vector<16xf32>,
      %mul3A_939 = arith.mulf %gather3A_934, %gather3A_938 : vector<16xf32>
      %add3A_940 = arith.addf %add3A_930, %mul3A_939 : vector<16xf32>
      %add3A_941 = arith.constant 20 : i32
      %add3A_942 = vector.broadcast %add3A_941 : i32 to vector<16xi32>
      %add3A_943 = arith.addi %shift_left3A_732, %add3A_942 : vector<16xi32>
      %gather3A_944 = tpu.vector_load_idx %arg13[%add3A_722, %add3A_943] : memref<128x128xf32, #tpu.memory_space<vmem>>[vector<16xi32>, vector<16xi32>], vector<16xf32>,
      %add3A_945 = arith.constant 20 : i32
      %add3A_946 = vector.broadcast %add3A_945 : i32 to vector<16xi32>
      %add3A_947 = arith.addi %shift_left3A_740, %add3A_946 : vector<16xi32>
      %gather3A_948 = tpu.vector_load_idx %arg14[%add3A_722, %add3A_947] : memref<128x128xf32, #tpu.memory_space<vmem>>[vector<16xi32>, vector<16xi32>], vector<16xf32>,
      %mul3A_949 = arith.mulf %gather3A_944, %gather3A_948 : vector<16xf32>
      %add3A_950 = arith.addf %add3A_940, %mul3A_949 : vector<16xf32>
      %add3A_951 = arith.constant 21 : i32
      %add3A_952 = vector.broadcast %add3A_951 : i32 to vector<16xi32>
      %add3A_953 = arith.addi %shift_left3A_732, %add3A_952 : vector<16xi32>
      %gather3A_954 = tpu.vector_load_idx %arg13[%add3A_722, %add3A_953] : memref<128x128xf32, #tpu.memory_space<vmem>>[vector<16xi32>, vector<16xi32>], vector<16xf32>,
      %add3A_955 = arith.constant 21 : i32
      %add3A_956 = vector.broadcast %add3A_955 : i32 to vector<16xi32>
      %add3A_957 = arith.addi %shift_left3A_740, %add3A_956 : vector<16xi32>
      %gather3A_958 = tpu.vector_load_idx %arg14[%add3A_722, %add3A_957] : memref<128x128xf32, #tpu.memory_space<vmem>>[vector<16xi32>, vector<16xi32>], vector<16xf32>,
      %mul3A_959 = arith.mulf %gather3A_954, %gather3A_958 : vector<16xf32>
      %add3A_960 = arith.addf %add3A_950, %mul3A_959 : vector<16xf32>
      %add3A_961 = arith.constant 22 : i32
      %add3A_962 = vector.broadcast %add3A_961 : i32 to vector<16xi32>
      %add3A_963 = arith.addi %shift_left3A_732, %add3A_962 : vector<16xi32>
      %gather3A_964 = tpu.vector_load_idx %arg13[%add3A_722, %add3A_963] : memref<128x128xf32, #tpu.memory_space<vmem>>[vector<16xi32>, vector<16xi32>], vector<16xf32>,
      %add3A_965 = arith.constant 22 : i32
      %add3A_966 = vector.broadcast %add3A_965 : i32 to vector<16xi32>
      %add3A_967 = arith.addi %shift_left3A_740, %add3A_966 : vector<16xi32>
      %gather3A_968 = tpu.vector_load_idx %arg14[%add3A_722, %add3A_967] : memref<128x128xf32, #tpu.memory_space<vmem>>[vector<16xi32>, vector<16xi32>], vector<16xf32>,
      %mul3A_969 = arith.mulf %gather3A_964, %gather3A_968 : vector<16xf32>
      %add3A_970 = arith.addf %add3A_960, %mul3A_969 : vector<16xf32>
      %add3A_971 = arith.constant 23 : i32
      %add3A_972 = vector.broadcast %add3A_971 : i32 to vector<16xi32>
      %add3A_973 = arith.addi %shift_left3A_732, %add3A_972 : vector<16xi32>
      %gather3A_974 = tpu.vector_load_idx %arg13[%add3A_722, %add3A_973] : memref<128x128xf32, #tpu.memory_space<vmem>>[vector<16xi32>, vector<16xi32>], vector<16xf32>,
      %add3A_975 = arith.constant 23 : i32
      %add3A_976 = vector.broadcast %add3A_975 : i32 to vector<16xi32>
      %add3A_977 = arith.addi %shift_left3A_740, %add3A_976 : vector<16xi32>
      %gather3A_978 = tpu.vector_load_idx %arg14[%add3A_722, %add3A_977] : memref<128x128xf32, #tpu.memory_space<vmem>>[vector<16xi32>, vector<16xi32>], vector<16xf32>,
      %mul3A_979 = arith.mulf %gather3A_974, %gather3A_978 : vector<16xf32>
      %add3A_980 = arith.addf %add3A_970, %mul3A_979 : vector<16xf32>
      %add3A_981 = arith.constant 24 : i32
      %add3A_982 = vector.broadcast %add3A_981 : i32 to vector<16xi32>
      %add3A_983 = arith.addi %shift_left3A_732, %add3A_982 : vector<16xi32>
      %gather3A_984 = tpu.vector_load_idx %arg13[%add3A_722, %add3A_983] : memref<128x128xf32, #tpu.memory_space<vmem>>[vector<16xi32>, vector<16xi32>], vector<16xf32>,
      %add3A_985 = arith.constant 24 : i32
      %add3A_986 = vector.broadcast %add3A_985 : i32 to vector<16xi32>
      %add3A_987 = arith.addi %shift_left3A_740, %add3A_986 : vector<16xi32>
      %gather3A_988 = tpu.vector_load_idx %arg14[%add3A_722, %add3A_987] : memref<128x128xf32, #tpu.memory_space<vmem>>[vector<16xi32>, vector<16xi32>], vector<16xf32>,
      %mul3A_989 = arith.mulf %gather3A_984, %gather3A_988 : vector<16xf32>
      %add3A_990 = arith.addf %add3A_980, %mul3A_989 : vector<16xf32>
      %add3A_991 = arith.constant 25 : i32
      %add3A_992 = vector.broadcast %add3A_991 : i32 to vector<16xi32>
      %add3A_993 = arith.addi %shift_left3A_732, %add3A_992 : vector<16xi32>
      %gather3A_994 = tpu.vector_load_idx %arg13[%add3A_722, %add3A_993] : memref<128x128xf32, #tpu.memory_space<vmem>>[vector<16xi32>, vector<16xi32>], vector<16xf32>,
      %add3A_995 = arith.constant 25 : i32
      %add3A_996 = vector.broadcast %add3A_995 : i32 to vector<16xi32>
      %add3A_997 = arith.addi %shift_left3A_740, %add3A_996 : vector<16xi32>
      %gather3A_998 = tpu.vector_load_idx %arg14[%add3A_722, %add3A_997] : memref<128x128xf32, #tpu.memory_space<vmem>>[vector<16xi32>, vector<16xi32>], vector<16xf32>,
      %mul3A_999 = arith.mulf %gather3A_994, %gather3A_998 : vector<16xf32>
      %add3A_1000 = arith.addf %add3A_990, %mul3A_999 : vector<16xf32>
      %add3A_1001 = arith.constant 26 : i32
      %add3A_1002 = vector.broadcast %add3A_1001 : i32 to vector<16xi32>
      %add3A_1003 = arith.addi %shift_left3A_732, %add3A_1002 : vector<16xi32>
      %gather3A_1004 = tpu.vector_load_idx %arg13[%add3A_722, %add3A_1003] : memref<128x128xf32, #tpu.memory_space<vmem>>[vector<16xi32>, vector<16xi32>], vector<16xf32>,
      %add3A_1005 = arith.constant 26 : i32
      %add3A_1006 = vector.broadcast %add3A_1005 : i32 to vector<16xi32>
      %add3A_1007 = arith.addi %shift_left3A_740, %add3A_1006 : vector<16xi32>
      %gather3A_1008 = tpu.vector_load_idx %arg14[%add3A_722, %add3A_1007] : memref<128x128xf32, #tpu.memory_space<vmem>>[vector<16xi32>, vector<16xi32>], vector<16xf32>,
      %mul3A_1009 = arith.mulf %gather3A_1004, %gather3A_1008 : vector<16xf32>
      %add3A_1010 = arith.addf %add3A_1000, %mul3A_1009 : vector<16xf32>
      %add3A_1011 = arith.constant 27 : i32
      %add3A_1012 = vector.broadcast %add3A_1011 : i32 to vector<16xi32>
      %add3A_1013 = arith.addi %shift_left3A_732, %add3A_1012 : vector<16xi32>
      %gather3A_1014 = tpu.vector_load_idx %arg13[%add3A_722, %add3A_1013] : memref<128x128xf32, #tpu.memory_space<vmem>>[vector<16xi32>, vector<16xi32>], vector<16xf32>,
      %add3A_1015 = arith.constant 27 : i32
      %add3A_1016 = vector.broadcast %add3A_1015 : i32 to vector<16xi32>
      %add3A_1017 = arith.addi %shift_left3A_740, %add3A_1016 : vector<16xi32>
      %gather3A_1018 = tpu.vector_load_idx %arg14[%add3A_722, %add3A_1017] : memref<128x128xf32, #tpu.memory_space<vmem>>[vector<16xi32>, vector<16xi32>], vector<16xf32>,
      %mul3A_1019 = arith.mulf %gather3A_1014, %gather3A_1018 : vector<16xf32>
      %add3A_1020 = arith.addf %add3A_1010, %mul3A_1019 : vector<16xf32>
      %add3A_1021 = arith.constant 28 : i32
      %add3A_1022 = vector.broadcast %add3A_1021 : i32 to vector<16xi32>
      %add3A_1023 = arith.addi %shift_left3A_732, %add3A_1022 : vector<16xi32>
      %gather3A_1024 = tpu.vector_load_idx %arg13[%add3A_722, %add3A_1023] : memref<128x128xf32, #tpu.memory_space<vmem>>[vector<16xi32>, vector<16xi32>], vector<16xf32>,
      %add3A_1025 = arith.constant 28 : i32
      %add3A_1026 = vector.broadcast %add3A_1025 : i32 to vector<16xi32>
      %add3A_1027 = arith.addi %shift_left3A_740, %add3A_1026 : vector<16xi32>
      %gather3A_1028 = tpu.vector_load_idx %arg14[%add3A_722, %add3A_1027] : memref<128x128xf32, #tpu.memory_space<vmem>>[vector<16xi32>, vector<16xi32>], vector<16xf32>,
      %mul3A_1029 = arith.mulf %gather3A_1024, %gather3A_1028 : vector<16xf32>
      %add3A_1030 = arith.addf %add3A_1020, %mul3A_1029 : vector<16xf32>
      %add3A_1031 = arith.constant 29 : i32
      %add3A_1032 = vector.broadcast %add3A_1031 : i32 to vector<16xi32>
      %add3A_1033 = arith.addi %shift_left3A_732, %add3A_1032 : vector<16xi32>
      %gather3A_1034 = tpu.vector_load_idx %arg13[%add3A_722, %add3A_1033] : memref<128x128xf32, #tpu.memory_space<vmem>>[vector<16xi32>, vector<16xi32>], vector<16xf32>,
      %add3A_1035 = arith.constant 29 : i32
      %add3A_1036 = vector.broadcast %add3A_1035 : i32 to vector<16xi32>
      %add3A_1037 = arith.addi %shift_left3A_740, %add3A_1036 : vector<16xi32>
      %gather3A_1038 = tpu.vector_load_idx %arg14[%add3A_722, %add3A_1037] : memref<128x128xf32, #tpu.memory_space<vmem>>[vector<16xi32>, vector<16xi32>], vector<16xf32>,
      %mul3A_1039 = arith.mulf %gather3A_1034, %gather3A_1038 : vector<16xf32>
      %add3A_1040 = arith.addf %add3A_1030, %mul3A_1039 : vector<16xf32>
      %add3A_1041 = arith.constant 30 : i32
      %add3A_1042 = vector.broadcast %add3A_1041 : i32 to vector<16xi32>
      %add3A_1043 = arith.addi %shift_left3A_732, %add3A_1042 : vector<16xi32>
      %gather3A_1044 = tpu.vector_load_idx %arg13[%add3A_722, %add3A_1043] : memref<128x128xf32, #tpu.memory_space<vmem>>[vector<16xi32>, vector<16xi32>], vector<16xf32>,
      %add3A_1045 = arith.constant 30 : i32
      %add3A_1046 = vector.broadcast %add3A_1045 : i32 to vector<16xi32>
      %add3A_1047 = arith.addi %shift_left3A_740, %add3A_1046 : vector<16xi32>
      %gather3A_1048 = tpu.vector_load_idx %arg14[%add3A_722, %add3A_1047] : memref<128x128xf32, #tpu.memory_space<vmem>>[vector<16xi32>, vector<16xi32>], vector<16xf32>,
      %mul3A_1049 = arith.mulf %gather3A_1044, %gather3A_1048 : vector<16xf32>
      %add3A_1050 = arith.addf %add3A_1040, %mul3A_1049 : vector<16xf32>
      %add3A_1051 = arith.constant 31 : i32
      %add3A_1052 = vector.broadcast %add3A_1051 : i32 to vector<16xi32>
      %add3A_1053 = arith.addi %shift_left3A_732, %add3A_1052 : vector<16xi32>
      %gather3A_1054 = tpu.vector_load_idx %arg13[%add3A_722, %add3A_1053] : memref<128x128xf32, #tpu.memory_space<vmem>>[vector<16xi32>, vector<16xi32>], vector<16xf32>,
      %add3A_1055 = arith.constant 31 : i32
      %add3A_1056 = vector.broadcast %add3A_1055 : i32 to vector<16xi32>
      %add3A_1057 = arith.addi %shift_left3A_740, %add3A_1056 : vector<16xi32>
      %gather3A_1058 = tpu.vector_load_idx %arg14[%add3A_722, %add3A_1057] : memref<128x128xf32, #tpu.memory_space<vmem>>[vector<16xi32>, vector<16xi32>], vector<16xf32>,
      %mul3A_1059 = arith.mulf %gather3A_1054, %gather3A_1058 : vector<16xf32>
      %add3A_1060 = arith.addf %add3A_1050, %mul3A_1059 : vector<16xf32>
      %mul3A_1061 = arith.constant 16 : i32
      %mul3A_1062 = arith.muli %scan3A_717, %mul3A_1061 : i32
      %add3A_1063 = arith.constant 384 : i32
      %add3A_1064 = arith.addi %add3A_1063, %mul3A_1062 : i32
      %swap3A_1065 = arith.index_cast %add3A_1064 : i32 to index
      %swap3A_1066 = tpu.vector_load %arg15[%swap3A_1065] {strides = array<i32>} : memref<512xf32, #tpu.memory_space<vmem>>, vector<16xf32>,
      tpu.vector_store %arg15[%swap3A_1065], %add3A_1060 {strides = array<i32>} : memref<512xf32, #tpu.memory_space<vmem>>, vector<16xf32>,
      %scan3A_1067 = arith.constant 0 : i32
      scf.yield %scan3A_1067 : i32
    }
    %scan3A_714 = arith.constant 8 : i32
    %mul3A_715 = arith.constant 512 : i32
    %mul3A_716 = arith.muli %add3A, %mul3A_715 : i32
    "tpu.region"() ({
      %run_scoped3A = tpu.sem_alloc : memref<!tpu.dma_semaphore, #tpu.memory_space<semaphore_mem>>
      %dma_start3A_717 = tpu.memref_slice %arg6[%mul3A_716] : memref<16384xf32, #tpu.memory_space<hbm>> -> memref<512xf32, #tpu.memory_space<hbm>>
      %dma_start3A_718 = tpu.memref_slice %arg6[%mul3A_716] : memref<16384xf32, #tpu.memory_space<hbm>> -> memref<512xf32, #tpu.memory_space<hbm>>
      tpu.enqueue_dma source(%arg15 : memref<512xf32, #tpu.memory_space<vmem>>) target(%dma_start3A_718 : memref<512xf32, #tpu.memory_space<hbm>>) target_semaphore(%run_scoped3A : memref<!tpu.dma_semaphore, #tpu.memory_space<semaphore_mem>>)
      %dma_wait3A_719 = tpu.memref_slice %arg6[%mul3A_716] : memref<16384xf32, #tpu.memory_space<hbm>> -> memref<512xf32, #tpu.memory_space<hbm>>
      %dma_wait3A_720 = tpu.memref_slice %arg6[%mul3A_716] : memref<16384xf32, #tpu.memory_space<hbm>> -> memref<512xf32, #tpu.memory_space<hbm>>
      tpu.wait_dma2 semaphore(%run_scoped3A : memref<!tpu.dma_semaphore, #tpu.memory_space<semaphore_mem>>) src(%arg15 : memref<512xf32, #tpu.memory_space<vmem>>) dst(%dma_wait3A_720 : memref<512xf32, #tpu.memory_space<hbm>>)
      tpu.yield
    }) : () -> ()
    return
  }
}

</mosaic_0001>

<sc_bundles>
// kernel: kernel.3.cloned.1.call-start
scs
__scs_entry_jumppad:
0x0: {  	(pc) =	sbr.rel $0x88, $3  }
0x1: {  	(tag) =	ssettag $0x0;
	lr =	simm.s32 $0x1  }
0x2: {  	[smem:$0x3F9D] =	sst lr;
	_ =	strace $0xD0000000  }
0x3: {  	_ = 	snop  }
0x4: {  	_ = 	snop  }
0x5: {  	_ = 	snop  }
0x6: {  	_ = 	snop  }
0x7: {  	_ = 	snop  }
__scs_overlays_trampoline_lowered:
0x8: {  	[smem:$0x3FAC] =	sst s0  }
0x9: {  	[smem:$0x3FAD] =	sst s1  }
0xa: {  	[smem:$0x3FAE] =	sst s2  }
0xb: {  	[smem:$0x3FAF] =	sst s3  }
0xc: {  	[smem:$0x3FB0] =	sst s4  }
0xd: {  	[smem:$0x3FB1] =	sst s5  }
0xe: {  	[smem:$0x3FB2] =	sst s6  }
0xf: {  	[smem:$0x3FB3] =	sst s7  }
0x10: {  	[smem:$0x3FB4] =	sst s8  }
0x11: {  	[smem:$0x3FB5] =	sst s9;
	s0 =	simm.s32 @!p0 $0x0  }
0x12: {  	s1 =	sld [smem:$0x3F9B];
	s0 =	simm.s32 @p0 $0x1  }
0x13: {  	[smem:$0x3FB6] =	sst s0;
	s0 =	simm.s32 @!p1 $0x0  }
0x14: {  	s2 =	sld [smem:$0x3F9A];
	s0 =	simm.s32 @p1 $0x1  }
0x15: {  	[smem:$0x3FB7] =	sst s0;
	s0 =	simm.s32 @!p2 $0x0  }
0x16: {  	s3 =	sld [smem:$0x3FDB];
	s0 =	simm.s32 @p2 $0x1  }
0x17: {  	s4 =	simm.s32 $0x1BF5;
	[smem:$0x3FB9] =	sst s0  }
0x18: {  	s0 =	sld [smem:$0x3F9C];
	_ =	swait.ge [sflag:s4], $0x0  }
0x19: {  	s7 =	sld [smem:$0x3F9D]  }
0x1a: {  	s8 =	sadd.s32 $0xFFFFE003, lr  }
0x1b: {  	s9 =	sadd.s32 $0xFFFFFEF7, lr;
	s5 =	simm.s32 $0xFFFFFFFF;
	p2 =	slt.u32 s8, $0xFFFFF086  }
0x1c: {  	p1 =	slt.u32 s9, $0xF7A;
	s5 =	simm.s32 @!p2 $0x0  }
0x1d: {  	s5 =	simm.s32 @p1 $0x1;
	p0 =	seq.s32 s7, s2  }
0x1e: {  	s7 =	smul.u32 @!p0 $0xF7A, s2;
	p2 =	seq.s32 @!p0 s5, $0x0  }
0x1f: {  	s9 =	smul.u32 $0xF7A, s1;
	s8 =	simm.s32 @!p0 $0x1BF5;
	p2 =	por !p2, p0  }
0x20: {  	[sflag:s8] =	ssyncset.s32 @!p0 $0xFFFFF086;
	s6 =	sadd.s32 @!p0 s3, s7;
	s7 =	simm.s32 @!p0 $0x108  }
0x21: {  	s3 =	sadd.s32 s3, s9;
	s6 =	sadd.s32 @!p0 $0x88, s6;
	s7 =	simm.s32 @p2 $0x1082  }
0x22: {  	[simem:s7], [sflag:s8] =	dma.local @!p0 [hbm:s6], $0xF7A  }
0x23: {  	s9 =	sor.u32 $0xD0000000, s2;
	s6 =	simm.s32 $0x108;
	_ =	swait.ge @!p0 [sflag:s8], $0x0  }
0x24: {  	s3 =	sadd.s32 $0x88, s3;
	s6 =	simm.s32 @!p1 $0x1082;
	[sflag:s4] =	ssyncset.s32 $0xFFFFF086  }
0x25: {  	[simem:s6], [sflag:s4] =	dma.local [hbm:s3], $0xF7A  }
0x26: {  	[smem:$0x3F9D] =	sst s1;
	(tag) =	ssettag s2;
	_ =	strace s9  }
0x27: {  	s1 =	sld [smem:$0x3FAD]  }
0x28: {  	s2 =	sld [smem:$0x3FAE]  }
0x29: {  	s4 =	sld [smem:$0x3FB0]  }
0x2a: {  	p0 =	seq.s32 s5, $0x0;
	s5 =	sld [smem:$0x3FB1]  }
0x2b: {  	s6 =	sld [smem:$0x3FB2]  }
0x2c: {  	s7 =	sld [smem:$0x3FB3]  }
0x2d: {  	s3 =	simm.s32 $0x108;
	s8 =	sld [smem:$0x3FB4]  }
0x2e: {  	s3 =	simm.s32 @!p0 $0x1082;
	s9 =	sld [smem:$0x3FB5]  }
0x2f: {  	lr =	sadd.s32 s0, s3;
	s0 =	sld [smem:$0x3FAC]  }
0x30: {  	s3 =	sld [smem:$0x3FAF]  }
0x31: {  	[smem:$0x3FB8] =	sst s10  }
0x32: {  	s10 =	sld [smem:$0x3FB6];
	_ =	sdelay $0x3  }
0x33: {  	p0 =	seq.s32 s10, $0x1;
	s10 =	sld [smem:$0x3FB8];
	_ =	sdelay $0x3  }
0x34: {  	[smem:$0x3FB8] =	sst s10  }
0x35: {  	s10 =	sld [smem:$0x3FB7];
	_ =	sdelay $0x3  }
0x36: {  	p1 =	seq.s32 s10, $0x1;
	s10 =	sld [smem:$0x3FB8];
	_ =	sdelay $0x3  }
0x37: {  	[smem:$0x3FB8] =	sst s10  }
0x38: {  	s10 =	sld [smem:$0x3FB9]  }
0x39: {  	_ = 	snop;
	(pc) =	sbr.ind lr, $3  }
0x3a: {  	_ = 	snop  }
0x3b: {  	_ = 	snop  }
0x3c: {  	p2 =	seq.s32 s10, $0x1;
	s10 =	sld [smem:$0x3FB8]  }
0x3d: {  	_ =	shalt  }
0x3e: {  	_ =	shalt  }
0x3f: {  	_ =	shalt  }
0x40: {  	_ =	shalt  }
0x41: {  	_ =	shalt  }
0x42: {  	_ =	shalt  }
0x43: {  	_ =	shalt  }
0x44: {  	_ =	shalt  }
0x45: {  	_ =	shalt  }
0x46: {  	_ =	shalt  }
0x47: {  	_ =	shalt  }
0x48: {  	_ =	shalt  }
0x49: {  	_ =	shalt  }
0x4a: {  	_ =	shalt  }
0x4b: {  	_ =	shalt  }
0x4c: {  	_ =	shalt  }
0x4d: {  	_ =	shalt  }
0x4e: {  	_ =	shalt  }
0x4f: {  	_ =	shalt  }
0x50: {  	_ =	shalt  }
0x51: {  	_ =	shalt  }
0x52: {  	_ =	shalt  }
0x53: {  	_ =	shalt  }
0x54: {  	_ =	shalt  }
0x55: {  	_ =	shalt  }
0x56: {  	_ =	shalt  }
0x57: {  	_ =	shalt  }
0x58: {  	_ =	shalt  }
0x59: {  	_ =	shalt  }
0x5a: {  	_ =	shalt  }
0x5b: {  	_ =	shalt  }
0x5c: {  	_ =	shalt  }
0x5d: {  	_ =	shalt  }
0x5e: {  	_ =	shalt  }
0x5f: {  	_ =	shalt  }
0x60: {  	_ =	shalt  }
0x61: {  	_ =	shalt  }
0x62: {  	_ =	shalt  }
0x63: {  	_ =	shalt  }
0x64: {  	_ =	shalt  }
0x65: {  	_ =	shalt  }
0x66: {  	_ =	shalt  }
0x67: {  	_ =	shalt  }
0x68: {  	_ =	shalt  }
0x69: {  	_ =	shalt  }
0x6a: {  	_ =	shalt  }
0x6b: {  	_ =	shalt  }
0x6c: {  	_ =	shalt  }
0x6d: {  	_ =	shalt  }
0x6e: {  	_ =	shalt  }
0x6f: {  	_ =	shalt  }
0x70: {  	_ =	shalt  }
0x71: {  	_ =	shalt  }
0x72: {  	_ =	shalt  }
0x73: {  	_ =	shalt  }
0x74: {  	_ =	shalt  }
0x75: {  	_ =	shalt  }
0x76: {  	_ =	shalt  }
0x77: {  	_ =	shalt  }
0x78: {  	_ =	shalt  }
0x79: {  	_ =	shalt  }
0x7a: {  	_ =	shalt  }
0x7b: {  	_ =	shalt  }
0x7c: {  	_ =	shalt  }
0x7d: {  	_ =	shalt  }
0x7e: {  	_ =	shalt  }
0x7f: {  	_ =	shalt  }
0x80: {  	_ =	shalt  }
0x81: {  	_ =	shalt  }
0x82: {  	_ =	shalt  }
0x83: {  	_ =	shalt  }
0x84: {  	_ =	shalt  }
0x85: {  	_ =	shalt  }
0x86: {  	_ =	shalt  }
0x87: {  	_ =	shalt  }
.Lfunc_end0:
.L_simem_size_0:
called_computation_lowered:
.L_overlay_start_0:
0x88: {  	s2 =	sld [smem:$0x3FD9]  }
0x89: {  	s3 =	sld [smem:$0x3FFE];
	_ =	sdelay $0x1  }
0x8a: {  	s1 =	srdreg.scid  }
0x8b: {  	s0 =	sand.u32 $0x1, s1  }
0x8c: {  	s17 =	sshll.u32 s0, $0xA;
	s2 =	sadd.s32 s3, s2  }
0x8d: {  	s2 =	sadd.s32 s2, s17  }
0x8e: {  	[smem:$0x3FC4] =	sst s2  }
0x8f: {  	_ = 	snop  }
0x90: {  	s2 =	sld [smem:$0x3FC9]  }
0x91: {  	s18 =	sld [smem:$0x3FC8]  }
0x92: {  	s4 =	sld [smem:$0x3FD0];
	(tm) =	ssettm $0x1  }
0x93: {  	s5 =	sld [smem:$0x3FFB];
	_ =	sdelay $0x3  }
0x94: {  	_ =	strace s5  }
0x95: {  	s5 =	sld [smem:$0x3FFC];
	_ =	sdelay $0x3  }
0x96: {  	_ =	strace s5  }
0x97: {  	s5 =	sld [smem:$0x3FFD];
	_ =	sdelay $0x3  }
0x98: {  	_ =	strace s5  }
0x99: {  	_ =	strace $0x8FFFFFFF  }
0x9a: {  	s19 =	sld [smem:$0x3FDB];
	_ =	sdelay $0x1  }
0x9b: {  	s6 =	simm.s32 $_scs_section_size  }
0x9c: {  	s7 =	simm.s32 $_size__tile_overlayer_lowered;
	s8 =	simm.s32 $_tile_overlayer_lowered  }
0x9d: {  	s22 =	simm.s32 $0x1BFF;
	s21 =	sshll.u32 s8, $0x1;
	s5 =	sadd.s32 s6, s19  }
0x9e: {  	s9 =	simm.s32 $0x0;
	s20 =	sshll.u32 s7, $0x1;
	s7 =	sadd.s32 s21, s5  }
0x9f: {  	[timem:s9], [sflag:s22] =	dma.local [hbm:s7], s20  }
0xa0: {  	_ =	swait.ge [sflag:s22], s20  }
0xa1: {  	s6 =	ssub.s32 $0x0, s20;
	[sflag:s22] =	ssyncset.done $0x0  }
0xa2: {  	[sflag:s22] =	ssyncadd.s32 s6;
	_ =	sdelay $0x1  }
0xa3: {  	s23 =	simm.s32 $0x1B8B  }
0xa4: {  	_ =	swait.ge [sflag:s23], $0x1  }
0xa5: {  	[sflag:s23] =	ssyncset.done $0x0  }
0xa6: {  	s25 =	simm.s32 $0x1B8E;
	s24 =	sld [smem:$0x3FFE];
	[sflag:s23] =	ssyncadd.s32 $0xFFFFFFFF  }
0xa7: {  	s26 =	simm.s32 $execute0_lowered;
	[smem:$0x3FD2] =	sst s25  }
0xa8: {  	s7 =	sshll.u32 s26, $0x1;
	_ =	strace $0x80000046;
	[dreg:$0x1] =	wrdreg $0xFFFFFFFF  }
0xa9: {  	s28 =	simm.s32 $_size_execute0_lowered;
	s5 =	sadd.s32 s5, s7;
	[dreg:$0x0] =	wrdreg $0x0  }
0xaa: {  	s7 =	sshll.u32 s28, $0x1;
	[dreg:$0x2] =	wrdreg s5  }
0xab: {  	[dreg:$0x3] =	wrdreg s7  }
0xac: {  	[dreg:$0x4] =	wrdreg $0xC0  }
0xad: {  	_ =	task [dreg:s9], $0x5FFFF  }
0xae: {  	[dreg:$0x1] =	wrdreg $0xFFFFFFFF  }
0xaf: {  	[dreg:$0x0] =	wrdreg $0x60  }
0xb0: {  	[dreg:$0x2] =	wrdreg s2  }
0xb1: {  	[dreg:$0x3] =	wrdreg s18  }
0xb2: {  	[dreg:$0x4] =	wrdreg s24  }
0xb3: {  	[dreg:$0x5] =	wrdreg s4  }
0xb4: {  	[dreg:$0x6] =	wrdreg $0x9  }
0xb5: {  	_ =	task.clear_ibuf [dreg:s9], $0x7FFFF;
	_ =	strace $0x90000046  }
0xb6: {  	s29 =	simm.s32 $0x9;
	_ =	strace $0x80000048  }
0xb7: {  	_ =	swait.ge [sflag:s29], $0x1  }
0xb8: {  	[sflag:s29] =	ssyncadd.s32 $0xFFFFFFFF  }
0xb9: {  	_ =	strace $0x90000048  }
0xba: {  	_ =	sfence  }
0xbb: {  	s30 =	sld [smem:$0x0];
	_ =	sdelay $0x2  }
0xbc: {  	s31 =	sshll.u32 s1, $0xD;
	s1 =	sshrl.u32 s1, $0x2  }
0xbd: {  	s3 =	sand.u32 $0x4000, s31;
	s1 =	sadd.s32 s1, s30  }
0xbe: {  	s0 =	sor.u32 s3, s0;
	s1 =	sshll.u32 s1, $0x11  }
0xbf: {  	s0 =	sor.u32 s1, s0  }
0xc0: {  	s0 =	sadd.s32 $0x8F2B, s0  }
0xc1: {  	[sflag:s0] =	ssyncadd.remote.s32 $0x1  }
0xc2: {  	_ =	sfence.sel $0xFFFF  }
0xc3: {  	[dreg:$0x0] =	wrdreg $0xFFFFFFFF;
	(pc) =	sbr.abs _section_cstart, $3  }
0xc4: {  	[dreg:$0x1] =	wrdreg $0xFFFFFFFF  }
0xc5: {  	_ =	task.clear_ibuf [dreg:s9], $0x2FFFF;
	_ =	strace $0x9FFFFFFF  }
0xc6: {  	(tm) =	ssettm $0x7FFFFFFF  }
0xc7: {  	_ =	shalt  }
tec
execute0_lowered:
.L_overlay_start_1:
0x0: {  	(tag) =	ssettag $0x1  }
0x1: {  	s0 =	rddreg [dreg:$0x0]  }
0x2: {  	s6 =	rddreg [dreg:$0x1]  }
0x3: {  	s4 =	rddreg [dreg:$0x2]  }
0x4: {  	s7 =	rddreg [dreg:$0x3]  }
0x5: {  	s2 =	simm.s32 $0x0;
	s3 =	srdreg.scid;
	s1 =	stileid.u32  }
0x6: {  	s11 =	simm.s32 $0x400;
	s12 =	simm.s32 $0x800;
	s13 =	simm.s32 $0x600  }
0x7: {  	s14 =	simm.s32 $0x4800;
	s15 =	simm.s32 $0x480;
	s16 =	simm.s32 $0x8800  }
0x8: {  	s17 =	simm.s32 $0x680;
	s18 =	simm.s32 $0xC800;
	s19 =	simm.s32 $0x1  }
0x9: {  	s20 =	simm.s32 $0x500;
	s21 =	simm.s32 $0x700;
	s22 =	simm.s32 $0x2  }
0xa: {  	s23 =	simm.s32 $0x580;
	s24 =	simm.s32 $0x780;
	s25 =	simm.s32 $0x10800  }
0xb: {  	s26 =	simm.s32 $0x0;
	[smem:$0x7FF] =	sst s2;
	s3 =	sand.u32 $0x1, s3  }
0xc: {  	s8 =	sshll.u32 s1, $0x7;
	_ =	strace $0x80000047;
	s5 =	ssub.s32 $0x2, s3  }
0xd: {  	s9 =	sshll.u32 s3, $0x6;
	s3 =	sadd.s32 $0xF42800, s4;
	s4 =	sadd.s32 $0x1313200, s4  }
0xe: {  	s10 =	sshrl.u32 s5, $0x1;
	s8 =	sor.u32 s9, s8;
	s9 =	simm.s32 $0x3  }
0xf: {  	v0 =	vlaneseq.u32;
	s31 =	ssub.s32 s5, s10;
	s5 =	sadd.s32 s0, s8;
	s6 =	sadd.s32 s6, s8  }
0x10: {  	v0 =	vmul.u32 $0x80, v0;
	s7 =	sadd.s32 s7, s8;
	s10 =	simm.s32 $0x80;
	s8 =	smax.u32 s31, $0x1  }
.LBB2_1:
0x11: {  	[tilespmem:s2], [sflag:$0x3] =	stream.linear.gather [hbm4b:s5+s2], $0x200, $0x38;
	[tilespmem:$0x10A00] =	vst v63  }
0x12: {  	_ =	swait.ge [sflag:s9], $0x200  }
0x13: {  	[sflag:s9] =	ssyncset.done $0x0  }
0x14: {  	s0 =	simm.s32 $0x200;
	[sflag:s9] =	ssyncadd.s32 $0xFFFFFE00  }
0x15: {  	[tilespmem:s0], [sflag:$0x3] =	stream.linear.gather [hbm4b:s6+s2], $0x200, $0x38;
	[tilespmem:$0x10A00] =	vst v63  }
0x16: {  	_ =	swait.ge [sflag:s9], $0x200  }
0x17: {  	[sflag:s9] =	ssyncset.done $0x0  }
0x18: {  	[sflag:s9] =	ssyncadd.s32 $0xFFFFFE00  }
0x19: {  	v1 =	vld [tilespmem:$0x0]  }
0x1a: {  	v2 =	vld [tilespmem:$0x200]  }
0x1b: {  	v3 =	vld [tilespmem:$0x10]  }
0x1c: {  	v4 =	vld [tilespmem:$0x210]  }
0x1d: {  	v5 =	vld [tilespmem:$0x20]  }
0x1e: {  	v6 =	vld [tilespmem:$0x220];
	v1 =	vshra.s32 v1, $0x2  }
0x1f: {  	[tilespmem:$0x400] =	vst v1;
	v1 =	vshra.s32 v2, $0x2;
	v2 =	vld [tilespmem:$0x30]  }
0x20: {  	[tilespmem:$0x600] =	vst v1;
	v1 =	vshra.s32 v3, $0x2;
	v3 =	vld [tilespmem:$0x230]  }
0x21: {  	v11 =	vld [tilespmem:$0x40];
	[tilespmem:$0x410] =	vst v1;
	v1 =	vshra.s32 v4, $0x2  }
0x22: {  	v12 =	vld [tilespmem:$0x240];
	[tilespmem:$0x610] =	vst v1;
	v1 =	vshra.s32 v5, $0x2  }
0x23: {  	v13 =	vld [tilespmem:$0x50];
	[tilespmem:$0x420] =	vst v1;
	v1 =	vshra.s32 v6, $0x2  }
0x24: {  	[tilespmem:$0x620] =	vst v1;
	v1 =	vshra.s32 v2, $0x2;
	v2 =	vld [tilespmem:$0x250]  }
0x25: {  	[tilespmem:$0x430] =	vst v1;
	v1 =	vshra.s32 v3, $0x2;
	v3 =	vld [tilespmem:$0x60]  }
0x26: {  	v14 =	vld [tilespmem:$0x260];
	[tilespmem:$0x630] =	vst v1;
	v1 =	vshra.s32 v11, $0x2  }
0x27: {  	v15 =	vld [tilespmem:$0x70];
	[tilespmem:$0x440] =	vst v1;
	v1 =	vshra.s32 v12, $0x2  }
0x28: {  	v16 =	vld [tilespmem:$0x270];
	[tilespmem:$0x640] =	vst v1;
	v1 =	vshra.s32 v13, $0x2  }
0x29: {  	[tilespmem:$0x450] =	vst v1;
	v1 =	vshra.s32 v2, $0x2;
	v2 =	vld [tilespmem:$0x80]  }
0x2a: {  	[tilespmem:$0x650] =	vst v1;
	v1 =	vshra.s32 v3, $0x2;
	v3 =	vld [tilespmem:$0x280]  }
0x2b: {  	v17 =	vld [tilespmem:$0x90];
	[tilespmem:$0x460] =	vst v1;
	v1 =	vshra.s32 v14, $0x2  }
0x2c: {  	v18 =	vld [tilespmem:$0x290];
	[tilespmem:$0x660] =	vst v1;
	v1 =	vshra.s32 v15, $0x2  }
0x2d: {  	v19 =	vld [tilespmem:$0xA0];
	[tilespmem:$0x470] =	vst v1;
	v1 =	vshra.s32 v16, $0x2  }
0x2e: {  	[tilespmem:$0x670] =	vst v1;
	v1 =	vshra.s32 v2, $0x2;
	v2 =	vld [tilespmem:$0x2A0]  }
0x2f: {  	[tilespmem:$0x480] =	vst v1;
	v1 =	vshra.s32 v3, $0x2;
	v3 =	vld [tilespmem:$0xB0]  }
0x30: {  	v20 =	vld [tilespmem:$0x2B0];
	[tilespmem:$0x680] =	vst v1;
	v1 =	vshra.s32 v17, $0x2  }
0x31: {  	v21 =	vld [tilespmem:$0xC0];
	[tilespmem:$0x490] =	vst v1;
	v1 =	vshra.s32 v18, $0x2  }
0x32: {  	v22 =	vld [tilespmem:$0x2C0];
	[tilespmem:$0x690] =	vst v1;
	v1 =	vshra.s32 v19, $0x2  }
0x33: {  	[tilespmem:$0x4A0] =	vst v1;
	v1 =	vshra.s32 v2, $0x2;
	v2 =	vld [tilespmem:$0xD0]  }
0x34: {  	[tilespmem:$0x6A0] =	vst v1;
	v1 =	vshra.s32 v3, $0x2;
	v3 =	vld [tilespmem:$0x2D0]  }
0x35: {  	v23 =	vld [tilespmem:$0xE0];
	[tilespmem:$0x4B0] =	vst v1;
	v1 =	vshra.s32 v20, $0x2  }
0x36: {  	v24 =	vld [tilespmem:$0x2E0];
	[tilespmem:$0x6B0] =	vst v1;
	v1 =	vshra.s32 v21, $0x2  }
0x37: {  	v25 =	vld [tilespmem:$0xF0];
	[tilespmem:$0x4C0] =	vst v1;
	v1 =	vshra.s32 v22, $0x2  }
0x38: {  	[tilespmem:$0x6C0] =	vst v1;
	v1 =	vshra.s32 v2, $0x2;
	v2 =	vld [tilespmem:$0x2F0]  }
0x39: {  	[tilespmem:$0x4D0] =	vst v1;
	v1 =	vshra.s32 v3, $0x2;
	v3 =	vld [tilespmem:$0x100]  }
0x3a: {  	v26 =	vld [tilespmem:$0x300];
	[tilespmem:$0x6D0] =	vst v1;
	v1 =	vshra.s32 v23, $0x2  }
0x3b: {  	v27 =	vld [tilespmem:$0x110];
	[tilespmem:$0x4E0] =	vst v1;
	v1 =	vshra.s32 v24, $0x2  }
0x3c: {  	v28 =	vld [tilespmem:$0x310];
	[tilespmem:$0x6E0] =	vst v1;
	v1 =	vshra.s32 v25, $0x2  }
0x3d: {  	[tilespmem:$0x4F0] =	vst v1;
	v1 =	vshra.s32 v2, $0x2;
	v2 =	vld [tilespmem:$0x120]  }
0x3e: {  	[tilespmem:$0x6F0] =	vst v1;
	v1 =	vshra.s32 v3, $0x2;
	v3 =	vld [tilespmem:$0x320]  }
0x3f: {  	v29 =	vld [tilespmem:$0x130];
	[tilespmem:$0x500] =	vst v1;
	v1 =	vshra.s32 v26, $0x2  }
0x40: {  	v30 =	vld [tilespmem:$0x330];
	[tilespmem:$0x700] =	vst v1;
	v1 =	vshra.s32 v27, $0x2  }
0x41: {  	v31 =	vld [tilespmem:$0x140];
	[tilespmem:$0x510] =	vst v1;
	v1 =	vshra.s32 v28, $0x2  }
0x42: {  	[tilespmem:$0x710] =	vst v1;
	v1 =	vshra.s32 v2, $0x2;
	v2 =	vld [tilespmem:$0x340]  }
0x43: {  	[tilespmem:$0x520] =	vst v1;
	v1 =	vshra.s32 v3, $0x2;
	v3 =	vld [tilespmem:$0x150]  }
0x44: {  	v32 =	vld [tilespmem:$0x350];
	[tilespmem:$0x720] =	vst v1;
	v1 =	vshra.s32 v29, $0x2  }
0x45: {  	v33 =	vld [tilespmem:$0x160];
	[tilespmem:$0x530] =	vst v1;
	v1 =	vshra.s32 v30, $0x2  }
0x46: {  	v34 =	vld [tilespmem:$0x360];
	[tilespmem:$0x730] =	vst v1;
	v1 =	vshra.s32 v31, $0x2  }
0x47: {  	[tilespmem:$0x540] =	vst v1;
	v1 =	vshra.s32 v2, $0x2;
	v2 =	vld [tilespmem:$0x170]  }
0x48: {  	[tilespmem:$0x740] =	vst v1;
	v1 =	vshra.s32 v3, $0x2;
	v3 =	vld [tilespmem:$0x370]  }
0x49: {  	v35 =	vld [tilespmem:$0x180];
	[tilespmem:$0x550] =	vst v1;
	v1 =	vshra.s32 v32, $0x2  }
0x4a: {  	v36 =	vld [tilespmem:$0x380];
	[tilespmem:$0x750] =	vst v1;
	v1 =	vshra.s32 v33, $0x2  }
0x4b: {  	v37 =	vld [tilespmem:$0x190];
	[tilespmem:$0x560] =	vst v1;
	v1 =	vshra.s32 v34, $0x2  }
0x4c: {  	[tilespmem:$0x760] =	vst v1;
	v1 =	vshra.s32 v2, $0x2;
	v2 =	vld [tilespmem:$0x390]  }
0x4d: {  	[tilespmem:$0x570] =	vst v1;
	v1 =	vshra.s32 v3, $0x2;
	v3 =	vld [tilespmem:$0x1A0]  }
0x4e: {  	v38 =	vld [tilespmem:$0x3A0];
	[tilespmem:$0x770] =	vst v1;
	v1 =	vshra.s32 v35, $0x2  }
0x4f: {  	v39 =	vld [tilespmem:$0x1B0];
	[tilespmem:$0x580] =	vst v1;
	v1 =	vshra.s32 v36, $0x2  }
0x50: {  	v40 =	vld [tilespmem:$0x3B0];
	[tilespmem:$0x780] =	vst v1;
	v1 =	vshra.s32 v37, $0x2  }
0x51: {  	[tilespmem:$0x590] =	vst v1;
	v1 =	vshra.s32 v2, $0x2;
	v2 =	vld [tilespmem:$0x1C0]  }
0x52: {  	[tilespmem:$0x790] =	vst v1;
	v1 =	vshra.s32 v3, $0x2;
	v3 =	vld [tilespmem:$0x3C0]  }
0x53: {  	v41 =	vld [tilespmem:$0x1D0];
	[tilespmem:$0x5A0] =	vst v1;
	v1 =	vshra.s32 v38, $0x2  }
0x54: {  	v42 =	vld [tilespmem:$0x3D0];
	[tilespmem:$0x7A0] =	vst v1;
	v1 =	vshra.s32 v39, $0x2  }
0x55: {  	v43 =	vld [tilespmem:$0x1E0];
	[tilespmem:$0x5B0] =	vst v1;
	v1 =	vshra.s32 v40, $0x2  }
0x56: {  	[tilespmem:$0x7B0] =	vst v1;
	v1 =	vshra.s32 v2, $0x2;
	v2 =	vld [tilespmem:$0x3E0]  }
0x57: {  	[tilespmem:$0x5C0] =	vst v1;
	v1 =	vshra.s32 v3, $0x2;
	v3 =	vld [tilespmem:$0x1F0]  }
0x58: {  	v44 =	vld [tilespmem:$0x3F0];
	[tilespmem:$0x7C0] =	vst v1;
	v1 =	vshra.s32 v41, $0x2  }
0x59: {  	[tilespmem:$0x5D0] =	vst v1;
	v1 =	vshra.s32 v42, $0x2  }
0x5a: {  	[tilespmem:$0x7D0] =	vst v1;
	v1 =	vshra.s32 v43, $0x2  }
0x5b: {  	[tilespmem:$0x5E0] =	vst v1;
	v1 =	vshra.s32 v2, $0x2  }
0x5c: {  	[tilespmem:$0x7E0] =	vst v1;
	v1 =	vshra.s32 v3, $0x2  }
0x5d: {  	[tilespmem:$0x5F0] =	vst v1;
	v1 =	vshra.s32 v44, $0x2  }
0x5e: {  	[tilespmem:$0x7F0] =	vst v1  }
0x5f: {  	[tilespmem:s12], [sflag:$0x1] =	stream.indirect.gather [hbm4b:s3+s10], $0x80, s11, s10, $0xb8;
	[tilespmem:$0x10A00] =	vst v63  }
0x60: {  	_ = 	snop  }
0x61: {  	[tilespmem:s14], [sflag:$0x1] =	stream.indirect.gather [hbm4b:s4+s10], $0x80, s13, s10, $0xb8;
	[tilespmem:$0x10A00] =	vst v63  }
0x62: {  	_ = 	snop  }
0x63: {  	[tilespmem:s16], [sflag:$0x2] =	stream.indirect.gather [hbm4b:s3+s10], $0x80, s15, s10, $0xb8;
	[tilespmem:$0x10A00] =	vst v63  }
0x64: {  	_ = 	snop  }
0x65: {  	[tilespmem:s18], [sflag:$0x2] =	stream.indirect.gather [hbm4b:s4+s10], $0x80, s17, s10, $0xb8;
	[tilespmem:$0x10A00] =	vst v63  }
0x66: {  	_ =	swait.ge [sflag:s19], $0x4000  }
0x67: {  	[sflag:s19] =	ssyncset.done $0x0  }
0x68: {  	[sflag:s19] =	ssyncadd.s32 $0xFFFFC000  }
0x69: {  	_ =	swait.ge [sflag:s19], $0x4000  }
0x6a: {  	[sflag:s19] =	ssyncset.done $0x0  }
0x6b: {  	[sflag:s19] =	ssyncadd.s32 $0xFFFFC000  }
0x6c: {  	v1 =	vld [tilespmem:s2+$0x0]  }
0x6d: {  	v2 =	vld [tilespmem:s0+$0x0];
	_ =	sdelay $0x2  }
0x6e: {  	v3 =	vmov s2  }
0x6f: {  	v3 =	vshll.u32 v3, $0x7;
	v1 =	vshll.u32 v1, $0x5  }
0x70: {  	v3 =	vor.u32 v0, v3;
	v2 =	vshll.u32 v2, $0x5;
	v1 =	vand.u32 $0x60, v1  }
0x71: {  	v45 =	vand.u32 $0x60, v2;
	v2 =	vor.u32 v3, v1  }
0x72: {  	v1 =	vor.u32 v3, v45  }
0x73: {  	v3 =	vor.u32 $0x1, v2  }
0x74: {  	v4 =	vor.u32 $0x1, v1  }
0x75: {  	v46 =	vor.u32 $0x2, v2  }
0x76: {  	v7 =	vor.u32 $0x2, v1;
	v47 =	vld.idx.msk [tilespmem:v2+s12+$0x0], $0xffff  }
0x77: {  	v9 =	vor.u32 $0x3, v2;
	v8 =	vld.idx.msk [tilespmem:v1+s14+$0x0], $0xffff  }
0x78: {  	v10 =	vor.u32 $0x3, v1;
	v3 =	vld.idx.msk [tilespmem:v3+s12+$0x0], $0xffff  }
0x79: {  	v11 =	vor.u32 $0x4, v2;
	v4 =	vld.idx.msk [tilespmem:v4+s14+$0x0], $0xffff  }
0x7a: {  	v12 =	vor.u32 $0x4, v1;
	v5 =	vld.idx.msk [tilespmem:v46+s12+$0x0], $0xffff  }
0x7b: {  	v13 =	vor.u32 $0x5, v2;
	v7 =	vld.idx.msk [tilespmem:v7+s14+$0x0], $0xffff  }
0x7c: {  	v14 =	vor.u32 $0x5, v1;
	v9 =	vld.idx.msk [tilespmem:v9+s12+$0x0], $0xffff;
	v6 =	vmul.f32 v8, v47  }
0x7d: {  	v49 =	vor.u32 $0x6, v2;
	v48 =	vld.idx.msk [tilespmem:v10+s14+$0x0], $0xffff  }
0x7e: {  	v15 =	vor.u32 $0x6, v1;
	v11 =	vld.idx.msk [tilespmem:v11+s12+$0x0], $0xffff;
	v3 =	vmul.f32 v4, v3;
	v6 =	vadd.f32 $0.0e+00, v6  }
0x7f: {  	v51 =	vor.u32 $0x7, v2;
	v50 =	vld.idx.msk [tilespmem:v12+s14+$0x0], $0xffff  }
0x80: {  	v16 =	vor.u32 $0x7, v1;
	v13 =	vld.idx.msk [tilespmem:v13+s12+$0x0], $0xffff;
	v5 =	vmul.f32 v7, v5;
	v3 =	vadd.f32 v3, v6  }
0x81: {  	v54 =	vor.u32 $0x8, v1;
	v52 =	vld.idx.msk [tilespmem:v14+s14+$0x0], $0xffff  }
0x82: {  	v53 =	vor.u32 $0x8, v2;
	v10 =	vld.idx.msk [tilespmem:v49+s12+$0x0], $0xffff;
	v55 =	vmul.f32 v48, v9;
	v3 =	vadd.f32 v5, v3  }
0x83: {  	v58 =	vor.u32 $0x9, v1;
	v56 =	vld.idx.msk [tilespmem:v15+s14+$0x0], $0xffff  }
0x84: {  	v57 =	vor.u32 $0x9, v2;
	v12 =	vld.idx.msk [tilespmem:v51+s12+$0x0], $0xffff;
	v4 =	vmul.f32 v50, v11;
	v3 =	vadd.f32 v55, v3  }
0x85: {  	v61 =	vor.u32 $0xA, v1;
	v59 =	vld.idx.msk [tilespmem:v16+s14+$0x0], $0xffff  }
0x86: {  	v60 =	vor.u32 $0xA, v2;
	v63 =	vld.idx.msk [tilespmem:v54+s14+$0x0], $0xffff;
	v62 =	vmul.f32 v52, v13;
	v3 =	vadd.f32 v4, v3  }
0x87: {  	v20 =	vor.u32 $0xB, v1;
	v7 =	vld.idx.msk [tilespmem:v53+s12+$0x0], $0xffff  }
0x88: {  	v19 =	vor.u32 $0xB, v2;
	v22 =	vld.idx.msk [tilespmem:v58+s14+$0x0], $0xffff;
	v21 =	vmul.f32 v56, v10;
	v3 =	vadd.f32 v62, v3  }
0x89: {  	v24 =	vor.u32 $0xC, v1;
	v9 =	vld.idx.msk [tilespmem:v57+s12+$0x0], $0xffff  }
0x8a: {  	v23 =	vor.u32 $0xC, v2;
	v26 =	vld.idx.msk [tilespmem:v61+s14+$0x0], $0xffff;
	v25 =	vmul.f32 v59, v12;
	v3 =	vadd.f32 v21, v3  }
0x8b: {  	v28 =	vor.u32 $0xD, v1;
	v11 =	vld.idx.msk [tilespmem:v60+s12+$0x0], $0xffff  }
0x8c: {  	v27 =	vor.u32 $0xD, v2;
	v30 =	vld.idx.msk [tilespmem:v20+s14+$0x0], $0xffff;
	v29 =	vmul.f32 v63, v7;
	v3 =	vadd.f32 v25, v3  }
0x8d: {  	v32 =	vor.u32 $0xE, v1;
	v13 =	vld.idx.msk [tilespmem:v19+s12+$0x0], $0xffff  }
0x8e: {  	v31 =	vor.u32 $0xE, v2;
	v34 =	vld.idx.msk [tilespmem:v24+s14+$0x0], $0xffff;
	v33 =	vmul.f32 v22, v9;
	v3 =	vadd.f32 v29, v3  }
0x8f: {  	v36 =	vor.u32 $0xF, v1;
	v10 =	vld.idx.msk [tilespmem:v23+s12+$0x0], $0xffff  }
0x90: {  	v35 =	vor.u32 $0xF, v2;
	v38 =	vld.idx.msk [tilespmem:v28+s14+$0x0], $0xffff;
	v37 =	vmul.f32 v26, v11;
	v3 =	vadd.f32 v33, v3  }
0x91: {  	v40 =	vor.u32 $0x10, v1;
	v12 =	vld.idx.msk [tilespmem:v27+s12+$0x0], $0xffff  }
0x92: {  	v39 =	vor.u32 $0x10, v2;
	v42 =	vld.idx.msk [tilespmem:v32+s14+$0x0], $0xffff;
	v41 =	vmul.f32 v30, v13;
	v3 =	vadd.f32 v37, v3  }
0x93: {  	v44 =	vor.u32 $0x11, v1;
	v7 =	vld.idx.msk [tilespmem:v31+s12+$0x0], $0xffff  }
0x94: {  	v43 =	vor.u32 $0x11, v2;
	v46 =	vld.idx.msk [tilespmem:v36+s14+$0x0], $0xffff;
	v45 =	vmul.f32 v34, v10;
	v3 =	vadd.f32 v41, v3  }
0x95: {  	v47 =	vor.u32 $0x12, v2;
	v9 =	vld.idx.msk [tilespmem:v35+s12+$0x0], $0xffff  }
0x96: {  	v48 =	vor.u32 $0x12, v1;
	v50 =	vld.idx.msk [tilespmem:v40+s14+$0x0], $0xffff;
	v49 =	vmul.f32 v38, v12;
	v3 =	vadd.f32 v45, v3  }
0x97: {  	v51 =	vor.u32 $0x13, v2;
	v11 =	vld.idx.msk [tilespmem:v39+s12+$0x0], $0xffff  }
0x98: {  	v54 =	vld.idx.msk [tilespmem:v44+s14+$0x0], $0xffff;
	v52 =	vor.u32 $0x13, v1;
	v53 =	vmul.f32 v42, v7;
	v3 =	vadd.f32 v49, v3  }
0x99: {  	v56 =	vor.u32 $0x14, v1;
	v13 =	vld.idx.msk [tilespmem:v43+s12+$0x0], $0xffff  }
0x9a: {  	v10 =	vld.idx.msk [tilespmem:v47+s12+$0x0], $0xffff;
	v55 =	vor.u32 $0x14, v2;
	v57 =	vmul.f32 v46, v9;
	v3 =	vadd.f32 v53, v3  }
0x9b: {  	v60 =	vor.u32 $0x15, v1;
	v58 =	vld.idx.msk [tilespmem:v48+s14+$0x0], $0xffff  }
0x9c: {  	v59 =	vor.u32 $0x15, v2;
	v12 =	vld.idx.msk [tilespmem:v51+s12+$0x0], $0xffff;
	v61 =	vmul.f32 v50, v11;
	v3 =	vadd.f32 v57, v3  }
0x9d: {  	v20 =	vor.u32 $0x16, v1;
	v62 =	vld.idx.msk [tilespmem:v52+s14+$0x0], $0xffff  }
0x9e: {  	v63 =	vor.u32 $0x16, v2;
	v22 =	vld.idx.msk [tilespmem:v56+s14+$0x0], $0xffff;
	v21 =	vmul.f32 v54, v13;
	v3 =	vadd.f32 v61, v3  }
0x9f: {  	v24 =	vor.u32 $0x17, v1;
	v7 =	vld.idx.msk [tilespmem:v55+s12+$0x0], $0xffff  }
0xa0: {  	v23 =	vor.u32 $0x17, v2;
	v26 =	vld.idx.msk [tilespmem:v60+s14+$0x0], $0xffff;
	v25 =	vmul.f32 v58, v10;
	v3 =	vadd.f32 v21, v3  }
0xa1: {  	v28 =	vor.u32 $0x18, v1;
	v9 =	vld.idx.msk [tilespmem:v59+s12+$0x0], $0xffff  }
0xa2: {  	v27 =	vor.u32 $0x18, v2;
	v30 =	vld.idx.msk [tilespmem:v20+s14+$0x0], $0xffff;
	v29 =	vmul.f32 v62, v12;
	v3 =	vadd.f32 v25, v3  }
0xa3: {  	v32 =	vor.u32 $0x19, v1;
	v11 =	vld.idx.msk [tilespmem:v63+s12+$0x0], $0xffff  }
0xa4: {  	v31 =	vor.u32 $0x19, v2;
	v34 =	vld.idx.msk [tilespmem:v24+s14+$0x0], $0xffff;
	v33 =	vmul.f32 v22, v7;
	v3 =	vadd.f32 v29, v3  }
0xa5: {  	v36 =	vor.u32 $0x1A, v1;
	v13 =	vld.idx.msk [tilespmem:v23+s12+$0x0], $0xffff  }
0xa6: {  	v35 =	vor.u32 $0x1A, v2;
	v38 =	vld.idx.msk [tilespmem:v28+s14+$0x0], $0xffff;
	v37 =	vmul.f32 v26, v9;
	v3 =	vadd.f32 v33, v3  }
0xa7: {  	v40 =	vor.u32 $0x1B, v1;
	v10 =	vld.idx.msk [tilespmem:v27+s12+$0x0], $0xffff  }
0xa8: {  	v39 =	vor.u32 $0x1B, v2;
	v42 =	vld.idx.msk [tilespmem:v32+s14+$0x0], $0xffff;
	v41 =	vmul.f32 v30, v11;
	v3 =	vadd.f32 v37, v3  }
0xa9: {  	v44 =	vor.u32 $0x1C, v1;
	v12 =	vld.idx.msk [tilespmem:v31+s12+$0x0], $0xffff  }
0xaa: {  	v43 =	vor.u32 $0x1C, v2;
	v46 =	vld.idx.msk [tilespmem:v36+s14+$0x0], $0xffff;
	v45 =	vmul.f32 v34, v13;
	v3 =	vadd.f32 v41, v3  }
0xab: {  	v47 =	vor.u32 $0x1D, v2;
	v7 =	vld.idx.msk [tilespmem:v35+s12+$0x0], $0xffff  }
0xac: {  	v48 =	vor.u32 $0x1D, v1;
	v50 =	vld.idx.msk [tilespmem:v40+s14+$0x0], $0xffff;
	v49 =	vmul.f32 v38, v10;
	v3 =	vadd.f32 v45, v3  }
0xad: {  	v51 =	vor.u32 $0x1E, v2;
	v9 =	vld.idx.msk [tilespmem:v39+s12+$0x0], $0xffff  }
0xae: {  	v52 =	vor.u32 $0x1E, v1;
	v54 =	vld.idx.msk [tilespmem:v44+s14+$0x0], $0xffff;
	v53 =	vmul.f32 v42, v12;
	v3 =	vadd.f32 v49, v3  }
0xaf: {  	v2 =	vor.u32 $0x1F, v2;
	v11 =	vld.idx.msk [tilespmem:v43+s12+$0x0], $0xffff  }
0xb0: {  	v1 =	vor.u32 $0x1F, v1;
	v55 =	vld.idx.msk [tilespmem:v47+s12+$0x0], $0xffff;
	v56 =	vmul.f32 v46, v7;
	v3 =	vadd.f32 v53, v3  }
0xb1: {  	v57 =	vld.idx.msk [tilespmem:v48+s14+$0x0], $0xffff  }
0xb2: {  	v58 =	vld.idx.msk [tilespmem:v51+s12+$0x0], $0xffff;
	v59 =	vmul.f32 v50, v9;
	v3 =	vadd.f32 v56, v3  }
0xb3: {  	v60 =	vld.idx.msk [tilespmem:v52+s14+$0x0], $0xffff  }
0xb4: {  	v2 =	vld.idx.msk [tilespmem:v2+s12+$0x0], $0xffff;
	v61 =	vmul.f32 v54, v11;
	v3 =	vadd.f32 v59, v3  }
0xb5: {  	v1 =	vld.idx.msk [tilespmem:v1+s14+$0x0], $0xffff  }
0xb6: {  	v62 =	vmul.f32 v57, v55;
	v3 =	vadd.f32 v61, v3;
	_ =	sdelay $0x1  }
0xb7: {  	v63 =	vmul.f32 v60, v58;
	v3 =	vadd.f32 v62, v3;
	_ =	sdelay $0x1  }
0xb8: {  	v1 =	vmul.f32 v1, v2;
	v3 =	vadd.f32 v63, v3;
	_ =	sdelay $0x1  }
0xb9: {  	v1 =	vadd.f32 v1, v3;
	_ =	sdelay $0x1  }
0xba: {  	s29 =	simm.s32 $0x10;
	[tilespmem:s25+$0x0] =	vst v1  }
0xbb: {  	s30 =	simm.s32 $0x210;
	v1 =	vld [tilespmem:s29+$0x0]  }
0xbc: {  	s31 =	simm.s32 $0x20;
	s28 =	simm.s32 $0x10800;
	s0 =	simm.s32 $0x10;
	v2 =	vld [tilespmem:s30+$0x0]  }
.LBB2_2:
0xbd: {  	p0 =	sne.s32 s31, $0x70;
	_ =	sdelay $0x1  }
0xbe: {  	v3 =	vmov s29;
	s29 =	smov.u32 s31  }
0xbf: {  	v3 =	vshll.u32 v3, $0x7;
	v1 =	vshll.u32 v1, $0x5  }
0xc0: {  	v3 =	vor.u32 v0, v3;
	v1 =	vand.u32 $0x60, v1;
	v2 =	vshll.u32 v2, $0x5  }
0xc1: {  	v4 =	vand.u32 $0x60, v2;
	v2 =	vor.u32 v3, v1  }
0xc2: {  	v1 =	vor.u32 v3, v4  }
0xc3: {  	v3 =	vor.u32 $0x1, v2  }
0xc4: {  	v4 =	vor.u32 $0x1, v1  }
0xc5: {  	v5 =	vor.u32 $0x2, v2  }
0xc6: {  	v7 =	vor.u32 $0x2, v1;
	v6 =	vld.idx.msk [tilespmem:v2+s12+$0x0], $0xffff  }
0xc7: {  	v9 =	vor.u32 $0x3, v2;
	v8 =	vld.idx.msk [tilespmem:v1+s14+$0x0], $0xffff  }
0xc8: {  	v10 =	vor.u32 $0x3, v1;
	v3 =	vld.idx.msk [tilespmem:v3+s12+$0x0], $0xffff  }
0xc9: {  	v11 =	vor.u32 $0x4, v2;
	v4 =	vld.idx.msk [tilespmem:v4+s14+$0x0], $0xffff  }
0xca: {  	v12 =	vor.u32 $0x4, v1;
	v5 =	vld.idx.msk [tilespmem:v5+s12+$0x0], $0xffff  }
0xcb: {  	v13 =	vor.u32 $0x5, v2;
	v7 =	vld.idx.msk [tilespmem:v7+s14+$0x0], $0xffff  }
0xcc: {  	v14 =	vor.u32 $0x5, v1;
	v9 =	vld.idx.msk [tilespmem:v9+s12+$0x0], $0xffff  }
0xcd: {  	v6 =	vmul.f32 v8, v6;
	v8 =	vld.idx.msk [tilespmem:v10+s14+$0x0], $0xffff;
	v10 =	vor.u32 $0x6, v2  }
0xce: {  	v15 =	vor.u32 $0x6, v1;
	v11 =	vld.idx.msk [tilespmem:v11+s12+$0x0], $0xffff  }
0xcf: {  	v6 =	vadd.f32 $0.0e+00, v6;
	v3 =	vmul.f32 v4, v3;
	v4 =	vld.idx.msk [tilespmem:v12+s14+$0x0], $0xffff;
	v12 =	vor.u32 $0x7, v2  }
0xd0: {  	v16 =	vor.u32 $0x7, v1;
	v13 =	vld.idx.msk [tilespmem:v13+s12+$0x0], $0xffff  }
0xd1: {  	v3 =	vadd.f32 v3, v6;
	v5 =	vmul.f32 v7, v5;
	v7 =	vor.u32 $0x8, v2;
	v6 =	vld.idx.msk [tilespmem:v14+s14+$0x0], $0xffff  }
0xd2: {  	v14 =	vor.u32 $0x8, v1;
	v10 =	vld.idx.msk [tilespmem:v10+s12+$0x0], $0xffff  }
0xd3: {  	v3 =	vadd.f32 v5, v3;
	v5 =	vmul.f32 v8, v9;
	v9 =	vor.u32 $0x9, v2;
	v8 =	vld.idx.msk [tilespmem:v15+s14+$0x0], $0xffff  }
0xd4: {  	v15 =	vor.u32 $0x9, v1;
	v12 =	vld.idx.msk [tilespmem:v12+s12+$0x0], $0xffff  }
0xd5: {  	v3 =	vadd.f32 v5, v3;
	v4 =	vmul.f32 v4, v11;
	v11 =	vor.u32 $0xA, v2;
	v5 =	vld.idx.msk [tilespmem:v16+s14+$0x0], $0xffff  }
0xd6: {  	v16 =	vor.u32 $0xA, v1;
	v7 =	vld.idx.msk [tilespmem:v7+s12+$0x0], $0xffff  }
0xd7: {  	v3 =	vadd.f32 v4, v3;
	v4 =	vmul.f32 v6, v13;
	v13 =	vor.u32 $0xB, v2;
	v6 =	vld.idx.msk [tilespmem:v14+s14+$0x0], $0xffff  }
0xd8: {  	v14 =	vor.u32 $0xB, v1;
	v9 =	vld.idx.msk [tilespmem:v9+s12+$0x0], $0xffff  }
0xd9: {  	v3 =	vadd.f32 v4, v3;
	v4 =	vmul.f32 v8, v10;
	v10 =	vor.u32 $0xC, v2;
	v8 =	vld.idx.msk [tilespmem:v15+s14+$0x0], $0xffff  }
0xda: {  	v15 =	vor.u32 $0xC, v1;
	v11 =	vld.idx.msk [tilespmem:v11+s12+$0x0], $0xffff  }
0xdb: {  	v3 =	vadd.f32 v4, v3;
	v4 =	vmul.f32 v5, v12;
	v12 =	vor.u32 $0xD, v2;
	v5 =	vld.idx.msk [tilespmem:v16+s14+$0x0], $0xffff  }
0xdc: {  	v16 =	vor.u32 $0xD, v1;
	v13 =	vld.idx.msk [tilespmem:v13+s12+$0x0], $0xffff  }
0xdd: {  	v3 =	vadd.f32 v4, v3;
	v4 =	vmul.f32 v6, v7;
	v7 =	vor.u32 $0xE, v2;
	v6 =	vld.idx.msk [tilespmem:v14+s14+$0x0], $0xffff  }
0xde: {  	v14 =	vor.u32 $0xE, v1;
	v10 =	vld.idx.msk [tilespmem:v10+s12+$0x0], $0xffff  }
0xdf: {  	v3 =	vadd.f32 v4, v3;
	v4 =	vmul.f32 v8, v9;
	v9 =	vor.u32 $0xF, v2;
	v8 =	vld.idx.msk [tilespmem:v15+s14+$0x0], $0xffff  }
0xe0: {  	v15 =	vor.u32 $0xF, v1;
	v12 =	vld.idx.msk [tilespmem:v12+s12+$0x0], $0xffff  }
0xe1: {  	v3 =	vadd.f32 v4, v3;
	v4 =	vmul.f32 v5, v11;
	v11 =	vor.u32 $0x10, v2;
	v5 =	vld.idx.msk [tilespmem:v16+s14+$0x0], $0xffff  }
0xe2: {  	v16 =	vor.u32 $0x10, v1;
	v7 =	vld.idx.msk [tilespmem:v7+s12+$0x0], $0xffff  }
0xe3: {  	v3 =	vadd.f32 v4, v3;
	v4 =	vmul.f32 v6, v13;
	v13 =	vor.u32 $0x11, v2;
	v6 =	vld.idx.msk [tilespmem:v14+s14+$0x0], $0xffff  }
0xe4: {  	v14 =	vor.u32 $0x11, v1;
	v9 =	vld.idx.msk [tilespmem:v9+s12+$0x0], $0xffff  }
0xe5: {  	v3 =	vadd.f32 v4, v3;
	v4 =	vmul.f32 v8, v10;
	v10 =	vor.u32 $0x12, v2;
	v8 =	vld.idx.msk [tilespmem:v15+s14+$0x0], $0xffff  }
0xe6: {  	v15 =	vor.u32 $0x12, v1;
	v11 =	vld.idx.msk [tilespmem:v11+s12+$0x0], $0xffff  }
0xe7: {  	v3 =	vadd.f32 v4, v3;
	v4 =	vmul.f32 v5, v12;
	v12 =	vor.u32 $0x13, v2;
	v5 =	vld.idx.msk [tilespmem:v16+s14+$0x0], $0xffff  }
0xe8: {  	v16 =	vor.u32 $0x13, v1;
	v13 =	vld.idx.msk [tilespmem:v13+s12+$0x0], $0xffff  }
0xe9: {  	v3 =	vadd.f32 v4, v3;
	v4 =	vmul.f32 v6, v7;
	v7 =	vor.u32 $0x14, v2;
	v6 =	vld.idx.msk [tilespmem:v14+s14+$0x0], $0xffff  }
0xea: {  	v14 =	vor.u32 $0x14, v1;
	v10 =	vld.idx.msk [tilespmem:v10+s12+$0x0], $0xffff  }
0xeb: {  	v3 =	vadd.f32 v4, v3;
	v4 =	vmul.f32 v8, v9;
	v9 =	vor.u32 $0x15, v2;
	v8 =	vld.idx.msk [tilespmem:v15+s14+$0x0], $0xffff  }
0xec: {  	v15 =	vor.u32 $0x15, v1;
	v12 =	vld.idx.msk [tilespmem:v12+s12+$0x0], $0xffff  }
0xed: {  	v3 =	vadd.f32 v4, v3;
	v4 =	vmul.f32 v5, v11;
	v11 =	vor.u32 $0x16, v2;
	v5 =	vld.idx.msk [tilespmem:v16+s14+$0x0], $0xffff  }
0xee: {  	v16 =	vor.u32 $0x16, v1;
	v7 =	vld.idx.msk [tilespmem:v7+s12+$0x0], $0xffff  }
0xef: {  	v3 =	vadd.f32 v4, v3;
	v4 =	vmul.f32 v6, v13;
	v13 =	vor.u32 $0x17, v2;
	v6 =	vld.idx.msk [tilespmem:v14+s14+$0x0], $0xffff  }
0xf0: {  	v14 =	vor.u32 $0x17, v1;
	v9 =	vld.idx.msk [tilespmem:v9+s12+$0x0], $0xffff  }
0xf1: {  	v3 =	vadd.f32 v4, v3;
	v4 =	vmul.f32 v8, v10;
	v10 =	vor.u32 $0x18, v2;
	v8 =	vld.idx.msk [tilespmem:v15+s14+$0x0], $0xffff  }
0xf2: {  	v15 =	vor.u32 $0x18, v1;
	v11 =	vld.idx.msk [tilespmem:v11+s12+$0x0], $0xffff  }
0xf3: {  	v3 =	vadd.f32 v4, v3;
	v4 =	vmul.f32 v5, v12;
	v12 =	vor.u32 $0x19, v2;
	v5 =	vld.idx.msk [tilespmem:v16+s14+$0x0], $0xffff  }
0xf4: {  	v16 =	vor.u32 $0x19, v1;
	v13 =	vld.idx.msk [tilespmem:v13+s12+$0x0], $0xffff  }
0xf5: {  	v3 =	vadd.f32 v4, v3;
	v4 =	vmul.f32 v6, v7;
	v7 =	vor.u32 $0x1A, v2;
	v6 =	vld.idx.msk [tilespmem:v14+s14+$0x0], $0xffff  }
0xf6: {  	v14 =	vor.u32 $0x1A, v1;
	v10 =	vld.idx.msk [tilespmem:v10+s12+$0x0], $0xffff  }
0xf7: {  	v3 =	vadd.f32 v4, v3;
	v4 =	vmul.f32 v8, v9;
	v9 =	vor.u32 $0x1B, v2;
	v8 =	vld.idx.msk [tilespmem:v15+s14+$0x0], $0xffff  }
0xf8: {  	v15 =	vor.u32 $0x1B, v1;
	v12 =	vld.idx.msk [tilespmem:v12+s12+$0x0], $0xffff  }
0xf9: {  	v3 =	vadd.f32 v4, v3;
	v4 =	vmul.f32 v5, v11;
	v11 =	vor.u32 $0x1C, v2;
	v5 =	vld.idx.msk [tilespmem:v16+s14+$0x0], $0xffff  }
0xfa: {  	v16 =	vor.u32 $0x1C, v1;
	v7 =	vld.idx.msk [tilespmem:v7+s12+$0x0], $0xffff  }
0xfb: {  	v3 =	vadd.f32 v4, v3;
	v4 =	vmul.f32 v6, v13;
	v13 =	vor.u32 $0x1D, v2;
	v6 =	vld.idx.msk [tilespmem:v14+s14+$0x0], $0xffff  }
0xfc: {  	v14 =	vor.u32 $0x1D, v1;
	v9 =	vld.idx.msk [tilespmem:v9+s12+$0x0], $0xffff  }
0xfd: {  	v3 =	vadd.f32 v4, v3;
	v4 =	vmul.f32 v8, v10;
	v10 =	vor.u32 $0x1E, v2;
	v8 =	vld.idx.msk [tilespmem:v15+s14+$0x0], $0xffff  }
0xfe: {  	v15 =	vor.u32 $0x1E, v1;
	v11 =	vld.idx.msk [tilespmem:v11+s12+$0x0], $0xffff  }
0xff: {  	v2 =	vor.u32 $0x1F, v2;
	v3 =	vadd.f32 v4, v3;
	v4 =	vmul.f32 v5, v12;
	v5 =	vld.idx.msk [tilespmem:v16+s14+$0x0], $0xffff  }
0x100: {  	v1 =	vor.u32 $0x1F, v1;
	v12 =	vld.idx.msk [tilespmem:v13+s12+$0x0], $0xffff  }
0x101: {  	v3 =	vadd.f32 v4, v3;
	v4 =	vmul.f32 v6, v7;
	v6 =	vld.idx.msk [tilespmem:v14+s14+$0x0], $0xffff  }
0x102: {  	v7 =	vld.idx.msk [tilespmem:v10+s12+$0x0], $0xffff  }
0x103: {  	v3 =	vadd.f32 v4, v3;
	v4 =	vmul.f32 v8, v9;
	v8 =	vld.idx.msk [tilespmem:v15+s14+$0x0], $0xffff  }
0x104: {  	v2 =	vld.idx.msk [tilespmem:v2+s12+$0x0], $0xffff  }
0x105: {  	v3 =	vadd.f32 v4, v3;
	v4 =	vmul.f32 v5, v11;
	v1 =	vld.idx.msk [tilespmem:v1+s14+$0x0], $0xffff;
	_ =	sdelay $0x1  }
0x106: {  	v3 =	vadd.f32 v4, v3;
	v4 =	vmul.f32 v6, v12;
	_ =	sdelay $0x1  }
0x107: {  	v3 =	vadd.f32 v4, v3;
	v4 =	vmul.f32 v8, v7;
	_ =	sdelay $0x1  }
0x108: {  	v3 =	vadd.f32 v4, v3;
	v1 =	vmul.f32 v1, v2;
	_ =	sdelay $0x1  }
.Ltmp0:
0x109: {  	v1 =	vadd.f32 v1, v3;
	(pc) =	sbr.rel @p0 .LBB2_2-.Ltmp0, $4  }
0x10a: {  	s28 =	sadd.s32 $0x10, s28  }
0x10b: {  	s0 =	sadd.s32 $0x10, s0;
	[tilespmem:s28+$0x0] =	vst v1  }
0x10c: {  	s30 =	sadd.s32 $0x10, s30;
	v1 =	vld [tilespmem:s0+$0x0]  }
0x10d: {  	s31 =	sadd.s32 $0x10, s31;
	v2 =	vld [tilespmem:s30+$0x0]  }
0x10e: {  	_ =	sdelay $0x1  }
0x10f: {  	v3 =	vmov s29  }
0x110: {  	v3 =	vshll.u32 v3, $0x7;
	v1 =	vshll.u32 v1, $0x5  }
0x111: {  	v3 =	vor.u32 v0, v3;
	v1 =	vand.u32 $0x60, v1;
	v2 =	vshll.u32 v2, $0x5  }
0x112: {  	v4 =	vand.u32 $0x60, v2;
	v2 =	vor.u32 v3, v1  }
0x113: {  	v1 =	vor.u32 v3, v4  }
0x114: {  	v3 =	vor.u32 $0x1, v2  }
0x115: {  	v4 =	vor.u32 $0x1, v1  }
0x116: {  	v5 =	vor.u32 $0x2, v2  }
0x117: {  	v7 =	vor.u32 $0x2, v1;
	v6 =	vld.idx.msk [tilespmem:v2+s12+$0x0], $0xffff  }
0x118: {  	v9 =	vor.u32 $0x3, v2;
	v8 =	vld.idx.msk [tilespmem:v1+s14+$0x0], $0xffff  }
0x119: {  	v10 =	vor.u32 $0x3, v1;
	v3 =	vld.idx.msk [tilespmem:v3+s12+$0x0], $0xffff  }
0x11a: {  	v11 =	vor.u32 $0x4, v2;
	v4 =	vld.idx.msk [tilespmem:v4+s14+$0x0], $0xffff  }
0x11b: {  	v12 =	vor.u32 $0x4, v1;
	v5 =	vld.idx.msk [tilespmem:v5+s12+$0x0], $0xffff  }
0x11c: {  	v13 =	vor.u32 $0x5, v2;
	v7 =	vld.idx.msk [tilespmem:v7+s14+$0x0], $0xffff  }
0x11d: {  	v14 =	vor.u32 $0x5, v1;
	v9 =	vld.idx.msk [tilespmem:v9+s12+$0x0], $0xffff;
	v6 =	vmul.f32 v8, v6  }
0x11e: {  	v21 =	vor.u32 $0x6, v2;
	v20 =	vld.idx.msk [tilespmem:v10+s14+$0x0], $0xffff  }
0x11f: {  	v15 =	vor.u32 $0x6, v1;
	v11 =	vld.idx.msk [tilespmem:v11+s12+$0x0], $0xffff;
	v3 =	vmul.f32 v4, v3;
	v6 =	vadd.f32 $0.0e+00, v6  }
0x120: {  	v23 =	vor.u32 $0x7, v2;
	v22 =	vld.idx.msk [tilespmem:v12+s14+$0x0], $0xffff  }
0x121: {  	v16 =	vor.u32 $0x7, v1;
	v13 =	vld.idx.msk [tilespmem:v13+s12+$0x0], $0xffff;
	v5 =	vmul.f32 v7, v5;
	v3 =	vadd.f32 v3, v6  }
0x122: {  	v26 =	vor.u32 $0x8, v1;
	v24 =	vld.idx.msk [tilespmem:v14+s14+$0x0], $0xffff  }
0x123: {  	v25 =	vor.u32 $0x8, v2;
	v10 =	vld.idx.msk [tilespmem:v21+s12+$0x0], $0xffff;
	v27 =	vmul.f32 v20, v9;
	v3 =	vadd.f32 v5, v3  }
0x124: {  	v30 =	vor.u32 $0x9, v1;
	v28 =	vld.idx.msk [tilespmem:v15+s14+$0x0], $0xffff  }
0x125: {  	v29 =	vor.u32 $0x9, v2;
	v12 =	vld.idx.msk [tilespmem:v23+s12+$0x0], $0xffff;
	v4 =	vmul.f32 v22, v11;
	v3 =	vadd.f32 v27, v3  }
0x126: {  	v33 =	vor.u32 $0xA, v1;
	v31 =	vld.idx.msk [tilespmem:v16+s14+$0x0], $0xffff  }
0x127: {  	v32 =	vor.u32 $0xA, v2;
	v35 =	vld.idx.msk [tilespmem:v26+s14+$0x0], $0xffff;
	v34 =	vmul.f32 v24, v13;
	v3 =	vadd.f32 v4, v3  }
0x128: {  	v37 =	vor.u32 $0xB, v1;
	v7 =	vld.idx.msk [tilespmem:v25+s12+$0x0], $0xffff  }
0x129: {  	v36 =	vor.u32 $0xB, v2;
	v39 =	vld.idx.msk [tilespmem:v30+s14+$0x0], $0xffff;
	v38 =	vmul.f32 v28, v10;
	v3 =	vadd.f32 v34, v3  }
0x12a: {  	v41 =	vor.u32 $0xC, v1;
	v9 =	vld.idx.msk [tilespmem:v29+s12+$0x0], $0xffff  }
0x12b: {  	v40 =	vor.u32 $0xC, v2;
	v43 =	vld.idx.msk [tilespmem:v33+s14+$0x0], $0xffff;
	v42 =	vmul.f32 v31, v12;
	v3 =	vadd.f32 v38, v3  }
0x12c: {  	v45 =	vor.u32 $0xD, v1;
	v11 =	vld.idx.msk [tilespmem:v32+s12+$0x0], $0xffff  }
0x12d: {  	v44 =	vor.u32 $0xD, v2;
	v47 =	vld.idx.msk [tilespmem:v37+s14+$0x0], $0xffff;
	v46 =	vmul.f32 v35, v7;
	v3 =	vadd.f32 v42, v3  }
0x12e: {  	v49 =	vor.u32 $0xE, v1;
	v13 =	vld.idx.msk [tilespmem:v36+s12+$0x0], $0xffff  }
0x12f: {  	v48 =	vor.u32 $0xE, v2;
	v51 =	vld.idx.msk [tilespmem:v41+s14+$0x0], $0xffff;
	v50 =	vmul.f32 v39, v9;
	v3 =	vadd.f32 v46, v3  }
0x130: {  	v53 =	vor.u32 $0xF, v1;
	v10 =	vld.idx.msk [tilespmem:v40+s12+$0x0], $0xffff  }
0x131: {  	v52 =	vor.u32 $0xF, v2;
	v55 =	vld.idx.msk [tilespmem:v45+s14+$0x0], $0xffff;
	v54 =	vmul.f32 v43, v11;
	v3 =	vadd.f32 v50, v3  }
0x132: {  	v57 =	vor.u32 $0x10, v1;
	v12 =	vld.idx.msk [tilespmem:v44+s12+$0x0], $0xffff  }
0x133: {  	v56 =	vor.u32 $0x10, v2;
	v59 =	vld.idx.msk [tilespmem:v49+s14+$0x0], $0xffff;
	v58 =	vmul.f32 v47, v13;
	v3 =	vadd.f32 v54, v3  }
0x134: {  	v60 =	vor.u32 $0x11, v2;
	v7 =	vld.idx.msk [tilespmem:v48+s12+$0x0], $0xffff  }
0x135: {  	v61 =	vor.u32 $0x11, v1;
	v63 =	vld.idx.msk [tilespmem:v53+s14+$0x0], $0xffff;
	v62 =	vmul.f32 v51, v10;
	v3 =	vadd.f32 v58, v3  }
0x136: {  	v21 =	vor.u32 $0x12, v1;
	v9 =	vld.idx.msk [tilespmem:v52+s12+$0x0], $0xffff  }
0x137: {  	v23 =	vld.idx.msk [tilespmem:v57+s14+$0x0], $0xffff;
	v20 =	vor.u32 $0x12, v2;
	v22 =	vmul.f32 v55, v12;
	v3 =	vadd.f32 v62, v3  }
0x138: {  	v24 =	vor.u32 $0x13, v2;
	v11 =	vld.idx.msk [tilespmem:v56+s12+$0x0], $0xffff  }
0x139: {  	v25 =	vor.u32 $0x13, v1;
	v13 =	vld.idx.msk [tilespmem:v60+s12+$0x0], $0xffff;
	v26 =	vmul.f32 v59, v7;
	v3 =	vadd.f32 v22, v3  }
0x13a: {  	v29 =	vor.u32 $0x14, v1;
	v27 =	vld.idx.msk [tilespmem:v61+s14+$0x0], $0xffff  }
0x13b: {  	v28 =	vor.u32 $0x14, v2;
	v31 =	vld.idx.msk [tilespmem:v21+s14+$0x0], $0xffff;
	v30 =	vmul.f32 v63, v9;
	v3 =	vadd.f32 v26, v3  }
0x13c: {  	v33 =	vor.u32 $0x15, v1;
	v10 =	vld.idx.msk [tilespmem:v20+s12+$0x0], $0xffff  }
0x13d: {  	v32 =	vor.u32 $0x15, v2;
	v12 =	vld.idx.msk [tilespmem:v24+s12+$0x0], $0xffff;
	v34 =	vmul.f32 v23, v11;
	v3 =	vadd.f32 v30, v3  }
0x13e: {  	v37 =	vor.u32 $0x16, v1;
	v35 =	vld.idx.msk [tilespmem:v25+s14+$0x0], $0xffff  }
0x13f: {  	v36 =	vor.u32 $0x16, v2;
	v39 =	vld.idx.msk [tilespmem:v29+s14+$0x0], $0xffff;
	v38 =	vmul.f32 v27, v13;
	v3 =	vadd.f32 v34, v3  }
0x140: {  	v41 =	vor.u32 $0x17, v1;
	v7 =	vld.idx.msk [tilespmem:v28+s12+$0x0], $0xffff  }
0x141: {  	v40 =	vor.u32 $0x17, v2;
	v43 =	vld.idx.msk [tilespmem:v33+s14+$0x0], $0xffff;
	v42 =	vmul.f32 v31, v10;
	v3 =	vadd.f32 v38, v3  }
0x142: {  	v45 =	vor.u32 $0x18, v1;
	v9 =	vld.idx.msk [tilespmem:v32+s12+$0x0], $0xffff  }
0x143: {  	v44 =	vor.u32 $0x18, v2;
	v47 =	vld.idx.msk [tilespmem:v37+s14+$0x0], $0xffff;
	v46 =	vmul.f32 v35, v12;
	v3 =	vadd.f32 v42, v3  }
0x144: {  	v49 =	vor.u32 $0x19, v1;
	v11 =	vld.idx.msk [tilespmem:v36+s12+$0x0], $0xffff  }
0x145: {  	v48 =	vor.u32 $0x19, v2;
	v51 =	vld.idx.msk [tilespmem:v41+s14+$0x0], $0xffff;
	v50 =	vmul.f32 v39, v7;
	v3 =	vadd.f32 v46, v3  }
0x146: {  	v53 =	vor.u32 $0x1A, v1;
	v13 =	vld.idx.msk [tilespmem:v40+s12+$0x0], $0xffff  }
0x147: {  	v52 =	vor.u32 $0x1A, v2;
	v55 =	vld.idx.msk [tilespmem:v45+s14+$0x0], $0xffff;
	v54 =	vmul.f32 v43, v9;
	v3 =	vadd.f32 v50, v3  }
0x148: {  	v57 =	vor.u32 $0x1B, v1;
	v10 =	vld.idx.msk [tilespmem:v44+s12+$0x0], $0xffff  }
0x149: {  	v56 =	vor.u32 $0x1B, v2;
	v59 =	vld.idx.msk [tilespmem:v49+s14+$0x0], $0xffff;
	v58 =	vmul.f32 v47, v11;
	v3 =	vadd.f32 v54, v3  }
0x14a: {  	v61 =	vor.u32 $0x1C, v1;
	v12 =	vld.idx.msk [tilespmem:v48+s12+$0x0], $0xffff  }
0x14b: {  	v60 =	vor.u32 $0x1C, v2;
	v63 =	vld.idx.msk [tilespmem:v53+s14+$0x0], $0xffff;
	v62 =	vmul.f32 v51, v13;
	v3 =	vadd.f32 v58, v3  }
0x14c: {  	v19 =	vor.u32 $0x1D, v1;
	v7 =	vld.idx.msk [tilespmem:v52+s12+$0x0], $0xffff  }
0x14d: {  	v18 =	vor.u32 $0x1D, v2;
	v21 =	vld.idx.msk [tilespmem:v57+s14+$0x0], $0xffff;
	v20 =	vmul.f32 v55, v10;
	v3 =	vadd.f32 v62, v3  }
0x14e: {  	v23 =	vor.u32 $0x1E, v1;
	v9 =	vld.idx.msk [tilespmem:v56+s12+$0x0], $0xffff  }
0x14f: {  	v25 =	vld.idx.msk [tilespmem:v61+s14+$0x0], $0xffff;
	v24 =	vmul.f32 v59, v12;
	v22 =	vor.u32 $0x1E, v2;
	v3 =	vadd.f32 v20, v3  }
0x150: {  	v1 =	vor.u32 $0x1F, v1;
	v11 =	vld.idx.msk [tilespmem:v60+s12+$0x0], $0xffff  }
0x151: {  	v28 =	vld.idx.msk [tilespmem:v19+s14+$0x0], $0xffff;
	v27 =	vmul.f32 v63, v7;
	v2 =	vor.u32 $0x1F, v2;
	v3 =	vadd.f32 v24, v3  }
0x152: {  	v26 =	vld.idx.msk [tilespmem:v18+s12+$0x0], $0xffff  }
0x153: {  	v31 =	vld.idx.msk [tilespmem:v23+s14+$0x0], $0xffff;
	v30 =	vmul.f32 v21, v9;
	v3 =	vadd.f32 v27, v3  }
0x154: {  	v29 =	vld.idx.msk [tilespmem:v22+s12+$0x0], $0xffff  }
0x155: {  	v1 =	vld.idx.msk [tilespmem:v1+s14+$0x0], $0xffff;
	v32 =	vmul.f32 v25, v11;
	v3 =	vadd.f32 v30, v3  }
0x156: {  	v2 =	vld.idx.msk [tilespmem:v2+s12+$0x0], $0xffff  }
0x157: {  	v33 =	vmul.f32 v28, v26;
	v3 =	vadd.f32 v32, v3;
	_ =	sdelay $0x1  }
0x158: {  	v34 =	vmul.f32 v31, v29;
	v3 =	vadd.f32 v33, v3;
	_ =	sdelay $0x1  }
0x159: {  	v1 =	vmul.f32 v1, v2;
	v3 =	vadd.f32 v34, v3;
	_ =	sdelay $0x1  }
0x15a: {  	v1 =	vadd.f32 v1, v3  }
0x15b: {  	s0 =	sadd.s32 $0x10, s28  }
0x15c: {  	[tilespmem:s0+$0x0] =	vst v1;
	s0 =	simm.s32 $0x80  }
0x15d: {  	[tilespmem:s12], [sflag:$0x1] =	stream.indirect.gather [hbm4b:s3+s0], $0x80, s20, s0, $0xb8;
	[tilespmem:$0x10A00] =	vst v63  }
0x15e: {  	_ = 	snop  }
0x15f: {  	[tilespmem:s14], [sflag:$0x1] =	stream.indirect.gather [hbm4b:s4+s0], $0x80, s21, s0, $0xb8;
	[tilespmem:$0x10A00] =	vst v63  }
0x160: {  	_ =	swait.ge [sflag:s22], $0x4000  }
0x161: {  	[sflag:s22] =	ssyncset.done $0x0  }
0x162: {  	[sflag:s22] =	ssyncadd.s32 $0xFFFFC000  }
0x163: {  	_ =	swait.ge [sflag:s22], $0x4000  }
0x164: {  	[sflag:s22] =	ssyncset.done $0x0  }
0x165: {  	[sflag:s22] =	ssyncadd.s32 $0xFFFFC000  }
0x166: {  	s28 =	simm.s32 $0x280;
	v1 =	vld [tilespmem:s0+$0x0]  }
0x167: {  	v2 =	vld [tilespmem:s28+$0x0];
	_ =	sdelay $0x1  }
0x168: {  	s0 =	simm.s32 $0x0  }
0x169: {  	v3 =	vmov s0  }
0x16a: {  	v3 =	vshll.u32 v3, $0x7;
	v1 =	vshll.u32 v1, $0x5  }
0x16b: {  	v3 =	vor.u32 v0, v3;
	v2 =	vshll.u32 v2, $0x5;
	v1 =	vand.u32 $0x60, v1  }
0x16c: {  	v35 =	vand.u32 $0x60, v2;
	v2 =	vor.u32 v3, v1  }
0x16d: {  	v1 =	vor.u32 v3, v35  }
0x16e: {  	v3 =	vor.u32 $0x1, v2  }
0x16f: {  	v4 =	vor.u32 $0x1, v1  }
0x170: {  	v36 =	vor.u32 $0x2, v2  }
0x171: {  	v38 =	vor.u32 $0x2, v1;
	v37 =	vld.idx.msk [tilespmem:v2+s16+$0x0], $0xffff  }
0x172: {  	v40 =	vor.u32 $0x3, v2;
	v39 =	vld.idx.msk [tilespmem:v1+s18+$0x0], $0xffff  }
0x173: {  	v41 =	vor.u32 $0x3, v1;
	v3 =	vld.idx.msk [tilespmem:v3+s16+$0x0], $0xffff  }
0x174: {  	v42 =	vor.u32 $0x4, v2;
	v4 =	vld.idx.msk [tilespmem:v4+s18+$0x0], $0xffff  }
0x175: {  	v43 =	vor.u32 $0x4, v1;
	v5 =	vld.idx.msk [tilespmem:v36+s16+$0x0], $0xffff  }
0x176: {  	v44 =	vor.u32 $0x5, v2;
	v7 =	vld.idx.msk [tilespmem:v38+s18+$0x0], $0xffff  }
0x177: {  	v45 =	vor.u32 $0x5, v1;
	v9 =	vld.idx.msk [tilespmem:v40+s16+$0x0], $0xffff;
	v6 =	vmul.f32 v39, v37  }
0x178: {  	v47 =	vor.u32 $0x6, v2;
	v46 =	vld.idx.msk [tilespmem:v41+s18+$0x0], $0xffff  }
0x179: {  	v48 =	vor.u32 $0x6, v1;
	v11 =	vld.idx.msk [tilespmem:v42+s16+$0x0], $0xffff;
	v3 =	vmul.f32 v4, v3;
	v6 =	vadd.f32 $0.0e+00, v6  }
0x17a: {  	v50 =	vor.u32 $0x7, v2;
	v49 =	vld.idx.msk [tilespmem:v43+s18+$0x0], $0xffff  }
0x17b: {  	v51 =	vor.u32 $0x7, v1;
	v13 =	vld.idx.msk [tilespmem:v44+s16+$0x0], $0xffff;
	v5 =	vmul.f32 v7, v5;
	v3 =	vadd.f32 v3, v6  }
0x17c: {  	v54 =	vor.u32 $0x8, v1;
	v52 =	vld.idx.msk [tilespmem:v45+s18+$0x0], $0xffff  }
0x17d: {  	v53 =	vor.u32 $0x8, v2;
	v10 =	vld.idx.msk [tilespmem:v47+s16+$0x0], $0xffff;
	v55 =	vmul.f32 v46, v9;
	v3 =	vadd.f32 v5, v3  }
0x17e: {  	v58 =	vor.u32 $0x9, v1;
	v56 =	vld.idx.msk [tilespmem:v48+s18+$0x0], $0xffff  }
0x17f: {  	v57 =	vor.u32 $0x9, v2;
	v12 =	vld.idx.msk [tilespmem:v50+s16+$0x0], $0xffff;
	v4 =	vmul.f32 v49, v11;
	v3 =	vadd.f32 v55, v3  }
0x180: {  	v61 =	vor.u32 $0xA, v1;
	v59 =	vld.idx.msk [tilespmem:v51+s18+$0x0], $0xffff  }
0x181: {  	v60 =	vor.u32 $0xA, v2;
	v63 =	vld.idx.msk [tilespmem:v54+s18+$0x0], $0xffff;
	v62 =	vmul.f32 v52, v13;
	v3 =	vadd.f32 v4, v3  }
0x182: {  	v20 =	vor.u32 $0xB, v1;
	v7 =	vld.idx.msk [tilespmem:v53+s16+$0x0], $0xffff  }
0x183: {  	v19 =	vor.u32 $0xB, v2;
	v22 =	vld.idx.msk [tilespmem:v58+s18+$0x0], $0xffff;
	v21 =	vmul.f32 v56, v10;
	v3 =	vadd.f32 v62, v3  }
0x184: {  	v24 =	vor.u32 $0xC, v1;
	v9 =	vld.idx.msk [tilespmem:v57+s16+$0x0], $0xffff  }
0x185: {  	v23 =	vor.u32 $0xC, v2;
	v26 =	vld.idx.msk [tilespmem:v61+s18+$0x0], $0xffff;
	v25 =	vmul.f32 v59, v12;
	v3 =	vadd.f32 v21, v3  }
0x186: {  	v28 =	vor.u32 $0xD, v1;
	v11 =	vld.idx.msk [tilespmem:v60+s16+$0x0], $0xffff  }
0x187: {  	v27 =	vor.u32 $0xD, v2;
	v30 =	vld.idx.msk [tilespmem:v20+s18+$0x0], $0xffff;
	v29 =	vmul.f32 v63, v7;
	v3 =	vadd.f32 v25, v3  }
0x188: {  	v32 =	vor.u32 $0xE, v1;
	v13 =	vld.idx.msk [tilespmem:v19+s16+$0x0], $0xffff  }
0x189: {  	v31 =	vor.u32 $0xE, v2;
	v34 =	vld.idx.msk [tilespmem:v24+s18+$0x0], $0xffff;
	v33 =	vmul.f32 v22, v9;
	v3 =	vadd.f32 v29, v3  }
0x18a: {  	v36 =	vor.u32 $0xF, v1;
	v10 =	vld.idx.msk [tilespmem:v23+s16+$0x0], $0xffff  }
0x18b: {  	v35 =	vor.u32 $0xF, v2;
	v38 =	vld.idx.msk [tilespmem:v28+s18+$0x0], $0xffff;
	v37 =	vmul.f32 v26, v11;
	v3 =	vadd.f32 v33, v3  }
0x18c: {  	v40 =	vor.u32 $0x10, v1;
	v12 =	vld.idx.msk [tilespmem:v27+s16+$0x0], $0xffff  }
0x18d: {  	v42 =	vld.idx.msk [tilespmem:v32+s18+$0x0], $0xffff;
	v39 =	vor.u32 $0x10, v2;
	v41 =	vmul.f32 v30, v13;
	v3 =	vadd.f32 v37, v3  }
0x18e: {  	v44 =	vor.u32 $0x11, v1;
	v7 =	vld.idx.msk [tilespmem:v31+s16+$0x0], $0xffff  }
0x18f: {  	v43 =	vor.u32 $0x11, v2;
	v46 =	vld.idx.msk [tilespmem:v36+s18+$0x0], $0xffff;
	v45 =	vmul.f32 v34, v10;
	v3 =	vadd.f32 v41, v3  }
0x190: {  	v48 =	vor.u32 $0x12, v1;
	v9 =	vld.idx.msk [tilespmem:v35+s16+$0x0], $0xffff  }
0x191: {  	v47 =	vor.u32 $0x12, v2;
	v50 =	vld.idx.msk [tilespmem:v40+s18+$0x0], $0xffff;
	v49 =	vmul.f32 v38, v12;
	v3 =	vadd.f32 v45, v3  }
0x192: {  	v51 =	vor.u32 $0x13, v2;
	v11 =	vld.idx.msk [tilespmem:v39+s16+$0x0], $0xffff  }
0x193: {  	v52 =	vor.u32 $0x13, v1;
	v54 =	vld.idx.msk [tilespmem:v44+s18+$0x0], $0xffff;
	v53 =	vmul.f32 v42, v7;
	v3 =	vadd.f32 v49, v3  }
0x194: {  	v56 =	vor.u32 $0x14, v1;
	v13 =	vld.idx.msk [tilespmem:v43+s16+$0x0], $0xffff  }
0x195: {  	v58 =	vld.idx.msk [tilespmem:v48+s18+$0x0], $0xffff;
	v55 =	vor.u32 $0x14, v2;
	v57 =	vmul.f32 v46, v9;
	v3 =	vadd.f32 v53, v3  }
0x196: {  	v60 =	vor.u32 $0x15, v1;
	v10 =	vld.idx.msk [tilespmem:v47+s16+$0x0], $0xffff  }
0x197: {  	v59 =	vor.u32 $0x15, v2;
	v12 =	vld.idx.msk [tilespmem:v51+s16+$0x0], $0xffff;
	v61 =	vmul.f32 v50, v11;
	v3 =	vadd.f32 v57, v3  }
0x198: {  	v20 =	vor.u32 $0x16, v1;
	v62 =	vld.idx.msk [tilespmem:v52+s18+$0x0], $0xffff  }
0x199: {  	v63 =	vor.u32 $0x16, v2;
	v22 =	vld.idx.msk [tilespmem:v56+s18+$0x0], $0xffff;
	v21 =	vmul.f32 v54, v13;
	v3 =	vadd.f32 v61, v3  }
0x19a: {  	v24 =	vor.u32 $0x17, v1;
	v7 =	vld.idx.msk [tilespmem:v55+s16+$0x0], $0xffff  }
0x19b: {  	v23 =	vor.u32 $0x17, v2;
	v26 =	vld.idx.msk [tilespmem:v60+s18+$0x0], $0xffff;
	v25 =	vmul.f32 v58, v10;
	v3 =	vadd.f32 v21, v3  }
0x19c: {  	v28 =	vor.u32 $0x18, v1;
	v9 =	vld.idx.msk [tilespmem:v59+s16+$0x0], $0xffff  }
0x19d: {  	v27 =	vor.u32 $0x18, v2;
	v30 =	vld.idx.msk [tilespmem:v20+s18+$0x0], $0xffff;
	v29 =	vmul.f32 v62, v12;
	v3 =	vadd.f32 v25, v3  }
0x19e: {  	v32 =	vor.u32 $0x19, v1;
	v11 =	vld.idx.msk [tilespmem:v63+s16+$0x0], $0xffff  }
0x19f: {  	v31 =	vor.u32 $0x19, v2;
	v34 =	vld.idx.msk [tilespmem:v24+s18+$0x0], $0xffff;
	v33 =	vmul.f32 v22, v7;
	v3 =	vadd.f32 v29, v3  }
0x1a0: {  	v36 =	vor.u32 $0x1A, v1;
	v13 =	vld.idx.msk [tilespmem:v23+s16+$0x0], $0xffff  }
0x1a1: {  	v35 =	vor.u32 $0x1A, v2;
	v38 =	vld.idx.msk [tilespmem:v28+s18+$0x0], $0xffff;
	v37 =	vmul.f32 v26, v9;
	v3 =	vadd.f32 v33, v3  }
0x1a2: {  	v40 =	vor.u32 $0x1B, v1;
	v10 =	vld.idx.msk [tilespmem:v27+s16+$0x0], $0xffff  }
0x1a3: {  	v39 =	vor.u32 $0x1B, v2;
	v42 =	vld.idx.msk [tilespmem:v32+s18+$0x0], $0xffff;
	v41 =	vmul.f32 v30, v11;
	v3 =	vadd.f32 v37, v3  }
0x1a4: {  	v44 =	vor.u32 $0x1C, v1;
	v12 =	vld.idx.msk [tilespmem:v31+s16+$0x0], $0xffff  }
0x1a5: {  	v43 =	vor.u32 $0x1C, v2;
	v46 =	vld.idx.msk [tilespmem:v36+s18+$0x0], $0xffff;
	v45 =	vmul.f32 v34, v13;
	v3 =	vadd.f32 v41, v3  }
0x1a6: {  	v47 =	vor.u32 $0x1D, v2;
	v7 =	vld.idx.msk [tilespmem:v35+s16+$0x0], $0xffff  }
0x1a7: {  	v48 =	vor.u32 $0x1D, v1;
	v50 =	vld.idx.msk [tilespmem:v40+s18+$0x0], $0xffff;
	v49 =	vmul.f32 v38, v10;
	v3 =	vadd.f32 v45, v3  }
0x1a8: {  	v51 =	vor.u32 $0x1E, v2;
	v9 =	vld.idx.msk [tilespmem:v39+s16+$0x0], $0xffff  }
0x1a9: {  	v52 =	vor.u32 $0x1E, v1;
	v54 =	vld.idx.msk [tilespmem:v44+s18+$0x0], $0xffff;
	v53 =	vmul.f32 v42, v12;
	v3 =	vadd.f32 v49, v3  }
0x1aa: {  	v2 =	vor.u32 $0x1F, v2;
	v11 =	vld.idx.msk [tilespmem:v43+s16+$0x0], $0xffff  }
0x1ab: {  	v1 =	vor.u32 $0x1F, v1;
	v55 =	vld.idx.msk [tilespmem:v47+s16+$0x0], $0xffff;
	v56 =	vmul.f32 v46, v7;
	v3 =	vadd.f32 v53, v3  }
0x1ac: {  	v57 =	vld.idx.msk [tilespmem:v48+s18+$0x0], $0xffff  }
0x1ad: {  	v58 =	vld.idx.msk [tilespmem:v51+s16+$0x0], $0xffff;
	v59 =	vmul.f32 v50, v9;
	v3 =	vadd.f32 v56, v3  }
0x1ae: {  	v60 =	vld.idx.msk [tilespmem:v52+s18+$0x0], $0xffff  }
0x1af: {  	v2 =	vld.idx.msk [tilespmem:v2+s16+$0x0], $0xffff;
	v61 =	vmul.f32 v54, v11;
	v3 =	vadd.f32 v59, v3  }
0x1b0: {  	v1 =	vld.idx.msk [tilespmem:v1+s18+$0x0], $0xffff  }
0x1b1: {  	v62 =	vmul.f32 v57, v55;
	v3 =	vadd.f32 v61, v3;
	_ =	sdelay $0x1  }
0x1b2: {  	v63 =	vmul.f32 v60, v58;
	v3 =	vadd.f32 v62, v3;
	_ =	sdelay $0x1  }
0x1b3: {  	v1 =	vmul.f32 v1, v2;
	v3 =	vadd.f32 v63, v3;
	_ =	sdelay $0x1  }
0x1b4: {  	v1 =	vadd.f32 v1, v3  }
0x1b5: {  	s28 =	simm.s32 $0x10880  }
0x1b6: {  	s29 =	simm.s32 $0x90;
	[tilespmem:s28+$0x0] =	vst v1  }
0x1b7: {  	s30 =	simm.s32 $0x290;
	v1 =	vld [tilespmem:s29+$0x0]  }
0x1b8: {  	s31 =	simm.s32 $0x10;
	s0 =	simm.s32 $0x20;
	v2 =	vld [tilespmem:s30+$0x0]  }
.LBB2_4:
0x1b9: {  	p0 =	sne.s32 s0, $0x70;
	_ =	sdelay $0x1  }
0x1ba: {  	v3 =	vmov s31;
	s31 =	smov.u32 s0  }
0x1bb: {  	v3 =	vshll.u32 v3, $0x7;
	v1 =	vshll.u32 v1, $0x5  }
0x1bc: {  	v3 =	vor.u32 v0, v3;
	v1 =	vand.u32 $0x60, v1;
	v2 =	vshll.u32 v2, $0x5  }
0x1bd: {  	v4 =	vand.u32 $0x60, v2;
	v2 =	vor.u32 v3, v1  }
0x1be: {  	v1 =	vor.u32 v3, v4  }
0x1bf: {  	v3 =	vor.u32 $0x1, v2  }
0x1c0: {  	v4 =	vor.u32 $0x1, v1  }
0x1c1: {  	v5 =	vor.u32 $0x2, v2  }
0x1c2: {  	v7 =	vor.u32 $0x2, v1;
	v6 =	vld.idx.msk [tilespmem:v2+s16+$0x0], $0xffff  }
0x1c3: {  	v9 =	vor.u32 $0x3, v2;
	v8 =	vld.idx.msk [tilespmem:v1+s18+$0x0], $0xffff  }
0x1c4: {  	v10 =	vor.u32 $0x3, v1;
	v3 =	vld.idx.msk [tilespmem:v3+s16+$0x0], $0xffff  }
0x1c5: {  	v11 =	vor.u32 $0x4, v2;
	v4 =	vld.idx.msk [tilespmem:v4+s18+$0x0], $0xffff  }
0x1c6: {  	v12 =	vor.u32 $0x4, v1;
	v5 =	vld.idx.msk [tilespmem:v5+s16+$0x0], $0xffff  }
0x1c7: {  	v13 =	vor.u32 $0x5, v2;
	v7 =	vld.idx.msk [tilespmem:v7+s18+$0x0], $0xffff  }
0x1c8: {  	v14 =	vor.u32 $0x5, v1;
	v9 =	vld.idx.msk [tilespmem:v9+s16+$0x0], $0xffff  }
0x1c9: {  	v6 =	vmul.f32 v8, v6;
	v8 =	vld.idx.msk [tilespmem:v10+s18+$0x0], $0xffff;
	v10 =	vor.u32 $0x6, v2  }
0x1ca: {  	v15 =	vor.u32 $0x6, v1;
	v11 =	vld.idx.msk [tilespmem:v11+s16+$0x0], $0xffff  }
0x1cb: {  	v6 =	vadd.f32 $0.0e+00, v6;
	v3 =	vmul.f32 v4, v3;
	v4 =	vld.idx.msk [tilespmem:v12+s18+$0x0], $0xffff;
	v12 =	vor.u32 $0x7, v2  }
0x1cc: {  	v16 =	vor.u32 $0x7, v1;
	v13 =	vld.idx.msk [tilespmem:v13+s16+$0x0], $0xffff  }
0x1cd: {  	v3 =	vadd.f32 v3, v6;
	v5 =	vmul.f32 v7, v5;
	v7 =	vor.u32 $0x8, v2;
	v6 =	vld.idx.msk [tilespmem:v14+s18+$0x0], $0xffff  }
0x1ce: {  	v14 =	vor.u32 $0x8, v1;
	v10 =	vld.idx.msk [tilespmem:v10+s16+$0x0], $0xffff  }
0x1cf: {  	v3 =	vadd.f32 v5, v3;
	v5 =	vmul.f32 v8, v9;
	v9 =	vor.u32 $0x9, v2;
	v8 =	vld.idx.msk [tilespmem:v15+s18+$0x0], $0xffff  }
0x1d0: {  	v15 =	vor.u32 $0x9, v1;
	v12 =	vld.idx.msk [tilespmem:v12+s16+$0x0], $0xffff  }
0x1d1: {  	v3 =	vadd.f32 v5, v3;
	v4 =	vmul.f32 v4, v11;
	v11 =	vor.u32 $0xA, v2;
	v5 =	vld.idx.msk [tilespmem:v16+s18+$0x0], $0xffff  }
0x1d2: {  	v16 =	vor.u32 $0xA, v1;
	v7 =	vld.idx.msk [tilespmem:v7+s16+$0x0], $0xffff  }
0x1d3: {  	v3 =	vadd.f32 v4, v3;
	v4 =	vmul.f32 v6, v13;
	v13 =	vor.u32 $0xB, v2;
	v6 =	vld.idx.msk [tilespmem:v14+s18+$0x0], $0xffff  }
0x1d4: {  	v14 =	vor.u32 $0xB, v1;
	v9 =	vld.idx.msk [tilespmem:v9+s16+$0x0], $0xffff  }
0x1d5: {  	v3 =	vadd.f32 v4, v3;
	v4 =	vmul.f32 v8, v10;
	v10 =	vor.u32 $0xC, v2;
	v8 =	vld.idx.msk [tilespmem:v15+s18+$0x0], $0xffff  }
0x1d6: {  	v15 =	vor.u32 $0xC, v1;
	v11 =	vld.idx.msk [tilespmem:v11+s16+$0x0], $0xffff  }
0x1d7: {  	v3 =	vadd.f32 v4, v3;
	v4 =	vmul.f32 v5, v12;
	v12 =	vor.u32 $0xD, v2;
	v5 =	vld.idx.msk [tilespmem:v16+s18+$0x0], $0xffff  }
0x1d8: {  	v16 =	vor.u32 $0xD, v1;
	v13 =	vld.idx.msk [tilespmem:v13+s16+$0x0], $0xffff  }
0x1d9: {  	v3 =	vadd.f32 v4, v3;
	v4 =	vmul.f32 v6, v7;
	v7 =	vor.u32 $0xE, v2;
	v6 =	vld.idx.msk [tilespmem:v14+s18+$0x0], $0xffff  }
0x1da: {  	v14 =	vor.u32 $0xE, v1;
	v10 =	vld.idx.msk [tilespmem:v10+s16+$0x0], $0xffff  }
0x1db: {  	v3 =	vadd.f32 v4, v3;
	v4 =	vmul.f32 v8, v9;
	v9 =	vor.u32 $0xF, v2;
	v8 =	vld.idx.msk [tilespmem:v15+s18+$0x0], $0xffff  }
0x1dc: {  	v15 =	vor.u32 $0xF, v1;
	v12 =	vld.idx.msk [tilespmem:v12+s16+$0x0], $0xffff  }
0x1dd: {  	v3 =	vadd.f32 v4, v3;
	v4 =	vmul.f32 v5, v11;
	v11 =	vor.u32 $0x10, v2;
	v5 =	vld.idx.msk [tilespmem:v16+s18+$0x0], $0xffff  }
0x1de: {  	v16 =	vor.u32 $0x10, v1;
	v7 =	vld.idx.msk [tilespmem:v7+s16+$0x0], $0xffff  }
0x1df: {  	v3 =	vadd.f32 v4, v3;
	v4 =	vmul.f32 v6, v13;
	v13 =	vor.u32 $0x11, v2;
	v6 =	vld.idx.msk [tilespmem:v14+s18+$0x0], $0xffff  }
0x1e0: {  	v14 =	vor.u32 $0x11, v1;
	v9 =	vld.idx.msk [tilespmem:v9+s16+$0x0], $0xffff  }
0x1e1: {  	v3 =	vadd.f32 v4, v3;
	v4 =	vmul.f32 v8, v10;
	v10 =	vor.u32 $0x12, v2;
	v8 =	vld.idx.msk [tilespmem:v15+s18+$0x0], $0xffff  }
0x1e2: {  	v15 =	vor.u32 $0x12, v1;
	v11 =	vld.idx.msk [tilespmem:v11+s16+$0x0], $0xffff  }
0x1e3: {  	v3 =	vadd.f32 v4, v3;
	v4 =	vmul.f32 v5, v12;
	v12 =	vor.u32 $0x13, v2;
	v5 =	vld.idx.msk [tilespmem:v16+s18+$0x0], $0xffff  }
0x1e4: {  	v16 =	vor.u32 $0x13, v1;
	v13 =	vld.idx.msk [tilespmem:v13+s16+$0x0], $0xffff  }
0x1e5: {  	v3 =	vadd.f32 v4, v3;
	v4 =	vmul.f32 v6, v7;
	v7 =	vor.u32 $0x14, v2;
	v6 =	vld.idx.msk [tilespmem:v14+s18+$0x0], $0xffff  }
0x1e6: {  	v14 =	vor.u32 $0x14, v1;
	v10 =	vld.idx.msk [tilespmem:v10+s16+$0x0], $0xffff  }
0x1e7: {  	v3 =	vadd.f32 v4, v3;
	v4 =	vmul.f32 v8, v9;
	v9 =	vor.u32 $0x15, v2;
	v8 =	vld.idx.msk [tilespmem:v15+s18+$0x0], $0xffff  }
0x1e8: {  	v15 =	vor.u32 $0x15, v1;
	v12 =	vld.idx.msk [tilespmem:v12+s16+$0x0], $0xffff  }
0x1e9: {  	v3 =	vadd.f32 v4, v3;
	v4 =	vmul.f32 v5, v11;
	v11 =	vor.u32 $0x16, v2;
	v5 =	vld.idx.msk [tilespmem:v16+s18+$0x0], $0xffff  }
0x1ea: {  	v16 =	vor.u32 $0x16, v1;
	v7 =	vld.idx.msk [tilespmem:v7+s16+$0x0], $0xffff  }
0x1eb: {  	v3 =	vadd.f32 v4, v3;
	v4 =	vmul.f32 v6, v13;
	v13 =	vor.u32 $0x17, v2;
	v6 =	vld.idx.msk [tilespmem:v14+s18+$0x0], $0xffff  }
0x1ec: {  	v14 =	vor.u32 $0x17, v1;
	v9 =	vld.idx.msk [tilespmem:v9+s16+$0x0], $0xffff  }
0x1ed: {  	v3 =	vadd.f32 v4, v3;
	v4 =	vmul.f32 v8, v10;
	v10 =	vor.u32 $0x18, v2;
	v8 =	vld.idx.msk [tilespmem:v15+s18+$0x0], $0xffff  }
0x1ee: {  	v15 =	vor.u32 $0x18, v1;
	v11 =	vld.idx.msk [tilespmem:v11+s16+$0x0], $0xffff  }
0x1ef: {  	v3 =	vadd.f32 v4, v3;
	v4 =	vmul.f32 v5, v12;
	v12 =	vor.u32 $0x19, v2;
	v5 =	vld.idx.msk [tilespmem:v16+s18+$0x0], $0xffff  }
0x1f0: {  	v16 =	vor.u32 $0x19, v1;
	v13 =	vld.idx.msk [tilespmem:v13+s16+$0x0], $0xffff  }
0x1f1: {  	v3 =	vadd.f32 v4, v3;
	v4 =	vmul.f32 v6, v7;
	v7 =	vor.u32 $0x1A, v2;
	v6 =	vld.idx.msk [tilespmem:v14+s18+$0x0], $0xffff  }
0x1f2: {  	v14 =	vor.u32 $0x1A, v1;
	v10 =	vld.idx.msk [tilespmem:v10+s16+$0x0], $0xffff  }
0x1f3: {  	v3 =	vadd.f32 v4, v3;
	v4 =	vmul.f32 v8, v9;
	v9 =	vor.u32 $0x1B, v2;
	v8 =	vld.idx.msk [tilespmem:v15+s18+$0x0], $0xffff  }
0x1f4: {  	v15 =	vor.u32 $0x1B, v1;
	v12 =	vld.idx.msk [tilespmem:v12+s16+$0x0], $0xffff  }
0x1f5: {  	v3 =	vadd.f32 v4, v3;
	v4 =	vmul.f32 v5, v11;
	v11 =	vor.u32 $0x1C, v2;
	v5 =	vld.idx.msk [tilespmem:v16+s18+$0x0], $0xffff  }
0x1f6: {  	v16 =	vor.u32 $0x1C, v1;
	v7 =	vld.idx.msk [tilespmem:v7+s16+$0x0], $0xffff  }
0x1f7: {  	v3 =	vadd.f32 v4, v3;
	v4 =	vmul.f32 v6, v13;
	v13 =	vor.u32 $0x1D, v2;
	v6 =	vld.idx.msk [tilespmem:v14+s18+$0x0], $0xffff  }
0x1f8: {  	v14 =	vor.u32 $0x1D, v1;
	v9 =	vld.idx.msk [tilespmem:v9+s16+$0x0], $0xffff  }
0x1f9: {  	v3 =	vadd.f32 v4, v3;
	v4 =	vmul.f32 v8, v10;
	v10 =	vor.u32 $0x1E, v2;
	v8 =	vld.idx.msk [tilespmem:v15+s18+$0x0], $0xffff  }
0x1fa: {  	v15 =	vor.u32 $0x1E, v1;
	v11 =	vld.idx.msk [tilespmem:v11+s16+$0x0], $0xffff  }
0x1fb: {  	v2 =	vor.u32 $0x1F, v2;
	v3 =	vadd.f32 v4, v3;
	v4 =	vmul.f32 v5, v12;
	v5 =	vld.idx.msk [tilespmem:v16+s18+$0x0], $0xffff  }
0x1fc: {  	v1 =	vor.u32 $0x1F, v1;
	v12 =	vld.idx.msk [tilespmem:v13+s16+$0x0], $0xffff  }
0x1fd: {  	v3 =	vadd.f32 v4, v3;
	v4 =	vmul.f32 v6, v7;
	v6 =	vld.idx.msk [tilespmem:v14+s18+$0x0], $0xffff  }
0x1fe: {  	v7 =	vld.idx.msk [tilespmem:v10+s16+$0x0], $0xffff  }
0x1ff: {  	v3 =	vadd.f32 v4, v3;
	v4 =	vmul.f32 v8, v9;
	v8 =	vld.idx.msk [tilespmem:v15+s18+$0x0], $0xffff  }
0x200: {  	v2 =	vld.idx.msk [tilespmem:v2+s16+$0x0], $0xffff  }
0x201: {  	v3 =	vadd.f32 v4, v3;
	v4 =	vmul.f32 v5, v11;
	v1 =	vld.idx.msk [tilespmem:v1+s18+$0x0], $0xffff;
	_ =	sdelay $0x1  }
0x202: {  	v3 =	vadd.f32 v4, v3;
	v4 =	vmul.f32 v6, v12;
	_ =	sdelay $0x1  }
0x203: {  	v3 =	vadd.f32 v4, v3;
	v4 =	vmul.f32 v8, v7;
	_ =	sdelay $0x1  }
0x204: {  	v3 =	vadd.f32 v4, v3;
	v1 =	vmul.f32 v1, v2;
	_ =	sdelay $0x1  }
.Ltmp1:
0x205: {  	v1 =	vadd.f32 v1, v3;
	(pc) =	sbr.rel @p0 .LBB2_4-.Ltmp1, $4  }
0x206: {  	s28 =	sadd.s32 $0x10, s28  }
0x207: {  	s29 =	sadd.s32 $0x10, s29;
	[tilespmem:s28+$0x0] =	vst v1  }
0x208: {  	s30 =	sadd.s32 $0x10, s30;
	v1 =	vld [tilespmem:s29+$0x0]  }
0x209: {  	s0 =	sadd.s32 $0x10, s0;
	v2 =	vld [tilespmem:s30+$0x0]  }
0x20a: {  	_ =	sdelay $0x1  }
0x20b: {  	v3 =	vmov s31  }
0x20c: {  	v3 =	vshll.u32 v3, $0x7;
	v1 =	vshll.u32 v1, $0x5  }
0x20d: {  	v3 =	vor.u32 v0, v3;
	v1 =	vand.u32 $0x60, v1;
	v2 =	vshll.u32 v2, $0x5  }
0x20e: {  	v4 =	vand.u32 $0x60, v2;
	v2 =	vor.u32 v3, v1  }
0x20f: {  	v1 =	vor.u32 v3, v4  }
0x210: {  	v3 =	vor.u32 $0x1, v2  }
0x211: {  	v4 =	vor.u32 $0x1, v1  }
0x212: {  	v5 =	vor.u32 $0x2, v2  }
0x213: {  	v7 =	vor.u32 $0x2, v1;
	v6 =	vld.idx.msk [tilespmem:v2+s16+$0x0], $0xffff  }
0x214: {  	v9 =	vor.u32 $0x3, v2;
	v8 =	vld.idx.msk [tilespmem:v1+s18+$0x0], $0xffff  }
0x215: {  	v10 =	vor.u32 $0x3, v1;
	v3 =	vld.idx.msk [tilespmem:v3+s16+$0x0], $0xffff  }
0x216: {  	v11 =	vor.u32 $0x4, v2;
	v4 =	vld.idx.msk [tilespmem:v4+s18+$0x0], $0xffff  }
0x217: {  	v12 =	vor.u32 $0x4, v1;
	v5 =	vld.idx.msk [tilespmem:v5+s16+$0x0], $0xffff  }
0x218: {  	v13 =	vor.u32 $0x5, v2;
	v7 =	vld.idx.msk [tilespmem:v7+s18+$0x0], $0xffff  }
0x219: {  	v14 =	vor.u32 $0x5, v1;
	v9 =	vld.idx.msk [tilespmem:v9+s16+$0x0], $0xffff;
	v6 =	vmul.f32 v8, v6  }
0x21a: {  	v21 =	vor.u32 $0x6, v2;
	v20 =	vld.idx.msk [tilespmem:v10+s18+$0x0], $0xffff  }
0x21b: {  	v15 =	vor.u32 $0x6, v1;
	v11 =	vld.idx.msk [tilespmem:v11+s16+$0x0], $0xffff;
	v3 =	vmul.f32 v4, v3;
	v6 =	vadd.f32 $0.0e+00, v6  }
0x21c: {  	v23 =	vor.u32 $0x7, v2;
	v22 =	vld.idx.msk [tilespmem:v12+s18+$0x0], $0xffff  }
0x21d: {  	v16 =	vor.u32 $0x7, v1;
	v13 =	vld.idx.msk [tilespmem:v13+s16+$0x0], $0xffff;
	v5 =	vmul.f32 v7, v5;
	v3 =	vadd.f32 v3, v6  }
0x21e: {  	v26 =	vor.u32 $0x8, v1;
	v24 =	vld.idx.msk [tilespmem:v14+s18+$0x0], $0xffff  }
0x21f: {  	v25 =	vor.u32 $0x8, v2;
	v10 =	vld.idx.msk [tilespmem:v21+s16+$0x0], $0xffff;
	v27 =	vmul.f32 v20, v9;
	v3 =	vadd.f32 v5, v3  }
0x220: {  	v30 =	vor.u32 $0x9, v1;
	v28 =	vld.idx.msk [tilespmem:v15+s18+$0x0], $0xffff  }
0x221: {  	v29 =	vor.u32 $0x9, v2;
	v12 =	vld.idx.msk [tilespmem:v23+s16+$0x0], $0xffff;
	v4 =	vmul.f32 v22, v11;
	v3 =	vadd.f32 v27, v3  }
0x222: {  	v33 =	vor.u32 $0xA, v1;
	v31 =	vld.idx.msk [tilespmem:v16+s18+$0x0], $0xffff  }
0x223: {  	v32 =	vor.u32 $0xA, v2;
	v35 =	vld.idx.msk [tilespmem:v26+s18+$0x0], $0xffff;
	v34 =	vmul.f32 v24, v13;
	v3 =	vadd.f32 v4, v3  }
0x224: {  	v37 =	vor.u32 $0xB, v1;
	v7 =	vld.idx.msk [tilespmem:v25+s16+$0x0], $0xffff  }
0x225: {  	v36 =	vor.u32 $0xB, v2;
	v39 =	vld.idx.msk [tilespmem:v30+s18+$0x0], $0xffff;
	v38 =	vmul.f32 v28, v10;
	v3 =	vadd.f32 v34, v3  }
0x226: {  	v41 =	vor.u32 $0xC, v1;
	v9 =	vld.idx.msk [tilespmem:v29+s16+$0x0], $0xffff  }
0x227: {  	v40 =	vor.u32 $0xC, v2;
	v43 =	vld.idx.msk [tilespmem:v33+s18+$0x0], $0xffff;
	v42 =	vmul.f32 v31, v12;
	v3 =	vadd.f32 v38, v3  }
0x228: {  	v45 =	vor.u32 $0xD, v1;
	v11 =	vld.idx.msk [tilespmem:v32+s16+$0x0], $0xffff  }
0x229: {  	v44 =	vor.u32 $0xD, v2;
	v47 =	vld.idx.msk [tilespmem:v37+s18+$0x0], $0xffff;
	v46 =	vmul.f32 v35, v7;
	v3 =	vadd.f32 v42, v3  }
0x22a: {  	v49 =	vor.u32 $0xE, v1;
	v13 =	vld.idx.msk [tilespmem:v36+s16+$0x0], $0xffff  }
0x22b: {  	v48 =	vor.u32 $0xE, v2;
	v51 =	vld.idx.msk [tilespmem:v41+s18+$0x0], $0xffff;
	v50 =	vmul.f32 v39, v9;
	v3 =	vadd.f32 v46, v3  }
0x22c: {  	v53 =	vor.u32 $0xF, v1;
	v10 =	vld.idx.msk [tilespmem:v40+s16+$0x0], $0xffff  }
0x22d: {  	v52 =	vor.u32 $0xF, v2;
	v55 =	vld.idx.msk [tilespmem:v45+s18+$0x0], $0xffff;
	v54 =	vmul.f32 v43, v11;
	v3 =	vadd.f32 v50, v3  }
0x22e: {  	v57 =	vor.u32 $0x10, v1;
	v12 =	vld.idx.msk [tilespmem:v44+s16+$0x0], $0xffff  }
0x22f: {  	v56 =	vor.u32 $0x10, v2;
	v59 =	vld.idx.msk [tilespmem:v49+s18+$0x0], $0xffff;
	v58 =	vmul.f32 v47, v13;
	v3 =	vadd.f32 v54, v3  }
0x230: {  	v60 =	vor.u32 $0x11, v2;
	v7 =	vld.idx.msk [tilespmem:v48+s16+$0x0], $0xffff  }
0x231: {  	v61 =	vor.u32 $0x11, v1;
	v63 =	vld.idx.msk [tilespmem:v53+s18+$0x0], $0xffff;
	v62 =	vmul.f32 v51, v10;
	v3 =	vadd.f32 v58, v3  }
0x232: {  	v21 =	vor.u32 $0x12, v1;
	v9 =	vld.idx.msk [tilespmem:v52+s16+$0x0], $0xffff  }
0x233: {  	v23 =	vld.idx.msk [tilespmem:v57+s18+$0x0], $0xffff;
	v20 =	vor.u32 $0x12, v2;
	v22 =	vmul.f32 v55, v12;
	v3 =	vadd.f32 v62, v3  }
0x234: {  	v24 =	vor.u32 $0x13, v2;
	v11 =	vld.idx.msk [tilespmem:v56+s16+$0x0], $0xffff  }
0x235: {  	v25 =	vor.u32 $0x13, v1;
	v13 =	vld.idx.msk [tilespmem:v60+s16+$0x0], $0xffff;
	v26 =	vmul.f32 v59, v7;
	v3 =	vadd.f32 v22, v3  }
0x236: {  	v29 =	vor.u32 $0x14, v1;
	v27 =	vld.idx.msk [tilespmem:v61+s18+$0x0], $0xffff  }
0x237: {  	v28 =	vor.u32 $0x14, v2;
	v31 =	vld.idx.msk [tilespmem:v21+s18+$0x0], $0xffff;
	v30 =	vmul.f32 v63, v9;
	v3 =	vadd.f32 v26, v3  }
0x238: {  	v33 =	vor.u32 $0x15, v1;
	v10 =	vld.idx.msk [tilespmem:v20+s16+$0x0], $0xffff  }
0x239: {  	v32 =	vor.u32 $0x15, v2;
	v12 =	vld.idx.msk [tilespmem:v24+s16+$0x0], $0xffff;
	v34 =	vmul.f32 v23, v11;
	v3 =	vadd.f32 v30, v3  }
0x23a: {  	v37 =	vor.u32 $0x16, v1;
	v35 =	vld.idx.msk [tilespmem:v25+s18+$0x0], $0xffff  }
0x23b: {  	v36 =	vor.u32 $0x16, v2;
	v39 =	vld.idx.msk [tilespmem:v29+s18+$0x0], $0xffff;
	v38 =	vmul.f32 v27, v13;
	v3 =	vadd.f32 v34, v3  }
0x23c: {  	v41 =	vor.u32 $0x17, v1;
	v7 =	vld.idx.msk [tilespmem:v28+s16+$0x0], $0xffff  }
0x23d: {  	v40 =	vor.u32 $0x17, v2;
	v43 =	vld.idx.msk [tilespmem:v33+s18+$0x0], $0xffff;
	v42 =	vmul.f32 v31, v10;
	v3 =	vadd.f32 v38, v3  }
0x23e: {  	v45 =	vor.u32 $0x18, v1;
	v9 =	vld.idx.msk [tilespmem:v32+s16+$0x0], $0xffff  }
0x23f: {  	v44 =	vor.u32 $0x18, v2;
	v47 =	vld.idx.msk [tilespmem:v37+s18+$0x0], $0xffff;
	v46 =	vmul.f32 v35, v12;
	v3 =	vadd.f32 v42, v3  }
0x240: {  	v49 =	vor.u32 $0x19, v1;
	v11 =	vld.idx.msk [tilespmem:v36+s16+$0x0], $0xffff  }
0x241: {  	v48 =	vor.u32 $0x19, v2;
	v51 =	vld.idx.msk [tilespmem:v41+s18+$0x0], $0xffff;
	v50 =	vmul.f32 v39, v7;
	v3 =	vadd.f32 v46, v3  }
0x242: {  	v53 =	vor.u32 $0x1A, v1;
	v13 =	vld.idx.msk [tilespmem:v40+s16+$0x0], $0xffff  }
0x243: {  	v52 =	vor.u32 $0x1A, v2;
	v55 =	vld.idx.msk [tilespmem:v45+s18+$0x0], $0xffff;
	v54 =	vmul.f32 v43, v9;
	v3 =	vadd.f32 v50, v3  }
0x244: {  	v57 =	vor.u32 $0x1B, v1;
	v10 =	vld.idx.msk [tilespmem:v44+s16+$0x0], $0xffff  }
0x245: {  	v56 =	vor.u32 $0x1B, v2;
	v59 =	vld.idx.msk [tilespmem:v49+s18+$0x0], $0xffff;
	v58 =	vmul.f32 v47, v11;
	v3 =	vadd.f32 v54, v3  }
0x246: {  	v61 =	vor.u32 $0x1C, v1;
	v12 =	vld.idx.msk [tilespmem:v48+s16+$0x0], $0xffff  }
0x247: {  	v60 =	vor.u32 $0x1C, v2;
	v63 =	vld.idx.msk [tilespmem:v53+s18+$0x0], $0xffff;
	v62 =	vmul.f32 v51, v13;
	v3 =	vadd.f32 v58, v3  }
0x248: {  	v19 =	vor.u32 $0x1D, v1;
	v7 =	vld.idx.msk [tilespmem:v52+s16+$0x0], $0xffff  }
0x249: {  	v18 =	vor.u32 $0x1D, v2;
	v21 =	vld.idx.msk [tilespmem:v57+s18+$0x0], $0xffff;
	v20 =	vmul.f32 v55, v10;
	v3 =	vadd.f32 v62, v3  }
0x24a: {  	v23 =	vor.u32 $0x1E, v1;
	v9 =	vld.idx.msk [tilespmem:v56+s16+$0x0], $0xffff  }
0x24b: {  	v25 =	vld.idx.msk [tilespmem:v61+s18+$0x0], $0xffff;
	v24 =	vmul.f32 v59, v12;
	v22 =	vor.u32 $0x1E, v2;
	v3 =	vadd.f32 v20, v3  }
0x24c: {  	v1 =	vor.u32 $0x1F, v1;
	v11 =	vld.idx.msk [tilespmem:v60+s16+$0x0], $0xffff  }
0x24d: {  	v28 =	vld.idx.msk [tilespmem:v19+s18+$0x0], $0xffff;
	v27 =	vmul.f32 v63, v7;
	v2 =	vor.u32 $0x1F, v2;
	v3 =	vadd.f32 v24, v3  }
0x24e: {  	v26 =	vld.idx.msk [tilespmem:v18+s16+$0x0], $0xffff  }
0x24f: {  	v31 =	vld.idx.msk [tilespmem:v23+s18+$0x0], $0xffff;
	v30 =	vmul.f32 v21, v9;
	v3 =	vadd.f32 v27, v3  }
0x250: {  	v29 =	vld.idx.msk [tilespmem:v22+s16+$0x0], $0xffff  }
0x251: {  	v1 =	vld.idx.msk [tilespmem:v1+s18+$0x0], $0xffff;
	v32 =	vmul.f32 v25, v11;
	v3 =	vadd.f32 v30, v3  }
0x252: {  	v2 =	vld.idx.msk [tilespmem:v2+s16+$0x0], $0xffff  }
0x253: {  	v33 =	vmul.f32 v28, v26;
	v3 =	vadd.f32 v32, v3;
	_ =	sdelay $0x1  }
0x254: {  	v34 =	vmul.f32 v31, v29;
	v3 =	vadd.f32 v33, v3;
	_ =	sdelay $0x1  }
0x255: {  	v1 =	vmul.f32 v1, v2;
	v3 =	vadd.f32 v34, v3;
	_ =	sdelay $0x1  }
0x256: {  	v1 =	vadd.f32 v1, v3  }
0x257: {  	s0 =	sadd.s32 $0x10, s28  }
0x258: {  	[tilespmem:s0+$0x0] =	vst v1  }
0x259: {  	[tilespmem:s16], [sflag:$0x2] =	stream.indirect.gather [hbm4b:s3+s10], $0x80, s23, s10, $0xb8;
	[tilespmem:$0x10A00] =	vst v63  }
0x25a: {  	_ = 	snop  }
0x25b: {  	[tilespmem:s18], [sflag:$0x2] =	stream.indirect.gather [hbm4b:s4+s10], $0x80, s24, s10, $0xb8;
	[tilespmem:$0x10A00] =	vst v63  }
0x25c: {  	_ =	swait.ge [sflag:s19], $0x4000  }
0x25d: {  	[sflag:s19] =	ssyncset.done $0x0  }
0x25e: {  	[sflag:s19] =	ssyncadd.s32 $0xFFFFC000  }
0x25f: {  	_ =	swait.ge [sflag:s19], $0x4000  }
0x260: {  	[sflag:s19] =	ssyncset.done $0x0  }
0x261: {  	s0 =	simm.s32 $0x100;
	[sflag:s19] =	ssyncadd.s32 $0xFFFFC000  }
0x262: {  	s28 =	simm.s32 $0x300;
	v1 =	vld [tilespmem:s0+$0x0]  }
0x263: {  	v2 =	vld [tilespmem:s28+$0x0];
	_ =	sdelay $0x1  }
0x264: {  	s0 =	simm.s32 $0x0  }
0x265: {  	v3 =	vmov s0  }
0x266: {  	v3 =	vshll.u32 v3, $0x7;
	v1 =	vshll.u32 v1, $0x5  }
0x267: {  	v3 =	vor.u32 v0, v3;
	v2 =	vshll.u32 v2, $0x5;
	v1 =	vand.u32 $0x60, v1  }
0x268: {  	v35 =	vand.u32 $0x60, v2;
	v2 =	vor.u32 v3, v1  }
0x269: {  	v1 =	vor.u32 v3, v35  }
0x26a: {  	v3 =	vor.u32 $0x1, v2  }
0x26b: {  	v4 =	vor.u32 $0x1, v1  }
0x26c: {  	v36 =	vor.u32 $0x2, v2  }
0x26d: {  	v38 =	vor.u32 $0x2, v1;
	v37 =	vld.idx.msk [tilespmem:v2+s12+$0x0], $0xffff  }
0x26e: {  	v40 =	vor.u32 $0x3, v2;
	v39 =	vld.idx.msk [tilespmem:v1+s14+$0x0], $0xffff  }
0x26f: {  	v41 =	vor.u32 $0x3, v1;
	v3 =	vld.idx.msk [tilespmem:v3+s12+$0x0], $0xffff  }
0x270: {  	v42 =	vor.u32 $0x4, v2;
	v4 =	vld.idx.msk [tilespmem:v4+s14+$0x0], $0xffff  }
0x271: {  	v43 =	vor.u32 $0x4, v1;
	v5 =	vld.idx.msk [tilespmem:v36+s12+$0x0], $0xffff  }
0x272: {  	v44 =	vor.u32 $0x5, v2;
	v7 =	vld.idx.msk [tilespmem:v38+s14+$0x0], $0xffff  }
0x273: {  	v45 =	vor.u32 $0x5, v1;
	v9 =	vld.idx.msk [tilespmem:v40+s12+$0x0], $0xffff;
	v6 =	vmul.f32 v39, v37  }
0x274: {  	v47 =	vor.u32 $0x6, v2;
	v46 =	vld.idx.msk [tilespmem:v41+s14+$0x0], $0xffff  }
0x275: {  	v48 =	vor.u32 $0x6, v1;
	v11 =	vld.idx.msk [tilespmem:v42+s12+$0x0], $0xffff;
	v3 =	vmul.f32 v4, v3;
	v6 =	vadd.f32 $0.0e+00, v6  }
0x276: {  	v50 =	vor.u32 $0x7, v2;
	v49 =	vld.idx.msk [tilespmem:v43+s14+$0x0], $0xffff  }
0x277: {  	v51 =	vor.u32 $0x7, v1;
	v13 =	vld.idx.msk [tilespmem:v44+s12+$0x0], $0xffff;
	v5 =	vmul.f32 v7, v5;
	v3 =	vadd.f32 v3, v6  }
0x278: {  	v54 =	vor.u32 $0x8, v1;
	v52 =	vld.idx.msk [tilespmem:v45+s14+$0x0], $0xffff  }
0x279: {  	v53 =	vor.u32 $0x8, v2;
	v10 =	vld.idx.msk [tilespmem:v47+s12+$0x0], $0xffff;
	v55 =	vmul.f32 v46, v9;
	v3 =	vadd.f32 v5, v3  }
0x27a: {  	v58 =	vor.u32 $0x9, v1;
	v56 =	vld.idx.msk [tilespmem:v48+s14+$0x0], $0xffff  }
0x27b: {  	v57 =	vor.u32 $0x9, v2;
	v12 =	vld.idx.msk [tilespmem:v50+s12+$0x0], $0xffff;
	v4 =	vmul.f32 v49, v11;
	v3 =	vadd.f32 v55, v3  }
0x27c: {  	v61 =	vor.u32 $0xA, v1;
	v59 =	vld.idx.msk [tilespmem:v51+s14+$0x0], $0xffff  }
0x27d: {  	v60 =	vor.u32 $0xA, v2;
	v63 =	vld.idx.msk [tilespmem:v54+s14+$0x0], $0xffff;
	v62 =	vmul.f32 v52, v13;
	v3 =	vadd.f32 v4, v3  }
0x27e: {  	v20 =	vor.u32 $0xB, v1;
	v7 =	vld.idx.msk [tilespmem:v53+s12+$0x0], $0xffff  }
0x27f: {  	v19 =	vor.u32 $0xB, v2;
	v22 =	vld.idx.msk [tilespmem:v58+s14+$0x0], $0xffff;
	v21 =	vmul.f32 v56, v10;
	v3 =	vadd.f32 v62, v3  }
0x280: {  	v24 =	vor.u32 $0xC, v1;
	v9 =	vld.idx.msk [tilespmem:v57+s12+$0x0], $0xffff  }
0x281: {  	v23 =	vor.u32 $0xC, v2;
	v26 =	vld.idx.msk [tilespmem:v61+s14+$0x0], $0xffff;
	v25 =	vmul.f32 v59, v12;
	v3 =	vadd.f32 v21, v3  }
0x282: {  	v28 =	vor.u32 $0xD, v1;
	v11 =	vld.idx.msk [tilespmem:v60+s12+$0x0], $0xffff  }
0x283: {  	v27 =	vor.u32 $0xD, v2;
	v30 =	vld.idx.msk [tilespmem:v20+s14+$0x0], $0xffff;
	v29 =	vmul.f32 v63, v7;
	v3 =	vadd.f32 v25, v3  }
0x284: {  	v32 =	vor.u32 $0xE, v1;
	v13 =	vld.idx.msk [tilespmem:v19+s12+$0x0], $0xffff  }
0x285: {  	v31 =	vor.u32 $0xE, v2;
	v34 =	vld.idx.msk [tilespmem:v24+s14+$0x0], $0xffff;
	v33 =	vmul.f32 v22, v9;
	v3 =	vadd.f32 v29, v3  }
0x286: {  	v36 =	vor.u32 $0xF, v1;
	v10 =	vld.idx.msk [tilespmem:v23+s12+$0x0], $0xffff  }
0x287: {  	v35 =	vor.u32 $0xF, v2;
	v38 =	vld.idx.msk [tilespmem:v28+s14+$0x0], $0xffff;
	v37 =	vmul.f32 v26, v11;
	v3 =	vadd.f32 v33, v3  }
0x288: {  	v40 =	vor.u32 $0x10, v1;
	v12 =	vld.idx.msk [tilespmem:v27+s12+$0x0], $0xffff  }
0x289: {  	v42 =	vld.idx.msk [tilespmem:v32+s14+$0x0], $0xffff;
	v39 =	vor.u32 $0x10, v2;
	v41 =	vmul.f32 v30, v13;
	v3 =	vadd.f32 v37, v3  }
0x28a: {  	v44 =	vor.u32 $0x11, v1;
	v7 =	vld.idx.msk [tilespmem:v31+s12+$0x0], $0xffff  }
0x28b: {  	v43 =	vor.u32 $0x11, v2;
	v46 =	vld.idx.msk [tilespmem:v36+s14+$0x0], $0xffff;
	v45 =	vmul.f32 v34, v10;
	v3 =	vadd.f32 v41, v3  }
0x28c: {  	v48 =	vor.u32 $0x12, v1;
	v9 =	vld.idx.msk [tilespmem:v35+s12+$0x0], $0xffff  }
0x28d: {  	v47 =	vor.u32 $0x12, v2;
	v50 =	vld.idx.msk [tilespmem:v40+s14+$0x0], $0xffff;
	v49 =	vmul.f32 v38, v12;
	v3 =	vadd.f32 v45, v3  }
0x28e: {  	v51 =	vor.u32 $0x13, v2;
	v11 =	vld.idx.msk [tilespmem:v39+s12+$0x0], $0xffff  }
0x28f: {  	v52 =	vor.u32 $0x13, v1;
	v54 =	vld.idx.msk [tilespmem:v44+s14+$0x0], $0xffff;
	v53 =	vmul.f32 v42, v7;
	v3 =	vadd.f32 v49, v3  }
0x290: {  	v56 =	vor.u32 $0x14, v1;
	v13 =	vld.idx.msk [tilespmem:v43+s12+$0x0], $0xffff  }
0x291: {  	v58 =	vld.idx.msk [tilespmem:v48+s14+$0x0], $0xffff;
	v55 =	vor.u32 $0x14, v2;
	v57 =	vmul.f32 v46, v9;
	v3 =	vadd.f32 v53, v3  }
0x292: {  	v60 =	vor.u32 $0x15, v1;
	v10 =	vld.idx.msk [tilespmem:v47+s12+$0x0], $0xffff  }
0x293: {  	v59 =	vor.u32 $0x15, v2;
	v12 =	vld.idx.msk [tilespmem:v51+s12+$0x0], $0xffff;
	v61 =	vmul.f32 v50, v11;
	v3 =	vadd.f32 v57, v3  }
0x294: {  	v20 =	vor.u32 $0x16, v1;
	v62 =	vld.idx.msk [tilespmem:v52+s14+$0x0], $0xffff  }
0x295: {  	v63 =	vor.u32 $0x16, v2;
	v22 =	vld.idx.msk [tilespmem:v56+s14+$0x0], $0xffff;
	v21 =	vmul.f32 v54, v13;
	v3 =	vadd.f32 v61, v3  }
0x296: {  	v24 =	vor.u32 $0x17, v1;
	v7 =	vld.idx.msk [tilespmem:v55+s12+$0x0], $0xffff  }
0x297: {  	v23 =	vor.u32 $0x17, v2;
	v26 =	vld.idx.msk [tilespmem:v60+s14+$0x0], $0xffff;
	v25 =	vmul.f32 v58, v10;
	v3 =	vadd.f32 v21, v3  }
0x298: {  	v28 =	vor.u32 $0x18, v1;
	v9 =	vld.idx.msk [tilespmem:v59+s12+$0x0], $0xffff  }
0x299: {  	v27 =	vor.u32 $0x18, v2;
	v30 =	vld.idx.msk [tilespmem:v20+s14+$0x0], $0xffff;
	v29 =	vmul.f32 v62, v12;
	v3 =	vadd.f32 v25, v3  }
0x29a: {  	v32 =	vor.u32 $0x19, v1;
	v11 =	vld.idx.msk [tilespmem:v63+s12+$0x0], $0xffff  }
0x29b: {  	v31 =	vor.u32 $0x19, v2;
	v34 =	vld.idx.msk [tilespmem:v24+s14+$0x0], $0xffff;
	v33 =	vmul.f32 v22, v7;
	v3 =	vadd.f32 v29, v3  }
0x29c: {  	v36 =	vor.u32 $0x1A, v1;
	v13 =	vld.idx.msk [tilespmem:v23+s12+$0x0], $0xffff  }
0x29d: {  	v35 =	vor.u32 $0x1A, v2;
	v38 =	vld.idx.msk [tilespmem:v28+s14+$0x0], $0xffff;
	v37 =	vmul.f32 v26, v9;
	v3 =	vadd.f32 v33, v3  }
0x29e: {  	v40 =	vor.u32 $0x1B, v1;
	v10 =	vld.idx.msk [tilespmem:v27+s12+$0x0], $0xffff  }
0x29f: {  	v39 =	vor.u32 $0x1B, v2;
	v42 =	vld.idx.msk [tilespmem:v32+s14+$0x0], $0xffff;
	v41 =	vmul.f32 v30, v11;
	v3 =	vadd.f32 v37, v3  }
0x2a0: {  	v44 =	vor.u32 $0x1C, v1;
	v12 =	vld.idx.msk [tilespmem:v31+s12+$0x0], $0xffff  }
0x2a1: {  	v43 =	vor.u32 $0x1C, v2;
	v46 =	vld.idx.msk [tilespmem:v36+s14+$0x0], $0xffff;
	v45 =	vmul.f32 v34, v13;
	v3 =	vadd.f32 v41, v3  }
0x2a2: {  	v47 =	vor.u32 $0x1D, v2;
	v7 =	vld.idx.msk [tilespmem:v35+s12+$0x0], $0xffff  }
0x2a3: {  	v48 =	vor.u32 $0x1D, v1;
	v50 =	vld.idx.msk [tilespmem:v40+s14+$0x0], $0xffff;
	v49 =	vmul.f32 v38, v10;
	v3 =	vadd.f32 v45, v3  }
0x2a4: {  	v51 =	vor.u32 $0x1E, v2;
	v9 =	vld.idx.msk [tilespmem:v39+s12+$0x0], $0xffff  }
0x2a5: {  	v52 =	vor.u32 $0x1E, v1;
	v54 =	vld.idx.msk [tilespmem:v44+s14+$0x0], $0xffff;
	v53 =	vmul.f32 v42, v12;
	v3 =	vadd.f32 v49, v3  }
0x2a6: {  	v2 =	vor.u32 $0x1F, v2;
	v11 =	vld.idx.msk [tilespmem:v43+s12+$0x0], $0xffff  }
0x2a7: {  	v1 =	vor.u32 $0x1F, v1;
	v55 =	vld.idx.msk [tilespmem:v47+s12+$0x0], $0xffff;
	v56 =	vmul.f32 v46, v7;
	v3 =	vadd.f32 v53, v3  }
0x2a8: {  	v57 =	vld.idx.msk [tilespmem:v48+s14+$0x0], $0xffff  }
0x2a9: {  	v58 =	vld.idx.msk [tilespmem:v51+s12+$0x0], $0xffff;
	v59 =	vmul.f32 v50, v9;
	v3 =	vadd.f32 v56, v3  }
0x2aa: {  	v60 =	vld.idx.msk [tilespmem:v52+s14+$0x0], $0xffff  }
0x2ab: {  	v2 =	vld.idx.msk [tilespmem:v2+s12+$0x0], $0xffff;
	v61 =	vmul.f32 v54, v11;
	v3 =	vadd.f32 v59, v3  }
0x2ac: {  	v1 =	vld.idx.msk [tilespmem:v1+s14+$0x0], $0xffff  }
0x2ad: {  	v62 =	vmul.f32 v57, v55;
	v3 =	vadd.f32 v61, v3;
	_ =	sdelay $0x1  }
0x2ae: {  	v63 =	vmul.f32 v60, v58;
	v3 =	vadd.f32 v62, v3;
	_ =	sdelay $0x1  }
0x2af: {  	v1 =	vmul.f32 v1, v2;
	v3 =	vadd.f32 v63, v3;
	_ =	sdelay $0x1  }
0x2b0: {  	v1 =	vadd.f32 v1, v3  }
0x2b1: {  	s28 =	simm.s32 $0x10900  }
0x2b2: {  	s29 =	simm.s32 $0x110;
	[tilespmem:s28+$0x0] =	vst v1  }
0x2b3: {  	s30 =	simm.s32 $0x310;
	v1 =	vld [tilespmem:s29+$0x0]  }
0x2b4: {  	s31 =	simm.s32 $0x10;
	s0 =	simm.s32 $0x20;
	v2 =	vld [tilespmem:s30+$0x0]  }
.LBB2_6:
0x2b5: {  	p0 =	sne.s32 s0, $0x70;
	_ =	sdelay $0x1  }
0x2b6: {  	v3 =	vmov s31;
	s31 =	smov.u32 s0  }
0x2b7: {  	v3 =	vshll.u32 v3, $0x7;
	v1 =	vshll.u32 v1, $0x5  }
0x2b8: {  	v3 =	vor.u32 v0, v3;
	v1 =	vand.u32 $0x60, v1;
	v2 =	vshll.u32 v2, $0x5  }
0x2b9: {  	v4 =	vand.u32 $0x60, v2;
	v2 =	vor.u32 v3, v1  }
0x2ba: {  	v1 =	vor.u32 v3, v4  }
0x2bb: {  	v3 =	vor.u32 $0x1, v2  }
0x2bc: {  	v4 =	vor.u32 $0x1, v1  }
0x2bd: {  	v5 =	vor.u32 $0x2, v2  }
0x2be: {  	v7 =	vor.u32 $0x2, v1;
	v6 =	vld.idx.msk [tilespmem:v2+s12+$0x0], $0xffff  }
0x2bf: {  	v9 =	vor.u32 $0x3, v2;
	v8 =	vld.idx.msk [tilespmem:v1+s14+$0x0], $0xffff  }
0x2c0: {  	v10 =	vor.u32 $0x3, v1;
	v3 =	vld.idx.msk [tilespmem:v3+s12+$0x0], $0xffff  }
0x2c1: {  	v11 =	vor.u32 $0x4, v2;
	v4 =	vld.idx.msk [tilespmem:v4+s14+$0x0], $0xffff  }
0x2c2: {  	v12 =	vor.u32 $0x4, v1;
	v5 =	vld.idx.msk [tilespmem:v5+s12+$0x0], $0xffff  }
0x2c3: {  	v13 =	vor.u32 $0x5, v2;
	v7 =	vld.idx.msk [tilespmem:v7+s14+$0x0], $0xffff  }
0x2c4: {  	v14 =	vor.u32 $0x5, v1;
	v9 =	vld.idx.msk [tilespmem:v9+s12+$0x0], $0xffff  }
0x2c5: {  	v6 =	vmul.f32 v8, v6;
	v8 =	vld.idx.msk [tilespmem:v10+s14+$0x0], $0xffff;
	v10 =	vor.u32 $0x6, v2  }
0x2c6: {  	v15 =	vor.u32 $0x6, v1;
	v11 =	vld.idx.msk [tilespmem:v11+s12+$0x0], $0xffff  }
0x2c7: {  	v6 =	vadd.f32 $0.0e+00, v6;
	v3 =	vmul.f32 v4, v3;
	v4 =	vld.idx.msk [tilespmem:v12+s14+$0x0], $0xffff;
	v12 =	vor.u32 $0x7, v2  }
0x2c8: {  	v16 =	vor.u32 $0x7, v1;
	v13 =	vld.idx.msk [tilespmem:v13+s12+$0x0], $0xffff  }
0x2c9: {  	v3 =	vadd.f32 v3, v6;
	v5 =	vmul.f32 v7, v5;
	v7 =	vor.u32 $0x8, v2;
	v6 =	vld.idx.msk [tilespmem:v14+s14+$0x0], $0xffff  }
0x2ca: {  	v14 =	vor.u32 $0x8, v1;
	v10 =	vld.idx.msk [tilespmem:v10+s12+$0x0], $0xffff  }
0x2cb: {  	v3 =	vadd.f32 v5, v3;
	v5 =	vmul.f32 v8, v9;
	v9 =	vor.u32 $0x9, v2;
	v8 =	vld.idx.msk [tilespmem:v15+s14+$0x0], $0xffff  }
0x2cc: {  	v15 =	vor.u32 $0x9, v1;
	v12 =	vld.idx.msk [tilespmem:v12+s12+$0x0], $0xffff  }
0x2cd: {  	v3 =	vadd.f32 v5, v3;
	v4 =	vmul.f32 v4, v11;
	v11 =	vor.u32 $0xA, v2;
	v5 =	vld.idx.msk [tilespmem:v16+s14+$0x0], $0xffff  }
0x2ce: {  	v16 =	vor.u32 $0xA, v1;
	v7 =	vld.idx.msk [tilespmem:v7+s12+$0x0], $0xffff  }
0x2cf: {  	v3 =	vadd.f32 v4, v3;
	v4 =	vmul.f32 v6, v13;
	v13 =	vor.u32 $0xB, v2;
	v6 =	vld.idx.msk [tilespmem:v14+s14+$0x0], $0xffff  }
0x2d0: {  	v14 =	vor.u32 $0xB, v1;
	v9 =	vld.idx.msk [tilespmem:v9+s12+$0x0], $0xffff  }
0x2d1: {  	v3 =	vadd.f32 v4, v3;
	v4 =	vmul.f32 v8, v10;
	v10 =	vor.u32 $0xC, v2;
	v8 =	vld.idx.msk [tilespmem:v15+s14+$0x0], $0xffff  }
0x2d2: {  	v15 =	vor.u32 $0xC, v1;
	v11 =	vld.idx.msk [tilespmem:v11+s12+$0x0], $0xffff  }
0x2d3: {  	v3 =	vadd.f32 v4, v3;
	v4 =	vmul.f32 v5, v12;
	v12 =	vor.u32 $0xD, v2;
	v5 =	vld.idx.msk [tilespmem:v16+s14+$0x0], $0xffff  }
0x2d4: {  	v16 =	vor.u32 $0xD, v1;
	v13 =	vld.idx.msk [tilespmem:v13+s12+$0x0], $0xffff  }
0x2d5: {  	v3 =	vadd.f32 v4, v3;
	v4 =	vmul.f32 v6, v7;
	v7 =	vor.u32 $0xE, v2;
	v6 =	vld.idx.msk [tilespmem:v14+s14+$0x0], $0xffff  }
0x2d6: {  	v14 =	vor.u32 $0xE, v1;
	v10 =	vld.idx.msk [tilespmem:v10+s12+$0x0], $0xffff  }
0x2d7: {  	v3 =	vadd.f32 v4, v3;
	v4 =	vmul.f32 v8, v9;
	v9 =	vor.u32 $0xF, v2;
	v8 =	vld.idx.msk [tilespmem:v15+s14+$0x0], $0xffff  }
0x2d8: {  	v15 =	vor.u32 $0xF, v1;
	v12 =	vld.idx.msk [tilespmem:v12+s12+$0x0], $0xffff  }
0x2d9: {  	v3 =	vadd.f32 v4, v3;
	v4 =	vmul.f32 v5, v11;
	v11 =	vor.u32 $0x10, v2;
	v5 =	vld.idx.msk [tilespmem:v16+s14+$0x0], $0xffff  }
0x2da: {  	v16 =	vor.u32 $0x10, v1;
	v7 =	vld.idx.msk [tilespmem:v7+s12+$0x0], $0xffff  }
0x2db: {  	v3 =	vadd.f32 v4, v3;
	v4 =	vmul.f32 v6, v13;
	v13 =	vor.u32 $0x11, v2;
	v6 =	vld.idx.msk [tilespmem:v14+s14+$0x0], $0xffff  }
0x2dc: {  	v14 =	vor.u32 $0x11, v1;
	v9 =	vld.idx.msk [tilespmem:v9+s12+$0x0], $0xffff  }
0x2dd: {  	v3 =	vadd.f32 v4, v3;
	v4 =	vmul.f32 v8, v10;
	v10 =	vor.u32 $0x12, v2;
	v8 =	vld.idx.msk [tilespmem:v15+s14+$0x0], $0xffff  }
0x2de: {  	v15 =	vor.u32 $0x12, v1;
	v11 =	vld.idx.msk [tilespmem:v11+s12+$0x0], $0xffff  }
0x2df: {  	v3 =	vadd.f32 v4, v3;
	v4 =	vmul.f32 v5, v12;
	v12 =	vor.u32 $0x13, v2;
	v5 =	vld.idx.msk [tilespmem:v16+s14+$0x0], $0xffff  }
0x2e0: {  	v16 =	vor.u32 $0x13, v1;
	v13 =	vld.idx.msk [tilespmem:v13+s12+$0x0], $0xffff  }
0x2e1: {  	v3 =	vadd.f32 v4, v3;
	v4 =	vmul.f32 v6, v7;
	v7 =	vor.u32 $0x14, v2;
	v6 =	vld.idx.msk [tilespmem:v14+s14+$0x0], $0xffff  }
0x2e2: {  	v14 =	vor.u32 $0x14, v1;
	v10 =	vld.idx.msk [tilespmem:v10+s12+$0x0], $0xffff  }
0x2e3: {  	v3 =	vadd.f32 v4, v3;
	v4 =	vmul.f32 v8, v9;
	v9 =	vor.u32 $0x15, v2;
	v8 =	vld.idx.msk [tilespmem:v15+s14+$0x0], $0xffff  }
0x2e4: {  	v15 =	vor.u32 $0x15, v1;
	v12 =	vld.idx.msk [tilespmem:v12+s12+$0x0], $0xffff  }
0x2e5: {  	v3 =	vadd.f32 v4, v3;
	v4 =	vmul.f32 v5, v11;
	v11 =	vor.u32 $0x16, v2;
	v5 =	vld.idx.msk [tilespmem:v16+s14+$0x0], $0xffff  }
0x2e6: {  	v16 =	vor.u32 $0x16, v1;
	v7 =	vld.idx.msk [tilespmem:v7+s12+$0x0], $0xffff  }
0x2e7: {  	v3 =	vadd.f32 v4, v3;
	v4 =	vmul.f32 v6, v13;
	v13 =	vor.u32 $0x17, v2;
	v6 =	vld.idx.msk [tilespmem:v14+s14+$0x0], $0xffff  }
0x2e8: {  	v14 =	vor.u32 $0x17, v1;
	v9 =	vld.idx.msk [tilespmem:v9+s12+$0x0], $0xffff  }
0x2e9: {  	v3 =	vadd.f32 v4, v3;
	v4 =	vmul.f32 v8, v10;
	v10 =	vor.u32 $0x18, v2;
	v8 =	vld.idx.msk [tilespmem:v15+s14+$0x0], $0xffff  }
0x2ea: {  	v15 =	vor.u32 $0x18, v1;
	v11 =	vld.idx.msk [tilespmem:v11+s12+$0x0], $0xffff  }
0x2eb: {  	v3 =	vadd.f32 v4, v3;
	v4 =	vmul.f32 v5, v12;
	v12 =	vor.u32 $0x19, v2;
	v5 =	vld.idx.msk [tilespmem:v16+s14+$0x0], $0xffff  }
0x2ec: {  	v16 =	vor.u32 $0x19, v1;
	v13 =	vld.idx.msk [tilespmem:v13+s12+$0x0], $0xffff  }
0x2ed: {  	v3 =	vadd.f32 v4, v3;
	v4 =	vmul.f32 v6, v7;
	v7 =	vor.u32 $0x1A, v2;
	v6 =	vld.idx.msk [tilespmem:v14+s14+$0x0], $0xffff  }
0x2ee: {  	v14 =	vor.u32 $0x1A, v1;
	v10 =	vld.idx.msk [tilespmem:v10+s12+$0x0], $0xffff  }
0x2ef: {  	v3 =	vadd.f32 v4, v3;
	v4 =	vmul.f32 v8, v9;
	v9 =	vor.u32 $0x1B, v2;
	v8 =	vld.idx.msk [tilespmem:v15+s14+$0x0], $0xffff  }
0x2f0: {  	v15 =	vor.u32 $0x1B, v1;
	v12 =	vld.idx.msk [tilespmem:v12+s12+$0x0], $0xffff  }
0x2f1: {  	v3 =	vadd.f32 v4, v3;
	v4 =	vmul.f32 v5, v11;
	v11 =	vor.u32 $0x1C, v2;
	v5 =	vld.idx.msk [tilespmem:v16+s14+$0x0], $0xffff  }
0x2f2: {  	v16 =	vor.u32 $0x1C, v1;
	v7 =	vld.idx.msk [tilespmem:v7+s12+$0x0], $0xffff  }
0x2f3: {  	v3 =	vadd.f32 v4, v3;
	v4 =	vmul.f32 v6, v13;
	v13 =	vor.u32 $0x1D, v2;
	v6 =	vld.idx.msk [tilespmem:v14+s14+$0x0], $0xffff  }
0x2f4: {  	v14 =	vor.u32 $0x1D, v1;
	v9 =	vld.idx.msk [tilespmem:v9+s12+$0x0], $0xffff  }
0x2f5: {  	v3 =	vadd.f32 v4, v3;
	v4 =	vmul.f32 v8, v10;
	v10 =	vor.u32 $0x1E, v2;
	v8 =	vld.idx.msk [tilespmem:v15+s14+$0x0], $0xffff  }
0x2f6: {  	v15 =	vor.u32 $0x1E, v1;
	v11 =	vld.idx.msk [tilespmem:v11+s12+$0x0], $0xffff  }
0x2f7: {  	v2 =	vor.u32 $0x1F, v2;
	v3 =	vadd.f32 v4, v3;
	v4 =	vmul.f32 v5, v12;
	v5 =	vld.idx.msk [tilespmem:v16+s14+$0x0], $0xffff  }
0x2f8: {  	v1 =	vor.u32 $0x1F, v1;
	v12 =	vld.idx.msk [tilespmem:v13+s12+$0x0], $0xffff  }
0x2f9: {  	v3 =	vadd.f32 v4, v3;
	v4 =	vmul.f32 v6, v7;
	v6 =	vld.idx.msk [tilespmem:v14+s14+$0x0], $0xffff  }
0x2fa: {  	v7 =	vld.idx.msk [tilespmem:v10+s12+$0x0], $0xffff  }
0x2fb: {  	v3 =	vadd.f32 v4, v3;
	v4 =	vmul.f32 v8, v9;
	v8 =	vld.idx.msk [tilespmem:v15+s14+$0x0], $0xffff  }
0x2fc: {  	v2 =	vld.idx.msk [tilespmem:v2+s12+$0x0], $0xffff  }
0x2fd: {  	v3 =	vadd.f32 v4, v3;
	v4 =	vmul.f32 v5, v11;
	v1 =	vld.idx.msk [tilespmem:v1+s14+$0x0], $0xffff;
	_ =	sdelay $0x1  }
0x2fe: {  	v3 =	vadd.f32 v4, v3;
	v4 =	vmul.f32 v6, v12;
	_ =	sdelay $0x1  }
0x2ff: {  	v3 =	vadd.f32 v4, v3;
	v4 =	vmul.f32 v8, v7;
	_ =	sdelay $0x1  }
0x300: {  	v3 =	vadd.f32 v4, v3;
	v1 =	vmul.f32 v1, v2;
	_ =	sdelay $0x1  }
.Ltmp2:
0x301: {  	v1 =	vadd.f32 v1, v3;
	(pc) =	sbr.rel @p0 .LBB2_6-.Ltmp2, $4  }
0x302: {  	s28 =	sadd.s32 $0x10, s28  }
0x303: {  	s29 =	sadd.s32 $0x10, s29;
	[tilespmem:s28+$0x0] =	vst v1  }
0x304: {  	s30 =	sadd.s32 $0x10, s30;
	v1 =	vld [tilespmem:s29+$0x0]  }
0x305: {  	s0 =	sadd.s32 $0x10, s0;
	v2 =	vld [tilespmem:s30+$0x0]  }
0x306: {  	_ =	sdelay $0x1  }
0x307: {  	v3 =	vmov s31  }
0x308: {  	v3 =	vshll.u32 v3, $0x7;
	v1 =	vshll.u32 v1, $0x5  }
0x309: {  	v3 =	vor.u32 v0, v3;
	v1 =	vand.u32 $0x60, v1;
	v2 =	vshll.u32 v2, $0x5  }
0x30a: {  	v4 =	vand.u32 $0x60, v2;
	v2 =	vor.u32 v3, v1  }
0x30b: {  	v1 =	vor.u32 v3, v4  }
0x30c: {  	v3 =	vor.u32 $0x1, v2  }
0x30d: {  	v4 =	vor.u32 $0x1, v1  }
0x30e: {  	v5 =	vor.u32 $0x2, v2  }
0x30f: {  	v7 =	vor.u32 $0x2, v1;
	v6 =	vld.idx.msk [tilespmem:v2+s12+$0x0], $0xffff  }
0x310: {  	v9 =	vor.u32 $0x3, v2;
	v8 =	vld.idx.msk [tilespmem:v1+s14+$0x0], $0xffff  }
0x311: {  	v10 =	vor.u32 $0x3, v1;
	v3 =	vld.idx.msk [tilespmem:v3+s12+$0x0], $0xffff  }
0x312: {  	v11 =	vor.u32 $0x4, v2;
	v4 =	vld.idx.msk [tilespmem:v4+s14+$0x0], $0xffff  }
0x313: {  	v12 =	vor.u32 $0x4, v1;
	v5 =	vld.idx.msk [tilespmem:v5+s12+$0x0], $0xffff  }
0x314: {  	v13 =	vor.u32 $0x5, v2;
	v7 =	vld.idx.msk [tilespmem:v7+s14+$0x0], $0xffff  }
0x315: {  	v14 =	vor.u32 $0x5, v1;
	v9 =	vld.idx.msk [tilespmem:v9+s12+$0x0], $0xffff;
	v6 =	vmul.f32 v8, v6  }
0x316: {  	v21 =	vor.u32 $0x6, v2;
	v20 =	vld.idx.msk [tilespmem:v10+s14+$0x0], $0xffff  }
0x317: {  	v15 =	vor.u32 $0x6, v1;
	v11 =	vld.idx.msk [tilespmem:v11+s12+$0x0], $0xffff;
	v3 =	vmul.f32 v4, v3;
	v6 =	vadd.f32 $0.0e+00, v6  }
0x318: {  	v23 =	vor.u32 $0x7, v2;
	v22 =	vld.idx.msk [tilespmem:v12+s14+$0x0], $0xffff  }
0x319: {  	v16 =	vor.u32 $0x7, v1;
	v13 =	vld.idx.msk [tilespmem:v13+s12+$0x0], $0xffff;
	v5 =	vmul.f32 v7, v5;
	v3 =	vadd.f32 v3, v6  }
0x31a: {  	v26 =	vor.u32 $0x8, v1;
	v24 =	vld.idx.msk [tilespmem:v14+s14+$0x0], $0xffff  }
0x31b: {  	v25 =	vor.u32 $0x8, v2;
	v10 =	vld.idx.msk [tilespmem:v21+s12+$0x0], $0xffff;
	v27 =	vmul.f32 v20, v9;
	v3 =	vadd.f32 v5, v3  }
0x31c: {  	v30 =	vor.u32 $0x9, v1;
	v28 =	vld.idx.msk [tilespmem:v15+s14+$0x0], $0xffff  }
0x31d: {  	v29 =	vor.u32 $0x9, v2;
	v12 =	vld.idx.msk [tilespmem:v23+s12+$0x0], $0xffff;
	v4 =	vmul.f32 v22, v11;
	v3 =	vadd.f32 v27, v3  }
0x31e: {  	v33 =	vor.u32 $0xA, v1;
	v31 =	vld.idx.msk [tilespmem:v16+s14+$0x0], $0xffff  }
0x31f: {  	v32 =	vor.u32 $0xA, v2;
	v35 =	vld.idx.msk [tilespmem:v26+s14+$0x0], $0xffff;
	v34 =	vmul.f32 v24, v13;
	v3 =	vadd.f32 v4, v3  }
0x320: {  	v37 =	vor.u32 $0xB, v1;
	v7 =	vld.idx.msk [tilespmem:v25+s12+$0x0], $0xffff  }
0x321: {  	v36 =	vor.u32 $0xB, v2;
	v39 =	vld.idx.msk [tilespmem:v30+s14+$0x0], $0xffff;
	v38 =	vmul.f32 v28, v10;
	v3 =	vadd.f32 v34, v3  }
0x322: {  	v41 =	vor.u32 $0xC, v1;
	v9 =	vld.idx.msk [tilespmem:v29+s12+$0x0], $0xffff  }
0x323: {  	v40 =	vor.u32 $0xC, v2;
	v43 =	vld.idx.msk [tilespmem:v33+s14+$0x0], $0xffff;
	v42 =	vmul.f32 v31, v12;
	v3 =	vadd.f32 v38, v3  }
0x324: {  	v45 =	vor.u32 $0xD, v1;
	v11 =	vld.idx.msk [tilespmem:v32+s12+$0x0], $0xffff  }
0x325: {  	v44 =	vor.u32 $0xD, v2;
	v47 =	vld.idx.msk [tilespmem:v37+s14+$0x0], $0xffff;
	v46 =	vmul.f32 v35, v7;
	v3 =	vadd.f32 v42, v3  }
0x326: {  	v49 =	vor.u32 $0xE, v1;
	v13 =	vld.idx.msk [tilespmem:v36+s12+$0x0], $0xffff  }
0x327: {  	v48 =	vor.u32 $0xE, v2;
	v51 =	vld.idx.msk [tilespmem:v41+s14+$0x0], $0xffff;
	v50 =	vmul.f32 v39, v9;
	v3 =	vadd.f32 v46, v3  }
0x328: {  	v53 =	vor.u32 $0xF, v1;
	v10 =	vld.idx.msk [tilespmem:v40+s12+$0x0], $0xffff  }
0x329: {  	v52 =	vor.u32 $0xF, v2;
	v55 =	vld.idx.msk [tilespmem:v45+s14+$0x0], $0xffff;
	v54 =	vmul.f32 v43, v11;
	v3 =	vadd.f32 v50, v3  }
0x32a: {  	v57 =	vor.u32 $0x10, v1;
	v12 =	vld.idx.msk [tilespmem:v44+s12+$0x0], $0xffff  }
0x32b: {  	v56 =	vor.u32 $0x10, v2;
	v59 =	vld.idx.msk [tilespmem:v49+s14+$0x0], $0xffff;
	v58 =	vmul.f32 v47, v13;
	v3 =	vadd.f32 v54, v3  }
0x32c: {  	v60 =	vor.u32 $0x11, v2;
	v7 =	vld.idx.msk [tilespmem:v48+s12+$0x0], $0xffff  }
0x32d: {  	v61 =	vor.u32 $0x11, v1;
	v63 =	vld.idx.msk [tilespmem:v53+s14+$0x0], $0xffff;
	v62 =	vmul.f32 v51, v10;
	v3 =	vadd.f32 v58, v3  }
0x32e: {  	v21 =	vor.u32 $0x12, v1;
	v9 =	vld.idx.msk [tilespmem:v52+s12+$0x0], $0xffff  }
0x32f: {  	v23 =	vld.idx.msk [tilespmem:v57+s14+$0x0], $0xffff;
	v20 =	vor.u32 $0x12, v2;
	v22 =	vmul.f32 v55, v12;
	v3 =	vadd.f32 v62, v3  }
0x330: {  	v24 =	vor.u32 $0x13, v2;
	v11 =	vld.idx.msk [tilespmem:v56+s12+$0x0], $0xffff  }
0x331: {  	v25 =	vor.u32 $0x13, v1;
	v13 =	vld.idx.msk [tilespmem:v60+s12+$0x0], $0xffff;
	v26 =	vmul.f32 v59, v7;
	v3 =	vadd.f32 v22, v3  }
0x332: {  	v29 =	vor.u32 $0x14, v1;
	v27 =	vld.idx.msk [tilespmem:v61+s14+$0x0], $0xffff  }
0x333: {  	v28 =	vor.u32 $0x14, v2;
	v31 =	vld.idx.msk [tilespmem:v21+s14+$0x0], $0xffff;
	v30 =	vmul.f32 v63, v9;
	v3 =	vadd.f32 v26, v3  }
0x334: {  	v33 =	vor.u32 $0x15, v1;
	v10 =	vld.idx.msk [tilespmem:v20+s12+$0x0], $0xffff  }
0x335: {  	v32 =	vor.u32 $0x15, v2;
	v12 =	vld.idx.msk [tilespmem:v24+s12+$0x0], $0xffff;
	v34 =	vmul.f32 v23, v11;
	v3 =	vadd.f32 v30, v3  }
0x336: {  	v37 =	vor.u32 $0x16, v1;
	v35 =	vld.idx.msk [tilespmem:v25+s14+$0x0], $0xffff  }
0x337: {  	v36 =	vor.u32 $0x16, v2;
	v39 =	vld.idx.msk [tilespmem:v29+s14+$0x0], $0xffff;
	v38 =	vmul.f32 v27, v13;
	v3 =	vadd.f32 v34, v3  }
0x338: {  	v41 =	vor.u32 $0x17, v1;
	v7 =	vld.idx.msk [tilespmem:v28+s12+$0x0], $0xffff  }
0x339: {  	v40 =	vor.u32 $0x17, v2;
	v43 =	vld.idx.msk [tilespmem:v33+s14+$0x0], $0xffff;
	v42 =	vmul.f32 v31, v10;
	v3 =	vadd.f32 v38, v3  }
0x33a: {  	v45 =	vor.u32 $0x18, v1;
	v9 =	vld.idx.msk [tilespmem:v32+s12+$0x0], $0xffff  }
0x33b: {  	v44 =	vor.u32 $0x18, v2;
	v47 =	vld.idx.msk [tilespmem:v37+s14+$0x0], $0xffff;
	v46 =	vmul.f32 v35, v12;
	v3 =	vadd.f32 v42, v3  }
0x33c: {  	v49 =	vor.u32 $0x19, v1;
	v11 =	vld.idx.msk [tilespmem:v36+s12+$0x0], $0xffff  }
0x33d: {  	v48 =	vor.u32 $0x19, v2;
	v51 =	vld.idx.msk [tilespmem:v41+s14+$0x0], $0xffff;
	v50 =	vmul.f32 v39, v7;
	v3 =	vadd.f32 v46, v3  }
0x33e: {  	v53 =	vor.u32 $0x1A, v1;
	v13 =	vld.idx.msk [tilespmem:v40+s12+$0x0], $0xffff  }
0x33f: {  	v52 =	vor.u32 $0x1A, v2;
	v55 =	vld.idx.msk [tilespmem:v45+s14+$0x0], $0xffff;
	v54 =	vmul.f32 v43, v9;
	v3 =	vadd.f32 v50, v3  }
0x340: {  	v57 =	vor.u32 $0x1B, v1;
	v10 =	vld.idx.msk [tilespmem:v44+s12+$0x0], $0xffff  }
0x341: {  	v56 =	vor.u32 $0x1B, v2;
	v59 =	vld.idx.msk [tilespmem:v49+s14+$0x0], $0xffff;
	v58 =	vmul.f32 v47, v11;
	v3 =	vadd.f32 v54, v3  }
0x342: {  	v61 =	vor.u32 $0x1C, v1;
	v12 =	vld.idx.msk [tilespmem:v48+s12+$0x0], $0xffff  }
0x343: {  	v60 =	vor.u32 $0x1C, v2;
	v63 =	vld.idx.msk [tilespmem:v53+s14+$0x0], $0xffff;
	v62 =	vmul.f32 v51, v13;
	v3 =	vadd.f32 v58, v3  }
0x344: {  	v19 =	vor.u32 $0x1D, v1;
	v7 =	vld.idx.msk [tilespmem:v52+s12+$0x0], $0xffff  }
0x345: {  	v18 =	vor.u32 $0x1D, v2;
	v21 =	vld.idx.msk [tilespmem:v57+s14+$0x0], $0xffff;
	v20 =	vmul.f32 v55, v10;
	v3 =	vadd.f32 v62, v3  }
0x346: {  	v23 =	vor.u32 $0x1E, v1;
	v9 =	vld.idx.msk [tilespmem:v56+s12+$0x0], $0xffff  }
0x347: {  	v25 =	vld.idx.msk [tilespmem:v61+s14+$0x0], $0xffff;
	v24 =	vmul.f32 v59, v12;
	v22 =	vor.u32 $0x1E, v2;
	v3 =	vadd.f32 v20, v3  }
0x348: {  	v1 =	vor.u32 $0x1F, v1;
	v11 =	vld.idx.msk [tilespmem:v60+s12+$0x0], $0xffff  }
0x349: {  	v28 =	vld.idx.msk [tilespmem:v19+s14+$0x0], $0xffff;
	v27 =	vmul.f32 v63, v7;
	v2 =	vor.u32 $0x1F, v2;
	v3 =	vadd.f32 v24, v3  }
0x34a: {  	v26 =	vld.idx.msk [tilespmem:v18+s12+$0x0], $0xffff  }
0x34b: {  	v31 =	vld.idx.msk [tilespmem:v23+s14+$0x0], $0xffff;
	v30 =	vmul.f32 v21, v9;
	v3 =	vadd.f32 v27, v3  }
0x34c: {  	v29 =	vld.idx.msk [tilespmem:v22+s12+$0x0], $0xffff  }
0x34d: {  	v1 =	vld.idx.msk [tilespmem:v1+s14+$0x0], $0xffff;
	v32 =	vmul.f32 v25, v11;
	v3 =	vadd.f32 v30, v3  }
0x34e: {  	v2 =	vld.idx.msk [tilespmem:v2+s12+$0x0], $0xffff  }
0x34f: {  	v33 =	vmul.f32 v28, v26;
	v3 =	vadd.f32 v32, v3;
	_ =	sdelay $0x1  }
0x350: {  	v34 =	vmul.f32 v31, v29;
	v3 =	vadd.f32 v33, v3;
	_ =	sdelay $0x1  }
0x351: {  	v1 =	vmul.f32 v1, v2;
	v3 =	vadd.f32 v34, v3;
	_ =	sdelay $0x1  }
0x352: {  	v1 =	vadd.f32 v1, v3  }
0x353: {  	s0 =	sadd.s32 $0x10, s28  }
0x354: {  	[tilespmem:s0+$0x0] =	vst v1  }
0x355: {  	_ =	swait.ge [sflag:s22], $0x4000  }
0x356: {  	[sflag:s22] =	ssyncset.done $0x0  }
0x357: {  	[sflag:s22] =	ssyncadd.s32 $0xFFFFC000  }
0x358: {  	_ =	swait.ge [sflag:s22], $0x4000  }
0x359: {  	[sflag:s22] =	ssyncset.done $0x0  }
0x35a: {  	s0 =	simm.s32 $0x180;
	[sflag:s22] =	ssyncadd.s32 $0xFFFFC000  }
0x35b: {  	s28 =	simm.s32 $0x380;
	v1 =	vld [tilespmem:s0+$0x0]  }
0x35c: {  	v2 =	vld [tilespmem:s28+$0x0];
	_ =	sdelay $0x1  }
0x35d: {  	s0 =	simm.s32 $0x0  }
0x35e: {  	v3 =	vmov s0  }
0x35f: {  	v3 =	vshll.u32 v3, $0x7;
	v1 =	vshll.u32 v1, $0x5  }
0x360: {  	v3 =	vor.u32 v0, v3;
	v2 =	vshll.u32 v2, $0x5;
	v1 =	vand.u32 $0x60, v1  }
0x361: {  	v35 =	vand.u32 $0x60, v2;
	v2 =	vor.u32 v3, v1  }
0x362: {  	v1 =	vor.u32 v3, v35  }
0x363: {  	v3 =	vor.u32 $0x1, v2  }
0x364: {  	v4 =	vor.u32 $0x1, v1  }
0x365: {  	v36 =	vor.u32 $0x2, v2  }
0x366: {  	v38 =	vor.u32 $0x2, v1;
	v37 =	vld.idx.msk [tilespmem:v2+s16+$0x0], $0xffff  }
0x367: {  	v40 =	vor.u32 $0x3, v2;
	v39 =	vld.idx.msk [tilespmem:v1+s18+$0x0], $0xffff  }
0x368: {  	v41 =	vor.u32 $0x3, v1;
	v3 =	vld.idx.msk [tilespmem:v3+s16+$0x0], $0xffff  }
0x369: {  	v42 =	vor.u32 $0x4, v2;
	v4 =	vld.idx.msk [tilespmem:v4+s18+$0x0], $0xffff  }
0x36a: {  	v43 =	vor.u32 $0x4, v1;
	v5 =	vld.idx.msk [tilespmem:v36+s16+$0x0], $0xffff  }
0x36b: {  	v44 =	vor.u32 $0x5, v2;
	v7 =	vld.idx.msk [tilespmem:v38+s18+$0x0], $0xffff  }
0x36c: {  	v45 =	vor.u32 $0x5, v1;
	v9 =	vld.idx.msk [tilespmem:v40+s16+$0x0], $0xffff;
	v6 =	vmul.f32 v39, v37  }
0x36d: {  	v47 =	vor.u32 $0x6, v2;
	v46 =	vld.idx.msk [tilespmem:v41+s18+$0x0], $0xffff  }
0x36e: {  	v48 =	vor.u32 $0x6, v1;
	v11 =	vld.idx.msk [tilespmem:v42+s16+$0x0], $0xffff;
	v3 =	vmul.f32 v4, v3;
	v6 =	vadd.f32 $0.0e+00, v6  }
0x36f: {  	v50 =	vor.u32 $0x7, v2;
	v49 =	vld.idx.msk [tilespmem:v43+s18+$0x0], $0xffff  }
0x370: {  	v51 =	vor.u32 $0x7, v1;
	v13 =	vld.idx.msk [tilespmem:v44+s16+$0x0], $0xffff;
	v5 =	vmul.f32 v7, v5;
	v3 =	vadd.f32 v3, v6  }
0x371: {  	v54 =	vor.u32 $0x8, v1;
	v52 =	vld.idx.msk [tilespmem:v45+s18+$0x0], $0xffff  }
0x372: {  	v53 =	vor.u32 $0x8, v2;
	v10 =	vld.idx.msk [tilespmem:v47+s16+$0x0], $0xffff;
	v55 =	vmul.f32 v46, v9;
	v3 =	vadd.f32 v5, v3  }
0x373: {  	v58 =	vor.u32 $0x9, v1;
	v56 =	vld.idx.msk [tilespmem:v48+s18+$0x0], $0xffff  }
0x374: {  	v57 =	vor.u32 $0x9, v2;
	v12 =	vld.idx.msk [tilespmem:v50+s16+$0x0], $0xffff;
	v4 =	vmul.f32 v49, v11;
	v3 =	vadd.f32 v55, v3  }
0x375: {  	v61 =	vor.u32 $0xA, v1;
	v59 =	vld.idx.msk [tilespmem:v51+s18+$0x0], $0xffff  }
0x376: {  	v60 =	vor.u32 $0xA, v2;
	v63 =	vld.idx.msk [tilespmem:v54+s18+$0x0], $0xffff;
	v62 =	vmul.f32 v52, v13;
	v3 =	vadd.f32 v4, v3  }
0x377: {  	v20 =	vor.u32 $0xB, v1;
	v7 =	vld.idx.msk [tilespmem:v53+s16+$0x0], $0xffff  }
0x378: {  	v19 =	vor.u32 $0xB, v2;
	v22 =	vld.idx.msk [tilespmem:v58+s18+$0x0], $0xffff;
	v21 =	vmul.f32 v56, v10;
	v3 =	vadd.f32 v62, v3  }
0x379: {  	v24 =	vor.u32 $0xC, v1;
	v9 =	vld.idx.msk [tilespmem:v57+s16+$0x0], $0xffff  }
0x37a: {  	v23 =	vor.u32 $0xC, v2;
	v26 =	vld.idx.msk [tilespmem:v61+s18+$0x0], $0xffff;
	v25 =	vmul.f32 v59, v12;
	v3 =	vadd.f32 v21, v3  }
0x37b: {  	v28 =	vor.u32 $0xD, v1;
	v11 =	vld.idx.msk [tilespmem:v60+s16+$0x0], $0xffff  }
0x37c: {  	v27 =	vor.u32 $0xD, v2;
	v30 =	vld.idx.msk [tilespmem:v20+s18+$0x0], $0xffff;
	v29 =	vmul.f32 v63, v7;
	v3 =	vadd.f32 v25, v3  }
0x37d: {  	v32 =	vor.u32 $0xE, v1;
	v13 =	vld.idx.msk [tilespmem:v19+s16+$0x0], $0xffff  }
0x37e: {  	v31 =	vor.u32 $0xE, v2;
	v34 =	vld.idx.msk [tilespmem:v24+s18+$0x0], $0xffff;
	v33 =	vmul.f32 v22, v9;
	v3 =	vadd.f32 v29, v3  }
0x37f: {  	v36 =	vor.u32 $0xF, v1;
	v10 =	vld.idx.msk [tilespmem:v23+s16+$0x0], $0xffff  }
0x380: {  	v35 =	vor.u32 $0xF, v2;
	v38 =	vld.idx.msk [tilespmem:v28+s18+$0x0], $0xffff;
	v37 =	vmul.f32 v26, v11;
	v3 =	vadd.f32 v33, v3  }
0x381: {  	v40 =	vor.u32 $0x10, v1;
	v12 =	vld.idx.msk [tilespmem:v27+s16+$0x0], $0xffff  }
0x382: {  	v42 =	vld.idx.msk [tilespmem:v32+s18+$0x0], $0xffff;
	v39 =	vor.u32 $0x10, v2;
	v41 =	vmul.f32 v30, v13;
	v3 =	vadd.f32 v37, v3  }
0x383: {  	v44 =	vor.u32 $0x11, v1;
	v7 =	vld.idx.msk [tilespmem:v31+s16+$0x0], $0xffff  }
0x384: {  	v43 =	vor.u32 $0x11, v2;
	v46 =	vld.idx.msk [tilespmem:v36+s18+$0x0], $0xffff;
	v45 =	vmul.f32 v34, v10;
	v3 =	vadd.f32 v41, v3  }
0x385: {  	v48 =	vor.u32 $0x12, v1;
	v9 =	vld.idx.msk [tilespmem:v35+s16+$0x0], $0xffff  }
0x386: {  	v47 =	vor.u32 $0x12, v2;
	v50 =	vld.idx.msk [tilespmem:v40+s18+$0x0], $0xffff;
	v49 =	vmul.f32 v38, v12;
	v3 =	vadd.f32 v45, v3  }
0x387: {  	v51 =	vor.u32 $0x13, v2;
	v11 =	vld.idx.msk [tilespmem:v39+s16+$0x0], $0xffff  }
0x388: {  	v52 =	vor.u32 $0x13, v1;
	v54 =	vld.idx.msk [tilespmem:v44+s18+$0x0], $0xffff;
	v53 =	vmul.f32 v42, v7;
	v3 =	vadd.f32 v49, v3  }
0x389: {  	v56 =	vor.u32 $0x14, v1;
	v13 =	vld.idx.msk [tilespmem:v43+s16+$0x0], $0xffff  }
0x38a: {  	v58 =	vld.idx.msk [tilespmem:v48+s18+$0x0], $0xffff;
	v55 =	vor.u32 $0x14, v2;
	v57 =	vmul.f32 v46, v9;
	v3 =	vadd.f32 v53, v3  }
0x38b: {  	v60 =	vor.u32 $0x15, v1;
	v10 =	vld.idx.msk [tilespmem:v47+s16+$0x0], $0xffff  }
0x38c: {  	v59 =	vor.u32 $0x15, v2;
	v12 =	vld.idx.msk [tilespmem:v51+s16+$0x0], $0xffff;
	v61 =	vmul.f32 v50, v11;
	v3 =	vadd.f32 v57, v3  }
0x38d: {  	v20 =	vor.u32 $0x16, v1;
	v62 =	vld.idx.msk [tilespmem:v52+s18+$0x0], $0xffff  }
0x38e: {  	v63 =	vor.u32 $0x16, v2;
	v22 =	vld.idx.msk [tilespmem:v56+s18+$0x0], $0xffff;
	v21 =	vmul.f32 v54, v13;
	v3 =	vadd.f32 v61, v3  }
0x38f: {  	v24 =	vor.u32 $0x17, v1;
	v7 =	vld.idx.msk [tilespmem:v55+s16+$0x0], $0xffff  }
0x390: {  	v23 =	vor.u32 $0x17, v2;
	v26 =	vld.idx.msk [tilespmem:v60+s18+$0x0], $0xffff;
	v25 =	vmul.f32 v58, v10;
	v3 =	vadd.f32 v21, v3  }
0x391: {  	v28 =	vor.u32 $0x18, v1;
	v9 =	vld.idx.msk [tilespmem:v59+s16+$0x0], $0xffff  }
0x392: {  	v27 =	vor.u32 $0x18, v2;
	v30 =	vld.idx.msk [tilespmem:v20+s18+$0x0], $0xffff;
	v29 =	vmul.f32 v62, v12;
	v3 =	vadd.f32 v25, v3  }
0x393: {  	v32 =	vor.u32 $0x19, v1;
	v11 =	vld.idx.msk [tilespmem:v63+s16+$0x0], $0xffff  }
0x394: {  	v31 =	vor.u32 $0x19, v2;
	v34 =	vld.idx.msk [tilespmem:v24+s18+$0x0], $0xffff;
	v33 =	vmul.f32 v22, v7;
	v3 =	vadd.f32 v29, v3  }
0x395: {  	v36 =	vor.u32 $0x1A, v1;
	v13 =	vld.idx.msk [tilespmem:v23+s16+$0x0], $0xffff  }
0x396: {  	v35 =	vor.u32 $0x1A, v2;
	v38 =	vld.idx.msk [tilespmem:v28+s18+$0x0], $0xffff;
	v37 =	vmul.f32 v26, v9;
	v3 =	vadd.f32 v33, v3  }
0x397: {  	v40 =	vor.u32 $0x1B, v1;
	v10 =	vld.idx.msk [tilespmem:v27+s16+$0x0], $0xffff  }
0x398: {  	v39 =	vor.u32 $0x1B, v2;
	v42 =	vld.idx.msk [tilespmem:v32+s18+$0x0], $0xffff;
	v41 =	vmul.f32 v30, v11;
	v3 =	vadd.f32 v37, v3  }
0x399: {  	v44 =	vor.u32 $0x1C, v1;
	v12 =	vld.idx.msk [tilespmem:v31+s16+$0x0], $0xffff  }
0x39a: {  	v43 =	vor.u32 $0x1C, v2;
	v46 =	vld.idx.msk [tilespmem:v36+s18+$0x0], $0xffff;
	v45 =	vmul.f32 v34, v13;
	v3 =	vadd.f32 v41, v3  }
0x39b: {  	v47 =	vor.u32 $0x1D, v2;
	v7 =	vld.idx.msk [tilespmem:v35+s16+$0x0], $0xffff  }
0x39c: {  	v48 =	vor.u32 $0x1D, v1;
	v50 =	vld.idx.msk [tilespmem:v40+s18+$0x0], $0xffff;
	v49 =	vmul.f32 v38, v10;
	v3 =	vadd.f32 v45, v3  }
0x39d: {  	v51 =	vor.u32 $0x1E, v2;
	v9 =	vld.idx.msk [tilespmem:v39+s16+$0x0], $0xffff  }
0x39e: {  	v52 =	vor.u32 $0x1E, v1;
	v54 =	vld.idx.msk [tilespmem:v44+s18+$0x0], $0xffff;
	v53 =	vmul.f32 v42, v12;
	v3 =	vadd.f32 v49, v3  }
0x39f: {  	v2 =	vor.u32 $0x1F, v2;
	v11 =	vld.idx.msk [tilespmem:v43+s16+$0x0], $0xffff  }
0x3a0: {  	v1 =	vor.u32 $0x1F, v1;
	v55 =	vld.idx.msk [tilespmem:v47+s16+$0x0], $0xffff;
	v56 =	vmul.f32 v46, v7;
	v3 =	vadd.f32 v53, v3  }
0x3a1: {  	v57 =	vld.idx.msk [tilespmem:v48+s18+$0x0], $0xffff  }
0x3a2: {  	v58 =	vld.idx.msk [tilespmem:v51+s16+$0x0], $0xffff;
	v59 =	vmul.f32 v50, v9;
	v3 =	vadd.f32 v56, v3  }
0x3a3: {  	v60 =	vld.idx.msk [tilespmem:v52+s18+$0x0], $0xffff  }
0x3a4: {  	v2 =	vld.idx.msk [tilespmem:v2+s16+$0x0], $0xffff;
	v61 =	vmul.f32 v54, v11;
	v3 =	vadd.f32 v59, v3  }
0x3a5: {  	v1 =	vld.idx.msk [tilespmem:v1+s18+$0x0], $0xffff  }
0x3a6: {  	v62 =	vmul.f32 v57, v55;
	v3 =	vadd.f32 v61, v3;
	_ =	sdelay $0x1  }
0x3a7: {  	v63 =	vmul.f32 v60, v58;
	v3 =	vadd.f32 v62, v3;
	_ =	sdelay $0x1  }
0x3a8: {  	v1 =	vmul.f32 v1, v2;
	v3 =	vadd.f32 v63, v3;
	_ =	sdelay $0x1  }
0x3a9: {  	v1 =	vadd.f32 v1, v3  }
0x3aa: {  	s28 =	simm.s32 $0x10980  }
0x3ab: {  	s29 =	simm.s32 $0x190;
	[tilespmem:s28+$0x0] =	vst v1  }
0x3ac: {  	s30 =	simm.s32 $0x390;
	v1 =	vld [tilespmem:s29+$0x0]  }
0x3ad: {  	s31 =	simm.s32 $0x10;
	s0 =	simm.s32 $0x20;
	v2 =	vld [tilespmem:s30+$0x0]  }
.LBB2_8:
0x3ae: {  	p0 =	sne.s32 s0, $0x70;
	_ =	sdelay $0x1  }
0x3af: {  	v3 =	vmov s31;
	s31 =	smov.u32 s0  }
0x3b0: {  	v3 =	vshll.u32 v3, $0x7;
	v1 =	vshll.u32 v1, $0x5  }
0x3b1: {  	v3 =	vor.u32 v0, v3;
	v1 =	vand.u32 $0x60, v1;
	v2 =	vshll.u32 v2, $0x5  }
0x3b2: {  	v4 =	vand.u32 $0x60, v2;
	v2 =	vor.u32 v3, v1  }
0x3b3: {  	v1 =	vor.u32 v3, v4  }
0x3b4: {  	v3 =	vor.u32 $0x1, v2  }
0x3b5: {  	v4 =	vor.u32 $0x1, v1  }
0x3b6: {  	v5 =	vor.u32 $0x2, v2  }
0x3b7: {  	v7 =	vor.u32 $0x2, v1;
	v6 =	vld.idx.msk [tilespmem:v2+s16+$0x0], $0xffff  }
0x3b8: {  	v9 =	vor.u32 $0x3, v2;
	v8 =	vld.idx.msk [tilespmem:v1+s18+$0x0], $0xffff  }
0x3b9: {  	v10 =	vor.u32 $0x3, v1;
	v3 =	vld.idx.msk [tilespmem:v3+s16+$0x0], $0xffff  }
0x3ba: {  	v11 =	vor.u32 $0x4, v2;
	v4 =	vld.idx.msk [tilespmem:v4+s18+$0x0], $0xffff  }
0x3bb: {  	v12 =	vor.u32 $0x4, v1;
	v5 =	vld.idx.msk [tilespmem:v5+s16+$0x0], $0xffff  }
0x3bc: {  	v13 =	vor.u32 $0x5, v2;
	v7 =	vld.idx.msk [tilespmem:v7+s18+$0x0], $0xffff  }
0x3bd: {  	v14 =	vor.u32 $0x5, v1;
	v9 =	vld.idx.msk [tilespmem:v9+s16+$0x0], $0xffff  }
0x3be: {  	v6 =	vmul.f32 v8, v6;
	v8 =	vld.idx.msk [tilespmem:v10+s18+$0x0], $0xffff;
	v10 =	vor.u32 $0x6, v2  }
0x3bf: {  	v15 =	vor.u32 $0x6, v1;
	v11 =	vld.idx.msk [tilespmem:v11+s16+$0x0], $0xffff  }
0x3c0: {  	v6 =	vadd.f32 $0.0e+00, v6;
	v3 =	vmul.f32 v4, v3;
	v4 =	vld.idx.msk [tilespmem:v12+s18+$0x0], $0xffff;
	v12 =	vor.u32 $0x7, v2  }
0x3c1: {  	v16 =	vor.u32 $0x7, v1;
	v13 =	vld.idx.msk [tilespmem:v13+s16+$0x0], $0xffff  }
0x3c2: {  	v3 =	vadd.f32 v3, v6;
	v5 =	vmul.f32 v7, v5;
	v7 =	vor.u32 $0x8, v2;
	v6 =	vld.idx.msk [tilespmem:v14+s18+$0x0], $0xffff  }
0x3c3: {  	v14 =	vor.u32 $0x8, v1;
	v10 =	vld.idx.msk [tilespmem:v10+s16+$0x0], $0xffff  }
0x3c4: {  	v3 =	vadd.f32 v5, v3;
	v5 =	vmul.f32 v8, v9;
	v9 =	vor.u32 $0x9, v2;
	v8 =	vld.idx.msk [tilespmem:v15+s18+$0x0], $0xffff  }
0x3c5: {  	v15 =	vor.u32 $0x9, v1;
	v12 =	vld.idx.msk [tilespmem:v12+s16+$0x0], $0xffff  }
0x3c6: {  	v3 =	vadd.f32 v5, v3;
	v4 =	vmul.f32 v4, v11;
	v11 =	vor.u32 $0xA, v2;
	v5 =	vld.idx.msk [tilespmem:v16+s18+$0x0], $0xffff  }
0x3c7: {  	v16 =	vor.u32 $0xA, v1;
	v7 =	vld.idx.msk [tilespmem:v7+s16+$0x0], $0xffff  }
0x3c8: {  	v3 =	vadd.f32 v4, v3;
	v4 =	vmul.f32 v6, v13;
	v13 =	vor.u32 $0xB, v2;
	v6 =	vld.idx.msk [tilespmem:v14+s18+$0x0], $0xffff  }
0x3c9: {  	v14 =	vor.u32 $0xB, v1;
	v9 =	vld.idx.msk [tilespmem:v9+s16+$0x0], $0xffff  }
0x3ca: {  	v3 =	vadd.f32 v4, v3;
	v4 =	vmul.f32 v8, v10;
	v10 =	vor.u32 $0xC, v2;
	v8 =	vld.idx.msk [tilespmem:v15+s18+$0x0], $0xffff  }
0x3cb: {  	v15 =	vor.u32 $0xC, v1;
	v11 =	vld.idx.msk [tilespmem:v11+s16+$0x0], $0xffff  }
0x3cc: {  	v3 =	vadd.f32 v4, v3;
	v4 =	vmul.f32 v5, v12;
	v12 =	vor.u32 $0xD, v2;
	v5 =	vld.idx.msk [tilespmem:v16+s18+$0x0], $0xffff  }
0x3cd: {  	v16 =	vor.u32 $0xD, v1;
	v13 =	vld.idx.msk [tilespmem:v13+s16+$0x0], $0xffff  }
0x3ce: {  	v3 =	vadd.f32 v4, v3;
	v4 =	vmul.f32 v6, v7;
	v7 =	vor.u32 $0xE, v2;
	v6 =	vld.idx.msk [tilespmem:v14+s18+$0x0], $0xffff  }
0x3cf: {  	v14 =	vor.u32 $0xE, v1;
	v10 =	vld.idx.msk [tilespmem:v10+s16+$0x0], $0xffff  }
0x3d0: {  	v3 =	vadd.f32 v4, v3;
	v4 =	vmul.f32 v8, v9;
	v9 =	vor.u32 $0xF, v2;
	v8 =	vld.idx.msk [tilespmem:v15+s18+$0x0], $0xffff  }
0x3d1: {  	v15 =	vor.u32 $0xF, v1;
	v12 =	vld.idx.msk [tilespmem:v12+s16+$0x0], $0xffff  }
0x3d2: {  	v3 =	vadd.f32 v4, v3;
	v4 =	vmul.f32 v5, v11;
	v11 =	vor.u32 $0x10, v2;
	v5 =	vld.idx.msk [tilespmem:v16+s18+$0x0], $0xffff  }
0x3d3: {  	v16 =	vor.u32 $0x10, v1;
	v7 =	vld.idx.msk [tilespmem:v7+s16+$0x0], $0xffff  }
0x3d4: {  	v3 =	vadd.f32 v4, v3;
	v4 =	vmul.f32 v6, v13;
	v13 =	vor.u32 $0x11, v2;
	v6 =	vld.idx.msk [tilespmem:v14+s18+$0x0], $0xffff  }
0x3d5: {  	v14 =	vor.u32 $0x11, v1;
	v9 =	vld.idx.msk [tilespmem:v9+s16+$0x0], $0xffff  }
0x3d6: {  	v3 =	vadd.f32 v4, v3;
	v4 =	vmul.f32 v8, v10;
	v10 =	vor.u32 $0x12, v2;
	v8 =	vld.idx.msk [tilespmem:v15+s18+$0x0], $0xffff  }
0x3d7: {  	v15 =	vor.u32 $0x12, v1;
	v11 =	vld.idx.msk [tilespmem:v11+s16+$0x0], $0xffff  }
0x3d8: {  	v3 =	vadd.f32 v4, v3;
	v4 =	vmul.f32 v5, v12;
	v12 =	vor.u32 $0x13, v2;
	v5 =	vld.idx.msk [tilespmem:v16+s18+$0x0], $0xffff  }
0x3d9: {  	v16 =	vor.u32 $0x13, v1;
	v13 =	vld.idx.msk [tilespmem:v13+s16+$0x0], $0xffff  }
0x3da: {  	v3 =	vadd.f32 v4, v3;
	v4 =	vmul.f32 v6, v7;
	v7 =	vor.u32 $0x14, v2;
	v6 =	vld.idx.msk [tilespmem:v14+s18+$0x0], $0xffff  }
0x3db: {  	v14 =	vor.u32 $0x14, v1;
	v10 =	vld.idx.msk [tilespmem:v10+s16+$0x0], $0xffff  }
0x3dc: {  	v3 =	vadd.f32 v4, v3;
	v4 =	vmul.f32 v8, v9;
	v9 =	vor.u32 $0x15, v2;
	v8 =	vld.idx.msk [tilespmem:v15+s18+$0x0], $0xffff  }
0x3dd: {  	v15 =	vor.u32 $0x15, v1;
	v12 =	vld.idx.msk [tilespmem:v12+s16+$0x0], $0xffff  }
0x3de: {  	v3 =	vadd.f32 v4, v3;
	v4 =	vmul.f32 v5, v11;
	v11 =	vor.u32 $0x16, v2;
	v5 =	vld.idx.msk [tilespmem:v16+s18+$0x0], $0xffff  }
0x3df: {  	v16 =	vor.u32 $0x16, v1;
	v7 =	vld.idx.msk [tilespmem:v7+s16+$0x0], $0xffff  }
0x3e0: {  	v3 =	vadd.f32 v4, v3;
	v4 =	vmul.f32 v6, v13;
	v13 =	vor.u32 $0x17, v2;
	v6 =	vld.idx.msk [tilespmem:v14+s18+$0x0], $0xffff  }
0x3e1: {  	v14 =	vor.u32 $0x17, v1;
	v9 =	vld.idx.msk [tilespmem:v9+s16+$0x0], $0xffff  }
0x3e2: {  	v3 =	vadd.f32 v4, v3;
	v4 =	vmul.f32 v8, v10;
	v10 =	vor.u32 $0x18, v2;
	v8 =	vld.idx.msk [tilespmem:v15+s18+$0x0], $0xffff  }
0x3e3: {  	v15 =	vor.u32 $0x18, v1;
	v11 =	vld.idx.msk [tilespmem:v11+s16+$0x0], $0xffff  }
0x3e4: {  	v3 =	vadd.f32 v4, v3;
	v4 =	vmul.f32 v5, v12;
	v12 =	vor.u32 $0x19, v2;
	v5 =	vld.idx.msk [tilespmem:v16+s18+$0x0], $0xffff  }
0x3e5: {  	v16 =	vor.u32 $0x19, v1;
	v13 =	vld.idx.msk [tilespmem:v13+s16+$0x0], $0xffff  }
0x3e6: {  	v3 =	vadd.f32 v4, v3;
	v4 =	vmul.f32 v6, v7;
	v7 =	vor.u32 $0x1A, v2;
	v6 =	vld.idx.msk [tilespmem:v14+s18+$0x0], $0xffff  }
0x3e7: {  	v14 =	vor.u32 $0x1A, v1;
	v10 =	vld.idx.msk [tilespmem:v10+s16+$0x0], $0xffff  }
0x3e8: {  	v3 =	vadd.f32 v4, v3;
	v4 =	vmul.f32 v8, v9;
	v9 =	vor.u32 $0x1B, v2;
	v8 =	vld.idx.msk [tilespmem:v15+s18+$0x0], $0xffff  }
0x3e9: {  	v15 =	vor.u32 $0x1B, v1;
	v12 =	vld.idx.msk [tilespmem:v12+s16+$0x0], $0xffff  }
0x3ea: {  	v3 =	vadd.f32 v4, v3;
	v4 =	vmul.f32 v5, v11;
	v11 =	vor.u32 $0x1C, v2;
	v5 =	vld.idx.msk [tilespmem:v16+s18+$0x0], $0xffff  }
0x3eb: {  	v16 =	vor.u32 $0x1C, v1;
	v7 =	vld.idx.msk [tilespmem:v7+s16+$0x0], $0xffff  }
0x3ec: {  	v3 =	vadd.f32 v4, v3;
	v4 =	vmul.f32 v6, v13;
	v13 =	vor.u32 $0x1D, v2;
	v6 =	vld.idx.msk [tilespmem:v14+s18+$0x0], $0xffff  }
0x3ed: {  	v14 =	vor.u32 $0x1D, v1;
	v9 =	vld.idx.msk [tilespmem:v9+s16+$0x0], $0xffff  }
0x3ee: {  	v3 =	vadd.f32 v4, v3;
	v4 =	vmul.f32 v8, v10;
	v10 =	vor.u32 $0x1E, v2;
	v8 =	vld.idx.msk [tilespmem:v15+s18+$0x0], $0xffff  }
0x3ef: {  	v15 =	vor.u32 $0x1E, v1;
	v11 =	vld.idx.msk [tilespmem:v11+s16+$0x0], $0xffff  }
0x3f0: {  	v2 =	vor.u32 $0x1F, v2;
	v3 =	vadd.f32 v4, v3;
	v4 =	vmul.f32 v5, v12;
	v5 =	vld.idx.msk [tilespmem:v16+s18+$0x0], $0xffff  }
0x3f1: {  	v1 =	vor.u32 $0x1F, v1;
	v12 =	vld.idx.msk [tilespmem:v13+s16+$0x0], $0xffff  }
0x3f2: {  	v3 =	vadd.f32 v4, v3;
	v4 =	vmul.f32 v6, v7;
	v6 =	vld.idx.msk [tilespmem:v14+s18+$0x0], $0xffff  }
0x3f3: {  	v7 =	vld.idx.msk [tilespmem:v10+s16+$0x0], $0xffff  }
0x3f4: {  	v3 =	vadd.f32 v4, v3;
	v4 =	vmul.f32 v8, v9;
	v8 =	vld.idx.msk [tilespmem:v15+s18+$0x0], $0xffff  }
0x3f5: {  	v2 =	vld.idx.msk [tilespmem:v2+s16+$0x0], $0xffff  }
0x3f6: {  	v3 =	vadd.f32 v4, v3;
	v4 =	vmul.f32 v5, v11;
	v1 =	vld.idx.msk [tilespmem:v1+s18+$0x0], $0xffff;
	_ =	sdelay $0x1  }
0x3f7: {  	v3 =	vadd.f32 v4, v3;
	v4 =	vmul.f32 v6, v12;
	_ =	sdelay $0x1  }
0x3f8: {  	v3 =	vadd.f32 v4, v3;
	v4 =	vmul.f32 v8, v7;
	_ =	sdelay $0x1  }
0x3f9: {  	v3 =	vadd.f32 v4, v3;
	v1 =	vmul.f32 v1, v2;
	_ =	sdelay $0x1  }
.Ltmp3:
0x3fa: {  	v1 =	vadd.f32 v1, v3;
	(pc) =	sbr.rel @p0 .LBB2_8-.Ltmp3, $4  }
0x3fb: {  	s28 =	sadd.s32 $0x10, s28  }
0x3fc: {  	s29 =	sadd.s32 $0x10, s29;
	[tilespmem:s28+$0x0] =	vst v1  }
0x3fd: {  	s30 =	sadd.s32 $0x10, s30;
	v1 =	vld [tilespmem:s29+$0x0]  }
0x3fe: {  	s0 =	sadd.s32 $0x10, s0;
	v2 =	vld [tilespmem:s30+$0x0]  }
0x3ff: {  	_ =	sdelay $0x1  }
0x400: {  	v3 =	vmov s31  }
0x401: {  	v3 =	vshll.u32 v3, $0x7;
	v1 =	vshll.u32 v1, $0x5  }
0x402: {  	v3 =	vor.u32 v0, v3;
	v1 =	vand.u32 $0x60, v1;
	v2 =	vshll.u32 v2, $0x5  }
0x403: {  	v4 =	vand.u32 $0x60, v2;
	v2 =	vor.u32 v3, v1  }
0x404: {  	v1 =	vor.u32 v3, v4  }
0x405: {  	v3 =	vor.u32 $0x1, v2  }
0x406: {  	v4 =	vor.u32 $0x1, v1  }
0x407: {  	v5 =	vor.u32 $0x2, v2  }
0x408: {  	v7 =	vor.u32 $0x2, v1;
	v6 =	vld.idx.msk [tilespmem:v2+s16+$0x0], $0xffff  }
0x409: {  	v9 =	vor.u32 $0x3, v2;
	v8 =	vld.idx.msk [tilespmem:v1+s18+$0x0], $0xffff  }
0x40a: {  	v10 =	vor.u32 $0x3, v1;
	v3 =	vld.idx.msk [tilespmem:v3+s16+$0x0], $0xffff  }
0x40b: {  	v11 =	vor.u32 $0x4, v2;
	v4 =	vld.idx.msk [tilespmem:v4+s18+$0x0], $0xffff  }
0x40c: {  	v12 =	vor.u32 $0x4, v1;
	v5 =	vld.idx.msk [tilespmem:v5+s16+$0x0], $0xffff  }
0x40d: {  	v13 =	vor.u32 $0x5, v2;
	v7 =	vld.idx.msk [tilespmem:v7+s18+$0x0], $0xffff  }
0x40e: {  	v14 =	vor.u32 $0x5, v1;
	v9 =	vld.idx.msk [tilespmem:v9+s16+$0x0], $0xffff;
	v6 =	vmul.f32 v8, v6  }
0x40f: {  	v49 =	vor.u32 $0x6, v2;
	v48 =	vld.idx.msk [tilespmem:v10+s18+$0x0], $0xffff  }
0x410: {  	v15 =	vor.u32 $0x6, v1;
	v11 =	vld.idx.msk [tilespmem:v11+s16+$0x0], $0xffff;
	v3 =	vmul.f32 v4, v3;
	v6 =	vadd.f32 $0.0e+00, v6  }
0x411: {  	v51 =	vor.u32 $0x7, v2;
	v50 =	vld.idx.msk [tilespmem:v12+s18+$0x0], $0xffff  }
0x412: {  	v16 =	vor.u32 $0x7, v1;
	v13 =	vld.idx.msk [tilespmem:v13+s16+$0x0], $0xffff;
	v5 =	vmul.f32 v7, v5;
	v3 =	vadd.f32 v3, v6  }
0x413: {  	v54 =	vor.u32 $0x8, v1;
	v52 =	vld.idx.msk [tilespmem:v14+s18+$0x0], $0xffff  }
0x414: {  	v53 =	vor.u32 $0x8, v2;
	v10 =	vld.idx.msk [tilespmem:v49+s16+$0x0], $0xffff;
	v55 =	vmul.f32 v48, v9;
	v3 =	vadd.f32 v5, v3  }
0x415: {  	v58 =	vor.u32 $0x9, v1;
	v56 =	vld.idx.msk [tilespmem:v15+s18+$0x0], $0xffff  }
0x416: {  	v57 =	vor.u32 $0x9, v2;
	v12 =	vld.idx.msk [tilespmem:v51+s16+$0x0], $0xffff;
	v4 =	vmul.f32 v50, v11;
	v3 =	vadd.f32 v55, v3  }
0x417: {  	v61 =	vor.u32 $0xA, v1;
	v59 =	vld.idx.msk [tilespmem:v16+s18+$0x0], $0xffff  }
0x418: {  	v60 =	vor.u32 $0xA, v2;
	v63 =	vld.idx.msk [tilespmem:v54+s18+$0x0], $0xffff;
	v62 =	vmul.f32 v52, v13;
	v3 =	vadd.f32 v4, v3  }
0x419: {  	v20 =	vor.u32 $0xB, v1;
	v7 =	vld.idx.msk [tilespmem:v53+s16+$0x0], $0xffff  }
0x41a: {  	v19 =	vor.u32 $0xB, v2;
	v22 =	vld.idx.msk [tilespmem:v58+s18+$0x0], $0xffff;
	v21 =	vmul.f32 v56, v10;
	v3 =	vadd.f32 v62, v3  }
0x41b: {  	v24 =	vor.u32 $0xC, v1;
	v9 =	vld.idx.msk [tilespmem:v57+s16+$0x0], $0xffff  }
0x41c: {  	v23 =	vor.u32 $0xC, v2;
	v26 =	vld.idx.msk [tilespmem:v61+s18+$0x0], $0xffff;
	v25 =	vmul.f32 v59, v12;
	v3 =	vadd.f32 v21, v3  }
0x41d: {  	v28 =	vor.u32 $0xD, v1;
	v11 =	vld.idx.msk [tilespmem:v60+s16+$0x0], $0xffff  }
0x41e: {  	v27 =	vor.u32 $0xD, v2;
	v30 =	vld.idx.msk [tilespmem:v20+s18+$0x0], $0xffff;
	v29 =	vmul.f32 v63, v7;
	v3 =	vadd.f32 v25, v3  }
0x41f: {  	v32 =	vor.u32 $0xE, v1;
	v13 =	vld.idx.msk [tilespmem:v19+s16+$0x0], $0xffff  }
0x420: {  	v31 =	vor.u32 $0xE, v2;
	v34 =	vld.idx.msk [tilespmem:v24+s18+$0x0], $0xffff;
	v33 =	vmul.f32 v22, v9;
	v3 =	vadd.f32 v29, v3  }
0x421: {  	v36 =	vor.u32 $0xF, v1;
	v10 =	vld.idx.msk [tilespmem:v23+s16+$0x0], $0xffff  }
0x422: {  	v35 =	vor.u32 $0xF, v2;
	v38 =	vld.idx.msk [tilespmem:v28+s18+$0x0], $0xffff;
	v37 =	vmul.f32 v26, v11;
	v3 =	vadd.f32 v33, v3  }
0x423: {  	v40 =	vor.u32 $0x10, v1;
	v12 =	vld.idx.msk [tilespmem:v27+s16+$0x0], $0xffff  }
0x424: {  	v39 =	vor.u32 $0x10, v2;
	v42 =	vld.idx.msk [tilespmem:v32+s18+$0x0], $0xffff;
	v41 =	vmul.f32 v30, v13;
	v3 =	vadd.f32 v37, v3  }
0x425: {  	v44 =	vor.u32 $0x11, v1;
	v7 =	vld.idx.msk [tilespmem:v31+s16+$0x0], $0xffff  }
0x426: {  	v43 =	vor.u32 $0x11, v2;
	v46 =	vld.idx.msk [tilespmem:v36+s18+$0x0], $0xffff;
	v45 =	vmul.f32 v34, v10;
	v3 =	vadd.f32 v41, v3  }
0x427: {  	v47 =	vor.u32 $0x12, v2;
	v9 =	vld.idx.msk [tilespmem:v35+s16+$0x0], $0xffff  }
0x428: {  	v48 =	vor.u32 $0x12, v1;
	v50 =	vld.idx.msk [tilespmem:v40+s18+$0x0], $0xffff;
	v49 =	vmul.f32 v38, v12;
	v3 =	vadd.f32 v45, v3  }
0x429: {  	v51 =	vor.u32 $0x13, v2;
	v11 =	vld.idx.msk [tilespmem:v39+s16+$0x0], $0xffff  }
0x42a: {  	v54 =	vld.idx.msk [tilespmem:v44+s18+$0x0], $0xffff;
	v52 =	vor.u32 $0x13, v1;
	v53 =	vmul.f32 v42, v7;
	v3 =	vadd.f32 v49, v3  }
0x42b: {  	v56 =	vor.u32 $0x14, v1;
	v13 =	vld.idx.msk [tilespmem:v43+s16+$0x0], $0xffff  }
0x42c: {  	v10 =	vld.idx.msk [tilespmem:v47+s16+$0x0], $0xffff;
	v55 =	vor.u32 $0x14, v2;
	v57 =	vmul.f32 v46, v9;
	v3 =	vadd.f32 v53, v3  }
0x42d: {  	v60 =	vor.u32 $0x15, v1;
	v58 =	vld.idx.msk [tilespmem:v48+s18+$0x0], $0xffff  }
0x42e: {  	v59 =	vor.u32 $0x15, v2;
	v12 =	vld.idx.msk [tilespmem:v51+s16+$0x0], $0xffff;
	v61 =	vmul.f32 v50, v11;
	v3 =	vadd.f32 v57, v3  }
0x42f: {  	v20 =	vor.u32 $0x16, v1;
	v62 =	vld.idx.msk [tilespmem:v52+s18+$0x0], $0xffff  }
0x430: {  	v63 =	vor.u32 $0x16, v2;
	v22 =	vld.idx.msk [tilespmem:v56+s18+$0x0], $0xffff;
	v21 =	vmul.f32 v54, v13;
	v3 =	vadd.f32 v61, v3  }
0x431: {  	v24 =	vor.u32 $0x17, v1;
	v7 =	vld.idx.msk [tilespmem:v55+s16+$0x0], $0xffff  }
0x432: {  	v23 =	vor.u32 $0x17, v2;
	v26 =	vld.idx.msk [tilespmem:v60+s18+$0x0], $0xffff;
	v25 =	vmul.f32 v58, v10;
	v3 =	vadd.f32 v21, v3  }
0x433: {  	v28 =	vor.u32 $0x18, v1;
	v9 =	vld.idx.msk [tilespmem:v59+s16+$0x0], $0xffff  }
0x434: {  	v27 =	vor.u32 $0x18, v2;
	v30 =	vld.idx.msk [tilespmem:v20+s18+$0x0], $0xffff;
	v29 =	vmul.f32 v62, v12;
	v3 =	vadd.f32 v25, v3  }
0x435: {  	v32 =	vor.u32 $0x19, v1;
	v11 =	vld.idx.msk [tilespmem:v63+s16+$0x0], $0xffff  }
0x436: {  	v31 =	vor.u32 $0x19, v2;
	v34 =	vld.idx.msk [tilespmem:v24+s18+$0x0], $0xffff;
	v33 =	vmul.f32 v22, v7;
	v3 =	vadd.f32 v29, v3  }
0x437: {  	v36 =	vor.u32 $0x1A, v1;
	v13 =	vld.idx.msk [tilespmem:v23+s16+$0x0], $0xffff  }
0x438: {  	v35 =	vor.u32 $0x1A, v2;
	v38 =	vld.idx.msk [tilespmem:v28+s18+$0x0], $0xffff;
	v37 =	vmul.f32 v26, v9;
	v3 =	vadd.f32 v33, v3  }
0x439: {  	v40 =	vor.u32 $0x1B, v1;
	v10 =	vld.idx.msk [tilespmem:v27+s16+$0x0], $0xffff  }
0x43a: {  	v39 =	vor.u32 $0x1B, v2;
	v42 =	vld.idx.msk [tilespmem:v32+s18+$0x0], $0xffff;
	v41 =	vmul.f32 v30, v11;
	v3 =	vadd.f32 v37, v3  }
0x43b: {  	v44 =	vor.u32 $0x1C, v1;
	v12 =	vld.idx.msk [tilespmem:v31+s16+$0x0], $0xffff  }
0x43c: {  	v43 =	vor.u32 $0x1C, v2;
	v46 =	vld.idx.msk [tilespmem:v36+s18+$0x0], $0xffff;
	v45 =	vmul.f32 v34, v13;
	v3 =	vadd.f32 v41, v3  }
0x43d: {  	v47 =	vor.u32 $0x1D, v2;
	v7 =	vld.idx.msk [tilespmem:v35+s16+$0x0], $0xffff  }
0x43e: {  	v48 =	vor.u32 $0x1D, v1;
	v50 =	vld.idx.msk [tilespmem:v40+s18+$0x0], $0xffff;
	v49 =	vmul.f32 v38, v10;
	v3 =	vadd.f32 v45, v3  }
0x43f: {  	v51 =	vor.u32 $0x1E, v2;
	v9 =	vld.idx.msk [tilespmem:v39+s16+$0x0], $0xffff  }
0x440: {  	v52 =	vor.u32 $0x1E, v1;
	v54 =	vld.idx.msk [tilespmem:v44+s18+$0x0], $0xffff;
	v53 =	vmul.f32 v42, v12;
	v3 =	vadd.f32 v49, v3  }
0x441: {  	v2 =	vor.u32 $0x1F, v2;
	v11 =	vld.idx.msk [tilespmem:v43+s16+$0x0], $0xffff  }
0x442: {  	v1 =	vor.u32 $0x1F, v1;
	v55 =	vld.idx.msk [tilespmem:v47+s16+$0x0], $0xffff;
	v56 =	vmul.f32 v46, v7;
	v3 =	vadd.f32 v53, v3  }
0x443: {  	v57 =	vld.idx.msk [tilespmem:v48+s18+$0x0], $0xffff  }
0x444: {  	v58 =	vld.idx.msk [tilespmem:v51+s16+$0x0], $0xffff;
	v59 =	vmul.f32 v50, v9;
	v3 =	vadd.f32 v56, v3  }
0x445: {  	v60 =	vld.idx.msk [tilespmem:v52+s18+$0x0], $0xffff  }
0x446: {  	v2 =	vld.idx.msk [tilespmem:v2+s16+$0x0], $0xffff;
	v61 =	vmul.f32 v54, v11;
	v3 =	vadd.f32 v59, v3  }
0x447: {  	v1 =	vld.idx.msk [tilespmem:v1+s18+$0x0], $0xffff  }
0x448: {  	v62 =	vmul.f32 v57, v55;
	v3 =	vadd.f32 v61, v3;
	_ =	sdelay $0x1  }
0x449: {  	v63 =	vmul.f32 v60, v58;
	v3 =	vadd.f32 v62, v3;
	_ =	sdelay $0x1  }
0x44a: {  	v1 =	vmul.f32 v1, v2;
	v3 =	vadd.f32 v63, v3;
	_ =	sdelay $0x1  }
0x44b: {  	s26 =	sadd.s32 $0x1, s26;
	v1 =	vadd.f32 v1, v3  }
0x44c: {  	s0 =	sadd.s32 $0x10, s28;
	p0 =	sne.s32 s26, s8  }
.Ltmp4:
0x44d: {  	[tilespmem:s0+$0x0] =	vst v1;
	(pc) =	sbr.rel @p0 .LBB2_1-.Ltmp4, $4  }
0x44e: {  	[hbm4b:s7+s2] =	stream.linear.scatter [tilespmem:s25], [sflag:$0x3], $0x200, $0x38;
	[tilespmem:$0x10A00] =	vst v63  }
0x44f: {  	_ =	swait.ge [sflag:s9], $0x200  }
0x450: {  	[sflag:s9] =	ssyncset.done $0x0  }
0x451: {  	[sflag:s9] =	ssyncadd.s32 $0xFFFFFE00  }
0x452: {  	_ =	sfence.sel $0x180000  }
0x453: {  	[bflag:$0x0] =	sbarrier.arrive $0xFFFF  }
0x454: {  	_ =	strace $0x90000047  }
0x455: {  	[bflag:$0x2] =	sbarrier.arrive $0xFFFF  }
0x456: {  	p0 =	sne.s32 s1, $0x0;
	s0 =	rddreg [dreg:$0x4]  }
0x457: {  	s0 =	sadd.s32 @!p0 $0x100000, s0  }
0x458: {  	[sflag:s0] =	ssyncadd.tile.s32 @!p0 $0x1;
	_ =	shalt  }
.Lfunc_end2:
_tile_overlayer_lowered:
.L_overlay_start_2:
0x459: {  	(tag) =	ssettag $0x2  }
0x45a: {  	s0 =	rddreg [dreg:$0x0];
	s2 =	stileid.u32  }
0x45b: {  	s1 =	rddreg [dreg:$0x1];
	p0 =	sne.s32 s2, $0x0  }
0x45c: {  	s3 =	rddreg [dreg:$0x2];
	[bflag:$0x3] =	sbarrier.arrive $0xFFFF;
	s2 =	simm.s32 @!p0 $0x1C03  }
0x45d: {  	[timem:s3], [sflag:s2] =	dma.local @!p0 [hbm:s0], s1  }
0x45e: {  	s0 =	simm.s32 @!p0 $0x3  }
0x45f: {  	_ =	swait.ge @!p0 [sflag:s0], s1  }
0x460: {  	s1 =	ssub.s32 @!p0 $0x0, s1;
	[sflag:s0] =	ssyncset.done @!p0 $0x0  }
0x461: {  	[sflag:s0] =	ssyncadd.s32 @!p0 s1  }
0x462: {  	[bflag:$0x3] =	sbarrier.arrive $0xFFFF  }
0x463: {  	_ =	shalt  }

</sc_bundles>
